<compile_context>
chip_gen: v7x
topology: tpu7x:2x2x1
jax: 0.10.2.dev20260603
libtpu: 0.0.44.dev20260713+nightly
codegen_flags: <defaults>
</compile_context>

<pallas_src>
import functools

import jax
import jax.numpy as jnp
from jax import lax
from jax.experimental import pallas as pl
from jax.experimental.pallas import tpu as pltpu
from jax.experimental.pallas import tpu_sc as plsc

N_NODES = 10000
N_EDGES = 320000
D = 128

NC = 2
NS = 16
NW = NC * NS
EDGES_PER_W = N_EDGES // NW
CHUNK = 80
N_CHUNKS = EDGES_PER_W // CHUNK
BAND = 624
TAIL = N_NODES - NS * BAND

R_BLK = 2000
N_BLK = N_NODES // R_BLK



def _project(h, s_scalar):
    h0 = h[:, 0:1]
    time = jax.nn.sigmoid(h0) * jnp.exp(s_scalar) + 1.1
    sq = jnp.maximum(jnp.sum(h * h, axis=1, keepdims=True) - h0 * h0, 1e-8)
    sfac = (time * time - 1.0) / sq
    out = h * jnp.sqrt(sfac)
    lane = lax.broadcasted_iota(jnp.int32, out.shape, 1)
    return jnp.where(lane == 0, time, out)


def _normalize(p):
    c0 = p[:, 0:1]
    inner = jnp.sum(p * p, axis=1, keepdims=True) - 2.0 * c0 * c0
    denom = jnp.sqrt(jnp.maximum(jnp.abs(inner), 1e-8))
    return p / denom


def _first_body(x_ref, w_ref, s_ref, o_ref):
    h = lax.dot_general(x_ref[...], w_ref[...], (((1,), (1,)), ((), ())),
                        precision=lax.Precision.HIGHEST,
                        preferred_element_type=jnp.float32)
    o_ref[...] = _project(h, s_ref[0])


def _mid_body(p0_ref, p1_ref, w_ref, s_ref, o_ref):
    hn = _normalize(p0_ref[...] + p1_ref[...])
    y = jnp.maximum(hn, 0.0)
    h = lax.dot_general(y, w_ref[...], (((1,), (1,)), ((), ())),
                        precision=lax.Precision.HIGHEST,
                        preferred_element_type=jnp.float32)
    o_ref[...] = _project(h, s_ref[0])


def _final_body(p0_ref, p1_ref, o_ref):
    o_ref[...] = _normalize(p0_ref[...] + p1_ref[...])


_row_spec = pl.BlockSpec((R_BLK, D), lambda i: (i, 0))
_w_spec = pl.BlockSpec((D, D), lambda i: (0, 0))
_s_spec = pl.BlockSpec(memory_space=pltpu.SMEM)
_out_shape = jax.ShapeDtypeStruct((N_NODES, D), jnp.float32)


def _linear_first(x, W, s):
    return pl.pallas_call(
        _first_body,
        grid=(N_BLK,),
        in_specs=[_row_spec, _w_spec, _s_spec],
        out_specs=_row_spec,
        out_shape=_out_shape,
    )(x, W, s.reshape(1))


def _linear_mid(p0, p1, W, s):
    return pl.pallas_call(
        _mid_body,
        grid=(N_BLK,),
        in_specs=[_row_spec, _row_spec, _w_spec, _s_spec],
        out_specs=_row_spec,
        out_shape=_out_shape,
    )(p0, p1, W, s.reshape(1))


def _norm_final(p0, p1):
    return pl.pallas_call(
        _final_body,
        grid=(N_BLK,),
        in_specs=[_row_spec, _row_spec],
        out_specs=_row_spec,
        out_shape=_out_shape,
    )(p0, p1)



def _sc_agg(h, ei, zeros):
    mesh = plsc.VectorSubcoreMesh(core_axis_name="c", subcore_axis_name="s")

    @functools.partial(
        pl.kernel,
        out_type=(jax.ShapeDtypeStruct((N_NODES, D), jnp.float32),
                  jax.ShapeDtypeStruct((N_NODES, D), jnp.float32)),
        mesh=mesh,
        scratch_types=[
            pltpu.VMEM((3, 2, CHUNK), jnp.int32),
            pltpu.VMEM((3, CHUNK, D), jnp.float32),
            pltpu.VMEM_SHARED((N_NODES, D), jnp.float32),
            pltpu.SemaphoreType.DMA,
            pltpu.SemaphoreType.DMA,
            pltpu.SemaphoreType.DMA,
            pltpu.SemaphoreType.DMA,
            pltpu.SemaphoreType.DMA,
            pltpu.SemaphoreType.DMA,
            pltpu.SemaphoreType.DMA,
            pltpu.SemaphoreType.DMA,
            pltpu.SemaphoreType.DMA,
        ],
    )
    def k(h_hbm, ei_hbm, z_hbm, out0, out1, idxb, bufs, acc, *sems):
        c = lax.axis_index("c")
        s = lax.axis_index("s")
        wid = c * NS + s

        sem_i = sems[0:3]
        sem_g = sems[3:6]
        sem_s = sems[6:9]

        def fire_idx(g, b):
            return pltpu.async_copy(ei_hbm.at[wid, g], idxb.at[b], sem_i[b])

        def drain_idx(g, b):
            pltpu.make_async_copy(ei_hbm.at[wid, g], idxb.at[b],
                                  sem_i[b]).wait()

        def fire_gather(b):
            return pltpu.async_copy(
                h_hbm.at[idxb.at[b, 0]], bufs.at[b], sem_g[b])

        def fire_scatter(b):
            pltpu.async_copy(bufs.at[b], acc.at[idxb.at[b, 1]],
                             sem_s[b], add=True)

        def drain_scatter(b):
            pltpu.make_async_copy(bufs.at[b], acc.at[idxb.at[b, 1]],
                                  sem_s[b]).wait()

        fire_idx(0, 0)
        band = pl.ds(s * BAND, BAND)
        tail = pl.ds(NS * BAND, TAIL)
        pltpu.sync_copy(z_hbm.at[band], acc.at[band])

        @pl.when(s == 0)
        def _():
            pltpu.sync_copy(z_hbm.at[tail], acc.at[tail])

        plsc.subcore_barrier()

        def drain_gather(b):
            pltpu.make_async_copy(h_hbm.at[idxb.at[b, 0]], bufs.at[b],
                                  sem_g[b]).wait()

        fire_idx(1, 1)
        drain_idx(0, 0)
        fire_gather(0)
        fire_idx(2, 2)
        drain_idx(1, 1)
        fire_gather(1)

        def step(g, b, pf_gather, pf_idx):
            drain_gather(b)
            fire_scatter(b)
            drain_scatter(b)
            if pf_gather:
                drain_idx(g + 2, (b + 2) % 3)
                fire_gather((b + 2) % 3)
            if pf_idx:
                fire_idx(g + 3, b)

        def body(t, carry):
            g = 3 * t
            step(g, 0, True, True)
            step(g + 1, 1, True, True)
            step(g + 2, 2, True, True)
            return carry

        lax.fori_loop(0, (N_CHUNKS - 5) // 3, body, 0)
        step(N_CHUNKS - 5, 0, True, True)
        step(N_CHUNKS - 4, 1, True, True)
        step(N_CHUNKS - 3, 2, True, False)
        step(N_CHUNKS - 2, 0, False, False)
        step(N_CHUNKS - 1, 1, False, False)
        plsc.subcore_barrier()

        @pl.when(c == 0)
        def _():
            pltpu.sync_copy(acc.at[band], out0.at[band])

            @pl.when(s == 0)
            def _():
                pltpu.sync_copy(acc.at[tail], out0.at[tail])

        @pl.when(c == 1)
        def _():
            pltpu.sync_copy(acc.at[band], out1.at[band])

            @pl.when(s == 0)
            def _():
                pltpu.sync_copy(acc.at[tail], out1.at[tail])

    return k(h, ei, zeros)



def kernel(x, edge_index, W0, s0, W1, s1, W2, s2):
    ei = jnp.transpose(edge_index.reshape(2, NW, N_CHUNKS, CHUNK),
                       (1, 2, 0, 3))
    zeros = jnp.zeros((N_NODES, D), jnp.float32)

    h = _linear_first(x, W0, s0)
    p0, p1 = _sc_agg(h, ei, zeros)
    h = _linear_mid(p0, p1, W1, s1)
    p0, p1 = _sc_agg(h, ei, zeros)
    h = _linear_mid(p0, p1, W2, s2)
    p0, p1 = _sc_agg(h, ei, zeros)
    return _norm_final(p0, p1)

# --- scband reference (transcript-rebuilt; emitter-appended) ---
"""Pipeline reference for scband-graph-encoder-41223096107165 (READ-ONLY COPY).

The authoritative reference and input builder live on the scoring server;
editing this copy changes nothing except your own understanding.
"""

import jax, jax.numpy as jnp
import numpy as np

N_NODES = 10000
N_EDGES = 320000
D_IN = 128
D_HID = 128
D_OUT = 128  # out_dim + 1


def _lorentz_linear(x, W, scale, nonlin):
    # LorentzLinear (HyboNet style): optional nonlin, linear map, then re-project
    # onto the hyperboloid via the sigmoid time-coordinate trick.
    if nonlin is not None:
        x = nonlin(x)
    h = x @ W.T
    h_narrow = h[:, 1:]
    time = jax.nn.sigmoid(h[:, 0:1]) * jnp.exp(scale) + 1.1
    sq = jnp.maximum(jnp.sum(h_narrow * h_narrow, axis=-1, keepdims=True), 1e-8)
    s = (time * time - 1.0) / sq
    return jnp.concatenate([time, h_narrow * jnp.sqrt(s)], axis=-1)


def _lorentz_agg(h, src, dst, n_nodes):
    # Neighborhood sum via gather + scatter-add (segment_sum), then Lorentz
    # centroid normalization: divide by sqrt(|-<s, s>_L|).
    support = jax.ops.segment_sum(h[src], dst, num_segments=n_nodes)
    inner = -support[:, 0:1] * support[:, 0:1] + jnp.sum(
        support[:, 1:] * support[:, 1:], axis=-1, keepdims=True)
    denom = jnp.sqrt(jnp.maximum(jnp.abs(-inner), 1e-8))
    return support / denom


def _graph_encoder(x, edge_index, W0, s0, W1, s1, W2, s2, n_nodes):
    src = edge_index[0]
    dst = edge_index[1]
    # layer 0: no nonlin
    h = _lorentz_linear(x, W0, s0, None)
    h = _lorentz_agg(h, src, dst, n_nodes)
    # layer 1: relu nonlin
    h = _lorentz_linear(h, W1, s1, jax.nn.relu)
    h = _lorentz_agg(h, src, dst, n_nodes)
    # layer 2 (output): relu nonlin
    h = _lorentz_linear(h, W2, s2, jax.nn.relu)
    h = _lorentz_agg(h, src, dst, n_nodes)
    return h


def setup_inputs(seed: int = 0):
    key = jax.random.key(seed)
    ks = jax.random.split(key, 5)
    x = jax.random.normal(ks[0], (N_NODES, D_IN), dtype=jnp.float32)
    edge_index = jax.random.randint(ks[1], (2, N_EDGES), 0, N_NODES, dtype=jnp.int32)
    W0 = jax.random.normal(ks[2], (D_HID, D_IN), dtype=jnp.float32) / np.sqrt(D_IN)
    W1 = jax.random.normal(ks[3], (D_HID, D_HID), dtype=jnp.float32) / np.sqrt(D_HID)
    W2 = jax.random.normal(ks[4], (D_OUT, D_HID), dtype=jnp.float32) / np.sqrt(D_HID)
    s0 = jnp.asarray(np.log(10.0), dtype=jnp.float32)
    s1 = jnp.asarray(np.log(10.0), dtype=jnp.float32)
    s2 = jnp.asarray(np.log(10.0), dtype=jnp.float32)
    return {"x": x, "edge_index": edge_index, "W0": W0, "s0": s0,
            "W1": W1, "s1": s1, "W2": W2, "s2": s2}


def reference(x, edge_index, W0, s0, W1, s1, W2, s2):
    return _graph_encoder(x, edge_index, W0, s0, W1, s1, W2, s2, N_NODES)

if __name__ == "__main__":
    import jax
    _d = setup_inputs()
    print(jax.jit(kernel)(*tuple(_d.values())))

</pallas_src>

<mosaic_0001>
#map = affine_map<(d0, d1) -> (0, 0)>
#map1 = affine_map<(d0, d1) -> (0, 0, 0, 0)>
module attributes {stable_mosaic.version = 14 : i64} {
  func.func @k(%arg0: i32, %arg1: i32, %arg2: memref<10000x128xf32, #tpu.memory_space<hbm>>, %arg3: memref<32x125x2x80xi32, #tpu.memory_space<hbm>>, %arg4: memref<10000x128xf32, #tpu.memory_space<hbm>>, %arg5: memref<10000x128xf32, #tpu.memory_space<hbm>>, %arg6: memref<10000x128xf32, #tpu.memory_space<hbm>>, %arg7: memref<3x2x80xi32, #tpu.memory_space<vmem>>, %arg8: memref<3x80x128xf32, #tpu.memory_space<vmem>>, %arg9: memref<10000x128xf32, #tpu.memory_space<vmem_shared>>, %arg10: memref<!tpu.dma_semaphore, #tpu.memory_space<semaphore_mem>>, %arg11: memref<!tpu.dma_semaphore, #tpu.memory_space<semaphore_mem>>, %arg12: memref<!tpu.dma_semaphore, #tpu.memory_space<semaphore_mem>>, %arg13: memref<!tpu.dma_semaphore, #tpu.memory_space<semaphore_mem>>, %arg14: memref<!tpu.dma_semaphore, #tpu.memory_space<semaphore_mem>>, %arg15: memref<!tpu.dma_semaphore, #tpu.memory_space<semaphore_mem>>, %arg16: memref<!tpu.dma_semaphore, #tpu.memory_space<semaphore_mem>>, %arg17: memref<!tpu.dma_semaphore, #tpu.memory_space<semaphore_mem>>, %arg18: memref<!tpu.dma_semaphore, #tpu.memory_space<semaphore_mem>>) attributes {dimension_semantics = [#tpu.dimension_semantics<core_parallel>, #tpu.dimension_semantics<subcore_parallel>], iteration_bounds = array<i64: 2, 16>, scalar_prefetch = 0 : i64, scratch_operands = 12 : i64, tpu.core_type = #tpu.core_type<sc_vector_subcore>, window_params = [{transform_indices = #map}, {transform_indices = #map1}, {transform_indices = #map}, {transform_indices = #map}, {transform_indices = #map}]} {
    %mul3A = arith.constant 16 : i32
    %mul3A_0 = arith.muli %arg0, %mul3A : i32
    %add3A = arith.addi %mul3A_0, %arg1 : i32
    %dma_start3A = arith.constant 0 : i32
    %dma_start3A_1 = arith.constant 0 : i32
    %dma_start3A_2 = arith.constant 0 : i32
    %dma_start3A_3 = arith.constant 0 : i32
    %dma_start3A_4 = tpu.memref_slice %arg7[%dma_start3A_1, %dma_start3A_2, %dma_start3A_3] : memref<3x2x80xi32, #tpu.memory_space<vmem>> -> memref<1x2x80xi32, #tpu.memory_space<vmem>>
    %dma_start3A_5 = tpu.memref_squeeze %dma_start3A_4 : memref<1x2x80xi32, #tpu.memory_space<vmem>> -> memref<2x80xi32, #tpu.memory_space<vmem>>
    %dma_start3A_6 = arith.constant 0 : i32
    %dma_start3A_7 = arith.constant 0 : i32
    %dma_start3A_8 = tpu.memref_slice %arg3[%add3A, %dma_start3A, %dma_start3A_6, %dma_start3A_7] : memref<32x125x2x80xi32, #tpu.memory_space<hbm>> -> memref<1x1x2x80xi32, #tpu.memory_space<hbm>>
    %dma_start3A_9 = tpu.memref_squeeze %dma_start3A_8 : memref<1x1x2x80xi32, #tpu.memory_space<hbm>> -> memref<2x80xi32, #tpu.memory_space<hbm>>
    %dma_start3A_10 = arith.constant 0 : i32
    %dma_start3A_11 = arith.constant 0 : i32
    %dma_start3A_12 = tpu.memref_slice %arg7[%dma_start3A_1, %dma_start3A_10, %dma_start3A_11] : memref<3x2x80xi32, #tpu.memory_space<vmem>> -> memref<1x2x80xi32, #tpu.memory_space<vmem>>
    %dma_start3A_13 = tpu.memref_squeeze %dma_start3A_12 : memref<1x2x80xi32, #tpu.memory_space<vmem>> -> memref<2x80xi32, #tpu.memory_space<vmem>>
    %dma_start3A_14 = arith.constant 0 : i32
    %dma_start3A_15 = arith.constant 0 : i32
    %dma_start3A_16 = tpu.memref_slice %arg3[%add3A, %dma_start3A, %dma_start3A_14, %dma_start3A_15] : memref<32x125x2x80xi32, #tpu.memory_space<hbm>> -> memref<1x1x2x80xi32, #tpu.memory_space<hbm>>
    %dma_start3A_17 = tpu.memref_squeeze %dma_start3A_16 : memref<1x1x2x80xi32, #tpu.memory_space<hbm>> -> memref<2x80xi32, #tpu.memory_space<hbm>>
    tpu.enqueue_dma source(%dma_start3A_17 : memref<2x80xi32, #tpu.memory_space<hbm>>) target(%dma_start3A_13 : memref<2x80xi32, #tpu.memory_space<vmem>>) target_semaphore(%arg10 : memref<!tpu.dma_semaphore, #tpu.memory_space<semaphore_mem>>)
    %mul3A_18 = arith.constant 624 : i32
    %mul3A_19 = arith.muli %arg1, %mul3A_18 : i32
    "tpu.region"() ({
      %run_scoped3A = tpu.sem_alloc : memref<!tpu.dma_semaphore, #tpu.memory_space<semaphore_mem>>
      %dma_start3A_459 = arith.constant 0 : i32
      %dma_start3A_460 = tpu.memref_slice %arg9[%mul3A_19, %dma_start3A_459] : memref<10000x128xf32, #tpu.memory_space<vmem_shared>> -> memref<624x128xf32, #tpu.memory_space<vmem_shared>>
      %dma_start3A_461 = arith.constant 0 : i32
      %dma_start3A_462 = tpu.memref_slice %arg4[%mul3A_19, %dma_start3A_461] : memref<10000x128xf32, #tpu.memory_space<hbm>> -> memref<624x128xf32, #tpu.memory_space<hbm>>
      tpu.enqueue_dma source(%dma_start3A_462 : memref<624x128xf32, #tpu.memory_space<hbm>>) target(%dma_start3A_460 : memref<624x128xf32, #tpu.memory_space<vmem_shared>>) target_semaphore(%run_scoped3A : memref<!tpu.dma_semaphore, #tpu.memory_space<semaphore_mem>>)
      %dma_wait3A_463 = arith.constant 0 : i32
      %dma_wait3A_464 = tpu.memref_slice %arg9[%mul3A_19, %dma_wait3A_463] : memref<10000x128xf32, #tpu.memory_space<vmem_shared>> -> memref<624x128xf32, #tpu.memory_space<vmem_shared>>
      %dma_wait3A_465 = arith.constant 0 : i32
      %dma_wait3A_466 = tpu.memref_slice %arg4[%mul3A_19, %dma_wait3A_465] : memref<10000x128xf32, #tpu.memory_space<hbm>> -> memref<624x128xf32, #tpu.memory_space<hbm>>
      tpu.wait_dma2 semaphore(%run_scoped3A : memref<!tpu.dma_semaphore, #tpu.memory_space<semaphore_mem>>) src(%dma_wait3A_466 : memref<624x128xf32, #tpu.memory_space<hbm>>) dst(%dma_wait3A_464 : memref<624x128xf32, #tpu.memory_space<vmem_shared>>)
      tpu.yield
    }) : () -> ()
    %eq3A = arith.constant 0 : i32
    %eq3A_20 = arith.cmpi eq, %arg1, %eq3A : i32
    %convert_element_type3A = arith.extui %eq3A_20 : i1 to i32
    %cond3A = arith.constant 0 : i32
    %cond3A_21 = arith.cmpi ne, %convert_element_type3A, %cond3A : i32
    scf.if %cond3A_21 {
      "tpu.region"() ({
        %run_scoped3A = tpu.sem_alloc : memref<!tpu.dma_semaphore, #tpu.memory_space<semaphore_mem>>
        %dma_start3A_459 = arith.constant 9984 : i32
        %dma_start3A_460 = arith.constant 0 : i32
        %dma_start3A_461 = tpu.memref_slice %arg9[%dma_start3A_459, %dma_start3A_460] : memref<10000x128xf32, #tpu.memory_space<vmem_shared>> -> memref<16x128xf32, #tpu.memory_space<vmem_shared>>
        %dma_start3A_462 = arith.constant 9984 : i32
        %dma_start3A_463 = arith.constant 0 : i32
        %dma_start3A_464 = tpu.memref_slice %arg4[%dma_start3A_462, %dma_start3A_463] : memref<10000x128xf32, #tpu.memory_space<hbm>> -> memref<16x128xf32, #tpu.memory_space<hbm>>
        tpu.enqueue_dma source(%dma_start3A_464 : memref<16x128xf32, #tpu.memory_space<hbm>>) target(%dma_start3A_461 : memref<16x128xf32, #tpu.memory_space<vmem_shared>>) target_semaphore(%run_scoped3A : memref<!tpu.dma_semaphore, #tpu.memory_space<semaphore_mem>>)
        %dma_wait3A_465 = arith.constant 9984 : i32
        %dma_wait3A_466 = arith.constant 0 : i32
        %dma_wait3A_467 = tpu.memref_slice %arg9[%dma_wait3A_465, %dma_wait3A_466] : memref<10000x128xf32, #tpu.memory_space<vmem_shared>> -> memref<16x128xf32, #tpu.memory_space<vmem_shared>>
        %dma_wait3A_468 = arith.constant 9984 : i32
        %dma_wait3A_469 = arith.constant 0 : i32
        %dma_wait3A_470 = tpu.memref_slice %arg4[%dma_wait3A_468, %dma_wait3A_469] : memref<10000x128xf32, #tpu.memory_space<hbm>> -> memref<16x128xf32, #tpu.memory_space<hbm>>
        tpu.wait_dma2 semaphore(%run_scoped3A : memref<!tpu.dma_semaphore, #tpu.memory_space<semaphore_mem>>) src(%dma_wait3A_470 : memref<16x128xf32, #tpu.memory_space<hbm>>) dst(%dma_wait3A_467 : memref<16x128xf32, #tpu.memory_space<vmem_shared>>)
        tpu.yield
      }) : () -> ()
    } else {
    }
    %barrier3A = arith.constant 0 : index
    tpu.barrier barrier_id(%barrier3A)
    %dma_start3A_22 = arith.constant 1 : i32
    %dma_start3A_23 = arith.constant 1 : i32
    %dma_start3A_24 = arith.constant 0 : i32
    %dma_start3A_25 = arith.constant 0 : i32
    %dma_start3A_26 = tpu.memref_slice %arg7[%dma_start3A_23, %dma_start3A_24, %dma_start3A_25] : memref<3x2x80xi32, #tpu.memory_space<vmem>> -> memref<1x2x80xi32, #tpu.memory_space<vmem>>
    %dma_start3A_27 = tpu.memref_squeeze %dma_start3A_26 : memref<1x2x80xi32, #tpu.memory_space<vmem>> -> memref<2x80xi32, #tpu.memory_space<vmem>>
    %dma_start3A_28 = arith.constant 0 : i32
    %dma_start3A_29 = arith.constant 0 : i32
    %dma_start3A_30 = tpu.memref_slice %arg3[%add3A, %dma_start3A_22, %dma_start3A_28, %dma_start3A_29] : memref<32x125x2x80xi32, #tpu.memory_space<hbm>> -> memref<1x1x2x80xi32, #tpu.memory_space<hbm>>
    %dma_start3A_31 = tpu.memref_squeeze %dma_start3A_30 : memref<1x1x2x80xi32, #tpu.memory_space<hbm>> -> memref<2x80xi32, #tpu.memory_space<hbm>>
    %dma_start3A_32 = arith.constant 0 : i32
    %dma_start3A_33 = arith.constant 0 : i32
    %dma_start3A_34 = tpu.memref_slice %arg7[%dma_start3A_23, %dma_start3A_32, %dma_start3A_33] : memref<3x2x80xi32, #tpu.memory_space<vmem>> -> memref<1x2x80xi32, #tpu.memory_space<vmem>>
    %dma_start3A_35 = tpu.memref_squeeze %dma_start3A_34 : memref<1x2x80xi32, #tpu.memory_space<vmem>> -> memref<2x80xi32, #tpu.memory_space<vmem>>
    %dma_start3A_36 = arith.constant 0 : i32
    %dma_start3A_37 = arith.constant 0 : i32
    %dma_start3A_38 = tpu.memref_slice %arg3[%add3A, %dma_start3A_22, %dma_start3A_36, %dma_start3A_37] : memref<32x125x2x80xi32, #tpu.memory_space<hbm>> -> memref<1x1x2x80xi32, #tpu.memory_space<hbm>>
    %dma_start3A_39 = tpu.memref_squeeze %dma_start3A_38 : memref<1x1x2x80xi32, #tpu.memory_space<hbm>> -> memref<2x80xi32, #tpu.memory_space<hbm>>
    tpu.enqueue_dma source(%dma_start3A_39 : memref<2x80xi32, #tpu.memory_space<hbm>>) target(%dma_start3A_35 : memref<2x80xi32, #tpu.memory_space<vmem>>) target_semaphore(%arg11 : memref<!tpu.dma_semaphore, #tpu.memory_space<semaphore_mem>>)
    %dma_wait3A = arith.constant 0 : i32
    %dma_wait3A_40 = arith.constant 0 : i32
    %dma_wait3A_41 = arith.constant 0 : i32
    %dma_wait3A_42 = arith.constant 0 : i32
    %dma_wait3A_43 = tpu.memref_slice %arg7[%dma_wait3A_40, %dma_wait3A_41, %dma_wait3A_42] : memref<3x2x80xi32, #tpu.memory_space<vmem>> -> memref<1x2x80xi32, #tpu.memory_space<vmem>>
    %dma_wait3A_44 = tpu.memref_squeeze %dma_wait3A_43 : memref<1x2x80xi32, #tpu.memory_space<vmem>> -> memref<2x80xi32, #tpu.memory_space<vmem>>
    %dma_wait3A_45 = arith.constant 0 : i32
    %dma_wait3A_46 = arith.constant 0 : i32
    %dma_wait3A_47 = tpu.memref_slice %arg3[%add3A, %dma_wait3A, %dma_wait3A_45, %dma_wait3A_46] : memref<32x125x2x80xi32, #tpu.memory_space<hbm>> -> memref<1x1x2x80xi32, #tpu.memory_space<hbm>>
    %dma_wait3A_48 = tpu.memref_squeeze %dma_wait3A_47 : memref<1x1x2x80xi32, #tpu.memory_space<hbm>> -> memref<2x80xi32, #tpu.memory_space<hbm>>
    %dma_wait3A_49 = arith.constant 0 : i32
    %dma_wait3A_50 = arith.constant 0 : i32
    %dma_wait3A_51 = tpu.memref_slice %arg7[%dma_wait3A_40, %dma_wait3A_49, %dma_wait3A_50] : memref<3x2x80xi32, #tpu.memory_space<vmem>> -> memref<1x2x80xi32, #tpu.memory_space<vmem>>
    %dma_wait3A_52 = tpu.memref_squeeze %dma_wait3A_51 : memref<1x2x80xi32, #tpu.memory_space<vmem>> -> memref<2x80xi32, #tpu.memory_space<vmem>>
    %dma_wait3A_53 = arith.constant 0 : i32
    %dma_wait3A_54 = arith.constant 0 : i32
    %dma_wait3A_55 = tpu.memref_slice %arg3[%add3A, %dma_wait3A, %dma_wait3A_53, %dma_wait3A_54] : memref<32x125x2x80xi32, #tpu.memory_space<hbm>> -> memref<1x1x2x80xi32, #tpu.memory_space<hbm>>
    %dma_wait3A_56 = tpu.memref_squeeze %dma_wait3A_55 : memref<1x1x2x80xi32, #tpu.memory_space<hbm>> -> memref<2x80xi32, #tpu.memory_space<hbm>>
    tpu.wait_dma2 semaphore(%arg10 : memref<!tpu.dma_semaphore, #tpu.memory_space<semaphore_mem>>) src(%dma_wait3A_56 : memref<2x80xi32, #tpu.memory_space<hbm>>) dst(%dma_wait3A_52 : memref<2x80xi32, #tpu.memory_space<vmem>>)
    %dma_start3A_57 = arith.constant 0 : i32
    %dma_start3A_58 = arith.constant 0 : i32
    %dma_start3A_59 = arith.constant 0 : i32
    %dma_start3A_60 = arith.constant 0 : i32
    %dma_start3A_61 = arith.constant 0 : i32
    %dma_start3A_62 = tpu.memref_slice %arg8[%dma_start3A_59, %dma_start3A_60, %dma_start3A_61] : memref<3x80x128xf32, #tpu.memory_space<vmem>> -> memref<1x80x128xf32, #tpu.memory_space<vmem>>
    %dma_start3A_63 = tpu.memref_squeeze %dma_start3A_62 : memref<1x80x128xf32, #tpu.memory_space<vmem>> -> memref<80x128xf32, #tpu.memory_space<vmem>>
    %dma_start3A_64 = arith.constant 0 : i32
    %dma_start3A_65 = tpu.memref_slice %arg7[%dma_start3A_57, %dma_start3A_58, %dma_start3A_64] : memref<3x2x80xi32, #tpu.memory_space<vmem>> -> memref<1x1x80xi32, #tpu.memory_space<vmem>>
    %dma_start3A_66 = tpu.memref_squeeze %dma_start3A_65 : memref<1x1x80xi32, #tpu.memory_space<vmem>> -> memref<80xi32, #tpu.memory_space<vmem>>
    %dma_start3A_67 = arith.constant 0 : i32
    %dma_start3A_68 = arith.constant 0 : i32
    %dma_start3A_69 = tpu.memref_slice %arg2[%dma_start3A_67, %dma_start3A_68] : memref<10000x128xf32, #tpu.memory_space<hbm>> -> memref<10000x128xf32, #tpu.memory_space<hbm>>
    tpu.enqueue_indirect_dma source(%dma_start3A_69 : memref<10000x128xf32, #tpu.memory_space<hbm>>) target(%dma_start3A_63 : memref<80x128xf32, #tpu.memory_space<vmem>>) offsets(%dma_start3A_66 : memref<80xi32, #tpu.memory_space<vmem>>) semaphore(%arg13 : memref<!tpu.dma_semaphore, #tpu.memory_space<semaphore_mem>>)
    %dma_start3A_70 = arith.constant 2 : i32
    %dma_start3A_71 = arith.constant 2 : i32
    %dma_start3A_72 = arith.constant 0 : i32
    %dma_start3A_73 = arith.constant 0 : i32
    %dma_start3A_74 = tpu.memref_slice %arg7[%dma_start3A_71, %dma_start3A_72, %dma_start3A_73] : memref<3x2x80xi32, #tpu.memory_space<vmem>> -> memref<1x2x80xi32, #tpu.memory_space<vmem>>
    %dma_start3A_75 = tpu.memref_squeeze %dma_start3A_74 : memref<1x2x80xi32, #tpu.memory_space<vmem>> -> memref<2x80xi32, #tpu.memory_space<vmem>>
    %dma_start3A_76 = arith.constant 0 : i32
    %dma_start3A_77 = arith.constant 0 : i32
    %dma_start3A_78 = tpu.memref_slice %arg3[%add3A, %dma_start3A_70, %dma_start3A_76, %dma_start3A_77] : memref<32x125x2x80xi32, #tpu.memory_space<hbm>> -> memref<1x1x2x80xi32, #tpu.memory_space<hbm>>
    %dma_start3A_79 = tpu.memref_squeeze %dma_start3A_78 : memref<1x1x2x80xi32, #tpu.memory_space<hbm>> -> memref<2x80xi32, #tpu.memory_space<hbm>>
    %dma_start3A_80 = arith.constant 0 : i32
    %dma_start3A_81 = arith.constant 0 : i32
    %dma_start3A_82 = tpu.memref_slice %arg7[%dma_start3A_71, %dma_start3A_80, %dma_start3A_81] : memref<3x2x80xi32, #tpu.memory_space<vmem>> -> memref<1x2x80xi32, #tpu.memory_space<vmem>>
    %dma_start3A_83 = tpu.memref_squeeze %dma_start3A_82 : memref<1x2x80xi32, #tpu.memory_space<vmem>> -> memref<2x80xi32, #tpu.memory_space<vmem>>
    %dma_start3A_84 = arith.constant 0 : i32
    %dma_start3A_85 = arith.constant 0 : i32
    %dma_start3A_86 = tpu.memref_slice %arg3[%add3A, %dma_start3A_70, %dma_start3A_84, %dma_start3A_85] : memref<32x125x2x80xi32, #tpu.memory_space<hbm>> -> memref<1x1x2x80xi32, #tpu.memory_space<hbm>>
    %dma_start3A_87 = tpu.memref_squeeze %dma_start3A_86 : memref<1x1x2x80xi32, #tpu.memory_space<hbm>> -> memref<2x80xi32, #tpu.memory_space<hbm>>
    tpu.enqueue_dma source(%dma_start3A_87 : memref<2x80xi32, #tpu.memory_space<hbm>>) target(%dma_start3A_83 : memref<2x80xi32, #tpu.memory_space<vmem>>) target_semaphore(%arg12 : memref<!tpu.dma_semaphore, #tpu.memory_space<semaphore_mem>>)
    %dma_wait3A_88 = arith.constant 1 : i32
    %dma_wait3A_89 = arith.constant 1 : i32
    %dma_wait3A_90 = arith.constant 0 : i32
    %dma_wait3A_91 = arith.constant 0 : i32
    %dma_wait3A_92 = tpu.memref_slice %arg7[%dma_wait3A_89, %dma_wait3A_90, %dma_wait3A_91] : memref<3x2x80xi32, #tpu.memory_space<vmem>> -> memref<1x2x80xi32, #tpu.memory_space<vmem>>
    %dma_wait3A_93 = tpu.memref_squeeze %dma_wait3A_92 : memref<1x2x80xi32, #tpu.memory_space<vmem>> -> memref<2x80xi32, #tpu.memory_space<vmem>>
    %dma_wait3A_94 = arith.constant 0 : i32
    %dma_wait3A_95 = arith.constant 0 : i32
    %dma_wait3A_96 = tpu.memref_slice %arg3[%add3A, %dma_wait3A_88, %dma_wait3A_94, %dma_wait3A_95] : memref<32x125x2x80xi32, #tpu.memory_space<hbm>> -> memref<1x1x2x80xi32, #tpu.memory_space<hbm>>
    %dma_wait3A_97 = tpu.memref_squeeze %dma_wait3A_96 : memref<1x1x2x80xi32, #tpu.memory_space<hbm>> -> memref<2x80xi32, #tpu.memory_space<hbm>>
    %dma_wait3A_98 = arith.constant 0 : i32
    %dma_wait3A_99 = arith.constant 0 : i32
    %dma_wait3A_100 = tpu.memref_slice %arg7[%dma_wait3A_89, %dma_wait3A_98, %dma_wait3A_99] : memref<3x2x80xi32, #tpu.memory_space<vmem>> -> memref<1x2x80xi32, #tpu.memory_space<vmem>>
    %dma_wait3A_101 = tpu.memref_squeeze %dma_wait3A_100 : memref<1x2x80xi32, #tpu.memory_space<vmem>> -> memref<2x80xi32, #tpu.memory_space<vmem>>
    %dma_wait3A_102 = arith.constant 0 : i32
    %dma_wait3A_103 = arith.constant 0 : i32
    %dma_wait3A_104 = tpu.memref_slice %arg3[%add3A, %dma_wait3A_88, %dma_wait3A_102, %dma_wait3A_103] : memref<32x125x2x80xi32, #tpu.memory_space<hbm>> -> memref<1x1x2x80xi32, #tpu.memory_space<hbm>>
    %dma_wait3A_105 = tpu.memref_squeeze %dma_wait3A_104 : memref<1x1x2x80xi32, #tpu.memory_space<hbm>> -> memref<2x80xi32, #tpu.memory_space<hbm>>
    tpu.wait_dma2 semaphore(%arg11 : memref<!tpu.dma_semaphore, #tpu.memory_space<semaphore_mem>>) src(%dma_wait3A_105 : memref<2x80xi32, #tpu.memory_space<hbm>>) dst(%dma_wait3A_101 : memref<2x80xi32, #tpu.memory_space<vmem>>)
    %dma_start3A_106 = arith.constant 1 : i32
    %dma_start3A_107 = arith.constant 0 : i32
    %dma_start3A_108 = arith.constant 1 : i32
    %dma_start3A_109 = arith.constant 0 : i32
    %dma_start3A_110 = arith.constant 0 : i32
    %dma_start3A_111 = tpu.memref_slice %arg8[%dma_start3A_108, %dma_start3A_109, %dma_start3A_110] : memref<3x80x128xf32, #tpu.memory_space<vmem>> -> memref<1x80x128xf32, #tpu.memory_space<vmem>>
    %dma_start3A_112 = tpu.memref_squeeze %dma_start3A_111 : memref<1x80x128xf32, #tpu.memory_space<vmem>> -> memref<80x128xf32, #tpu.memory_space<vmem>>
    %dma_start3A_113 = arith.constant 0 : i32
    %dma_start3A_114 = tpu.memref_slice %arg7[%dma_start3A_106, %dma_start3A_107, %dma_start3A_113] : memref<3x2x80xi32, #tpu.memory_space<vmem>> -> memref<1x1x80xi32, #tpu.memory_space<vmem>>
    %dma_start3A_115 = tpu.memref_squeeze %dma_start3A_114 : memref<1x1x80xi32, #tpu.memory_space<vmem>> -> memref<80xi32, #tpu.memory_space<vmem>>
    %dma_start3A_116 = arith.constant 0 : i32
    %dma_start3A_117 = arith.constant 0 : i32
    %dma_start3A_118 = tpu.memref_slice %arg2[%dma_start3A_116, %dma_start3A_117] : memref<10000x128xf32, #tpu.memory_space<hbm>> -> memref<10000x128xf32, #tpu.memory_space<hbm>>
    tpu.enqueue_indirect_dma source(%dma_start3A_118 : memref<10000x128xf32, #tpu.memory_space<hbm>>) target(%dma_start3A_112 : memref<80x128xf32, #tpu.memory_space<vmem>>) offsets(%dma_start3A_115 : memref<80xi32, #tpu.memory_space<vmem>>) semaphore(%arg14 : memref<!tpu.dma_semaphore, #tpu.memory_space<semaphore_mem>>)
    %scan3A = arith.constant 0 : i32
    %scan3A_119 = arith.constant 0 : i32
    %scan3A_120 = arith.constant 40 : i32
    %scan3A_121 = arith.addi %scan3A_119, %scan3A_120 : i32
    %scan3A_122 = arith.constant 1 : i32
    scf.for %scan3A_459 = %scan3A_119 to %scan3A_121 step %scan3A_122  : i32 {
      %mul3A_460 = arith.constant 3 : i32
      %mul3A_461 = arith.muli %mul3A_460, %scan3A_459 : i32
      %dma_wait3A_462 = arith.constant 0 : i32
      %dma_wait3A_463 = arith.constant 0 : i32
      %dma_wait3A_464 = arith.constant 0 : i32
      %dma_wait3A_465 = arith.constant 0 : i32
      %dma_wait3A_466 = arith.constant 0 : i32
      %dma_wait3A_467 = tpu.memref_slice %arg8[%dma_wait3A_464, %dma_wait3A_465, %dma_wait3A_466] : memref<3x80x128xf32, #tpu.memory_space<vmem>> -> memref<1x80x128xf32, #tpu.memory_space<vmem>>
      %dma_wait3A_468 = tpu.memref_squeeze %dma_wait3A_467 : memref<1x80x128xf32, #tpu.memory_space<vmem>> -> memref<80x128xf32, #tpu.memory_space<vmem>>
      %dma_wait3A_469 = arith.constant 0 : i32
      %dma_wait3A_470 = tpu.memref_slice %arg7[%dma_wait3A_462, %dma_wait3A_463, %dma_wait3A_469] : memref<3x2x80xi32, #tpu.memory_space<vmem>> -> memref<1x1x80xi32, #tpu.memory_space<vmem>>
      %dma_wait3A_471 = tpu.memref_squeeze %dma_wait3A_470 : memref<1x1x80xi32, #tpu.memory_space<vmem>> -> memref<80xi32, #tpu.memory_space<vmem>>
      %dma_wait3A_472 = arith.constant 0 : i32
      %dma_wait3A_473 = arith.constant 0 : i32
      %dma_wait3A_474 = tpu.memref_slice %arg2[%dma_wait3A_472, %dma_wait3A_473] : memref<10000x128xf32, #tpu.memory_space<hbm>> -> memref<10000x128xf32, #tpu.memory_space<hbm>>
      tpu.wait_indirect_dma semaphore(%arg13 : memref<!tpu.dma_semaphore, #tpu.memory_space<semaphore_mem>>) src(%dma_wait3A_474 : memref<10000x128xf32, #tpu.memory_space<hbm>>) dst(%dma_wait3A_468 : memref<80x128xf32, #tpu.memory_space<vmem>>)
      %dma_start3A_475 = arith.constant 0 : i32
      %dma_start3A_476 = arith.constant 0 : i32
      %dma_start3A_477 = arith.constant 1 : i32
      %dma_start3A_478 = arith.constant 0 : i32
      %dma_start3A_479 = arith.constant 0 : i32
      %dma_start3A_480 = tpu.memref_slice %arg8[%dma_start3A_475, %dma_start3A_478, %dma_start3A_479] : memref<3x80x128xf32, #tpu.memory_space<vmem>> -> memref<1x80x128xf32, #tpu.memory_space<vmem>>
      %dma_start3A_481 = tpu.memref_squeeze %dma_start3A_480 : memref<1x80x128xf32, #tpu.memory_space<vmem>> -> memref<80x128xf32, #tpu.memory_space<vmem>>
      %dma_start3A_482 = arith.constant 0 : i32
      %dma_start3A_483 = tpu.memref_slice %arg7[%dma_start3A_476, %dma_start3A_477, %dma_start3A_482] : memref<3x2x80xi32, #tpu.memory_space<vmem>> -> memref<1x1x80xi32, #tpu.memory_space<vmem>>
      %dma_start3A_484 = tpu.memref_squeeze %dma_start3A_483 : memref<1x1x80xi32, #tpu.memory_space<vmem>> -> memref<80xi32, #tpu.memory_space<vmem>>
      %dma_start3A_485 = arith.constant 0 : i32
      %dma_start3A_486 = arith.constant 0 : i32
      %dma_start3A_487 = tpu.memref_slice %arg9[%dma_start3A_485, %dma_start3A_486] : memref<10000x128xf32, #tpu.memory_space<vmem_shared>> -> memref<10000x128xf32, #tpu.memory_space<vmem_shared>>
      tpu.enqueue_indirect_dma source(%dma_start3A_481 : memref<80x128xf32, #tpu.memory_space<vmem>>) target(%dma_start3A_487 : memref<10000x128xf32, #tpu.memory_space<vmem_shared>>) offsets(%dma_start3A_484 : memref<80xi32, #tpu.memory_space<vmem>>) semaphore(%arg16 : memref<!tpu.dma_semaphore, #tpu.memory_space<semaphore_mem>>) {add = true}
      %dma_wait3A_488 = arith.constant 0 : i32
      %dma_wait3A_489 = arith.constant 0 : i32
      %dma_wait3A_490 = arith.constant 1 : i32
      %dma_wait3A_491 = arith.constant 0 : i32
      %dma_wait3A_492 = arith.constant 0 : i32
      %dma_wait3A_493 = tpu.memref_slice %arg8[%dma_wait3A_488, %dma_wait3A_491, %dma_wait3A_492] : memref<3x80x128xf32, #tpu.memory_space<vmem>> -> memref<1x80x128xf32, #tpu.memory_space<vmem>>
      %dma_wait3A_494 = tpu.memref_squeeze %dma_wait3A_493 : memref<1x80x128xf32, #tpu.memory_space<vmem>> -> memref<80x128xf32, #tpu.memory_space<vmem>>
      %dma_wait3A_495 = arith.constant 0 : i32
      %dma_wait3A_496 = tpu.memref_slice %arg7[%dma_wait3A_489, %dma_wait3A_490, %dma_wait3A_495] : memref<3x2x80xi32, #tpu.memory_space<vmem>> -> memref<1x1x80xi32, #tpu.memory_space<vmem>>
      %dma_wait3A_497 = tpu.memref_squeeze %dma_wait3A_496 : memref<1x1x80xi32, #tpu.memory_space<vmem>> -> memref<80xi32, #tpu.memory_space<vmem>>
      %dma_wait3A_498 = arith.constant 0 : i32
      %dma_wait3A_499 = arith.constant 0 : i32
      %dma_wait3A_500 = tpu.memref_slice %arg9[%dma_wait3A_498, %dma_wait3A_499] : memref<10000x128xf32, #tpu.memory_space<vmem_shared>> -> memref<10000x128xf32, #tpu.memory_space<vmem_shared>>
      tpu.wait_indirect_dma semaphore(%arg16 : memref<!tpu.dma_semaphore, #tpu.memory_space<semaphore_mem>>) src(%dma_wait3A_494 : memref<80x128xf32, #tpu.memory_space<vmem>>) dst(%dma_wait3A_500 : memref<10000x128xf32, #tpu.memory_space<vmem_shared>>)
      %add3A_501 = arith.constant 2 : i32
      %add3A_502 = arith.addi %mul3A_461, %add3A_501 : i32
      %dma_wait3A_503 = arith.constant 2 : i32
      %dma_wait3A_504 = arith.constant 0 : i32
      %dma_wait3A_505 = arith.constant 0 : i32
      %dma_wait3A_506 = tpu.memref_slice %arg7[%dma_wait3A_503, %dma_wait3A_504, %dma_wait3A_505] : memref<3x2x80xi32, #tpu.memory_space<vmem>> -> memref<1x2x80xi32, #tpu.memory_space<vmem>>
      %dma_wait3A_507 = tpu.memref_squeeze %dma_wait3A_506 : memref<1x2x80xi32, #tpu.memory_space<vmem>> -> memref<2x80xi32, #tpu.memory_space<vmem>>
      %dma_wait3A_508 = arith.constant 0 : i32
      %dma_wait3A_509 = arith.constant 0 : i32
      %dma_wait3A_510 = tpu.memref_slice %arg3[%add3A, %add3A_502, %dma_wait3A_508, %dma_wait3A_509] : memref<32x125x2x80xi32, #tpu.memory_space<hbm>> -> memref<1x1x2x80xi32, #tpu.memory_space<hbm>>
      %dma_wait3A_511 = tpu.memref_squeeze %dma_wait3A_510 : memref<1x1x2x80xi32, #tpu.memory_space<hbm>> -> memref<2x80xi32, #tpu.memory_space<hbm>>
      %dma_wait3A_512 = arith.constant 0 : i32
      %dma_wait3A_513 = arith.constant 0 : i32
      %dma_wait3A_514 = tpu.memref_slice %arg7[%dma_wait3A_503, %dma_wait3A_512, %dma_wait3A_513] : memref<3x2x80xi32, #tpu.memory_space<vmem>> -> memref<1x2x80xi32, #tpu.memory_space<vmem>>
      %dma_wait3A_515 = tpu.memref_squeeze %dma_wait3A_514 : memref<1x2x80xi32, #tpu.memory_space<vmem>> -> memref<2x80xi32, #tpu.memory_space<vmem>>
      %dma_wait3A_516 = arith.constant 0 : i32
      %dma_wait3A_517 = arith.constant 0 : i32
      %dma_wait3A_518 = tpu.memref_slice %arg3[%add3A, %add3A_502, %dma_wait3A_516, %dma_wait3A_517] : memref<32x125x2x80xi32, #tpu.memory_space<hbm>> -> memref<1x1x2x80xi32, #tpu.memory_space<hbm>>
      %dma_wait3A_519 = tpu.memref_squeeze %dma_wait3A_518 : memref<1x1x2x80xi32, #tpu.memory_space<hbm>> -> memref<2x80xi32, #tpu.memory_space<hbm>>
      tpu.wait_dma2 semaphore(%arg12 : memref<!tpu.dma_semaphore, #tpu.memory_space<semaphore_mem>>) src(%dma_wait3A_519 : memref<2x80xi32, #tpu.memory_space<hbm>>) dst(%dma_wait3A_515 : memref<2x80xi32, #tpu.memory_space<vmem>>)
      %dma_start3A_520 = arith.constant 2 : i32
      %dma_start3A_521 = arith.constant 0 : i32
      %dma_start3A_522 = arith.constant 2 : i32
      %dma_start3A_523 = arith.constant 0 : i32
      %dma_start3A_524 = arith.constant 0 : i32
      %dma_start3A_525 = tpu.memref_slice %arg8[%dma_start3A_522, %dma_start3A_523, %dma_start3A_524] : memref<3x80x128xf32, #tpu.memory_space<vmem>> -> memref<1x80x128xf32, #tpu.memory_space<vmem>>
      %dma_start3A_526 = tpu.memref_squeeze %dma_start3A_525 : memref<1x80x128xf32, #tpu.memory_space<vmem>> -> memref<80x128xf32, #tpu.memory_space<vmem>>
      %dma_start3A_527 = arith.constant 0 : i32
      %dma_start3A_528 = tpu.memref_slice %arg7[%dma_start3A_520, %dma_start3A_521, %dma_start3A_527] : memref<3x2x80xi32, #tpu.memory_space<vmem>> -> memref<1x1x80xi32, #tpu.memory_space<vmem>>
      %dma_start3A_529 = tpu.memref_squeeze %dma_start3A_528 : memref<1x1x80xi32, #tpu.memory_space<vmem>> -> memref<80xi32, #tpu.memory_space<vmem>>
      %dma_start3A_530 = arith.constant 0 : i32
      %dma_start3A_531 = arith.constant 0 : i32
      %dma_start3A_532 = tpu.memref_slice %arg2[%dma_start3A_530, %dma_start3A_531] : memref<10000x128xf32, #tpu.memory_space<hbm>> -> memref<10000x128xf32, #tpu.memory_space<hbm>>
      tpu.enqueue_indirect_dma source(%dma_start3A_532 : memref<10000x128xf32, #tpu.memory_space<hbm>>) target(%dma_start3A_526 : memref<80x128xf32, #tpu.memory_space<vmem>>) offsets(%dma_start3A_529 : memref<80xi32, #tpu.memory_space<vmem>>) semaphore(%arg15 : memref<!tpu.dma_semaphore, #tpu.memory_space<semaphore_mem>>)
      %add3A_533 = arith.constant 3 : i32
      %add3A_534 = arith.addi %mul3A_461, %add3A_533 : i32
      %dma_start3A_535 = arith.constant 0 : i32
      %dma_start3A_536 = arith.constant 0 : i32
      %dma_start3A_537 = arith.constant 0 : i32
      %dma_start3A_538 = tpu.memref_slice %arg7[%dma_start3A_535, %dma_start3A_536, %dma_start3A_537] : memref<3x2x80xi32, #tpu.memory_space<vmem>> -> memref<1x2x80xi32, #tpu.memory_space<vmem>>
      %dma_start3A_539 = tpu.memref_squeeze %dma_start3A_538 : memref<1x2x80xi32, #tpu.memory_space<vmem>> -> memref<2x80xi32, #tpu.memory_space<vmem>>
      %dma_start3A_540 = arith.constant 0 : i32
      %dma_start3A_541 = arith.constant 0 : i32
      %dma_start3A_542 = tpu.memref_slice %arg3[%add3A, %add3A_534, %dma_start3A_540, %dma_start3A_541] : memref<32x125x2x80xi32, #tpu.memory_space<hbm>> -> memref<1x1x2x80xi32, #tpu.memory_space<hbm>>
      %dma_start3A_543 = tpu.memref_squeeze %dma_start3A_542 : memref<1x1x2x80xi32, #tpu.memory_space<hbm>> -> memref<2x80xi32, #tpu.memory_space<hbm>>
      %dma_start3A_544 = arith.constant 0 : i32
      %dma_start3A_545 = arith.constant 0 : i32
      %dma_start3A_546 = tpu.memref_slice %arg7[%dma_start3A_535, %dma_start3A_544, %dma_start3A_545] : memref<3x2x80xi32, #tpu.memory_space<vmem>> -> memref<1x2x80xi32, #tpu.memory_space<vmem>>
      %dma_start3A_547 = tpu.memref_squeeze %dma_start3A_546 : memref<1x2x80xi32, #tpu.memory_space<vmem>> -> memref<2x80xi32, #tpu.memory_space<vmem>>
      %dma_start3A_548 = arith.constant 0 : i32
      %dma_start3A_549 = arith.constant 0 : i32
      %dma_start3A_550 = tpu.memref_slice %arg3[%add3A, %add3A_534, %dma_start3A_548, %dma_start3A_549] : memref<32x125x2x80xi32, #tpu.memory_space<hbm>> -> memref<1x1x2x80xi32, #tpu.memory_space<hbm>>
      %dma_start3A_551 = tpu.memref_squeeze %dma_start3A_550 : memref<1x1x2x80xi32, #tpu.memory_space<hbm>> -> memref<2x80xi32, #tpu.memory_space<hbm>>
      tpu.enqueue_dma source(%dma_start3A_551 : memref<2x80xi32, #tpu.memory_space<hbm>>) target(%dma_start3A_547 : memref<2x80xi32, #tpu.memory_space<vmem>>) target_semaphore(%arg10 : memref<!tpu.dma_semaphore, #tpu.memory_space<semaphore_mem>>)
      %add3A_552 = arith.constant 1 : i32
      %add3A_553 = arith.addi %mul3A_461, %add3A_552 : i32
      %dma_wait3A_554 = arith.constant 1 : i32
      %dma_wait3A_555 = arith.constant 0 : i32
      %dma_wait3A_556 = arith.constant 1 : i32
      %dma_wait3A_557 = arith.constant 0 : i32
      %dma_wait3A_558 = arith.constant 0 : i32
      %dma_wait3A_559 = tpu.memref_slice %arg8[%dma_wait3A_556, %dma_wait3A_557, %dma_wait3A_558] : memref<3x80x128xf32, #tpu.memory_space<vmem>> -> memref<1x80x128xf32, #tpu.memory_space<vmem>>
      %dma_wait3A_560 = tpu.memref_squeeze %dma_wait3A_559 : memref<1x80x128xf32, #tpu.memory_space<vmem>> -> memref<80x128xf32, #tpu.memory_space<vmem>>
      %dma_wait3A_561 = arith.constant 0 : i32
      %dma_wait3A_562 = tpu.memref_slice %arg7[%dma_wait3A_554, %dma_wait3A_555, %dma_wait3A_561] : memref<3x2x80xi32, #tpu.memory_space<vmem>> -> memref<1x1x80xi32, #tpu.memory_space<vmem>>
      %dma_wait3A_563 = tpu.memref_squeeze %dma_wait3A_562 : memref<1x1x80xi32, #tpu.memory_space<vmem>> -> memref<80xi32, #tpu.memory_space<vmem>>
      %dma_wait3A_564 = arith.constant 0 : i32
      %dma_wait3A_565 = arith.constant 0 : i32
      %dma_wait3A_566 = tpu.memref_slice %arg2[%dma_wait3A_564, %dma_wait3A_565] : memref<10000x128xf32, #tpu.memory_space<hbm>> -> memref<10000x128xf32, #tpu.memory_space<hbm>>
      tpu.wait_indirect_dma semaphore(%arg14 : memref<!tpu.dma_semaphore, #tpu.memory_space<semaphore_mem>>) src(%dma_wait3A_566 : memref<10000x128xf32, #tpu.memory_space<hbm>>) dst(%dma_wait3A_560 : memref<80x128xf32, #tpu.memory_space<vmem>>)
      %dma_start3A_567 = arith.constant 1 : i32
      %dma_start3A_568 = arith.constant 1 : i32
      %dma_start3A_569 = arith.constant 1 : i32
      %dma_start3A_570 = arith.constant 0 : i32
      %dma_start3A_571 = arith.constant 0 : i32
      %dma_start3A_572 = tpu.memref_slice %arg8[%dma_start3A_567, %dma_start3A_570, %dma_start3A_571] : memref<3x80x128xf32, #tpu.memory_space<vmem>> -> memref<1x80x128xf32, #tpu.memory_space<vmem>>
      %dma_start3A_573 = tpu.memref_squeeze %dma_start3A_572 : memref<1x80x128xf32, #tpu.memory_space<vmem>> -> memref<80x128xf32, #tpu.memory_space<vmem>>
      %dma_start3A_574 = arith.constant 0 : i32
      %dma_start3A_575 = tpu.memref_slice %arg7[%dma_start3A_568, %dma_start3A_569, %dma_start3A_574] : memref<3x2x80xi32, #tpu.memory_space<vmem>> -> memref<1x1x80xi32, #tpu.memory_space<vmem>>
      %dma_start3A_576 = tpu.memref_squeeze %dma_start3A_575 : memref<1x1x80xi32, #tpu.memory_space<vmem>> -> memref<80xi32, #tpu.memory_space<vmem>>
      %dma_start3A_577 = arith.constant 0 : i32
      %dma_start3A_578 = arith.constant 0 : i32
      %dma_start3A_579 = tpu.memref_slice %arg9[%dma_start3A_577, %dma_start3A_578] : memref<10000x128xf32, #tpu.memory_space<vmem_shared>> -> memref<10000x128xf32, #tpu.memory_space<vmem_shared>>
      tpu.enqueue_indirect_dma source(%dma_start3A_573 : memref<80x128xf32, #tpu.memory_space<vmem>>) target(%dma_start3A_579 : memref<10000x128xf32, #tpu.memory_space<vmem_shared>>) offsets(%dma_start3A_576 : memref<80xi32, #tpu.memory_space<vmem>>) semaphore(%arg17 : memref<!tpu.dma_semaphore, #tpu.memory_space<semaphore_mem>>) {add = true}
      %dma_wait3A_580 = arith.constant 1 : i32
      %dma_wait3A_581 = arith.constant 1 : i32
      %dma_wait3A_582 = arith.constant 1 : i32
      %dma_wait3A_583 = arith.constant 0 : i32
      %dma_wait3A_584 = arith.constant 0 : i32
      %dma_wait3A_585 = tpu.memref_slice %arg8[%dma_wait3A_580, %dma_wait3A_583, %dma_wait3A_584] : memref<3x80x128xf32, #tpu.memory_space<vmem>> -> memref<1x80x128xf32, #tpu.memory_space<vmem>>
      %dma_wait3A_586 = tpu.memref_squeeze %dma_wait3A_585 : memref<1x80x128xf32, #tpu.memory_space<vmem>> -> memref<80x128xf32, #tpu.memory_space<vmem>>
      %dma_wait3A_587 = arith.constant 0 : i32
      %dma_wait3A_588 = tpu.memref_slice %arg7[%dma_wait3A_581, %dma_wait3A_582, %dma_wait3A_587] : memref<3x2x80xi32, #tpu.memory_space<vmem>> -> memref<1x1x80xi32, #tpu.memory_space<vmem>>
      %dma_wait3A_589 = tpu.memref_squeeze %dma_wait3A_588 : memref<1x1x80xi32, #tpu.memory_space<vmem>> -> memref<80xi32, #tpu.memory_space<vmem>>
      %dma_wait3A_590 = arith.constant 0 : i32
      %dma_wait3A_591 = arith.constant 0 : i32
      %dma_wait3A_592 = tpu.memref_slice %arg9[%dma_wait3A_590, %dma_wait3A_591] : memref<10000x128xf32, #tpu.memory_space<vmem_shared>> -> memref<10000x128xf32, #tpu.memory_space<vmem_shared>>
      tpu.wait_indirect_dma semaphore(%arg17 : memref<!tpu.dma_semaphore, #tpu.memory_space<semaphore_mem>>) src(%dma_wait3A_586 : memref<80x128xf32, #tpu.memory_space<vmem>>) dst(%dma_wait3A_592 : memref<10000x128xf32, #tpu.memory_space<vmem_shared>>)
      %add3A_593 = arith.constant 2 : i32
      %add3A_594 = arith.addi %add3A_553, %add3A_593 : i32
      %dma_wait3A_595 = arith.constant 0 : i32
      %dma_wait3A_596 = arith.constant 0 : i32
      %dma_wait3A_597 = arith.constant 0 : i32
      %dma_wait3A_598 = tpu.memref_slice %arg7[%dma_wait3A_595, %dma_wait3A_596, %dma_wait3A_597] : memref<3x2x80xi32, #tpu.memory_space<vmem>> -> memref<1x2x80xi32, #tpu.memory_space<vmem>>
      %dma_wait3A_599 = tpu.memref_squeeze %dma_wait3A_598 : memref<1x2x80xi32, #tpu.memory_space<vmem>> -> memref<2x80xi32, #tpu.memory_space<vmem>>
      %dma_wait3A_600 = arith.constant 0 : i32
      %dma_wait3A_601 = arith.constant 0 : i32
      %dma_wait3A_602 = tpu.memref_slice %arg3[%add3A, %add3A_594, %dma_wait3A_600, %dma_wait3A_601] : memref<32x125x2x80xi32, #tpu.memory_space<hbm>> -> memref<1x1x2x80xi32, #tpu.memory_space<hbm>>
      %dma_wait3A_603 = tpu.memref_squeeze %dma_wait3A_602 : memref<1x1x2x80xi32, #tpu.memory_space<hbm>> -> memref<2x80xi32, #tpu.memory_space<hbm>>
      %dma_wait3A_604 = arith.constant 0 : i32
      %dma_wait3A_605 = arith.constant 0 : i32
      %dma_wait3A_606 = tpu.memref_slice %arg7[%dma_wait3A_595, %dma_wait3A_604, %dma_wait3A_605] : memref<3x2x80xi32, #tpu.memory_space<vmem>> -> memref<1x2x80xi32, #tpu.memory_space<vmem>>
      %dma_wait3A_607 = tpu.memref_squeeze %dma_wait3A_606 : memref<1x2x80xi32, #tpu.memory_space<vmem>> -> memref<2x80xi32, #tpu.memory_space<vmem>>
      %dma_wait3A_608 = arith.constant 0 : i32
      %dma_wait3A_609 = arith.constant 0 : i32
      %dma_wait3A_610 = tpu.memref_slice %arg3[%add3A, %add3A_594, %dma_wait3A_608, %dma_wait3A_609] : memref<32x125x2x80xi32, #tpu.memory_space<hbm>> -> memref<1x1x2x80xi32, #tpu.memory_space<hbm>>
      %dma_wait3A_611 = tpu.memref_squeeze %dma_wait3A_610 : memref<1x1x2x80xi32, #tpu.memory_space<hbm>> -> memref<2x80xi32, #tpu.memory_space<hbm>>
      tpu.wait_dma2 semaphore(%arg10 : memref<!tpu.dma_semaphore, #tpu.memory_space<semaphore_mem>>) src(%dma_wait3A_611 : memref<2x80xi32, #tpu.memory_space<hbm>>) dst(%dma_wait3A_607 : memref<2x80xi32, #tpu.memory_space<vmem>>)
      %dma_start3A_612 = arith.constant 0 : i32
      %dma_start3A_613 = arith.constant 0 : i32
      %dma_start3A_614 = arith.constant 0 : i32
      %dma_start3A_615 = arith.constant 0 : i32
      %dma_start3A_616 = arith.constant 0 : i32
      %dma_start3A_617 = tpu.memref_slice %arg8[%dma_start3A_614, %dma_start3A_615, %dma_start3A_616] : memref<3x80x128xf32, #tpu.memory_space<vmem>> -> memref<1x80x128xf32, #tpu.memory_space<vmem>>
      %dma_start3A_618 = tpu.memref_squeeze %dma_start3A_617 : memref<1x80x128xf32, #tpu.memory_space<vmem>> -> memref<80x128xf32, #tpu.memory_space<vmem>>
      %dma_start3A_619 = arith.constant 0 : i32
      %dma_start3A_620 = tpu.memref_slice %arg7[%dma_start3A_612, %dma_start3A_613, %dma_start3A_619] : memref<3x2x80xi32, #tpu.memory_space<vmem>> -> memref<1x1x80xi32, #tpu.memory_space<vmem>>
      %dma_start3A_621 = tpu.memref_squeeze %dma_start3A_620 : memref<1x1x80xi32, #tpu.memory_space<vmem>> -> memref<80xi32, #tpu.memory_space<vmem>>
      %dma_start3A_622 = arith.constant 0 : i32
      %dma_start3A_623 = arith.constant 0 : i32
      %dma_start3A_624 = tpu.memref_slice %arg2[%dma_start3A_622, %dma_start3A_623] : memref<10000x128xf32, #tpu.memory_space<hbm>> -> memref<10000x128xf32, #tpu.memory_space<hbm>>
      tpu.enqueue_indirect_dma source(%dma_start3A_624 : memref<10000x128xf32, #tpu.memory_space<hbm>>) target(%dma_start3A_618 : memref<80x128xf32, #tpu.memory_space<vmem>>) offsets(%dma_start3A_621 : memref<80xi32, #tpu.memory_space<vmem>>) semaphore(%arg13 : memref<!tpu.dma_semaphore, #tpu.memory_space<semaphore_mem>>)
      %add3A_625 = arith.constant 3 : i32
      %add3A_626 = arith.addi %add3A_553, %add3A_625 : i32
      %dma_start3A_627 = arith.constant 1 : i32
      %dma_start3A_628 = arith.constant 0 : i32
      %dma_start3A_629 = arith.constant 0 : i32
      %dma_start3A_630 = tpu.memref_slice %arg7[%dma_start3A_627, %dma_start3A_628, %dma_start3A_629] : memref<3x2x80xi32, #tpu.memory_space<vmem>> -> memref<1x2x80xi32, #tpu.memory_space<vmem>>
      %dma_start3A_631 = tpu.memref_squeeze %dma_start3A_630 : memref<1x2x80xi32, #tpu.memory_space<vmem>> -> memref<2x80xi32, #tpu.memory_space<vmem>>
      %dma_start3A_632 = arith.constant 0 : i32
      %dma_start3A_633 = arith.constant 0 : i32
      %dma_start3A_634 = tpu.memref_slice %arg3[%add3A, %add3A_626, %dma_start3A_632, %dma_start3A_633] : memref<32x125x2x80xi32, #tpu.memory_space<hbm>> -> memref<1x1x2x80xi32, #tpu.memory_space<hbm>>
      %dma_start3A_635 = tpu.memref_squeeze %dma_start3A_634 : memref<1x1x2x80xi32, #tpu.memory_space<hbm>> -> memref<2x80xi32, #tpu.memory_space<hbm>>
      %dma_start3A_636 = arith.constant 0 : i32
      %dma_start3A_637 = arith.constant 0 : i32
      %dma_start3A_638 = tpu.memref_slice %arg7[%dma_start3A_627, %dma_start3A_636, %dma_start3A_637] : memref<3x2x80xi32, #tpu.memory_space<vmem>> -> memref<1x2x80xi32, #tpu.memory_space<vmem>>
      %dma_start3A_639 = tpu.memref_squeeze %dma_start3A_638 : memref<1x2x80xi32, #tpu.memory_space<vmem>> -> memref<2x80xi32, #tpu.memory_space<vmem>>
      %dma_start3A_640 = arith.constant 0 : i32
      %dma_start3A_641 = arith.constant 0 : i32
      %dma_start3A_642 = tpu.memref_slice %arg3[%add3A, %add3A_626, %dma_start3A_640, %dma_start3A_641] : memref<32x125x2x80xi32, #tpu.memory_space<hbm>> -> memref<1x1x2x80xi32, #tpu.memory_space<hbm>>
      %dma_start3A_643 = tpu.memref_squeeze %dma_start3A_642 : memref<1x1x2x80xi32, #tpu.memory_space<hbm>> -> memref<2x80xi32, #tpu.memory_space<hbm>>
      tpu.enqueue_dma source(%dma_start3A_643 : memref<2x80xi32, #tpu.memory_space<hbm>>) target(%dma_start3A_639 : memref<2x80xi32, #tpu.memory_space<vmem>>) target_semaphore(%arg11 : memref<!tpu.dma_semaphore, #tpu.memory_space<semaphore_mem>>)
      %add3A_644 = arith.constant 2 : i32
      %add3A_645 = arith.addi %mul3A_461, %add3A_644 : i32
      %dma_wait3A_646 = arith.constant 2 : i32
      %dma_wait3A_647 = arith.constant 0 : i32
      %dma_wait3A_648 = arith.constant 2 : i32
      %dma_wait3A_649 = arith.constant 0 : i32
      %dma_wait3A_650 = arith.constant 0 : i32
      %dma_wait3A_651 = tpu.memref_slice %arg8[%dma_wait3A_648, %dma_wait3A_649, %dma_wait3A_650] : memref<3x80x128xf32, #tpu.memory_space<vmem>> -> memref<1x80x128xf32, #tpu.memory_space<vmem>>
      %dma_wait3A_652 = tpu.memref_squeeze %dma_wait3A_651 : memref<1x80x128xf32, #tpu.memory_space<vmem>> -> memref<80x128xf32, #tpu.memory_space<vmem>>
      %dma_wait3A_653 = arith.constant 0 : i32
      %dma_wait3A_654 = tpu.memref_slice %arg7[%dma_wait3A_646, %dma_wait3A_647, %dma_wait3A_653] : memref<3x2x80xi32, #tpu.memory_space<vmem>> -> memref<1x1x80xi32, #tpu.memory_space<vmem>>
      %dma_wait3A_655 = tpu.memref_squeeze %dma_wait3A_654 : memref<1x1x80xi32, #tpu.memory_space<vmem>> -> memref<80xi32, #tpu.memory_space<vmem>>
      %dma_wait3A_656 = arith.constant 0 : i32
      %dma_wait3A_657 = arith.constant 0 : i32
      %dma_wait3A_658 = tpu.memref_slice %arg2[%dma_wait3A_656, %dma_wait3A_657] : memref<10000x128xf32, #tpu.memory_space<hbm>> -> memref<10000x128xf32, #tpu.memory_space<hbm>>
      tpu.wait_indirect_dma semaphore(%arg15 : memref<!tpu.dma_semaphore, #tpu.memory_space<semaphore_mem>>) src(%dma_wait3A_658 : memref<10000x128xf32, #tpu.memory_space<hbm>>) dst(%dma_wait3A_652 : memref<80x128xf32, #tpu.memory_space<vmem>>)
      %dma_start3A_659 = arith.constant 2 : i32
      %dma_start3A_660 = arith.constant 2 : i32
      %dma_start3A_661 = arith.constant 1 : i32
      %dma_start3A_662 = arith.constant 0 : i32
      %dma_start3A_663 = arith.constant 0 : i32
      %dma_start3A_664 = tpu.memref_slice %arg8[%dma_start3A_659, %dma_start3A_662, %dma_start3A_663] : memref<3x80x128xf32, #tpu.memory_space<vmem>> -> memref<1x80x128xf32, #tpu.memory_space<vmem>>
      %dma_start3A_665 = tpu.memref_squeeze %dma_start3A_664 : memref<1x80x128xf32, #tpu.memory_space<vmem>> -> memref<80x128xf32, #tpu.memory_space<vmem>>
      %dma_start3A_666 = arith.constant 0 : i32
      %dma_start3A_667 = tpu.memref_slice %arg7[%dma_start3A_660, %dma_start3A_661, %dma_start3A_666] : memref<3x2x80xi32, #tpu.memory_space<vmem>> -> memref<1x1x80xi32, #tpu.memory_space<vmem>>
      %dma_start3A_668 = tpu.memref_squeeze %dma_start3A_667 : memref<1x1x80xi32, #tpu.memory_space<vmem>> -> memref<80xi32, #tpu.memory_space<vmem>>
      %dma_start3A_669 = arith.constant 0 : i32
      %dma_start3A_670 = arith.constant 0 : i32
      %dma_start3A_671 = tpu.memref_slice %arg9[%dma_start3A_669, %dma_start3A_670] : memref<10000x128xf32, #tpu.memory_space<vmem_shared>> -> memref<10000x128xf32, #tpu.memory_space<vmem_shared>>
      tpu.enqueue_indirect_dma source(%dma_start3A_665 : memref<80x128xf32, #tpu.memory_space<vmem>>) target(%dma_start3A_671 : memref<10000x128xf32, #tpu.memory_space<vmem_shared>>) offsets(%dma_start3A_668 : memref<80xi32, #tpu.memory_space<vmem>>) semaphore(%arg18 : memref<!tpu.dma_semaphore, #tpu.memory_space<semaphore_mem>>) {add = true}
      %dma_wait3A_672 = arith.constant 2 : i32
      %dma_wait3A_673 = arith.constant 2 : i32
      %dma_wait3A_674 = arith.constant 1 : i32
      %dma_wait3A_675 = arith.constant 0 : i32
      %dma_wait3A_676 = arith.constant 0 : i32
      %dma_wait3A_677 = tpu.memref_slice %arg8[%dma_wait3A_672, %dma_wait3A_675, %dma_wait3A_676] : memref<3x80x128xf32, #tpu.memory_space<vmem>> -> memref<1x80x128xf32, #tpu.memory_space<vmem>>
      %dma_wait3A_678 = tpu.memref_squeeze %dma_wait3A_677 : memref<1x80x128xf32, #tpu.memory_space<vmem>> -> memref<80x128xf32, #tpu.memory_space<vmem>>
      %dma_wait3A_679 = arith.constant 0 : i32
      %dma_wait3A_680 = tpu.memref_slice %arg7[%dma_wait3A_673, %dma_wait3A_674, %dma_wait3A_679] : memref<3x2x80xi32, #tpu.memory_space<vmem>> -> memref<1x1x80xi32, #tpu.memory_space<vmem>>
      %dma_wait3A_681 = tpu.memref_squeeze %dma_wait3A_680 : memref<1x1x80xi32, #tpu.memory_space<vmem>> -> memref<80xi32, #tpu.memory_space<vmem>>
      %dma_wait3A_682 = arith.constant 0 : i32
      %dma_wait3A_683 = arith.constant 0 : i32
      %dma_wait3A_684 = tpu.memref_slice %arg9[%dma_wait3A_682, %dma_wait3A_683] : memref<10000x128xf32, #tpu.memory_space<vmem_shared>> -> memref<10000x128xf32, #tpu.memory_space<vmem_shared>>
      tpu.wait_indirect_dma semaphore(%arg18 : memref<!tpu.dma_semaphore, #tpu.memory_space<semaphore_mem>>) src(%dma_wait3A_678 : memref<80x128xf32, #tpu.memory_space<vmem>>) dst(%dma_wait3A_684 : memref<10000x128xf32, #tpu.memory_space<vmem_shared>>)
      %add3A_685 = arith.constant 2 : i32
      %add3A_686 = arith.addi %add3A_645, %add3A_685 : i32
      %dma_wait3A_687 = arith.constant 1 : i32
      %dma_wait3A_688 = arith.constant 0 : i32
      %dma_wait3A_689 = arith.constant 0 : i32
      %dma_wait3A_690 = tpu.memref_slice %arg7[%dma_wait3A_687, %dma_wait3A_688, %dma_wait3A_689] : memref<3x2x80xi32, #tpu.memory_space<vmem>> -> memref<1x2x80xi32, #tpu.memory_space<vmem>>
      %dma_wait3A_691 = tpu.memref_squeeze %dma_wait3A_690 : memref<1x2x80xi32, #tpu.memory_space<vmem>> -> memref<2x80xi32, #tpu.memory_space<vmem>>
      %dma_wait3A_692 = arith.constant 0 : i32
      %dma_wait3A_693 = arith.constant 0 : i32
      %dma_wait3A_694 = tpu.memref_slice %arg3[%add3A, %add3A_686, %dma_wait3A_692, %dma_wait3A_693] : memref<32x125x2x80xi32, #tpu.memory_space<hbm>> -> memref<1x1x2x80xi32, #tpu.memory_space<hbm>>
      %dma_wait3A_695 = tpu.memref_squeeze %dma_wait3A_694 : memref<1x1x2x80xi32, #tpu.memory_space<hbm>> -> memref<2x80xi32, #tpu.memory_space<hbm>>
      %dma_wait3A_696 = arith.constant 0 : i32
      %dma_wait3A_697 = arith.constant 0 : i32
      %dma_wait3A_698 = tpu.memref_slice %arg7[%dma_wait3A_687, %dma_wait3A_696, %dma_wait3A_697] : memref<3x2x80xi32, #tpu.memory_space<vmem>> -> memref<1x2x80xi32, #tpu.memory_space<vmem>>
      %dma_wait3A_699 = tpu.memref_squeeze %dma_wait3A_698 : memref<1x2x80xi32, #tpu.memory_space<vmem>> -> memref<2x80xi32, #tpu.memory_space<vmem>>
      %dma_wait3A_700 = arith.constant 0 : i32
      %dma_wait3A_701 = arith.constant 0 : i32
      %dma_wait3A_702 = tpu.memref_slice %arg3[%add3A, %add3A_686, %dma_wait3A_700, %dma_wait3A_701] : memref<32x125x2x80xi32, #tpu.memory_space<hbm>> -> memref<1x1x2x80xi32, #tpu.memory_space<hbm>>
      %dma_wait3A_703 = tpu.memref_squeeze %dma_wait3A_702 : memref<1x1x2x80xi32, #tpu.memory_space<hbm>> -> memref<2x80xi32, #tpu.memory_space<hbm>>
      tpu.wait_dma2 semaphore(%arg11 : memref<!tpu.dma_semaphore, #tpu.memory_space<semaphore_mem>>) src(%dma_wait3A_703 : memref<2x80xi32, #tpu.memory_space<hbm>>) dst(%dma_wait3A_699 : memref<2x80xi32, #tpu.memory_space<vmem>>)
      %dma_start3A_704 = arith.constant 1 : i32
      %dma_start3A_705 = arith.constant 0 : i32
      %dma_start3A_706 = arith.constant 1 : i32
      %dma_start3A_707 = arith.constant 0 : i32
      %dma_start3A_708 = arith.constant 0 : i32
      %dma_start3A_709 = tpu.memref_slice %arg8[%dma_start3A_706, %dma_start3A_707, %dma_start3A_708] : memref<3x80x128xf32, #tpu.memory_space<vmem>> -> memref<1x80x128xf32, #tpu.memory_space<vmem>>
      %dma_start3A_710 = tpu.memref_squeeze %dma_start3A_709 : memref<1x80x128xf32, #tpu.memory_space<vmem>> -> memref<80x128xf32, #tpu.memory_space<vmem>>
      %dma_start3A_711 = arith.constant 0 : i32
      %dma_start3A_712 = tpu.memref_slice %arg7[%dma_start3A_704, %dma_start3A_705, %dma_start3A_711] : memref<3x2x80xi32, #tpu.memory_space<vmem>> -> memref<1x1x80xi32, #tpu.memory_space<vmem>>
      %dma_start3A_713 = tpu.memref_squeeze %dma_start3A_712 : memref<1x1x80xi32, #tpu.memory_space<vmem>> -> memref<80xi32, #tpu.memory_space<vmem>>
      %dma_start3A_714 = arith.constant 0 : i32
      %dma_start3A_715 = arith.constant 0 : i32
      %dma_start3A_716 = tpu.memref_slice %arg2[%dma_start3A_714, %dma_start3A_715] : memref<10000x128xf32, #tpu.memory_space<hbm>> -> memref<10000x128xf32, #tpu.memory_space<hbm>>
      tpu.enqueue_indirect_dma source(%dma_start3A_716 : memref<10000x128xf32, #tpu.memory_space<hbm>>) target(%dma_start3A_710 : memref<80x128xf32, #tpu.memory_space<vmem>>) offsets(%dma_start3A_713 : memref<80xi32, #tpu.memory_space<vmem>>) semaphore(%arg14 : memref<!tpu.dma_semaphore, #tpu.memory_space<semaphore_mem>>)
      %add3A_717 = arith.constant 3 : i32
      %add3A_718 = arith.addi %add3A_645, %add3A_717 : i32
      %dma_start3A_719 = arith.constant 2 : i32
      %dma_start3A_720 = arith.constant 0 : i32
      %dma_start3A_721 = arith.constant 0 : i32
      %dma_start3A_722 = tpu.memref_slice %arg7[%dma_start3A_719, %dma_start3A_720, %dma_start3A_721] : memref<3x2x80xi32, #tpu.memory_space<vmem>> -> memref<1x2x80xi32, #tpu.memory_space<vmem>>
      %dma_start3A_723 = tpu.memref_squeeze %dma_start3A_722 : memref<1x2x80xi32, #tpu.memory_space<vmem>> -> memref<2x80xi32, #tpu.memory_space<vmem>>
      %dma_start3A_724 = arith.constant 0 : i32
      %dma_start3A_725 = arith.constant 0 : i32
      %dma_start3A_726 = tpu.memref_slice %arg3[%add3A, %add3A_718, %dma_start3A_724, %dma_start3A_725] : memref<32x125x2x80xi32, #tpu.memory_space<hbm>> -> memref<1x1x2x80xi32, #tpu.memory_space<hbm>>
      %dma_start3A_727 = tpu.memref_squeeze %dma_start3A_726 : memref<1x1x2x80xi32, #tpu.memory_space<hbm>> -> memref<2x80xi32, #tpu.memory_space<hbm>>
      %dma_start3A_728 = arith.constant 0 : i32
      %dma_start3A_729 = arith.constant 0 : i32
      %dma_start3A_730 = tpu.memref_slice %arg7[%dma_start3A_719, %dma_start3A_728, %dma_start3A_729] : memref<3x2x80xi32, #tpu.memory_space<vmem>> -> memref<1x2x80xi32, #tpu.memory_space<vmem>>
      %dma_start3A_731 = tpu.memref_squeeze %dma_start3A_730 : memref<1x2x80xi32, #tpu.memory_space<vmem>> -> memref<2x80xi32, #tpu.memory_space<vmem>>
      %dma_start3A_732 = arith.constant 0 : i32
      %dma_start3A_733 = arith.constant 0 : i32
      %dma_start3A_734 = tpu.memref_slice %arg3[%add3A, %add3A_718, %dma_start3A_732, %dma_start3A_733] : memref<32x125x2x80xi32, #tpu.memory_space<hbm>> -> memref<1x1x2x80xi32, #tpu.memory_space<hbm>>
      %dma_start3A_735 = tpu.memref_squeeze %dma_start3A_734 : memref<1x1x2x80xi32, #tpu.memory_space<hbm>> -> memref<2x80xi32, #tpu.memory_space<hbm>>
      tpu.enqueue_dma source(%dma_start3A_735 : memref<2x80xi32, #tpu.memory_space<hbm>>) target(%dma_start3A_731 : memref<2x80xi32, #tpu.memory_space<vmem>>) target_semaphore(%arg12 : memref<!tpu.dma_semaphore, #tpu.memory_space<semaphore_mem>>)
    }
    %scan3A_123 = arith.constant 40 : i32
    %dma_wait3A_124 = arith.constant 0 : i32
    %dma_wait3A_125 = arith.constant 0 : i32
    %dma_wait3A_126 = arith.constant 0 : i32
    %dma_wait3A_127 = arith.constant 0 : i32
    %dma_wait3A_128 = arith.constant 0 : i32
    %dma_wait3A_129 = tpu.memref_slice %arg8[%dma_wait3A_126, %dma_wait3A_127, %dma_wait3A_128] : memref<3x80x128xf32, #tpu.memory_space<vmem>> -> memref<1x80x128xf32, #tpu.memory_space<vmem>>
    %dma_wait3A_130 = tpu.memref_squeeze %dma_wait3A_129 : memref<1x80x128xf32, #tpu.memory_space<vmem>> -> memref<80x128xf32, #tpu.memory_space<vmem>>
    %dma_wait3A_131 = arith.constant 0 : i32
    %dma_wait3A_132 = tpu.memref_slice %arg7[%dma_wait3A_124, %dma_wait3A_125, %dma_wait3A_131] : memref<3x2x80xi32, #tpu.memory_space<vmem>> -> memref<1x1x80xi32, #tpu.memory_space<vmem>>
    %dma_wait3A_133 = tpu.memref_squeeze %dma_wait3A_132 : memref<1x1x80xi32, #tpu.memory_space<vmem>> -> memref<80xi32, #tpu.memory_space<vmem>>
    %dma_wait3A_134 = arith.constant 0 : i32
    %dma_wait3A_135 = arith.constant 0 : i32
    %dma_wait3A_136 = tpu.memref_slice %arg2[%dma_wait3A_134, %dma_wait3A_135] : memref<10000x128xf32, #tpu.memory_space<hbm>> -> memref<10000x128xf32, #tpu.memory_space<hbm>>
    tpu.wait_indirect_dma semaphore(%arg13 : memref<!tpu.dma_semaphore, #tpu.memory_space<semaphore_mem>>) src(%dma_wait3A_136 : memref<10000x128xf32, #tpu.memory_space<hbm>>) dst(%dma_wait3A_130 : memref<80x128xf32, #tpu.memory_space<vmem>>)
    %dma_start3A_137 = arith.constant 0 : i32
    %dma_start3A_138 = arith.constant 0 : i32
    %dma_start3A_139 = arith.constant 1 : i32
    %dma_start3A_140 = arith.constant 0 : i32
    %dma_start3A_141 = arith.constant 0 : i32
    %dma_start3A_142 = tpu.memref_slice %arg8[%dma_start3A_137, %dma_start3A_140, %dma_start3A_141] : memref<3x80x128xf32, #tpu.memory_space<vmem>> -> memref<1x80x128xf32, #tpu.memory_space<vmem>>
    %dma_start3A_143 = tpu.memref_squeeze %dma_start3A_142 : memref<1x80x128xf32, #tpu.memory_space<vmem>> -> memref<80x128xf32, #tpu.memory_space<vmem>>
    %dma_start3A_144 = arith.constant 0 : i32
    %dma_start3A_145 = tpu.memref_slice %arg7[%dma_start3A_138, %dma_start3A_139, %dma_start3A_144] : memref<3x2x80xi32, #tpu.memory_space<vmem>> -> memref<1x1x80xi32, #tpu.memory_space<vmem>>
    %dma_start3A_146 = tpu.memref_squeeze %dma_start3A_145 : memref<1x1x80xi32, #tpu.memory_space<vmem>> -> memref<80xi32, #tpu.memory_space<vmem>>
    %dma_start3A_147 = arith.constant 0 : i32
    %dma_start3A_148 = arith.constant 0 : i32
    %dma_start3A_149 = tpu.memref_slice %arg9[%dma_start3A_147, %dma_start3A_148] : memref<10000x128xf32, #tpu.memory_space<vmem_shared>> -> memref<10000x128xf32, #tpu.memory_space<vmem_shared>>
    tpu.enqueue_indirect_dma source(%dma_start3A_143 : memref<80x128xf32, #tpu.memory_space<vmem>>) target(%dma_start3A_149 : memref<10000x128xf32, #tpu.memory_space<vmem_shared>>) offsets(%dma_start3A_146 : memref<80xi32, #tpu.memory_space<vmem>>) semaphore(%arg16 : memref<!tpu.dma_semaphore, #tpu.memory_space<semaphore_mem>>) {add = true}
    %dma_wait3A_150 = arith.constant 0 : i32
    %dma_wait3A_151 = arith.constant 0 : i32
    %dma_wait3A_152 = arith.constant 1 : i32
    %dma_wait3A_153 = arith.constant 0 : i32
    %dma_wait3A_154 = arith.constant 0 : i32
    %dma_wait3A_155 = tpu.memref_slice %arg8[%dma_wait3A_150, %dma_wait3A_153, %dma_wait3A_154] : memref<3x80x128xf32, #tpu.memory_space<vmem>> -> memref<1x80x128xf32, #tpu.memory_space<vmem>>
    %dma_wait3A_156 = tpu.memref_squeeze %dma_wait3A_155 : memref<1x80x128xf32, #tpu.memory_space<vmem>> -> memref<80x128xf32, #tpu.memory_space<vmem>>
    %dma_wait3A_157 = arith.constant 0 : i32
    %dma_wait3A_158 = tpu.memref_slice %arg7[%dma_wait3A_151, %dma_wait3A_152, %dma_wait3A_157] : memref<3x2x80xi32, #tpu.memory_space<vmem>> -> memref<1x1x80xi32, #tpu.memory_space<vmem>>
    %dma_wait3A_159 = tpu.memref_squeeze %dma_wait3A_158 : memref<1x1x80xi32, #tpu.memory_space<vmem>> -> memref<80xi32, #tpu.memory_space<vmem>>
    %dma_wait3A_160 = arith.constant 0 : i32
    %dma_wait3A_161 = arith.constant 0 : i32
    %dma_wait3A_162 = tpu.memref_slice %arg9[%dma_wait3A_160, %dma_wait3A_161] : memref<10000x128xf32, #tpu.memory_space<vmem_shared>> -> memref<10000x128xf32, #tpu.memory_space<vmem_shared>>
    tpu.wait_indirect_dma semaphore(%arg16 : memref<!tpu.dma_semaphore, #tpu.memory_space<semaphore_mem>>) src(%dma_wait3A_156 : memref<80x128xf32, #tpu.memory_space<vmem>>) dst(%dma_wait3A_162 : memref<10000x128xf32, #tpu.memory_space<vmem_shared>>)
    %dma_wait3A_163 = arith.constant 122 : i32
    %dma_wait3A_164 = arith.constant 2 : i32
    %dma_wait3A_165 = arith.constant 0 : i32
    %dma_wait3A_166 = arith.constant 0 : i32
    %dma_wait3A_167 = tpu.memref_slice %arg7[%dma_wait3A_164, %dma_wait3A_165, %dma_wait3A_166] : memref<3x2x80xi32, #tpu.memory_space<vmem>> -> memref<1x2x80xi32, #tpu.memory_space<vmem>>
    %dma_wait3A_168 = tpu.memref_squeeze %dma_wait3A_167 : memref<1x2x80xi32, #tpu.memory_space<vmem>> -> memref<2x80xi32, #tpu.memory_space<vmem>>
    %dma_wait3A_169 = arith.constant 0 : i32
    %dma_wait3A_170 = arith.constant 0 : i32
    %dma_wait3A_171 = tpu.memref_slice %arg3[%add3A, %dma_wait3A_163, %dma_wait3A_169, %dma_wait3A_170] : memref<32x125x2x80xi32, #tpu.memory_space<hbm>> -> memref<1x1x2x80xi32, #tpu.memory_space<hbm>>
    %dma_wait3A_172 = tpu.memref_squeeze %dma_wait3A_171 : memref<1x1x2x80xi32, #tpu.memory_space<hbm>> -> memref<2x80xi32, #tpu.memory_space<hbm>>
    %dma_wait3A_173 = arith.constant 0 : i32
    %dma_wait3A_174 = arith.constant 0 : i32
    %dma_wait3A_175 = tpu.memref_slice %arg7[%dma_wait3A_164, %dma_wait3A_173, %dma_wait3A_174] : memref<3x2x80xi32, #tpu.memory_space<vmem>> -> memref<1x2x80xi32, #tpu.memory_space<vmem>>
    %dma_wait3A_176 = tpu.memref_squeeze %dma_wait3A_175 : memref<1x2x80xi32, #tpu.memory_space<vmem>> -> memref<2x80xi32, #tpu.memory_space<vmem>>
    %dma_wait3A_177 = arith.constant 0 : i32
    %dma_wait3A_178 = arith.constant 0 : i32
    %dma_wait3A_179 = tpu.memref_slice %arg3[%add3A, %dma_wait3A_163, %dma_wait3A_177, %dma_wait3A_178] : memref<32x125x2x80xi32, #tpu.memory_space<hbm>> -> memref<1x1x2x80xi32, #tpu.memory_space<hbm>>
    %dma_wait3A_180 = tpu.memref_squeeze %dma_wait3A_179 : memref<1x1x2x80xi32, #tpu.memory_space<hbm>> -> memref<2x80xi32, #tpu.memory_space<hbm>>
    tpu.wait_dma2 semaphore(%arg12 : memref<!tpu.dma_semaphore, #tpu.memory_space<semaphore_mem>>) src(%dma_wait3A_180 : memref<2x80xi32, #tpu.memory_space<hbm>>) dst(%dma_wait3A_176 : memref<2x80xi32, #tpu.memory_space<vmem>>)
    %dma_start3A_181 = arith.constant 2 : i32
    %dma_start3A_182 = arith.constant 0 : i32
    %dma_start3A_183 = arith.constant 2 : i32
    %dma_start3A_184 = arith.constant 0 : i32
    %dma_start3A_185 = arith.constant 0 : i32
    %dma_start3A_186 = tpu.memref_slice %arg8[%dma_start3A_183, %dma_start3A_184, %dma_start3A_185] : memref<3x80x128xf32, #tpu.memory_space<vmem>> -> memref<1x80x128xf32, #tpu.memory_space<vmem>>
    %dma_start3A_187 = tpu.memref_squeeze %dma_start3A_186 : memref<1x80x128xf32, #tpu.memory_space<vmem>> -> memref<80x128xf32, #tpu.memory_space<vmem>>
    %dma_start3A_188 = arith.constant 0 : i32
    %dma_start3A_189 = tpu.memref_slice %arg7[%dma_start3A_181, %dma_start3A_182, %dma_start3A_188] : memref<3x2x80xi32, #tpu.memory_space<vmem>> -> memref<1x1x80xi32, #tpu.memory_space<vmem>>
    %dma_start3A_190 = tpu.memref_squeeze %dma_start3A_189 : memref<1x1x80xi32, #tpu.memory_space<vmem>> -> memref<80xi32, #tpu.memory_space<vmem>>
    %dma_start3A_191 = arith.constant 0 : i32
    %dma_start3A_192 = arith.constant 0 : i32
    %dma_start3A_193 = tpu.memref_slice %arg2[%dma_start3A_191, %dma_start3A_192] : memref<10000x128xf32, #tpu.memory_space<hbm>> -> memref<10000x128xf32, #tpu.memory_space<hbm>>
    tpu.enqueue_indirect_dma source(%dma_start3A_193 : memref<10000x128xf32, #tpu.memory_space<hbm>>) target(%dma_start3A_187 : memref<80x128xf32, #tpu.memory_space<vmem>>) offsets(%dma_start3A_190 : memref<80xi32, #tpu.memory_space<vmem>>) semaphore(%arg15 : memref<!tpu.dma_semaphore, #tpu.memory_space<semaphore_mem>>)
    %dma_start3A_194 = arith.constant 123 : i32
    %dma_start3A_195 = arith.constant 0 : i32
    %dma_start3A_196 = arith.constant 0 : i32
    %dma_start3A_197 = arith.constant 0 : i32
    %dma_start3A_198 = tpu.memref_slice %arg7[%dma_start3A_195, %dma_start3A_196, %dma_start3A_197] : memref<3x2x80xi32, #tpu.memory_space<vmem>> -> memref<1x2x80xi32, #tpu.memory_space<vmem>>
    %dma_start3A_199 = tpu.memref_squeeze %dma_start3A_198 : memref<1x2x80xi32, #tpu.memory_space<vmem>> -> memref<2x80xi32, #tpu.memory_space<vmem>>
    %dma_start3A_200 = arith.constant 0 : i32
    %dma_start3A_201 = arith.constant 0 : i32
    %dma_start3A_202 = tpu.memref_slice %arg3[%add3A, %dma_start3A_194, %dma_start3A_200, %dma_start3A_201] : memref<32x125x2x80xi32, #tpu.memory_space<hbm>> -> memref<1x1x2x80xi32, #tpu.memory_space<hbm>>
    %dma_start3A_203 = tpu.memref_squeeze %dma_start3A_202 : memref<1x1x2x80xi32, #tpu.memory_space<hbm>> -> memref<2x80xi32, #tpu.memory_space<hbm>>
    %dma_start3A_204 = arith.constant 0 : i32
    %dma_start3A_205 = arith.constant 0 : i32
    %dma_start3A_206 = tpu.memref_slice %arg7[%dma_start3A_195, %dma_start3A_204, %dma_start3A_205] : memref<3x2x80xi32, #tpu.memory_space<vmem>> -> memref<1x2x80xi32, #tpu.memory_space<vmem>>
    %dma_start3A_207 = tpu.memref_squeeze %dma_start3A_206 : memref<1x2x80xi32, #tpu.memory_space<vmem>> -> memref<2x80xi32, #tpu.memory_space<vmem>>
    %dma_start3A_208 = arith.constant 0 : i32
    %dma_start3A_209 = arith.constant 0 : i32
    %dma_start3A_210 = tpu.memref_slice %arg3[%add3A, %dma_start3A_194, %dma_start3A_208, %dma_start3A_209] : memref<32x125x2x80xi32, #tpu.memory_space<hbm>> -> memref<1x1x2x80xi32, #tpu.memory_space<hbm>>
    %dma_start3A_211 = tpu.memref_squeeze %dma_start3A_210 : memref<1x1x2x80xi32, #tpu.memory_space<hbm>> -> memref<2x80xi32, #tpu.memory_space<hbm>>
    tpu.enqueue_dma source(%dma_start3A_211 : memref<2x80xi32, #tpu.memory_space<hbm>>) target(%dma_start3A_207 : memref<2x80xi32, #tpu.memory_space<vmem>>) target_semaphore(%arg10 : memref<!tpu.dma_semaphore, #tpu.memory_space<semaphore_mem>>)
    %dma_wait3A_212 = arith.constant 1 : i32
    %dma_wait3A_213 = arith.constant 0 : i32
    %dma_wait3A_214 = arith.constant 1 : i32
    %dma_wait3A_215 = arith.constant 0 : i32
    %dma_wait3A_216 = arith.constant 0 : i32
    %dma_wait3A_217 = tpu.memref_slice %arg8[%dma_wait3A_214, %dma_wait3A_215, %dma_wait3A_216] : memref<3x80x128xf32, #tpu.memory_space<vmem>> -> memref<1x80x128xf32, #tpu.memory_space<vmem>>
    %dma_wait3A_218 = tpu.memref_squeeze %dma_wait3A_217 : memref<1x80x128xf32, #tpu.memory_space<vmem>> -> memref<80x128xf32, #tpu.memory_space<vmem>>
    %dma_wait3A_219 = arith.constant 0 : i32
    %dma_wait3A_220 = tpu.memref_slice %arg7[%dma_wait3A_212, %dma_wait3A_213, %dma_wait3A_219] : memref<3x2x80xi32, #tpu.memory_space<vmem>> -> memref<1x1x80xi32, #tpu.memory_space<vmem>>
    %dma_wait3A_221 = tpu.memref_squeeze %dma_wait3A_220 : memref<1x1x80xi32, #tpu.memory_space<vmem>> -> memref<80xi32, #tpu.memory_space<vmem>>
    %dma_wait3A_222 = arith.constant 0 : i32
    %dma_wait3A_223 = arith.constant 0 : i32
    %dma_wait3A_224 = tpu.memref_slice %arg2[%dma_wait3A_222, %dma_wait3A_223] : memref<10000x128xf32, #tpu.memory_space<hbm>> -> memref<10000x128xf32, #tpu.memory_space<hbm>>
    tpu.wait_indirect_dma semaphore(%arg14 : memref<!tpu.dma_semaphore, #tpu.memory_space<semaphore_mem>>) src(%dma_wait3A_224 : memref<10000x128xf32, #tpu.memory_space<hbm>>) dst(%dma_wait3A_218 : memref<80x128xf32, #tpu.memory_space<vmem>>)
    %dma_start3A_225 = arith.constant 1 : i32
    %dma_start3A_226 = arith.constant 1 : i32
    %dma_start3A_227 = arith.constant 1 : i32
    %dma_start3A_228 = arith.constant 0 : i32
    %dma_start3A_229 = arith.constant 0 : i32
    %dma_start3A_230 = tpu.memref_slice %arg8[%dma_start3A_225, %dma_start3A_228, %dma_start3A_229] : memref<3x80x128xf32, #tpu.memory_space<vmem>> -> memref<1x80x128xf32, #tpu.memory_space<vmem>>
    %dma_start3A_231 = tpu.memref_squeeze %dma_start3A_230 : memref<1x80x128xf32, #tpu.memory_space<vmem>> -> memref<80x128xf32, #tpu.memory_space<vmem>>
    %dma_start3A_232 = arith.constant 0 : i32
    %dma_start3A_233 = tpu.memref_slice %arg7[%dma_start3A_226, %dma_start3A_227, %dma_start3A_232] : memref<3x2x80xi32, #tpu.memory_space<vmem>> -> memref<1x1x80xi32, #tpu.memory_space<vmem>>
    %dma_start3A_234 = tpu.memref_squeeze %dma_start3A_233 : memref<1x1x80xi32, #tpu.memory_space<vmem>> -> memref<80xi32, #tpu.memory_space<vmem>>
    %dma_start3A_235 = arith.constant 0 : i32
    %dma_start3A_236 = arith.constant 0 : i32
    %dma_start3A_237 = tpu.memref_slice %arg9[%dma_start3A_235, %dma_start3A_236] : memref<10000x128xf32, #tpu.memory_space<vmem_shared>> -> memref<10000x128xf32, #tpu.memory_space<vmem_shared>>
    tpu.enqueue_indirect_dma source(%dma_start3A_231 : memref<80x128xf32, #tpu.memory_space<vmem>>) target(%dma_start3A_237 : memref<10000x128xf32, #tpu.memory_space<vmem_shared>>) offsets(%dma_start3A_234 : memref<80xi32, #tpu.memory_space<vmem>>) semaphore(%arg17 : memref<!tpu.dma_semaphore, #tpu.memory_space<semaphore_mem>>) {add = true}
    %dma_wait3A_238 = arith.constant 1 : i32
    %dma_wait3A_239 = arith.constant 1 : i32
    %dma_wait3A_240 = arith.constant 1 : i32
    %dma_wait3A_241 = arith.constant 0 : i32
    %dma_wait3A_242 = arith.constant 0 : i32
    %dma_wait3A_243 = tpu.memref_slice %arg8[%dma_wait3A_238, %dma_wait3A_241, %dma_wait3A_242] : memref<3x80x128xf32, #tpu.memory_space<vmem>> -> memref<1x80x128xf32, #tpu.memory_space<vmem>>
    %dma_wait3A_244 = tpu.memref_squeeze %dma_wait3A_243 : memref<1x80x128xf32, #tpu.memory_space<vmem>> -> memref<80x128xf32, #tpu.memory_space<vmem>>
    %dma_wait3A_245 = arith.constant 0 : i32
    %dma_wait3A_246 = tpu.memref_slice %arg7[%dma_wait3A_239, %dma_wait3A_240, %dma_wait3A_245] : memref<3x2x80xi32, #tpu.memory_space<vmem>> -> memref<1x1x80xi32, #tpu.memory_space<vmem>>
    %dma_wait3A_247 = tpu.memref_squeeze %dma_wait3A_246 : memref<1x1x80xi32, #tpu.memory_space<vmem>> -> memref<80xi32, #tpu.memory_space<vmem>>
    %dma_wait3A_248 = arith.constant 0 : i32
    %dma_wait3A_249 = arith.constant 0 : i32
    %dma_wait3A_250 = tpu.memref_slice %arg9[%dma_wait3A_248, %dma_wait3A_249] : memref<10000x128xf32, #tpu.memory_space<vmem_shared>> -> memref<10000x128xf32, #tpu.memory_space<vmem_shared>>
    tpu.wait_indirect_dma semaphore(%arg17 : memref<!tpu.dma_semaphore, #tpu.memory_space<semaphore_mem>>) src(%dma_wait3A_244 : memref<80x128xf32, #tpu.memory_space<vmem>>) dst(%dma_wait3A_250 : memref<10000x128xf32, #tpu.memory_space<vmem_shared>>)
    %dma_wait3A_251 = arith.constant 123 : i32
    %dma_wait3A_252 = arith.constant 0 : i32
    %dma_wait3A_253 = arith.constant 0 : i32
    %dma_wait3A_254 = arith.constant 0 : i32
    %dma_wait3A_255 = tpu.memref_slice %arg7[%dma_wait3A_252, %dma_wait3A_253, %dma_wait3A_254] : memref<3x2x80xi32, #tpu.memory_space<vmem>> -> memref<1x2x80xi32, #tpu.memory_space<vmem>>
    %dma_wait3A_256 = tpu.memref_squeeze %dma_wait3A_255 : memref<1x2x80xi32, #tpu.memory_space<vmem>> -> memref<2x80xi32, #tpu.memory_space<vmem>>
    %dma_wait3A_257 = arith.constant 0 : i32
    %dma_wait3A_258 = arith.constant 0 : i32
    %dma_wait3A_259 = tpu.memref_slice %arg3[%add3A, %dma_wait3A_251, %dma_wait3A_257, %dma_wait3A_258] : memref<32x125x2x80xi32, #tpu.memory_space<hbm>> -> memref<1x1x2x80xi32, #tpu.memory_space<hbm>>
    %dma_wait3A_260 = tpu.memref_squeeze %dma_wait3A_259 : memref<1x1x2x80xi32, #tpu.memory_space<hbm>> -> memref<2x80xi32, #tpu.memory_space<hbm>>
    %dma_wait3A_261 = arith.constant 0 : i32
    %dma_wait3A_262 = arith.constant 0 : i32
    %dma_wait3A_263 = tpu.memref_slice %arg7[%dma_wait3A_252, %dma_wait3A_261, %dma_wait3A_262] : memref<3x2x80xi32, #tpu.memory_space<vmem>> -> memref<1x2x80xi32, #tpu.memory_space<vmem>>
    %dma_wait3A_264 = tpu.memref_squeeze %dma_wait3A_263 : memref<1x2x80xi32, #tpu.memory_space<vmem>> -> memref<2x80xi32, #tpu.memory_space<vmem>>
    %dma_wait3A_265 = arith.constant 0 : i32
    %dma_wait3A_266 = arith.constant 0 : i32
    %dma_wait3A_267 = tpu.memref_slice %arg3[%add3A, %dma_wait3A_251, %dma_wait3A_265, %dma_wait3A_266] : memref<32x125x2x80xi32, #tpu.memory_space<hbm>> -> memref<1x1x2x80xi32, #tpu.memory_space<hbm>>
    %dma_wait3A_268 = tpu.memref_squeeze %dma_wait3A_267 : memref<1x1x2x80xi32, #tpu.memory_space<hbm>> -> memref<2x80xi32, #tpu.memory_space<hbm>>
    tpu.wait_dma2 semaphore(%arg10 : memref<!tpu.dma_semaphore, #tpu.memory_space<semaphore_mem>>) src(%dma_wait3A_268 : memref<2x80xi32, #tpu.memory_space<hbm>>) dst(%dma_wait3A_264 : memref<2x80xi32, #tpu.memory_space<vmem>>)
    %dma_start3A_269 = arith.constant 0 : i32
    %dma_start3A_270 = arith.constant 0 : i32
    %dma_start3A_271 = arith.constant 0 : i32
    %dma_start3A_272 = arith.constant 0 : i32
    %dma_start3A_273 = arith.constant 0 : i32
    %dma_start3A_274 = tpu.memref_slice %arg8[%dma_start3A_271, %dma_start3A_272, %dma_start3A_273] : memref<3x80x128xf32, #tpu.memory_space<vmem>> -> memref<1x80x128xf32, #tpu.memory_space<vmem>>
    %dma_start3A_275 = tpu.memref_squeeze %dma_start3A_274 : memref<1x80x128xf32, #tpu.memory_space<vmem>> -> memref<80x128xf32, #tpu.memory_space<vmem>>
    %dma_start3A_276 = arith.constant 0 : i32
    %dma_start3A_277 = tpu.memref_slice %arg7[%dma_start3A_269, %dma_start3A_270, %dma_start3A_276] : memref<3x2x80xi32, #tpu.memory_space<vmem>> -> memref<1x1x80xi32, #tpu.memory_space<vmem>>
    %dma_start3A_278 = tpu.memref_squeeze %dma_start3A_277 : memref<1x1x80xi32, #tpu.memory_space<vmem>> -> memref<80xi32, #tpu.memory_space<vmem>>
    %dma_start3A_279 = arith.constant 0 : i32
    %dma_start3A_280 = arith.constant 0 : i32
    %dma_start3A_281 = tpu.memref_slice %arg2[%dma_start3A_279, %dma_start3A_280] : memref<10000x128xf32, #tpu.memory_space<hbm>> -> memref<10000x128xf32, #tpu.memory_space<hbm>>
    tpu.enqueue_indirect_dma source(%dma_start3A_281 : memref<10000x128xf32, #tpu.memory_space<hbm>>) target(%dma_start3A_275 : memref<80x128xf32, #tpu.memory_space<vmem>>) offsets(%dma_start3A_278 : memref<80xi32, #tpu.memory_space<vmem>>) semaphore(%arg13 : memref<!tpu.dma_semaphore, #tpu.memory_space<semaphore_mem>>)
    %dma_start3A_282 = arith.constant 124 : i32
    %dma_start3A_283 = arith.constant 1 : i32
    %dma_start3A_284 = arith.constant 0 : i32
    %dma_start3A_285 = arith.constant 0 : i32
    %dma_start3A_286 = tpu.memref_slice %arg7[%dma_start3A_283, %dma_start3A_284, %dma_start3A_285] : memref<3x2x80xi32, #tpu.memory_space<vmem>> -> memref<1x2x80xi32, #tpu.memory_space<vmem>>
    %dma_start3A_287 = tpu.memref_squeeze %dma_start3A_286 : memref<1x2x80xi32, #tpu.memory_space<vmem>> -> memref<2x80xi32, #tpu.memory_space<vmem>>
    %dma_start3A_288 = arith.constant 0 : i32
    %dma_start3A_289 = arith.constant 0 : i32
    %dma_start3A_290 = tpu.memref_slice %arg3[%add3A, %dma_start3A_282, %dma_start3A_288, %dma_start3A_289] : memref<32x125x2x80xi32, #tpu.memory_space<hbm>> -> memref<1x1x2x80xi32, #tpu.memory_space<hbm>>
    %dma_start3A_291 = tpu.memref_squeeze %dma_start3A_290 : memref<1x1x2x80xi32, #tpu.memory_space<hbm>> -> memref<2x80xi32, #tpu.memory_space<hbm>>
    %dma_start3A_292 = arith.constant 0 : i32
    %dma_start3A_293 = arith.constant 0 : i32
    %dma_start3A_294 = tpu.memref_slice %arg7[%dma_start3A_283, %dma_start3A_292, %dma_start3A_293] : memref<3x2x80xi32, #tpu.memory_space<vmem>> -> memref<1x2x80xi32, #tpu.memory_space<vmem>>
    %dma_start3A_295 = tpu.memref_squeeze %dma_start3A_294 : memref<1x2x80xi32, #tpu.memory_space<vmem>> -> memref<2x80xi32, #tpu.memory_space<vmem>>
    %dma_start3A_296 = arith.constant 0 : i32
    %dma_start3A_297 = arith.constant 0 : i32
    %dma_start3A_298 = tpu.memref_slice %arg3[%add3A, %dma_start3A_282, %dma_start3A_296, %dma_start3A_297] : memref<32x125x2x80xi32, #tpu.memory_space<hbm>> -> memref<1x1x2x80xi32, #tpu.memory_space<hbm>>
    %dma_start3A_299 = tpu.memref_squeeze %dma_start3A_298 : memref<1x1x2x80xi32, #tpu.memory_space<hbm>> -> memref<2x80xi32, #tpu.memory_space<hbm>>
    tpu.enqueue_dma source(%dma_start3A_299 : memref<2x80xi32, #tpu.memory_space<hbm>>) target(%dma_start3A_295 : memref<2x80xi32, #tpu.memory_space<vmem>>) target_semaphore(%arg11 : memref<!tpu.dma_semaphore, #tpu.memory_space<semaphore_mem>>)
    %dma_wait3A_300 = arith.constant 2 : i32
    %dma_wait3A_301 = arith.constant 0 : i32
    %dma_wait3A_302 = arith.constant 2 : i32
    %dma_wait3A_303 = arith.constant 0 : i32
    %dma_wait3A_304 = arith.constant 0 : i32
    %dma_wait3A_305 = tpu.memref_slice %arg8[%dma_wait3A_302, %dma_wait3A_303, %dma_wait3A_304] : memref<3x80x128xf32, #tpu.memory_space<vmem>> -> memref<1x80x128xf32, #tpu.memory_space<vmem>>
    %dma_wait3A_306 = tpu.memref_squeeze %dma_wait3A_305 : memref<1x80x128xf32, #tpu.memory_space<vmem>> -> memref<80x128xf32, #tpu.memory_space<vmem>>
    %dma_wait3A_307 = arith.constant 0 : i32
    %dma_wait3A_308 = tpu.memref_slice %arg7[%dma_wait3A_300, %dma_wait3A_301, %dma_wait3A_307] : memref<3x2x80xi32, #tpu.memory_space<vmem>> -> memref<1x1x80xi32, #tpu.memory_space<vmem>>
    %dma_wait3A_309 = tpu.memref_squeeze %dma_wait3A_308 : memref<1x1x80xi32, #tpu.memory_space<vmem>> -> memref<80xi32, #tpu.memory_space<vmem>>
    %dma_wait3A_310 = arith.constant 0 : i32
    %dma_wait3A_311 = arith.constant 0 : i32
    %dma_wait3A_312 = tpu.memref_slice %arg2[%dma_wait3A_310, %dma_wait3A_311] : memref<10000x128xf32, #tpu.memory_space<hbm>> -> memref<10000x128xf32, #tpu.memory_space<hbm>>
    tpu.wait_indirect_dma semaphore(%arg15 : memref<!tpu.dma_semaphore, #tpu.memory_space<semaphore_mem>>) src(%dma_wait3A_312 : memref<10000x128xf32, #tpu.memory_space<hbm>>) dst(%dma_wait3A_306 : memref<80x128xf32, #tpu.memory_space<vmem>>)
    %dma_start3A_313 = arith.constant 2 : i32
    %dma_start3A_314 = arith.constant 2 : i32
    %dma_start3A_315 = arith.constant 1 : i32
    %dma_start3A_316 = arith.constant 0 : i32
    %dma_start3A_317 = arith.constant 0 : i32
    %dma_start3A_318 = tpu.memref_slice %arg8[%dma_start3A_313, %dma_start3A_316, %dma_start3A_317] : memref<3x80x128xf32, #tpu.memory_space<vmem>> -> memref<1x80x128xf32, #tpu.memory_space<vmem>>
    %dma_start3A_319 = tpu.memref_squeeze %dma_start3A_318 : memref<1x80x128xf32, #tpu.memory_space<vmem>> -> memref<80x128xf32, #tpu.memory_space<vmem>>
    %dma_start3A_320 = arith.constant 0 : i32
    %dma_start3A_321 = tpu.memref_slice %arg7[%dma_start3A_314, %dma_start3A_315, %dma_start3A_320] : memref<3x2x80xi32, #tpu.memory_space<vmem>> -> memref<1x1x80xi32, #tpu.memory_space<vmem>>
    %dma_start3A_322 = tpu.memref_squeeze %dma_start3A_321 : memref<1x1x80xi32, #tpu.memory_space<vmem>> -> memref<80xi32, #tpu.memory_space<vmem>>
    %dma_start3A_323 = arith.constant 0 : i32
    %dma_start3A_324 = arith.constant 0 : i32
    %dma_start3A_325 = tpu.memref_slice %arg9[%dma_start3A_323, %dma_start3A_324] : memref<10000x128xf32, #tpu.memory_space<vmem_shared>> -> memref<10000x128xf32, #tpu.memory_space<vmem_shared>>
    tpu.enqueue_indirect_dma source(%dma_start3A_319 : memref<80x128xf32, #tpu.memory_space<vmem>>) target(%dma_start3A_325 : memref<10000x128xf32, #tpu.memory_space<vmem_shared>>) offsets(%dma_start3A_322 : memref<80xi32, #tpu.memory_space<vmem>>) semaphore(%arg18 : memref<!tpu.dma_semaphore, #tpu.memory_space<semaphore_mem>>) {add = true}
    %dma_wait3A_326 = arith.constant 2 : i32
    %dma_wait3A_327 = arith.constant 2 : i32
    %dma_wait3A_328 = arith.constant 1 : i32
    %dma_wait3A_329 = arith.constant 0 : i32
    %dma_wait3A_330 = arith.constant 0 : i32
    %dma_wait3A_331 = tpu.memref_slice %arg8[%dma_wait3A_326, %dma_wait3A_329, %dma_wait3A_330] : memref<3x80x128xf32, #tpu.memory_space<vmem>> -> memref<1x80x128xf32, #tpu.memory_space<vmem>>
    %dma_wait3A_332 = tpu.memref_squeeze %dma_wait3A_331 : memref<1x80x128xf32, #tpu.memory_space<vmem>> -> memref<80x128xf32, #tpu.memory_space<vmem>>
    %dma_wait3A_333 = arith.constant 0 : i32
    %dma_wait3A_334 = tpu.memref_slice %arg7[%dma_wait3A_327, %dma_wait3A_328, %dma_wait3A_333] : memref<3x2x80xi32, #tpu.memory_space<vmem>> -> memref<1x1x80xi32, #tpu.memory_space<vmem>>
    %dma_wait3A_335 = tpu.memref_squeeze %dma_wait3A_334 : memref<1x1x80xi32, #tpu.memory_space<vmem>> -> memref<80xi32, #tpu.memory_space<vmem>>
    %dma_wait3A_336 = arith.constant 0 : i32
    %dma_wait3A_337 = arith.constant 0 : i32
    %dma_wait3A_338 = tpu.memref_slice %arg9[%dma_wait3A_336, %dma_wait3A_337] : memref<10000x128xf32, #tpu.memory_space<vmem_shared>> -> memref<10000x128xf32, #tpu.memory_space<vmem_shared>>
    tpu.wait_indirect_dma semaphore(%arg18 : memref<!tpu.dma_semaphore, #tpu.memory_space<semaphore_mem>>) src(%dma_wait3A_332 : memref<80x128xf32, #tpu.memory_space<vmem>>) dst(%dma_wait3A_338 : memref<10000x128xf32, #tpu.memory_space<vmem_shared>>)
    %dma_wait3A_339 = arith.constant 124 : i32
    %dma_wait3A_340 = arith.constant 1 : i32
    %dma_wait3A_341 = arith.constant 0 : i32
    %dma_wait3A_342 = arith.constant 0 : i32
    %dma_wait3A_343 = tpu.memref_slice %arg7[%dma_wait3A_340, %dma_wait3A_341, %dma_wait3A_342] : memref<3x2x80xi32, #tpu.memory_space<vmem>> -> memref<1x2x80xi32, #tpu.memory_space<vmem>>
    %dma_wait3A_344 = tpu.memref_squeeze %dma_wait3A_343 : memref<1x2x80xi32, #tpu.memory_space<vmem>> -> memref<2x80xi32, #tpu.memory_space<vmem>>
    %dma_wait3A_345 = arith.constant 0 : i32
    %dma_wait3A_346 = arith.constant 0 : i32
    %dma_wait3A_347 = tpu.memref_slice %arg3[%add3A, %dma_wait3A_339, %dma_wait3A_345, %dma_wait3A_346] : memref<32x125x2x80xi32, #tpu.memory_space<hbm>> -> memref<1x1x2x80xi32, #tpu.memory_space<hbm>>
    %dma_wait3A_348 = tpu.memref_squeeze %dma_wait3A_347 : memref<1x1x2x80xi32, #tpu.memory_space<hbm>> -> memref<2x80xi32, #tpu.memory_space<hbm>>
    %dma_wait3A_349 = arith.constant 0 : i32
    %dma_wait3A_350 = arith.constant 0 : i32
    %dma_wait3A_351 = tpu.memref_slice %arg7[%dma_wait3A_340, %dma_wait3A_349, %dma_wait3A_350] : memref<3x2x80xi32, #tpu.memory_space<vmem>> -> memref<1x2x80xi32, #tpu.memory_space<vmem>>
    %dma_wait3A_352 = tpu.memref_squeeze %dma_wait3A_351 : memref<1x2x80xi32, #tpu.memory_space<vmem>> -> memref<2x80xi32, #tpu.memory_space<vmem>>
    %dma_wait3A_353 = arith.constant 0 : i32
    %dma_wait3A_354 = arith.constant 0 : i32
    %dma_wait3A_355 = tpu.memref_slice %arg3[%add3A, %dma_wait3A_339, %dma_wait3A_353, %dma_wait3A_354] : memref<32x125x2x80xi32, #tpu.memory_space<hbm>> -> memref<1x1x2x80xi32, #tpu.memory_space<hbm>>
    %dma_wait3A_356 = tpu.memref_squeeze %dma_wait3A_355 : memref<1x1x2x80xi32, #tpu.memory_space<hbm>> -> memref<2x80xi32, #tpu.memory_space<hbm>>
    tpu.wait_dma2 semaphore(%arg11 : memref<!tpu.dma_semaphore, #tpu.memory_space<semaphore_mem>>) src(%dma_wait3A_356 : memref<2x80xi32, #tpu.memory_space<hbm>>) dst(%dma_wait3A_352 : memref<2x80xi32, #tpu.memory_space<vmem>>)
    %dma_start3A_357 = arith.constant 1 : i32
    %dma_start3A_358 = arith.constant 0 : i32
    %dma_start3A_359 = arith.constant 1 : i32
    %dma_start3A_360 = arith.constant 0 : i32
    %dma_start3A_361 = arith.constant 0 : i32
    %dma_start3A_362 = tpu.memref_slice %arg8[%dma_start3A_359, %dma_start3A_360, %dma_start3A_361] : memref<3x80x128xf32, #tpu.memory_space<vmem>> -> memref<1x80x128xf32, #tpu.memory_space<vmem>>
    %dma_start3A_363 = tpu.memref_squeeze %dma_start3A_362 : memref<1x80x128xf32, #tpu.memory_space<vmem>> -> memref<80x128xf32, #tpu.memory_space<vmem>>
    %dma_start3A_364 = arith.constant 0 : i32
    %dma_start3A_365 = tpu.memref_slice %arg7[%dma_start3A_357, %dma_start3A_358, %dma_start3A_364] : memref<3x2x80xi32, #tpu.memory_space<vmem>> -> memref<1x1x80xi32, #tpu.memory_space<vmem>>
    %dma_start3A_366 = tpu.memref_squeeze %dma_start3A_365 : memref<1x1x80xi32, #tpu.memory_space<vmem>> -> memref<80xi32, #tpu.memory_space<vmem>>
    %dma_start3A_367 = arith.constant 0 : i32
    %dma_start3A_368 = arith.constant 0 : i32
    %dma_start3A_369 = tpu.memref_slice %arg2[%dma_start3A_367, %dma_start3A_368] : memref<10000x128xf32, #tpu.memory_space<hbm>> -> memref<10000x128xf32, #tpu.memory_space<hbm>>
    tpu.enqueue_indirect_dma source(%dma_start3A_369 : memref<10000x128xf32, #tpu.memory_space<hbm>>) target(%dma_start3A_363 : memref<80x128xf32, #tpu.memory_space<vmem>>) offsets(%dma_start3A_366 : memref<80xi32, #tpu.memory_space<vmem>>) semaphore(%arg14 : memref<!tpu.dma_semaphore, #tpu.memory_space<semaphore_mem>>)
    %dma_wait3A_370 = arith.constant 0 : i32
    %dma_wait3A_371 = arith.constant 0 : i32
    %dma_wait3A_372 = arith.constant 0 : i32
    %dma_wait3A_373 = arith.constant 0 : i32
    %dma_wait3A_374 = arith.constant 0 : i32
    %dma_wait3A_375 = tpu.memref_slice %arg8[%dma_wait3A_372, %dma_wait3A_373, %dma_wait3A_374] : memref<3x80x128xf32, #tpu.memory_space<vmem>> -> memref<1x80x128xf32, #tpu.memory_space<vmem>>
    %dma_wait3A_376 = tpu.memref_squeeze %dma_wait3A_375 : memref<1x80x128xf32, #tpu.memory_space<vmem>> -> memref<80x128xf32, #tpu.memory_space<vmem>>
    %dma_wait3A_377 = arith.constant 0 : i32
    %dma_wait3A_378 = tpu.memref_slice %arg7[%dma_wait3A_370, %dma_wait3A_371, %dma_wait3A_377] : memref<3x2x80xi32, #tpu.memory_space<vmem>> -> memref<1x1x80xi32, #tpu.memory_space<vmem>>
    %dma_wait3A_379 = tpu.memref_squeeze %dma_wait3A_378 : memref<1x1x80xi32, #tpu.memory_space<vmem>> -> memref<80xi32, #tpu.memory_space<vmem>>
    %dma_wait3A_380 = arith.constant 0 : i32
    %dma_wait3A_381 = arith.constant 0 : i32
    %dma_wait3A_382 = tpu.memref_slice %arg2[%dma_wait3A_380, %dma_wait3A_381] : memref<10000x128xf32, #tpu.memory_space<hbm>> -> memref<10000x128xf32, #tpu.memory_space<hbm>>
    tpu.wait_indirect_dma semaphore(%arg13 : memref<!tpu.dma_semaphore, #tpu.memory_space<semaphore_mem>>) src(%dma_wait3A_382 : memref<10000x128xf32, #tpu.memory_space<hbm>>) dst(%dma_wait3A_376 : memref<80x128xf32, #tpu.memory_space<vmem>>)
    %dma_start3A_383 = arith.constant 0 : i32
    %dma_start3A_384 = arith.constant 0 : i32
    %dma_start3A_385 = arith.constant 1 : i32
    %dma_start3A_386 = arith.constant 0 : i32
    %dma_start3A_387 = arith.constant 0 : i32
    %dma_start3A_388 = tpu.memref_slice %arg8[%dma_start3A_383, %dma_start3A_386, %dma_start3A_387] : memref<3x80x128xf32, #tpu.memory_space<vmem>> -> memref<1x80x128xf32, #tpu.memory_space<vmem>>
    %dma_start3A_389 = tpu.memref_squeeze %dma_start3A_388 : memref<1x80x128xf32, #tpu.memory_space<vmem>> -> memref<80x128xf32, #tpu.memory_space<vmem>>
    %dma_start3A_390 = arith.constant 0 : i32
    %dma_start3A_391 = tpu.memref_slice %arg7[%dma_start3A_384, %dma_start3A_385, %dma_start3A_390] : memref<3x2x80xi32, #tpu.memory_space<vmem>> -> memref<1x1x80xi32, #tpu.memory_space<vmem>>
    %dma_start3A_392 = tpu.memref_squeeze %dma_start3A_391 : memref<1x1x80xi32, #tpu.memory_space<vmem>> -> memref<80xi32, #tpu.memory_space<vmem>>
    %dma_start3A_393 = arith.constant 0 : i32
    %dma_start3A_394 = arith.constant 0 : i32
    %dma_start3A_395 = tpu.memref_slice %arg9[%dma_start3A_393, %dma_start3A_394] : memref<10000x128xf32, #tpu.memory_space<vmem_shared>> -> memref<10000x128xf32, #tpu.memory_space<vmem_shared>>
    tpu.enqueue_indirect_dma source(%dma_start3A_389 : memref<80x128xf32, #tpu.memory_space<vmem>>) target(%dma_start3A_395 : memref<10000x128xf32, #tpu.memory_space<vmem_shared>>) offsets(%dma_start3A_392 : memref<80xi32, #tpu.memory_space<vmem>>) semaphore(%arg16 : memref<!tpu.dma_semaphore, #tpu.memory_space<semaphore_mem>>) {add = true}
    %dma_wait3A_396 = arith.constant 0 : i32
    %dma_wait3A_397 = arith.constant 0 : i32
    %dma_wait3A_398 = arith.constant 1 : i32
    %dma_wait3A_399 = arith.constant 0 : i32
    %dma_wait3A_400 = arith.constant 0 : i32
    %dma_wait3A_401 = tpu.memref_slice %arg8[%dma_wait3A_396, %dma_wait3A_399, %dma_wait3A_400] : memref<3x80x128xf32, #tpu.memory_space<vmem>> -> memref<1x80x128xf32, #tpu.memory_space<vmem>>
    %dma_wait3A_402 = tpu.memref_squeeze %dma_wait3A_401 : memref<1x80x128xf32, #tpu.memory_space<vmem>> -> memref<80x128xf32, #tpu.memory_space<vmem>>
    %dma_wait3A_403 = arith.constant 0 : i32
    %dma_wait3A_404 = tpu.memref_slice %arg7[%dma_wait3A_397, %dma_wait3A_398, %dma_wait3A_403] : memref<3x2x80xi32, #tpu.memory_space<vmem>> -> memref<1x1x80xi32, #tpu.memory_space<vmem>>
    %dma_wait3A_405 = tpu.memref_squeeze %dma_wait3A_404 : memref<1x1x80xi32, #tpu.memory_space<vmem>> -> memref<80xi32, #tpu.memory_space<vmem>>
    %dma_wait3A_406 = arith.constant 0 : i32
    %dma_wait3A_407 = arith.constant 0 : i32
    %dma_wait3A_408 = tpu.memref_slice %arg9[%dma_wait3A_406, %dma_wait3A_407] : memref<10000x128xf32, #tpu.memory_space<vmem_shared>> -> memref<10000x128xf32, #tpu.memory_space<vmem_shared>>
    tpu.wait_indirect_dma semaphore(%arg16 : memref<!tpu.dma_semaphore, #tpu.memory_space<semaphore_mem>>) src(%dma_wait3A_402 : memref<80x128xf32, #tpu.memory_space<vmem>>) dst(%dma_wait3A_408 : memref<10000x128xf32, #tpu.memory_space<vmem_shared>>)
    %dma_wait3A_409 = arith.constant 1 : i32
    %dma_wait3A_410 = arith.constant 0 : i32
    %dma_wait3A_411 = arith.constant 1 : i32
    %dma_wait3A_412 = arith.constant 0 : i32
    %dma_wait3A_413 = arith.constant 0 : i32
    %dma_wait3A_414 = tpu.memref_slice %arg8[%dma_wait3A_411, %dma_wait3A_412, %dma_wait3A_413] : memref<3x80x128xf32, #tpu.memory_space<vmem>> -> memref<1x80x128xf32, #tpu.memory_space<vmem>>
    %dma_wait3A_415 = tpu.memref_squeeze %dma_wait3A_414 : memref<1x80x128xf32, #tpu.memory_space<vmem>> -> memref<80x128xf32, #tpu.memory_space<vmem>>
    %dma_wait3A_416 = arith.constant 0 : i32
    %dma_wait3A_417 = tpu.memref_slice %arg7[%dma_wait3A_409, %dma_wait3A_410, %dma_wait3A_416] : memref<3x2x80xi32, #tpu.memory_space<vmem>> -> memref<1x1x80xi32, #tpu.memory_space<vmem>>
    %dma_wait3A_418 = tpu.memref_squeeze %dma_wait3A_417 : memref<1x1x80xi32, #tpu.memory_space<vmem>> -> memref<80xi32, #tpu.memory_space<vmem>>
    %dma_wait3A_419 = arith.constant 0 : i32
    %dma_wait3A_420 = arith.constant 0 : i32
    %dma_wait3A_421 = tpu.memref_slice %arg2[%dma_wait3A_419, %dma_wait3A_420] : memref<10000x128xf32, #tpu.memory_space<hbm>> -> memref<10000x128xf32, #tpu.memory_space<hbm>>
    tpu.wait_indirect_dma semaphore(%arg14 : memref<!tpu.dma_semaphore, #tpu.memory_space<semaphore_mem>>) src(%dma_wait3A_421 : memref<10000x128xf32, #tpu.memory_space<hbm>>) dst(%dma_wait3A_415 : memref<80x128xf32, #tpu.memory_space<vmem>>)
    %dma_start3A_422 = arith.constant 1 : i32
    %dma_start3A_423 = arith.constant 1 : i32
    %dma_start3A_424 = arith.constant 1 : i32
    %dma_start3A_425 = arith.constant 0 : i32
    %dma_start3A_426 = arith.constant 0 : i32
    %dma_start3A_427 = tpu.memref_slice %arg8[%dma_start3A_422, %dma_start3A_425, %dma_start3A_426] : memref<3x80x128xf32, #tpu.memory_space<vmem>> -> memref<1x80x128xf32, #tpu.memory_space<vmem>>
    %dma_start3A_428 = tpu.memref_squeeze %dma_start3A_427 : memref<1x80x128xf32, #tpu.memory_space<vmem>> -> memref<80x128xf32, #tpu.memory_space<vmem>>
    %dma_start3A_429 = arith.constant 0 : i32
    %dma_start3A_430 = tpu.memref_slice %arg7[%dma_start3A_423, %dma_start3A_424, %dma_start3A_429] : memref<3x2x80xi32, #tpu.memory_space<vmem>> -> memref<1x1x80xi32, #tpu.memory_space<vmem>>
    %dma_start3A_431 = tpu.memref_squeeze %dma_start3A_430 : memref<1x1x80xi32, #tpu.memory_space<vmem>> -> memref<80xi32, #tpu.memory_space<vmem>>
    %dma_start3A_432 = arith.constant 0 : i32
    %dma_start3A_433 = arith.constant 0 : i32
    %dma_start3A_434 = tpu.memref_slice %arg9[%dma_start3A_432, %dma_start3A_433] : memref<10000x128xf32, #tpu.memory_space<vmem_shared>> -> memref<10000x128xf32, #tpu.memory_space<vmem_shared>>
    tpu.enqueue_indirect_dma source(%dma_start3A_428 : memref<80x128xf32, #tpu.memory_space<vmem>>) target(%dma_start3A_434 : memref<10000x128xf32, #tpu.memory_space<vmem_shared>>) offsets(%dma_start3A_431 : memref<80xi32, #tpu.memory_space<vmem>>) semaphore(%arg17 : memref<!tpu.dma_semaphore, #tpu.memory_space<semaphore_mem>>) {add = true}
    %dma_wait3A_435 = arith.constant 1 : i32
    %dma_wait3A_436 = arith.constant 1 : i32
    %dma_wait3A_437 = arith.constant 1 : i32
    %dma_wait3A_438 = arith.constant 0 : i32
    %dma_wait3A_439 = arith.constant 0 : i32
    %dma_wait3A_440 = tpu.memref_slice %arg8[%dma_wait3A_435, %dma_wait3A_438, %dma_wait3A_439] : memref<3x80x128xf32, #tpu.memory_space<vmem>> -> memref<1x80x128xf32, #tpu.memory_space<vmem>>
    %dma_wait3A_441 = tpu.memref_squeeze %dma_wait3A_440 : memref<1x80x128xf32, #tpu.memory_space<vmem>> -> memref<80x128xf32, #tpu.memory_space<vmem>>
    %dma_wait3A_442 = arith.constant 0 : i32
    %dma_wait3A_443 = tpu.memref_slice %arg7[%dma_wait3A_436, %dma_wait3A_437, %dma_wait3A_442] : memref<3x2x80xi32, #tpu.memory_space<vmem>> -> memref<1x1x80xi32, #tpu.memory_space<vmem>>
    %dma_wait3A_444 = tpu.memref_squeeze %dma_wait3A_443 : memref<1x1x80xi32, #tpu.memory_space<vmem>> -> memref<80xi32, #tpu.memory_space<vmem>>
    %dma_wait3A_445 = arith.constant 0 : i32
    %dma_wait3A_446 = arith.constant 0 : i32
    %dma_wait3A_447 = tpu.memref_slice %arg9[%dma_wait3A_445, %dma_wait3A_446] : memref<10000x128xf32, #tpu.memory_space<vmem_shared>> -> memref<10000x128xf32, #tpu.memory_space<vmem_shared>>
    tpu.wait_indirect_dma semaphore(%arg17 : memref<!tpu.dma_semaphore, #tpu.memory_space<semaphore_mem>>) src(%dma_wait3A_441 : memref<80x128xf32, #tpu.memory_space<vmem>>) dst(%dma_wait3A_447 : memref<10000x128xf32, #tpu.memory_space<vmem_shared>>)
    %barrier3A_448 = arith.constant 0 : index
    tpu.barrier barrier_id(%barrier3A_448)
    %eq3A_449 = arith.constant 0 : i32
    %eq3A_450 = arith.cmpi eq, %arg0, %eq3A_449 : i32
    %convert_element_type3A_451 = arith.extui %eq3A_450 : i1 to i32
    %cond3A_452 = arith.constant 0 : i32
    %cond3A_453 = arith.cmpi ne, %convert_element_type3A_451, %cond3A_452 : i32
    scf.if %cond3A_453 {
      "tpu.region"() ({
        %run_scoped3A = tpu.sem_alloc : memref<!tpu.dma_semaphore, #tpu.memory_space<semaphore_mem>>
        %dma_start3A_464 = arith.constant 0 : i32
        %dma_start3A_465 = tpu.memref_slice %arg5[%mul3A_19, %dma_start3A_464] : memref<10000x128xf32, #tpu.memory_space<hbm>> -> memref<624x128xf32, #tpu.memory_space<hbm>>
        %dma_start3A_466 = arith.constant 0 : i32
        %dma_start3A_467 = tpu.memref_slice %arg9[%mul3A_19, %dma_start3A_466] : memref<10000x128xf32, #tpu.memory_space<vmem_shared>> -> memref<624x128xf32, #tpu.memory_space<vmem_shared>>
        tpu.enqueue_dma source(%dma_start3A_467 : memref<624x128xf32, #tpu.memory_space<vmem_shared>>) target(%dma_start3A_465 : memref<624x128xf32, #tpu.memory_space<hbm>>) target_semaphore(%run_scoped3A : memref<!tpu.dma_semaphore, #tpu.memory_space<semaphore_mem>>)
        %dma_wait3A_468 = arith.constant 0 : i32
        %dma_wait3A_469 = tpu.memref_slice %arg5[%mul3A_19, %dma_wait3A_468] : memref<10000x128xf32, #tpu.memory_space<hbm>> -> memref<624x128xf32, #tpu.memory_space<hbm>>
        %dma_wait3A_470 = arith.constant 0 : i32
        %dma_wait3A_471 = tpu.memref_slice %arg9[%mul3A_19, %dma_wait3A_470] : memref<10000x128xf32, #tpu.memory_space<vmem_shared>> -> memref<624x128xf32, #tpu.memory_space<vmem_shared>>
        tpu.wait_dma2 semaphore(%run_scoped3A : memref<!tpu.dma_semaphore, #tpu.memory_space<semaphore_mem>>) src(%dma_wait3A_471 : memref<624x128xf32, #tpu.memory_space<vmem_shared>>) dst(%dma_wait3A_469 : memref<624x128xf32, #tpu.memory_space<hbm>>)
        tpu.yield
      }) : () -> ()
      %eq3A_459 = arith.constant 0 : i32
      %eq3A_460 = arith.cmpi eq, %arg1, %eq3A_459 : i32
      %convert_element_type3A_461 = arith.extui %eq3A_460 : i1 to i32
      %cond3A_462 = arith.constant 0 : i32
      %cond3A_463 = arith.cmpi ne, %convert_element_type3A_461, %cond3A_462 : i32
      scf.if %cond3A_463 {
        "tpu.region"() ({
          %run_scoped3A = tpu.sem_alloc : memref<!tpu.dma_semaphore, #tpu.memory_space<semaphore_mem>>
          %dma_start3A_464 = arith.constant 9984 : i32
          %dma_start3A_465 = arith.constant 0 : i32
          %dma_start3A_466 = tpu.memref_slice %arg5[%dma_start3A_464, %dma_start3A_465] : memref<10000x128xf32, #tpu.memory_space<hbm>> -> memref<16x128xf32, #tpu.memory_space<hbm>>
          %dma_start3A_467 = arith.constant 9984 : i32
          %dma_start3A_468 = arith.constant 0 : i32
          %dma_start3A_469 = tpu.memref_slice %arg9[%dma_start3A_467, %dma_start3A_468] : memref<10000x128xf32, #tpu.memory_space<vmem_shared>> -> memref<16x128xf32, #tpu.memory_space<vmem_shared>>
          tpu.enqueue_dma source(%dma_start3A_469 : memref<16x128xf32, #tpu.memory_space<vmem_shared>>) target(%dma_start3A_466 : memref<16x128xf32, #tpu.memory_space<hbm>>) target_semaphore(%run_scoped3A : memref<!tpu.dma_semaphore, #tpu.memory_space<semaphore_mem>>)
          %dma_wait3A_470 = arith.constant 9984 : i32
          %dma_wait3A_471 = arith.constant 0 : i32
          %dma_wait3A_472 = tpu.memref_slice %arg5[%dma_wait3A_470, %dma_wait3A_471] : memref<10000x128xf32, #tpu.memory_space<hbm>> -> memref<16x128xf32, #tpu.memory_space<hbm>>
          %dma_wait3A_473 = arith.constant 9984 : i32
          %dma_wait3A_474 = arith.constant 0 : i32
          %dma_wait3A_475 = tpu.memref_slice %arg9[%dma_wait3A_473, %dma_wait3A_474] : memref<10000x128xf32, #tpu.memory_space<vmem_shared>> -> memref<16x128xf32, #tpu.memory_space<vmem_shared>>
          tpu.wait_dma2 semaphore(%run_scoped3A : memref<!tpu.dma_semaphore, #tpu.memory_space<semaphore_mem>>) src(%dma_wait3A_475 : memref<16x128xf32, #tpu.memory_space<vmem_shared>>) dst(%dma_wait3A_472 : memref<16x128xf32, #tpu.memory_space<hbm>>)
          tpu.yield
        }) : () -> ()
      } else {
      }
    } else {
    }
    %eq3A_454 = arith.constant 1 : i32
    %eq3A_455 = arith.cmpi eq, %arg0, %eq3A_454 : i32
    %convert_element_type3A_456 = arith.extui %eq3A_455 : i1 to i32
    %cond3A_457 = arith.constant 0 : i32
    %cond3A_458 = arith.cmpi ne, %convert_element_type3A_456, %cond3A_457 : i32
    scf.if %cond3A_458 {
      "tpu.region"() ({
        %run_scoped3A = tpu.sem_alloc : memref<!tpu.dma_semaphore, #tpu.memory_space<semaphore_mem>>
        %dma_start3A_464 = arith.constant 0 : i32
        %dma_start3A_465 = tpu.memref_slice %arg6[%mul3A_19, %dma_start3A_464] : memref<10000x128xf32, #tpu.memory_space<hbm>> -> memref<624x128xf32, #tpu.memory_space<hbm>>
        %dma_start3A_466 = arith.constant 0 : i32
        %dma_start3A_467 = tpu.memref_slice %arg9[%mul3A_19, %dma_start3A_466] : memref<10000x128xf32, #tpu.memory_space<vmem_shared>> -> memref<624x128xf32, #tpu.memory_space<vmem_shared>>
        tpu.enqueue_dma source(%dma_start3A_467 : memref<624x128xf32, #tpu.memory_space<vmem_shared>>) target(%dma_start3A_465 : memref<624x128xf32, #tpu.memory_space<hbm>>) target_semaphore(%run_scoped3A : memref<!tpu.dma_semaphore, #tpu.memory_space<semaphore_mem>>)
        %dma_wait3A_468 = arith.constant 0 : i32
        %dma_wait3A_469 = tpu.memref_slice %arg6[%mul3A_19, %dma_wait3A_468] : memref<10000x128xf32, #tpu.memory_space<hbm>> -> memref<624x128xf32, #tpu.memory_space<hbm>>
        %dma_wait3A_470 = arith.constant 0 : i32
        %dma_wait3A_471 = tpu.memref_slice %arg9[%mul3A_19, %dma_wait3A_470] : memref<10000x128xf32, #tpu.memory_space<vmem_shared>> -> memref<624x128xf32, #tpu.memory_space<vmem_shared>>
        tpu.wait_dma2 semaphore(%run_scoped3A : memref<!tpu.dma_semaphore, #tpu.memory_space<semaphore_mem>>) src(%dma_wait3A_471 : memref<624x128xf32, #tpu.memory_space<vmem_shared>>) dst(%dma_wait3A_469 : memref<624x128xf32, #tpu.memory_space<hbm>>)
        tpu.yield
      }) : () -> ()
      %eq3A_459 = arith.constant 0 : i32
      %eq3A_460 = arith.cmpi eq, %arg1, %eq3A_459 : i32
      %convert_element_type3A_461 = arith.extui %eq3A_460 : i1 to i32
      %cond3A_462 = arith.constant 0 : i32
      %cond3A_463 = arith.cmpi ne, %convert_element_type3A_461, %cond3A_462 : i32
      scf.if %cond3A_463 {
        "tpu.region"() ({
          %run_scoped3A = tpu.sem_alloc : memref<!tpu.dma_semaphore, #tpu.memory_space<semaphore_mem>>
          %dma_start3A_464 = arith.constant 9984 : i32
          %dma_start3A_465 = arith.constant 0 : i32
          %dma_start3A_466 = tpu.memref_slice %arg6[%dma_start3A_464, %dma_start3A_465] : memref<10000x128xf32, #tpu.memory_space<hbm>> -> memref<16x128xf32, #tpu.memory_space<hbm>>
          %dma_start3A_467 = arith.constant 9984 : i32
          %dma_start3A_468 = arith.constant 0 : i32
          %dma_start3A_469 = tpu.memref_slice %arg9[%dma_start3A_467, %dma_start3A_468] : memref<10000x128xf32, #tpu.memory_space<vmem_shared>> -> memref<16x128xf32, #tpu.memory_space<vmem_shared>>
          tpu.enqueue_dma source(%dma_start3A_469 : memref<16x128xf32, #tpu.memory_space<vmem_shared>>) target(%dma_start3A_466 : memref<16x128xf32, #tpu.memory_space<hbm>>) target_semaphore(%run_scoped3A : memref<!tpu.dma_semaphore, #tpu.memory_space<semaphore_mem>>)
          %dma_wait3A_470 = arith.constant 9984 : i32
          %dma_wait3A_471 = arith.constant 0 : i32
          %dma_wait3A_472 = tpu.memref_slice %arg6[%dma_wait3A_470, %dma_wait3A_471] : memref<10000x128xf32, #tpu.memory_space<hbm>> -> memref<16x128xf32, #tpu.memory_space<hbm>>
          %dma_wait3A_473 = arith.constant 9984 : i32
          %dma_wait3A_474 = arith.constant 0 : i32
          %dma_wait3A_475 = tpu.memref_slice %arg9[%dma_wait3A_473, %dma_wait3A_474] : memref<10000x128xf32, #tpu.memory_space<vmem_shared>> -> memref<16x128xf32, #tpu.memory_space<vmem_shared>>
          tpu.wait_dma2 semaphore(%run_scoped3A : memref<!tpu.dma_semaphore, #tpu.memory_space<semaphore_mem>>) src(%dma_wait3A_475 : memref<16x128xf32, #tpu.memory_space<vmem_shared>>) dst(%dma_wait3A_472 : memref<16x128xf32, #tpu.memory_space<hbm>>)
          tpu.yield
        }) : () -> ()
      } else {
      }
    } else {
    }
    return
  }
}

#map = affine_map<(d0, d1) -> (0, 0)>
#map1 = affine_map<(d0, d1) -> (0, 0, 0, 0)>
module attributes {stable_mosaic.version = 14 : i64} {
  func.func @k(%arg0: i32, %arg1: i32, %arg2: memref<10000x128xf32, #tpu.memory_space<hbm>>, %arg3: memref<32x125x2x80xi32, #tpu.memory_space<hbm>>, %arg4: memref<10000x128xf32, #tpu.memory_space<hbm>>, %arg5: memref<10000x128xf32, #tpu.memory_space<hbm>>, %arg6: memref<10000x128xf32, #tpu.memory_space<hbm>>, %arg7: memref<3x2x80xi32, #tpu.memory_space<vmem>>, %arg8: memref<3x80x128xf32, #tpu.memory_space<vmem>>, %arg9: memref<10000x128xf32, #tpu.memory_space<vmem_shared>>, %arg10: memref<!tpu.dma_semaphore, #tpu.memory_space<semaphore_mem>>, %arg11: memref<!tpu.dma_semaphore, #tpu.memory_space<semaphore_mem>>, %arg12: memref<!tpu.dma_semaphore, #tpu.memory_space<semaphore_mem>>, %arg13: memref<!tpu.dma_semaphore, #tpu.memory_space<semaphore_mem>>, %arg14: memref<!tpu.dma_semaphore, #tpu.memory_space<semaphore_mem>>, %arg15: memref<!tpu.dma_semaphore, #tpu.memory_space<semaphore_mem>>, %arg16: memref<!tpu.dma_semaphore, #tpu.memory_space<semaphore_mem>>, %arg17: memref<!tpu.dma_semaphore, #tpu.memory_space<semaphore_mem>>, %arg18: memref<!tpu.dma_semaphore, #tpu.memory_space<semaphore_mem>>) attributes {dimension_semantics = [#tpu.dimension_semantics<core_parallel>, #tpu.dimension_semantics<subcore_parallel>], iteration_bounds = array<i64: 2, 16>, scalar_prefetch = 0 : i64, scratch_operands = 12 : i64, tpu.core_type = #tpu.core_type<sc_vector_subcore>, window_params = [{transform_indices = #map}, {transform_indices = #map1}, {transform_indices = #map}, {transform_indices = #map}, {transform_indices = #map}]} {
    %mul3A = arith.constant 16 : i32
    %mul3A_0 = arith.muli %arg0, %mul3A : i32
    %add3A = arith.addi %mul3A_0, %arg1 : i32
    %dma_start3A = arith.constant 0 : i32
    %dma_start3A_1 = arith.constant 0 : i32
    %dma_start3A_2 = arith.constant 0 : i32
    %dma_start3A_3 = arith.constant 0 : i32
    %dma_start3A_4 = tpu.memref_slice %arg7[%dma_start3A_1, %dma_start3A_2, %dma_start3A_3] : memref<3x2x80xi32, #tpu.memory_space<vmem>> -> memref<1x2x80xi32, #tpu.memory_space<vmem>>
    %dma_start3A_5 = tpu.memref_squeeze %dma_start3A_4 : memref<1x2x80xi32, #tpu.memory_space<vmem>> -> memref<2x80xi32, #tpu.memory_space<vmem>>
    %dma_start3A_6 = arith.constant 0 : i32
    %dma_start3A_7 = arith.constant 0 : i32
    %dma_start3A_8 = tpu.memref_slice %arg3[%add3A, %dma_start3A, %dma_start3A_6, %dma_start3A_7] : memref<32x125x2x80xi32, #tpu.memory_space<hbm>> -> memref<1x1x2x80xi32, #tpu.memory_space<hbm>>
    %dma_start3A_9 = tpu.memref_squeeze %dma_start3A_8 : memref<1x1x2x80xi32, #tpu.memory_space<hbm>> -> memref<2x80xi32, #tpu.memory_space<hbm>>
    %dma_start3A_10 = arith.constant 0 : i32
    %dma_start3A_11 = arith.constant 0 : i32
    %dma_start3A_12 = tpu.memref_slice %arg7[%dma_start3A_1, %dma_start3A_10, %dma_start3A_11] : memref<3x2x80xi32, #tpu.memory_space<vmem>> -> memref<1x2x80xi32, #tpu.memory_space<vmem>>
    %dma_start3A_13 = tpu.memref_squeeze %dma_start3A_12 : memref<1x2x80xi32, #tpu.memory_space<vmem>> -> memref<2x80xi32, #tpu.memory_space<vmem>>
    %dma_start3A_14 = arith.constant 0 : i32
    %dma_start3A_15 = arith.constant 0 : i32
    %dma_start3A_16 = tpu.memref_slice %arg3[%add3A, %dma_start3A, %dma_start3A_14, %dma_start3A_15] : memref<32x125x2x80xi32, #tpu.memory_space<hbm>> -> memref<1x1x2x80xi32, #tpu.memory_space<hbm>>
    %dma_start3A_17 = tpu.memref_squeeze %dma_start3A_16 : memref<1x1x2x80xi32, #tpu.memory_space<hbm>> -> memref<2x80xi32, #tpu.memory_space<hbm>>
    tpu.enqueue_dma source(%dma_start3A_17 : memref<2x80xi32, #tpu.memory_space<hbm>>) target(%dma_start3A_13 : memref<2x80xi32, #tpu.memory_space<vmem>>) target_semaphore(%arg10 : memref<!tpu.dma_semaphore, #tpu.memory_space<semaphore_mem>>)
    %mul3A_18 = arith.constant 624 : i32
    %mul3A_19 = arith.muli %arg1, %mul3A_18 : i32
    "tpu.region"() ({
      %run_scoped3A = tpu.sem_alloc : memref<!tpu.dma_semaphore, #tpu.memory_space<semaphore_mem>>
      %dma_start3A_459 = arith.constant 0 : i32
      %dma_start3A_460 = tpu.memref_slice %arg9[%mul3A_19, %dma_start3A_459] : memref<10000x128xf32, #tpu.memory_space<vmem_shared>> -> memref<624x128xf32, #tpu.memory_space<vmem_shared>>
      %dma_start3A_461 = arith.constant 0 : i32
      %dma_start3A_462 = tpu.memref_slice %arg4[%mul3A_19, %dma_start3A_461] : memref<10000x128xf32, #tpu.memory_space<hbm>> -> memref<624x128xf32, #tpu.memory_space<hbm>>
      tpu.enqueue_dma source(%dma_start3A_462 : memref<624x128xf32, #tpu.memory_space<hbm>>) target(%dma_start3A_460 : memref<624x128xf32, #tpu.memory_space<vmem_shared>>) target_semaphore(%run_scoped3A : memref<!tpu.dma_semaphore, #tpu.memory_space<semaphore_mem>>)
      %dma_wait3A_463 = arith.constant 0 : i32
      %dma_wait3A_464 = tpu.memref_slice %arg9[%mul3A_19, %dma_wait3A_463] : memref<10000x128xf32, #tpu.memory_space<vmem_shared>> -> memref<624x128xf32, #tpu.memory_space<vmem_shared>>
      %dma_wait3A_465 = arith.constant 0 : i32
      %dma_wait3A_466 = tpu.memref_slice %arg4[%mul3A_19, %dma_wait3A_465] : memref<10000x128xf32, #tpu.memory_space<hbm>> -> memref<624x128xf32, #tpu.memory_space<hbm>>
      tpu.wait_dma2 semaphore(%run_scoped3A : memref<!tpu.dma_semaphore, #tpu.memory_space<semaphore_mem>>) src(%dma_wait3A_466 : memref<624x128xf32, #tpu.memory_space<hbm>>) dst(%dma_wait3A_464 : memref<624x128xf32, #tpu.memory_space<vmem_shared>>)
      tpu.yield
    }) : () -> ()
    %eq3A = arith.constant 0 : i32
    %eq3A_20 = arith.cmpi eq, %arg1, %eq3A : i32
    %convert_element_type3A = arith.extui %eq3A_20 : i1 to i32
    %cond3A = arith.constant 0 : i32
    %cond3A_21 = arith.cmpi ne, %convert_element_type3A, %cond3A : i32
    scf.if %cond3A_21 {
      "tpu.region"() ({
        %run_scoped3A = tpu.sem_alloc : memref<!tpu.dma_semaphore, #tpu.memory_space<semaphore_mem>>
        %dma_start3A_459 = arith.constant 9984 : i32
        %dma_start3A_460 = arith.constant 0 : i32
        %dma_start3A_461 = tpu.memref_slice %arg9[%dma_start3A_459, %dma_start3A_460] : memref<10000x128xf32, #tpu.memory_space<vmem_shared>> -> memref<16x128xf32, #tpu.memory_space<vmem_shared>>
        %dma_start3A_462 = arith.constant 9984 : i32
        %dma_start3A_463 = arith.constant 0 : i32
        %dma_start3A_464 = tpu.memref_slice %arg4[%dma_start3A_462, %dma_start3A_463] : memref<10000x128xf32, #tpu.memory_space<hbm>> -> memref<16x128xf32, #tpu.memory_space<hbm>>
        tpu.enqueue_dma source(%dma_start3A_464 : memref<16x128xf32, #tpu.memory_space<hbm>>) target(%dma_start3A_461 : memref<16x128xf32, #tpu.memory_space<vmem_shared>>) target_semaphore(%run_scoped3A : memref<!tpu.dma_semaphore, #tpu.memory_space<semaphore_mem>>)
        %dma_wait3A_465 = arith.constant 9984 : i32
        %dma_wait3A_466 = arith.constant 0 : i32
        %dma_wait3A_467 = tpu.memref_slice %arg9[%dma_wait3A_465, %dma_wait3A_466] : memref<10000x128xf32, #tpu.memory_space<vmem_shared>> -> memref<16x128xf32, #tpu.memory_space<vmem_shared>>
        %dma_wait3A_468 = arith.constant 9984 : i32
        %dma_wait3A_469 = arith.constant 0 : i32
        %dma_wait3A_470 = tpu.memref_slice %arg4[%dma_wait3A_468, %dma_wait3A_469] : memref<10000x128xf32, #tpu.memory_space<hbm>> -> memref<16x128xf32, #tpu.memory_space<hbm>>
        tpu.wait_dma2 semaphore(%run_scoped3A : memref<!tpu.dma_semaphore, #tpu.memory_space<semaphore_mem>>) src(%dma_wait3A_470 : memref<16x128xf32, #tpu.memory_space<hbm>>) dst(%dma_wait3A_467 : memref<16x128xf32, #tpu.memory_space<vmem_shared>>)
        tpu.yield
      }) : () -> ()
    } else {
    }
    %barrier3A = arith.constant 0 : index
    tpu.barrier barrier_id(%barrier3A)
    %dma_start3A_22 = arith.constant 1 : i32
    %dma_start3A_23 = arith.constant 1 : i32
    %dma_start3A_24 = arith.constant 0 : i32
    %dma_start3A_25 = arith.constant 0 : i32
    %dma_start3A_26 = tpu.memref_slice %arg7[%dma_start3A_23, %dma_start3A_24, %dma_start3A_25] : memref<3x2x80xi32, #tpu.memory_space<vmem>> -> memref<1x2x80xi32, #tpu.memory_space<vmem>>
    %dma_start3A_27 = tpu.memref_squeeze %dma_start3A_26 : memref<1x2x80xi32, #tpu.memory_space<vmem>> -> memref<2x80xi32, #tpu.memory_space<vmem>>
    %dma_start3A_28 = arith.constant 0 : i32
    %dma_start3A_29 = arith.constant 0 : i32
    %dma_start3A_30 = tpu.memref_slice %arg3[%add3A, %dma_start3A_22, %dma_start3A_28, %dma_start3A_29] : memref<32x125x2x80xi32, #tpu.memory_space<hbm>> -> memref<1x1x2x80xi32, #tpu.memory_space<hbm>>
    %dma_start3A_31 = tpu.memref_squeeze %dma_start3A_30 : memref<1x1x2x80xi32, #tpu.memory_space<hbm>> -> memref<2x80xi32, #tpu.memory_space<hbm>>
    %dma_start3A_32 = arith.constant 0 : i32
    %dma_start3A_33 = arith.constant 0 : i32
    %dma_start3A_34 = tpu.memref_slice %arg7[%dma_start3A_23, %dma_start3A_32, %dma_start3A_33] : memref<3x2x80xi32, #tpu.memory_space<vmem>> -> memref<1x2x80xi32, #tpu.memory_space<vmem>>
    %dma_start3A_35 = tpu.memref_squeeze %dma_start3A_34 : memref<1x2x80xi32, #tpu.memory_space<vmem>> -> memref<2x80xi32, #tpu.memory_space<vmem>>
    %dma_start3A_36 = arith.constant 0 : i32
    %dma_start3A_37 = arith.constant 0 : i32
    %dma_start3A_38 = tpu.memref_slice %arg3[%add3A, %dma_start3A_22, %dma_start3A_36, %dma_start3A_37] : memref<32x125x2x80xi32, #tpu.memory_space<hbm>> -> memref<1x1x2x80xi32, #tpu.memory_space<hbm>>
    %dma_start3A_39 = tpu.memref_squeeze %dma_start3A_38 : memref<1x1x2x80xi32, #tpu.memory_space<hbm>> -> memref<2x80xi32, #tpu.memory_space<hbm>>
    tpu.enqueue_dma source(%dma_start3A_39 : memref<2x80xi32, #tpu.memory_space<hbm>>) target(%dma_start3A_35 : memref<2x80xi32, #tpu.memory_space<vmem>>) target_semaphore(%arg11 : memref<!tpu.dma_semaphore, #tpu.memory_space<semaphore_mem>>)
    %dma_wait3A = arith.constant 0 : i32
    %dma_wait3A_40 = arith.constant 0 : i32
    %dma_wait3A_41 = arith.constant 0 : i32
    %dma_wait3A_42 = arith.constant 0 : i32
    %dma_wait3A_43 = tpu.memref_slice %arg7[%dma_wait3A_40, %dma_wait3A_41, %dma_wait3A_42] : memref<3x2x80xi32, #tpu.memory_space<vmem>> -> memref<1x2x80xi32, #tpu.memory_space<vmem>>
    %dma_wait3A_44 = tpu.memref_squeeze %dma_wait3A_43 : memref<1x2x80xi32, #tpu.memory_space<vmem>> -> memref<2x80xi32, #tpu.memory_space<vmem>>
    %dma_wait3A_45 = arith.constant 0 : i32
    %dma_wait3A_46 = arith.constant 0 : i32
    %dma_wait3A_47 = tpu.memref_slice %arg3[%add3A, %dma_wait3A, %dma_wait3A_45, %dma_wait3A_46] : memref<32x125x2x80xi32, #tpu.memory_space<hbm>> -> memref<1x1x2x80xi32, #tpu.memory_space<hbm>>
    %dma_wait3A_48 = tpu.memref_squeeze %dma_wait3A_47 : memref<1x1x2x80xi32, #tpu.memory_space<hbm>> -> memref<2x80xi32, #tpu.memory_space<hbm>>
    %dma_wait3A_49 = arith.constant 0 : i32
    %dma_wait3A_50 = arith.constant 0 : i32
    %dma_wait3A_51 = tpu.memref_slice %arg7[%dma_wait3A_40, %dma_wait3A_49, %dma_wait3A_50] : memref<3x2x80xi32, #tpu.memory_space<vmem>> -> memref<1x2x80xi32, #tpu.memory_space<vmem>>
    %dma_wait3A_52 = tpu.memref_squeeze %dma_wait3A_51 : memref<1x2x80xi32, #tpu.memory_space<vmem>> -> memref<2x80xi32, #tpu.memory_space<vmem>>
    %dma_wait3A_53 = arith.constant 0 : i32
    %dma_wait3A_54 = arith.constant 0 : i32
    %dma_wait3A_55 = tpu.memref_slice %arg3[%add3A, %dma_wait3A, %dma_wait3A_53, %dma_wait3A_54] : memref<32x125x2x80xi32, #tpu.memory_space<hbm>> -> memref<1x1x2x80xi32, #tpu.memory_space<hbm>>
    %dma_wait3A_56 = tpu.memref_squeeze %dma_wait3A_55 : memref<1x1x2x80xi32, #tpu.memory_space<hbm>> -> memref<2x80xi32, #tpu.memory_space<hbm>>
    tpu.wait_dma2 semaphore(%arg10 : memref<!tpu.dma_semaphore, #tpu.memory_space<semaphore_mem>>) src(%dma_wait3A_56 : memref<2x80xi32, #tpu.memory_space<hbm>>) dst(%dma_wait3A_52 : memref<2x80xi32, #tpu.memory_space<vmem>>)
    %dma_start3A_57 = arith.constant 0 : i32
    %dma_start3A_58 = arith.constant 0 : i32
    %dma_start3A_59 = arith.constant 0 : i32
    %dma_start3A_60 = arith.constant 0 : i32
    %dma_start3A_61 = arith.constant 0 : i32
    %dma_start3A_62 = tpu.memref_slice %arg8[%dma_start3A_59, %dma_start3A_60, %dma_start3A_61] : memref<3x80x128xf32, #tpu.memory_space<vmem>> -> memref<1x80x128xf32, #tpu.memory_space<vmem>>
    %dma_start3A_63 = tpu.memref_squeeze %dma_start3A_62 : memref<1x80x128xf32, #tpu.memory_space<vmem>> -> memref<80x128xf32, #tpu.memory_space<vmem>>
    %dma_start3A_64 = arith.constant 0 : i32
    %dma_start3A_65 = tpu.memref_slice %arg7[%dma_start3A_57, %dma_start3A_58, %dma_start3A_64] : memref<3x2x80xi32, #tpu.memory_space<vmem>> -> memref<1x1x80xi32, #tpu.memory_space<vmem>>
    %dma_start3A_66 = tpu.memref_squeeze %dma_start3A_65 : memref<1x1x80xi32, #tpu.memory_space<vmem>> -> memref<80xi32, #tpu.memory_space<vmem>>
    %dma_start3A_67 = arith.constant 0 : i32
    %dma_start3A_68 = arith.constant 0 : i32
    %dma_start3A_69 = tpu.memref_slice %arg2[%dma_start3A_67, %dma_start3A_68] : memref<10000x128xf32, #tpu.memory_space<hbm>> -> memref<10000x128xf32, #tpu.memory_space<hbm>>
    tpu.enqueue_indirect_dma source(%dma_start3A_69 : memref<10000x128xf32, #tpu.memory_space<hbm>>) target(%dma_start3A_63 : memref<80x128xf32, #tpu.memory_space<vmem>>) offsets(%dma_start3A_66 : memref<80xi32, #tpu.memory_space<vmem>>) semaphore(%arg13 : memref<!tpu.dma_semaphore, #tpu.memory_space<semaphore_mem>>)
    %dma_start3A_70 = arith.constant 2 : i32
    %dma_start3A_71 = arith.constant 2 : i32
    %dma_start3A_72 = arith.constant 0 : i32
    %dma_start3A_73 = arith.constant 0 : i32
    %dma_start3A_74 = tpu.memref_slice %arg7[%dma_start3A_71, %dma_start3A_72, %dma_start3A_73] : memref<3x2x80xi32, #tpu.memory_space<vmem>> -> memref<1x2x80xi32, #tpu.memory_space<vmem>>
    %dma_start3A_75 = tpu.memref_squeeze %dma_start3A_74 : memref<1x2x80xi32, #tpu.memory_space<vmem>> -> memref<2x80xi32, #tpu.memory_space<vmem>>
    %dma_start3A_76 = arith.constant 0 : i32
    %dma_start3A_77 = arith.constant 0 : i32
    %dma_start3A_78 = tpu.memref_slice %arg3[%add3A, %dma_start3A_70, %dma_start3A_76, %dma_start3A_77] : memref<32x125x2x80xi32, #tpu.memory_space<hbm>> -> memref<1x1x2x80xi32, #tpu.memory_space<hbm>>
    %dma_start3A_79 = tpu.memref_squeeze %dma_start3A_78 : memref<1x1x2x80xi32, #tpu.memory_space<hbm>> -> memref<2x80xi32, #tpu.memory_space<hbm>>
    %dma_start3A_80 = arith.constant 0 : i32
    %dma_start3A_81 = arith.constant 0 : i32
    %dma_start3A_82 = tpu.memref_slice %arg7[%dma_start3A_71, %dma_start3A_80, %dma_start3A_81] : memref<3x2x80xi32, #tpu.memory_space<vmem>> -> memref<1x2x80xi32, #tpu.memory_space<vmem>>
    %dma_start3A_83 = tpu.memref_squeeze %dma_start3A_82 : memref<1x2x80xi32, #tpu.memory_space<vmem>> -> memref<2x80xi32, #tpu.memory_space<vmem>>
    %dma_start3A_84 = arith.constant 0 : i32
    %dma_start3A_85 = arith.constant 0 : i32
    %dma_start3A_86 = tpu.memref_slice %arg3[%add3A, %dma_start3A_70, %dma_start3A_84, %dma_start3A_85] : memref<32x125x2x80xi32, #tpu.memory_space<hbm>> -> memref<1x1x2x80xi32, #tpu.memory_space<hbm>>
    %dma_start3A_87 = tpu.memref_squeeze %dma_start3A_86 : memref<1x1x2x80xi32, #tpu.memory_space<hbm>> -> memref<2x80xi32, #tpu.memory_space<hbm>>
    tpu.enqueue_dma source(%dma_start3A_87 : memref<2x80xi32, #tpu.memory_space<hbm>>) target(%dma_start3A_83 : memref<2x80xi32, #tpu.memory_space<vmem>>) target_semaphore(%arg12 : memref<!tpu.dma_semaphore, #tpu.memory_space<semaphore_mem>>)
    %dma_wait3A_88 = arith.constant 1 : i32
    %dma_wait3A_89 = arith.constant 1 : i32
    %dma_wait3A_90 = arith.constant 0 : i32
    %dma_wait3A_91 = arith.constant 0 : i32
    %dma_wait3A_92 = tpu.memref_slice %arg7[%dma_wait3A_89, %dma_wait3A_90, %dma_wait3A_91] : memref<3x2x80xi32, #tpu.memory_space<vmem>> -> memref<1x2x80xi32, #tpu.memory_space<vmem>>
    %dma_wait3A_93 = tpu.memref_squeeze %dma_wait3A_92 : memref<1x2x80xi32, #tpu.memory_space<vmem>> -> memref<2x80xi32, #tpu.memory_space<vmem>>
    %dma_wait3A_94 = arith.constant 0 : i32
    %dma_wait3A_95 = arith.constant 0 : i32
    %dma_wait3A_96 = tpu.memref_slice %arg3[%add3A, %dma_wait3A_88, %dma_wait3A_94, %dma_wait3A_95] : memref<32x125x2x80xi32, #tpu.memory_space<hbm>> -> memref<1x1x2x80xi32, #tpu.memory_space<hbm>>
    %dma_wait3A_97 = tpu.memref_squeeze %dma_wait3A_96 : memref<1x1x2x80xi32, #tpu.memory_space<hbm>> -> memref<2x80xi32, #tpu.memory_space<hbm>>
    %dma_wait3A_98 = arith.constant 0 : i32
    %dma_wait3A_99 = arith.constant 0 : i32
    %dma_wait3A_100 = tpu.memref_slice %arg7[%dma_wait3A_89, %dma_wait3A_98, %dma_wait3A_99] : memref<3x2x80xi32, #tpu.memory_space<vmem>> -> memref<1x2x80xi32, #tpu.memory_space<vmem>>
    %dma_wait3A_101 = tpu.memref_squeeze %dma_wait3A_100 : memref<1x2x80xi32, #tpu.memory_space<vmem>> -> memref<2x80xi32, #tpu.memory_space<vmem>>
    %dma_wait3A_102 = arith.constant 0 : i32
    %dma_wait3A_103 = arith.constant 0 : i32
    %dma_wait3A_104 = tpu.memref_slice %arg3[%add3A, %dma_wait3A_88, %dma_wait3A_102, %dma_wait3A_103] : memref<32x125x2x80xi32, #tpu.memory_space<hbm>> -> memref<1x1x2x80xi32, #tpu.memory_space<hbm>>
    %dma_wait3A_105 = tpu.memref_squeeze %dma_wait3A_104 : memref<1x1x2x80xi32, #tpu.memory_space<hbm>> -> memref<2x80xi32, #tpu.memory_space<hbm>>
    tpu.wait_dma2 semaphore(%arg11 : memref<!tpu.dma_semaphore, #tpu.memory_space<semaphore_mem>>) src(%dma_wait3A_105 : memref<2x80xi32, #tpu.memory_space<hbm>>) dst(%dma_wait3A_101 : memref<2x80xi32, #tpu.memory_space<vmem>>)
    %dma_start3A_106 = arith.constant 1 : i32
    %dma_start3A_107 = arith.constant 0 : i32
    %dma_start3A_108 = arith.constant 1 : i32
    %dma_start3A_109 = arith.constant 0 : i32
    %dma_start3A_110 = arith.constant 0 : i32
    %dma_start3A_111 = tpu.memref_slice %arg8[%dma_start3A_108, %dma_start3A_109, %dma_start3A_110] : memref<3x80x128xf32, #tpu.memory_space<vmem>> -> memref<1x80x128xf32, #tpu.memory_space<vmem>>
    %dma_start3A_112 = tpu.memref_squeeze %dma_start3A_111 : memref<1x80x128xf32, #tpu.memory_space<vmem>> -> memref<80x128xf32, #tpu.memory_space<vmem>>
    %dma_start3A_113 = arith.constant 0 : i32
    %dma_start3A_114 = tpu.memref_slice %arg7[%dma_start3A_106, %dma_start3A_107, %dma_start3A_113] : memref<3x2x80xi32, #tpu.memory_space<vmem>> -> memref<1x1x80xi32, #tpu.memory_space<vmem>>
    %dma_start3A_115 = tpu.memref_squeeze %dma_start3A_114 : memref<1x1x80xi32, #tpu.memory_space<vmem>> -> memref<80xi32, #tpu.memory_space<vmem>>
    %dma_start3A_116 = arith.constant 0 : i32
    %dma_start3A_117 = arith.constant 0 : i32
    %dma_start3A_118 = tpu.memref_slice %arg2[%dma_start3A_116, %dma_start3A_117] : memref<10000x128xf32, #tpu.memory_space<hbm>> -> memref<10000x128xf32, #tpu.memory_space<hbm>>
    tpu.enqueue_indirect_dma source(%dma_start3A_118 : memref<10000x128xf32, #tpu.memory_space<hbm>>) target(%dma_start3A_112 : memref<80x128xf32, #tpu.memory_space<vmem>>) offsets(%dma_start3A_115 : memref<80xi32, #tpu.memory_space<vmem>>) semaphore(%arg14 : memref<!tpu.dma_semaphore, #tpu.memory_space<semaphore_mem>>)
    %scan3A = arith.constant 0 : i32
    %scan3A_119 = arith.constant 0 : i32
    %scan3A_120 = arith.constant 40 : i32
    %scan3A_121 = arith.addi %scan3A_119, %scan3A_120 : i32
    %scan3A_122 = arith.constant 1 : i32
    scf.for %scan3A_459 = %scan3A_119 to %scan3A_121 step %scan3A_122  : i32 {
      %mul3A_460 = arith.constant 3 : i32
      %mul3A_461 = arith.muli %mul3A_460, %scan3A_459 : i32
      %dma_wait3A_462 = arith.constant 0 : i32
      %dma_wait3A_463 = arith.constant 0 : i32
      %dma_wait3A_464 = arith.constant 0 : i32
      %dma_wait3A_465 = arith.constant 0 : i32
      %dma_wait3A_466 = arith.constant 0 : i32
      %dma_wait3A_467 = tpu.memref_slice %arg8[%dma_wait3A_464, %dma_wait3A_465, %dma_wait3A_466] : memref<3x80x128xf32, #tpu.memory_space<vmem>> -> memref<1x80x128xf32, #tpu.memory_space<vmem>>
      %dma_wait3A_468 = tpu.memref_squeeze %dma_wait3A_467 : memref<1x80x128xf32, #tpu.memory_space<vmem>> -> memref<80x128xf32, #tpu.memory_space<vmem>>
      %dma_wait3A_469 = arith.constant 0 : i32
      %dma_wait3A_470 = tpu.memref_slice %arg7[%dma_wait3A_462, %dma_wait3A_463, %dma_wait3A_469] : memref<3x2x80xi32, #tpu.memory_space<vmem>> -> memref<1x1x80xi32, #tpu.memory_space<vmem>>
      %dma_wait3A_471 = tpu.memref_squeeze %dma_wait3A_470 : memref<1x1x80xi32, #tpu.memory_space<vmem>> -> memref<80xi32, #tpu.memory_space<vmem>>
      %dma_wait3A_472 = arith.constant 0 : i32
      %dma_wait3A_473 = arith.constant 0 : i32
      %dma_wait3A_474 = tpu.memref_slice %arg2[%dma_wait3A_472, %dma_wait3A_473] : memref<10000x128xf32, #tpu.memory_space<hbm>> -> memref<10000x128xf32, #tpu.memory_space<hbm>>
      tpu.wait_indirect_dma semaphore(%arg13 : memref<!tpu.dma_semaphore, #tpu.memory_space<semaphore_mem>>) src(%dma_wait3A_474 : memref<10000x128xf32, #tpu.memory_space<hbm>>) dst(%dma_wait3A_468 : memref<80x128xf32, #tpu.memory_space<vmem>>)
      %dma_start3A_475 = arith.constant 0 : i32
      %dma_start3A_476 = arith.constant 0 : i32
      %dma_start3A_477 = arith.constant 1 : i32
      %dma_start3A_478 = arith.constant 0 : i32
      %dma_start3A_479 = arith.constant 0 : i32
      %dma_start3A_480 = tpu.memref_slice %arg8[%dma_start3A_475, %dma_start3A_478, %dma_start3A_479] : memref<3x80x128xf32, #tpu.memory_space<vmem>> -> memref<1x80x128xf32, #tpu.memory_space<vmem>>
      %dma_start3A_481 = tpu.memref_squeeze %dma_start3A_480 : memref<1x80x128xf32, #tpu.memory_space<vmem>> -> memref<80x128xf32, #tpu.memory_space<vmem>>
      %dma_start3A_482 = arith.constant 0 : i32
      %dma_start3A_483 = tpu.memref_slice %arg7[%dma_start3A_476, %dma_start3A_477, %dma_start3A_482] : memref<3x2x80xi32, #tpu.memory_space<vmem>> -> memref<1x1x80xi32, #tpu.memory_space<vmem>>
      %dma_start3A_484 = tpu.memref_squeeze %dma_start3A_483 : memref<1x1x80xi32, #tpu.memory_space<vmem>> -> memref<80xi32, #tpu.memory_space<vmem>>
      %dma_start3A_485 = arith.constant 0 : i32
      %dma_start3A_486 = arith.constant 0 : i32
      %dma_start3A_487 = tpu.memref_slice %arg9[%dma_start3A_485, %dma_start3A_486] : memref<10000x128xf32, #tpu.memory_space<vmem_shared>> -> memref<10000x128xf32, #tpu.memory_space<vmem_shared>>
      tpu.enqueue_indirect_dma source(%dma_start3A_481 : memref<80x128xf32, #tpu.memory_space<vmem>>) target(%dma_start3A_487 : memref<10000x128xf32, #tpu.memory_space<vmem_shared>>) offsets(%dma_start3A_484 : memref<80xi32, #tpu.memory_space<vmem>>) semaphore(%arg16 : memref<!tpu.dma_semaphore, #tpu.memory_space<semaphore_mem>>) {add = true}
      %dma_wait3A_488 = arith.constant 0 : i32
      %dma_wait3A_489 = arith.constant 0 : i32
      %dma_wait3A_490 = arith.constant 1 : i32
      %dma_wait3A_491 = arith.constant 0 : i32
      %dma_wait3A_492 = arith.constant 0 : i32
      %dma_wait3A_493 = tpu.memref_slice %arg8[%dma_wait3A_488, %dma_wait3A_491, %dma_wait3A_492] : memref<3x80x128xf32, #tpu.memory_space<vmem>> -> memref<1x80x128xf32, #tpu.memory_space<vmem>>
      %dma_wait3A_494 = tpu.memref_squeeze %dma_wait3A_493 : memref<1x80x128xf32, #tpu.memory_space<vmem>> -> memref<80x128xf32, #tpu.memory_space<vmem>>
      %dma_wait3A_495 = arith.constant 0 : i32
      %dma_wait3A_496 = tpu.memref_slice %arg7[%dma_wait3A_489, %dma_wait3A_490, %dma_wait3A_495] : memref<3x2x80xi32, #tpu.memory_space<vmem>> -> memref<1x1x80xi32, #tpu.memory_space<vmem>>
      %dma_wait3A_497 = tpu.memref_squeeze %dma_wait3A_496 : memref<1x1x80xi32, #tpu.memory_space<vmem>> -> memref<80xi32, #tpu.memory_space<vmem>>
      %dma_wait3A_498 = arith.constant 0 : i32
      %dma_wait3A_499 = arith.constant 0 : i32
      %dma_wait3A_500 = tpu.memref_slice %arg9[%dma_wait3A_498, %dma_wait3A_499] : memref<10000x128xf32, #tpu.memory_space<vmem_shared>> -> memref<10000x128xf32, #tpu.memory_space<vmem_shared>>
      tpu.wait_indirect_dma semaphore(%arg16 : memref<!tpu.dma_semaphore, #tpu.memory_space<semaphore_mem>>) src(%dma_wait3A_494 : memref<80x128xf32, #tpu.memory_space<vmem>>) dst(%dma_wait3A_500 : memref<10000x128xf32, #tpu.memory_space<vmem_shared>>)
      %add3A_501 = arith.constant 2 : i32
      %add3A_502 = arith.addi %mul3A_461, %add3A_501 : i32
      %dma_wait3A_503 = arith.constant 2 : i32
      %dma_wait3A_504 = arith.constant 0 : i32
      %dma_wait3A_505 = arith.constant 0 : i32
      %dma_wait3A_506 = tpu.memref_slice %arg7[%dma_wait3A_503, %dma_wait3A_504, %dma_wait3A_505] : memref<3x2x80xi32, #tpu.memory_space<vmem>> -> memref<1x2x80xi32, #tpu.memory_space<vmem>>
      %dma_wait3A_507 = tpu.memref_squeeze %dma_wait3A_506 : memref<1x2x80xi32, #tpu.memory_space<vmem>> -> memref<2x80xi32, #tpu.memory_space<vmem>>
      %dma_wait3A_508 = arith.constant 0 : i32
      %dma_wait3A_509 = arith.constant 0 : i32
      %dma_wait3A_510 = tpu.memref_slice %arg3[%add3A, %add3A_502, %dma_wait3A_508, %dma_wait3A_509] : memref<32x125x2x80xi32, #tpu.memory_space<hbm>> -> memref<1x1x2x80xi32, #tpu.memory_space<hbm>>
      %dma_wait3A_511 = tpu.memref_squeeze %dma_wait3A_510 : memref<1x1x2x80xi32, #tpu.memory_space<hbm>> -> memref<2x80xi32, #tpu.memory_space<hbm>>
      %dma_wait3A_512 = arith.constant 0 : i32
      %dma_wait3A_513 = arith.constant 0 : i32
      %dma_wait3A_514 = tpu.memref_slice %arg7[%dma_wait3A_503, %dma_wait3A_512, %dma_wait3A_513] : memref<3x2x80xi32, #tpu.memory_space<vmem>> -> memref<1x2x80xi32, #tpu.memory_space<vmem>>
      %dma_wait3A_515 = tpu.memref_squeeze %dma_wait3A_514 : memref<1x2x80xi32, #tpu.memory_space<vmem>> -> memref<2x80xi32, #tpu.memory_space<vmem>>
      %dma_wait3A_516 = arith.constant 0 : i32
      %dma_wait3A_517 = arith.constant 0 : i32
      %dma_wait3A_518 = tpu.memref_slice %arg3[%add3A, %add3A_502, %dma_wait3A_516, %dma_wait3A_517] : memref<32x125x2x80xi32, #tpu.memory_space<hbm>> -> memref<1x1x2x80xi32, #tpu.memory_space<hbm>>
      %dma_wait3A_519 = tpu.memref_squeeze %dma_wait3A_518 : memref<1x1x2x80xi32, #tpu.memory_space<hbm>> -> memref<2x80xi32, #tpu.memory_space<hbm>>
      tpu.wait_dma2 semaphore(%arg12 : memref<!tpu.dma_semaphore, #tpu.memory_space<semaphore_mem>>) src(%dma_wait3A_519 : memref<2x80xi32, #tpu.memory_space<hbm>>) dst(%dma_wait3A_515 : memref<2x80xi32, #tpu.memory_space<vmem>>)
      %dma_start3A_520 = arith.constant 2 : i32
      %dma_start3A_521 = arith.constant 0 : i32
      %dma_start3A_522 = arith.constant 2 : i32
      %dma_start3A_523 = arith.constant 0 : i32
      %dma_start3A_524 = arith.constant 0 : i32
      %dma_start3A_525 = tpu.memref_slice %arg8[%dma_start3A_522, %dma_start3A_523, %dma_start3A_524] : memref<3x80x128xf32, #tpu.memory_space<vmem>> -> memref<1x80x128xf32, #tpu.memory_space<vmem>>
      %dma_start3A_526 = tpu.memref_squeeze %dma_start3A_525 : memref<1x80x128xf32, #tpu.memory_space<vmem>> -> memref<80x128xf32, #tpu.memory_space<vmem>>
      %dma_start3A_527 = arith.constant 0 : i32
      %dma_start3A_528 = tpu.memref_slice %arg7[%dma_start3A_520, %dma_start3A_521, %dma_start3A_527] : memref<3x2x80xi32, #tpu.memory_space<vmem>> -> memref<1x1x80xi32, #tpu.memory_space<vmem>>
      %dma_start3A_529 = tpu.memref_squeeze %dma_start3A_528 : memref<1x1x80xi32, #tpu.memory_space<vmem>> -> memref<80xi32, #tpu.memory_space<vmem>>
      %dma_start3A_530 = arith.constant 0 : i32
      %dma_start3A_531 = arith.constant 0 : i32
      %dma_start3A_532 = tpu.memref_slice %arg2[%dma_start3A_530, %dma_start3A_531] : memref<10000x128xf32, #tpu.memory_space<hbm>> -> memref<10000x128xf32, #tpu.memory_space<hbm>>
      tpu.enqueue_indirect_dma source(%dma_start3A_532 : memref<10000x128xf32, #tpu.memory_space<hbm>>) target(%dma_start3A_526 : memref<80x128xf32, #tpu.memory_space<vmem>>) offsets(%dma_start3A_529 : memref<80xi32, #tpu.memory_space<vmem>>) semaphore(%arg15 : memref<!tpu.dma_semaphore, #tpu.memory_space<semaphore_mem>>)
      %add3A_533 = arith.constant 3 : i32
      %add3A_534 = arith.addi %mul3A_461, %add3A_533 : i32
      %dma_start3A_535 = arith.constant 0 : i32
      %dma_start3A_536 = arith.constant 0 : i32
      %dma_start3A_537 = arith.constant 0 : i32
      %dma_start3A_538 = tpu.memref_slice %arg7[%dma_start3A_535, %dma_start3A_536, %dma_start3A_537] : memref<3x2x80xi32, #tpu.memory_space<vmem>> -> memref<1x2x80xi32, #tpu.memory_space<vmem>>
      %dma_start3A_539 = tpu.memref_squeeze %dma_start3A_538 : memref<1x2x80xi32, #tpu.memory_space<vmem>> -> memref<2x80xi32, #tpu.memory_space<vmem>>
      %dma_start3A_540 = arith.constant 0 : i32
      %dma_start3A_541 = arith.constant 0 : i32
      %dma_start3A_542 = tpu.memref_slice %arg3[%add3A, %add3A_534, %dma_start3A_540, %dma_start3A_541] : memref<32x125x2x80xi32, #tpu.memory_space<hbm>> -> memref<1x1x2x80xi32, #tpu.memory_space<hbm>>
      %dma_start3A_543 = tpu.memref_squeeze %dma_start3A_542 : memref<1x1x2x80xi32, #tpu.memory_space<hbm>> -> memref<2x80xi32, #tpu.memory_space<hbm>>
      %dma_start3A_544 = arith.constant 0 : i32
      %dma_start3A_545 = arith.constant 0 : i32
      %dma_start3A_546 = tpu.memref_slice %arg7[%dma_start3A_535, %dma_start3A_544, %dma_start3A_545] : memref<3x2x80xi32, #tpu.memory_space<vmem>> -> memref<1x2x80xi32, #tpu.memory_space<vmem>>
      %dma_start3A_547 = tpu.memref_squeeze %dma_start3A_546 : memref<1x2x80xi32, #tpu.memory_space<vmem>> -> memref<2x80xi32, #tpu.memory_space<vmem>>
      %dma_start3A_548 = arith.constant 0 : i32
      %dma_start3A_549 = arith.constant 0 : i32
      %dma_start3A_550 = tpu.memref_slice %arg3[%add3A, %add3A_534, %dma_start3A_548, %dma_start3A_549] : memref<32x125x2x80xi32, #tpu.memory_space<hbm>> -> memref<1x1x2x80xi32, #tpu.memory_space<hbm>>
      %dma_start3A_551 = tpu.memref_squeeze %dma_start3A_550 : memref<1x1x2x80xi32, #tpu.memory_space<hbm>> -> memref<2x80xi32, #tpu.memory_space<hbm>>
      tpu.enqueue_dma source(%dma_start3A_551 : memref<2x80xi32, #tpu.memory_space<hbm>>) target(%dma_start3A_547 : memref<2x80xi32, #tpu.memory_space<vmem>>) target_semaphore(%arg10 : memref<!tpu.dma_semaphore, #tpu.memory_space<semaphore_mem>>)
      %add3A_552 = arith.constant 1 : i32
      %add3A_553 = arith.addi %mul3A_461, %add3A_552 : i32
      %dma_wait3A_554 = arith.constant 1 : i32
      %dma_wait3A_555 = arith.constant 0 : i32
      %dma_wait3A_556 = arith.constant 1 : i32
      %dma_wait3A_557 = arith.constant 0 : i32
      %dma_wait3A_558 = arith.constant 0 : i32
      %dma_wait3A_559 = tpu.memref_slice %arg8[%dma_wait3A_556, %dma_wait3A_557, %dma_wait3A_558] : memref<3x80x128xf32, #tpu.memory_space<vmem>> -> memref<1x80x128xf32, #tpu.memory_space<vmem>>
      %dma_wait3A_560 = tpu.memref_squeeze %dma_wait3A_559 : memref<1x80x128xf32, #tpu.memory_space<vmem>> -> memref<80x128xf32, #tpu.memory_space<vmem>>
      %dma_wait3A_561 = arith.constant 0 : i32
      %dma_wait3A_562 = tpu.memref_slice %arg7[%dma_wait3A_554, %dma_wait3A_555, %dma_wait3A_561] : memref<3x2x80xi32, #tpu.memory_space<vmem>> -> memref<1x1x80xi32, #tpu.memory_space<vmem>>
      %dma_wait3A_563 = tpu.memref_squeeze %dma_wait3A_562 : memref<1x1x80xi32, #tpu.memory_space<vmem>> -> memref<80xi32, #tpu.memory_space<vmem>>
      %dma_wait3A_564 = arith.constant 0 : i32
      %dma_wait3A_565 = arith.constant 0 : i32
      %dma_wait3A_566 = tpu.memref_slice %arg2[%dma_wait3A_564, %dma_wait3A_565] : memref<10000x128xf32, #tpu.memory_space<hbm>> -> memref<10000x128xf32, #tpu.memory_space<hbm>>
      tpu.wait_indirect_dma semaphore(%arg14 : memref<!tpu.dma_semaphore, #tpu.memory_space<semaphore_mem>>) src(%dma_wait3A_566 : memref<10000x128xf32, #tpu.memory_space<hbm>>) dst(%dma_wait3A_560 : memref<80x128xf32, #tpu.memory_space<vmem>>)
      %dma_start3A_567 = arith.constant 1 : i32
      %dma_start3A_568 = arith.constant 1 : i32
      %dma_start3A_569 = arith.constant 1 : i32
      %dma_start3A_570 = arith.constant 0 : i32
      %dma_start3A_571 = arith.constant 0 : i32
      %dma_start3A_572 = tpu.memref_slice %arg8[%dma_start3A_567, %dma_start3A_570, %dma_start3A_571] : memref<3x80x128xf32, #tpu.memory_space<vmem>> -> memref<1x80x128xf32, #tpu.memory_space<vmem>>
      %dma_start3A_573 = tpu.memref_squeeze %dma_start3A_572 : memref<1x80x128xf32, #tpu.memory_space<vmem>> -> memref<80x128xf32, #tpu.memory_space<vmem>>
      %dma_start3A_574 = arith.constant 0 : i32
      %dma_start3A_575 = tpu.memref_slice %arg7[%dma_start3A_568, %dma_start3A_569, %dma_start3A_574] : memref<3x2x80xi32, #tpu.memory_space<vmem>> -> memref<1x1x80xi32, #tpu.memory_space<vmem>>
      %dma_start3A_576 = tpu.memref_squeeze %dma_start3A_575 : memref<1x1x80xi32, #tpu.memory_space<vmem>> -> memref<80xi32, #tpu.memory_space<vmem>>
      %dma_start3A_577 = arith.constant 0 : i32
      %dma_start3A_578 = arith.constant 0 : i32
      %dma_start3A_579 = tpu.memref_slice %arg9[%dma_start3A_577, %dma_start3A_578] : memref<10000x128xf32, #tpu.memory_space<vmem_shared>> -> memref<10000x128xf32, #tpu.memory_space<vmem_shared>>
      tpu.enqueue_indirect_dma source(%dma_start3A_573 : memref<80x128xf32, #tpu.memory_space<vmem>>) target(%dma_start3A_579 : memref<10000x128xf32, #tpu.memory_space<vmem_shared>>) offsets(%dma_start3A_576 : memref<80xi32, #tpu.memory_space<vmem>>) semaphore(%arg17 : memref<!tpu.dma_semaphore, #tpu.memory_space<semaphore_mem>>) {add = true}
      %dma_wait3A_580 = arith.constant 1 : i32
      %dma_wait3A_581 = arith.constant 1 : i32
      %dma_wait3A_582 = arith.constant 1 : i32
      %dma_wait3A_583 = arith.constant 0 : i32
      %dma_wait3A_584 = arith.constant 0 : i32
      %dma_wait3A_585 = tpu.memref_slice %arg8[%dma_wait3A_580, %dma_wait3A_583, %dma_wait3A_584] : memref<3x80x128xf32, #tpu.memory_space<vmem>> -> memref<1x80x128xf32, #tpu.memory_space<vmem>>
      %dma_wait3A_586 = tpu.memref_squeeze %dma_wait3A_585 : memref<1x80x128xf32, #tpu.memory_space<vmem>> -> memref<80x128xf32, #tpu.memory_space<vmem>>
      %dma_wait3A_587 = arith.constant 0 : i32
      %dma_wait3A_588 = tpu.memref_slice %arg7[%dma_wait3A_581, %dma_wait3A_582, %dma_wait3A_587] : memref<3x2x80xi32, #tpu.memory_space<vmem>> -> memref<1x1x80xi32, #tpu.memory_space<vmem>>
      %dma_wait3A_589 = tpu.memref_squeeze %dma_wait3A_588 : memref<1x1x80xi32, #tpu.memory_space<vmem>> -> memref<80xi32, #tpu.memory_space<vmem>>
      %dma_wait3A_590 = arith.constant 0 : i32
      %dma_wait3A_591 = arith.constant 0 : i32
      %dma_wait3A_592 = tpu.memref_slice %arg9[%dma_wait3A_590, %dma_wait3A_591] : memref<10000x128xf32, #tpu.memory_space<vmem_shared>> -> memref<10000x128xf32, #tpu.memory_space<vmem_shared>>
      tpu.wait_indirect_dma semaphore(%arg17 : memref<!tpu.dma_semaphore, #tpu.memory_space<semaphore_mem>>) src(%dma_wait3A_586 : memref<80x128xf32, #tpu.memory_space<vmem>>) dst(%dma_wait3A_592 : memref<10000x128xf32, #tpu.memory_space<vmem_shared>>)
      %add3A_593 = arith.constant 2 : i32
      %add3A_594 = arith.addi %add3A_553, %add3A_593 : i32
      %dma_wait3A_595 = arith.constant 0 : i32
      %dma_wait3A_596 = arith.constant 0 : i32
      %dma_wait3A_597 = arith.constant 0 : i32
      %dma_wait3A_598 = tpu.memref_slice %arg7[%dma_wait3A_595, %dma_wait3A_596, %dma_wait3A_597] : memref<3x2x80xi32, #tpu.memory_space<vmem>> -> memref<1x2x80xi32, #tpu.memory_space<vmem>>
      %dma_wait3A_599 = tpu.memref_squeeze %dma_wait3A_598 : memref<1x2x80xi32, #tpu.memory_space<vmem>> -> memref<2x80xi32, #tpu.memory_space<vmem>>
      %dma_wait3A_600 = arith.constant 0 : i32
      %dma_wait3A_601 = arith.constant 0 : i32
      %dma_wait3A_602 = tpu.memref_slice %arg3[%add3A, %add3A_594, %dma_wait3A_600, %dma_wait3A_601] : memref<32x125x2x80xi32, #tpu.memory_space<hbm>> -> memref<1x1x2x80xi32, #tpu.memory_space<hbm>>
      %dma_wait3A_603 = tpu.memref_squeeze %dma_wait3A_602 : memref<1x1x2x80xi32, #tpu.memory_space<hbm>> -> memref<2x80xi32, #tpu.memory_space<hbm>>
      %dma_wait3A_604 = arith.constant 0 : i32
      %dma_wait3A_605 = arith.constant 0 : i32
      %dma_wait3A_606 = tpu.memref_slice %arg7[%dma_wait3A_595, %dma_wait3A_604, %dma_wait3A_605] : memref<3x2x80xi32, #tpu.memory_space<vmem>> -> memref<1x2x80xi32, #tpu.memory_space<vmem>>
      %dma_wait3A_607 = tpu.memref_squeeze %dma_wait3A_606 : memref<1x2x80xi32, #tpu.memory_space<vmem>> -> memref<2x80xi32, #tpu.memory_space<vmem>>
      %dma_wait3A_608 = arith.constant 0 : i32
      %dma_wait3A_609 = arith.constant 0 : i32
      %dma_wait3A_610 = tpu.memref_slice %arg3[%add3A, %add3A_594, %dma_wait3A_608, %dma_wait3A_609] : memref<32x125x2x80xi32, #tpu.memory_space<hbm>> -> memref<1x1x2x80xi32, #tpu.memory_space<hbm>>
      %dma_wait3A_611 = tpu.memref_squeeze %dma_wait3A_610 : memref<1x1x2x80xi32, #tpu.memory_space<hbm>> -> memref<2x80xi32, #tpu.memory_space<hbm>>
      tpu.wait_dma2 semaphore(%arg10 : memref<!tpu.dma_semaphore, #tpu.memory_space<semaphore_mem>>) src(%dma_wait3A_611 : memref<2x80xi32, #tpu.memory_space<hbm>>) dst(%dma_wait3A_607 : memref<2x80xi32, #tpu.memory_space<vmem>>)
      %dma_start3A_612 = arith.constant 0 : i32
      %dma_start3A_613 = arith.constant 0 : i32
      %dma_start3A_614 = arith.constant 0 : i32
      %dma_start3A_615 = arith.constant 0 : i32
      %dma_start3A_616 = arith.constant 0 : i32
      %dma_start3A_617 = tpu.memref_slice %arg8[%dma_start3A_614, %dma_start3A_615, %dma_start3A_616] : memref<3x80x128xf32, #tpu.memory_space<vmem>> -> memref<1x80x128xf32, #tpu.memory_space<vmem>>
      %dma_start3A_618 = tpu.memref_squeeze %dma_start3A_617 : memref<1x80x128xf32, #tpu.memory_space<vmem>> -> memref<80x128xf32, #tpu.memory_space<vmem>>
      %dma_start3A_619 = arith.constant 0 : i32
      %dma_start3A_620 = tpu.memref_slice %arg7[%dma_start3A_612, %dma_start3A_613, %dma_start3A_619] : memref<3x2x80xi32, #tpu.memory_space<vmem>> -> memref<1x1x80xi32, #tpu.memory_space<vmem>>
      %dma_start3A_621 = tpu.memref_squeeze %dma_start3A_620 : memref<1x1x80xi32, #tpu.memory_space<vmem>> -> memref<80xi32, #tpu.memory_space<vmem>>
      %dma_start3A_622 = arith.constant 0 : i32
      %dma_start3A_623 = arith.constant 0 : i32
      %dma_start3A_624 = tpu.memref_slice %arg2[%dma_start3A_622, %dma_start3A_623] : memref<10000x128xf32, #tpu.memory_space<hbm>> -> memref<10000x128xf32, #tpu.memory_space<hbm>>
      tpu.enqueue_indirect_dma source(%dma_start3A_624 : memref<10000x128xf32, #tpu.memory_space<hbm>>) target(%dma_start3A_618 : memref<80x128xf32, #tpu.memory_space<vmem>>) offsets(%dma_start3A_621 : memref<80xi32, #tpu.memory_space<vmem>>) semaphore(%arg13 : memref<!tpu.dma_semaphore, #tpu.memory_space<semaphore_mem>>)
      %add3A_625 = arith.constant 3 : i32
      %add3A_626 = arith.addi %add3A_553, %add3A_625 : i32
      %dma_start3A_627 = arith.constant 1 : i32
      %dma_start3A_628 = arith.constant 0 : i32
      %dma_start3A_629 = arith.constant 0 : i32
      %dma_start3A_630 = tpu.memref_slice %arg7[%dma_start3A_627, %dma_start3A_628, %dma_start3A_629] : memref<3x2x80xi32, #tpu.memory_space<vmem>> -> memref<1x2x80xi32, #tpu.memory_space<vmem>>
      %dma_start3A_631 = tpu.memref_squeeze %dma_start3A_630 : memref<1x2x80xi32, #tpu.memory_space<vmem>> -> memref<2x80xi32, #tpu.memory_space<vmem>>
      %dma_start3A_632 = arith.constant 0 : i32
      %dma_start3A_633 = arith.constant 0 : i32
      %dma_start3A_634 = tpu.memref_slice %arg3[%add3A, %add3A_626, %dma_start3A_632, %dma_start3A_633] : memref<32x125x2x80xi32, #tpu.memory_space<hbm>> -> memref<1x1x2x80xi32, #tpu.memory_space<hbm>>
      %dma_start3A_635 = tpu.memref_squeeze %dma_start3A_634 : memref<1x1x2x80xi32, #tpu.memory_space<hbm>> -> memref<2x80xi32, #tpu.memory_space<hbm>>
      %dma_start3A_636 = arith.constant 0 : i32
      %dma_start3A_637 = arith.constant 0 : i32
      %dma_start3A_638 = tpu.memref_slice %arg7[%dma_start3A_627, %dma_start3A_636, %dma_start3A_637] : memref<3x2x80xi32, #tpu.memory_space<vmem>> -> memref<1x2x80xi32, #tpu.memory_space<vmem>>
      %dma_start3A_639 = tpu.memref_squeeze %dma_start3A_638 : memref<1x2x80xi32, #tpu.memory_space<vmem>> -> memref<2x80xi32, #tpu.memory_space<vmem>>
      %dma_start3A_640 = arith.constant 0 : i32
      %dma_start3A_641 = arith.constant 0 : i32
      %dma_start3A_642 = tpu.memref_slice %arg3[%add3A, %add3A_626, %dma_start3A_640, %dma_start3A_641] : memref<32x125x2x80xi32, #tpu.memory_space<hbm>> -> memref<1x1x2x80xi32, #tpu.memory_space<hbm>>
      %dma_start3A_643 = tpu.memref_squeeze %dma_start3A_642 : memref<1x1x2x80xi32, #tpu.memory_space<hbm>> -> memref<2x80xi32, #tpu.memory_space<hbm>>
      tpu.enqueue_dma source(%dma_start3A_643 : memref<2x80xi32, #tpu.memory_space<hbm>>) target(%dma_start3A_639 : memref<2x80xi32, #tpu.memory_space<vmem>>) target_semaphore(%arg11 : memref<!tpu.dma_semaphore, #tpu.memory_space<semaphore_mem>>)
      %add3A_644 = arith.constant 2 : i32
      %add3A_645 = arith.addi %mul3A_461, %add3A_644 : i32
      %dma_wait3A_646 = arith.constant 2 : i32
      %dma_wait3A_647 = arith.constant 0 : i32
      %dma_wait3A_648 = arith.constant 2 : i32
      %dma_wait3A_649 = arith.constant 0 : i32
      %dma_wait3A_650 = arith.constant 0 : i32
      %dma_wait3A_651 = tpu.memref_slice %arg8[%dma_wait3A_648, %dma_wait3A_649, %dma_wait3A_650] : memref<3x80x128xf32, #tpu.memory_space<vmem>> -> memref<1x80x128xf32, #tpu.memory_space<vmem>>
      %dma_wait3A_652 = tpu.memref_squeeze %dma_wait3A_651 : memref<1x80x128xf32, #tpu.memory_space<vmem>> -> memref<80x128xf32, #tpu.memory_space<vmem>>
      %dma_wait3A_653 = arith.constant 0 : i32
      %dma_wait3A_654 = tpu.memref_slice %arg7[%dma_wait3A_646, %dma_wait3A_647, %dma_wait3A_653] : memref<3x2x80xi32, #tpu.memory_space<vmem>> -> memref<1x1x80xi32, #tpu.memory_space<vmem>>
      %dma_wait3A_655 = tpu.memref_squeeze %dma_wait3A_654 : memref<1x1x80xi32, #tpu.memory_space<vmem>> -> memref<80xi32, #tpu.memory_space<vmem>>
      %dma_wait3A_656 = arith.constant 0 : i32
      %dma_wait3A_657 = arith.constant 0 : i32
      %dma_wait3A_658 = tpu.memref_slice %arg2[%dma_wait3A_656, %dma_wait3A_657] : memref<10000x128xf32, #tpu.memory_space<hbm>> -> memref<10000x128xf32, #tpu.memory_space<hbm>>
      tpu.wait_indirect_dma semaphore(%arg15 : memref<!tpu.dma_semaphore, #tpu.memory_space<semaphore_mem>>) src(%dma_wait3A_658 : memref<10000x128xf32, #tpu.memory_space<hbm>>) dst(%dma_wait3A_652 : memref<80x128xf32, #tpu.memory_space<vmem>>)
      %dma_start3A_659 = arith.constant 2 : i32
      %dma_start3A_660 = arith.constant 2 : i32
      %dma_start3A_661 = arith.constant 1 : i32
      %dma_start3A_662 = arith.constant 0 : i32
      %dma_start3A_663 = arith.constant 0 : i32
      %dma_start3A_664 = tpu.memref_slice %arg8[%dma_start3A_659, %dma_start3A_662, %dma_start3A_663] : memref<3x80x128xf32, #tpu.memory_space<vmem>> -> memref<1x80x128xf32, #tpu.memory_space<vmem>>
      %dma_start3A_665 = tpu.memref_squeeze %dma_start3A_664 : memref<1x80x128xf32, #tpu.memory_space<vmem>> -> memref<80x128xf32, #tpu.memory_space<vmem>>
      %dma_start3A_666 = arith.constant 0 : i32
      %dma_start3A_667 = tpu.memref_slice %arg7[%dma_start3A_660, %dma_start3A_661, %dma_start3A_666] : memref<3x2x80xi32, #tpu.memory_space<vmem>> -> memref<1x1x80xi32, #tpu.memory_space<vmem>>
      %dma_start3A_668 = tpu.memref_squeeze %dma_start3A_667 : memref<1x1x80xi32, #tpu.memory_space<vmem>> -> memref<80xi32, #tpu.memory_space<vmem>>
      %dma_start3A_669 = arith.constant 0 : i32
      %dma_start3A_670 = arith.constant 0 : i32
      %dma_start3A_671 = tpu.memref_slice %arg9[%dma_start3A_669, %dma_start3A_670] : memref<10000x128xf32, #tpu.memory_space<vmem_shared>> -> memref<10000x128xf32, #tpu.memory_space<vmem_shared>>
      tpu.enqueue_indirect_dma source(%dma_start3A_665 : memref<80x128xf32, #tpu.memory_space<vmem>>) target(%dma_start3A_671 : memref<10000x128xf32, #tpu.memory_space<vmem_shared>>) offsets(%dma_start3A_668 : memref<80xi32, #tpu.memory_space<vmem>>) semaphore(%arg18 : memref<!tpu.dma_semaphore, #tpu.memory_space<semaphore_mem>>) {add = true}
      %dma_wait3A_672 = arith.constant 2 : i32
      %dma_wait3A_673 = arith.constant 2 : i32
      %dma_wait3A_674 = arith.constant 1 : i32
      %dma_wait3A_675 = arith.constant 0 : i32
      %dma_wait3A_676 = arith.constant 0 : i32
      %dma_wait3A_677 = tpu.memref_slice %arg8[%dma_wait3A_672, %dma_wait3A_675, %dma_wait3A_676] : memref<3x80x128xf32, #tpu.memory_space<vmem>> -> memref<1x80x128xf32, #tpu.memory_space<vmem>>
      %dma_wait3A_678 = tpu.memref_squeeze %dma_wait3A_677 : memref<1x80x128xf32, #tpu.memory_space<vmem>> -> memref<80x128xf32, #tpu.memory_space<vmem>>
      %dma_wait3A_679 = arith.constant 0 : i32
      %dma_wait3A_680 = tpu.memref_slice %arg7[%dma_wait3A_673, %dma_wait3A_674, %dma_wait3A_679] : memref<3x2x80xi32, #tpu.memory_space<vmem>> -> memref<1x1x80xi32, #tpu.memory_space<vmem>>
      %dma_wait3A_681 = tpu.memref_squeeze %dma_wait3A_680 : memref<1x1x80xi32, #tpu.memory_space<vmem>> -> memref<80xi32, #tpu.memory_space<vmem>>
      %dma_wait3A_682 = arith.constant 0 : i32
      %dma_wait3A_683 = arith.constant 0 : i32
      %dma_wait3A_684 = tpu.memref_slice %arg9[%dma_wait3A_682, %dma_wait3A_683] : memref<10000x128xf32, #tpu.memory_space<vmem_shared>> -> memref<10000x128xf32, #tpu.memory_space<vmem_shared>>
      tpu.wait_indirect_dma semaphore(%arg18 : memref<!tpu.dma_semaphore, #tpu.memory_space<semaphore_mem>>) src(%dma_wait3A_678 : memref<80x128xf32, #tpu.memory_space<vmem>>) dst(%dma_wait3A_684 : memref<10000x128xf32, #tpu.memory_space<vmem_shared>>)
      %add3A_685 = arith.constant 2 : i32
      %add3A_686 = arith.addi %add3A_645, %add3A_685 : i32
      %dma_wait3A_687 = arith.constant 1 : i32
      %dma_wait3A_688 = arith.constant 0 : i32
      %dma_wait3A_689 = arith.constant 0 : i32
      %dma_wait3A_690 = tpu.memref_slice %arg7[%dma_wait3A_687, %dma_wait3A_688, %dma_wait3A_689] : memref<3x2x80xi32, #tpu.memory_space<vmem>> -> memref<1x2x80xi32, #tpu.memory_space<vmem>>
      %dma_wait3A_691 = tpu.memref_squeeze %dma_wait3A_690 : memref<1x2x80xi32, #tpu.memory_space<vmem>> -> memref<2x80xi32, #tpu.memory_space<vmem>>
      %dma_wait3A_692 = arith.constant 0 : i32
      %dma_wait3A_693 = arith.constant 0 : i32
      %dma_wait3A_694 = tpu.memref_slice %arg3[%add3A, %add3A_686, %dma_wait3A_692, %dma_wait3A_693] : memref<32x125x2x80xi32, #tpu.memory_space<hbm>> -> memref<1x1x2x80xi32, #tpu.memory_space<hbm>>
      %dma_wait3A_695 = tpu.memref_squeeze %dma_wait3A_694 : memref<1x1x2x80xi32, #tpu.memory_space<hbm>> -> memref<2x80xi32, #tpu.memory_space<hbm>>
      %dma_wait3A_696 = arith.constant 0 : i32
      %dma_wait3A_697 = arith.constant 0 : i32
      %dma_wait3A_698 = tpu.memref_slice %arg7[%dma_wait3A_687, %dma_wait3A_696, %dma_wait3A_697] : memref<3x2x80xi32, #tpu.memory_space<vmem>> -> memref<1x2x80xi32, #tpu.memory_space<vmem>>
      %dma_wait3A_699 = tpu.memref_squeeze %dma_wait3A_698 : memref<1x2x80xi32, #tpu.memory_space<vmem>> -> memref<2x80xi32, #tpu.memory_space<vmem>>
      %dma_wait3A_700 = arith.constant 0 : i32
      %dma_wait3A_701 = arith.constant 0 : i32
      %dma_wait3A_702 = tpu.memref_slice %arg3[%add3A, %add3A_686, %dma_wait3A_700, %dma_wait3A_701] : memref<32x125x2x80xi32, #tpu.memory_space<hbm>> -> memref<1x1x2x80xi32, #tpu.memory_space<hbm>>
      %dma_wait3A_703 = tpu.memref_squeeze %dma_wait3A_702 : memref<1x1x2x80xi32, #tpu.memory_space<hbm>> -> memref<2x80xi32, #tpu.memory_space<hbm>>
      tpu.wait_dma2 semaphore(%arg11 : memref<!tpu.dma_semaphore, #tpu.memory_space<semaphore_mem>>) src(%dma_wait3A_703 : memref<2x80xi32, #tpu.memory_space<hbm>>) dst(%dma_wait3A_699 : memref<2x80xi32, #tpu.memory_space<vmem>>)
      %dma_start3A_704 = arith.constant 1 : i32
      %dma_start3A_705 = arith.constant 0 : i32
      %dma_start3A_706 = arith.constant 1 : i32
      %dma_start3A_707 = arith.constant 0 : i32
      %dma_start3A_708 = arith.constant 0 : i32
      %dma_start3A_709 = tpu.memref_slice %arg8[%dma_start3A_706, %dma_start3A_707, %dma_start3A_708] : memref<3x80x128xf32, #tpu.memory_space<vmem>> -> memref<1x80x128xf32, #tpu.memory_space<vmem>>
      %dma_start3A_710 = tpu.memref_squeeze %dma_start3A_709 : memref<1x80x128xf32, #tpu.memory_space<vmem>> -> memref<80x128xf32, #tpu.memory_space<vmem>>
      %dma_start3A_711 = arith.constant 0 : i32
      %dma_start3A_712 = tpu.memref_slice %arg7[%dma_start3A_704, %dma_start3A_705, %dma_start3A_711] : memref<3x2x80xi32, #tpu.memory_space<vmem>> -> memref<1x1x80xi32, #tpu.memory_space<vmem>>
      %dma_start3A_713 = tpu.memref_squeeze %dma_start3A_712 : memref<1x1x80xi32, #tpu.memory_space<vmem>> -> memref<80xi32, #tpu.memory_space<vmem>>
      %dma_start3A_714 = arith.constant 0 : i32
      %dma_start3A_715 = arith.constant 0 : i32
      %dma_start3A_716 = tpu.memref_slice %arg2[%dma_start3A_714, %dma_start3A_715] : memref<10000x128xf32, #tpu.memory_space<hbm>> -> memref<10000x128xf32, #tpu.memory_space<hbm>>
      tpu.enqueue_indirect_dma source(%dma_start3A_716 : memref<10000x128xf32, #tpu.memory_space<hbm>>) target(%dma_start3A_710 : memref<80x128xf32, #tpu.memory_space<vmem>>) offsets(%dma_start3A_713 : memref<80xi32, #tpu.memory_space<vmem>>) semaphore(%arg14 : memref<!tpu.dma_semaphore, #tpu.memory_space<semaphore_mem>>)
      %add3A_717 = arith.constant 3 : i32
      %add3A_718 = arith.addi %add3A_645, %add3A_717 : i32
      %dma_start3A_719 = arith.constant 2 : i32
      %dma_start3A_720 = arith.constant 0 : i32
      %dma_start3A_721 = arith.constant 0 : i32
      %dma_start3A_722 = tpu.memref_slice %arg7[%dma_start3A_719, %dma_start3A_720, %dma_start3A_721] : memref<3x2x80xi32, #tpu.memory_space<vmem>> -> memref<1x2x80xi32, #tpu.memory_space<vmem>>
      %dma_start3A_723 = tpu.memref_squeeze %dma_start3A_722 : memref<1x2x80xi32, #tpu.memory_space<vmem>> -> memref<2x80xi32, #tpu.memory_space<vmem>>
      %dma_start3A_724 = arith.constant 0 : i32
      %dma_start3A_725 = arith.constant 0 : i32
      %dma_start3A_726 = tpu.memref_slice %arg3[%add3A, %add3A_718, %dma_start3A_724, %dma_start3A_725] : memref<32x125x2x80xi32, #tpu.memory_space<hbm>> -> memref<1x1x2x80xi32, #tpu.memory_space<hbm>>
      %dma_start3A_727 = tpu.memref_squeeze %dma_start3A_726 : memref<1x1x2x80xi32, #tpu.memory_space<hbm>> -> memref<2x80xi32, #tpu.memory_space<hbm>>
      %dma_start3A_728 = arith.constant 0 : i32
      %dma_start3A_729 = arith.constant 0 : i32
      %dma_start3A_730 = tpu.memref_slice %arg7[%dma_start3A_719, %dma_start3A_728, %dma_start3A_729] : memref<3x2x80xi32, #tpu.memory_space<vmem>> -> memref<1x2x80xi32, #tpu.memory_space<vmem>>
      %dma_start3A_731 = tpu.memref_squeeze %dma_start3A_730 : memref<1x2x80xi32, #tpu.memory_space<vmem>> -> memref<2x80xi32, #tpu.memory_space<vmem>>
      %dma_start3A_732 = arith.constant 0 : i32
      %dma_start3A_733 = arith.constant 0 : i32
      %dma_start3A_734 = tpu.memref_slice %arg3[%add3A, %add3A_718, %dma_start3A_732, %dma_start3A_733] : memref<32x125x2x80xi32, #tpu.memory_space<hbm>> -> memref<1x1x2x80xi32, #tpu.memory_space<hbm>>
      %dma_start3A_735 = tpu.memref_squeeze %dma_start3A_734 : memref<1x1x2x80xi32, #tpu.memory_space<hbm>> -> memref<2x80xi32, #tpu.memory_space<hbm>>
      tpu.enqueue_dma source(%dma_start3A_735 : memref<2x80xi32, #tpu.memory_space<hbm>>) target(%dma_start3A_731 : memref<2x80xi32, #tpu.memory_space<vmem>>) target_semaphore(%arg12 : memref<!tpu.dma_semaphore, #tpu.memory_space<semaphore_mem>>)
    }
    %scan3A_123 = arith.constant 40 : i32
    %dma_wait3A_124 = arith.constant 0 : i32
    %dma_wait3A_125 = arith.constant 0 : i32
    %dma_wait3A_126 = arith.constant 0 : i32
    %dma_wait3A_127 = arith.constant 0 : i32
    %dma_wait3A_128 = arith.constant 0 : i32
    %dma_wait3A_129 = tpu.memref_slice %arg8[%dma_wait3A_126, %dma_wait3A_127, %dma_wait3A_128] : memref<3x80x128xf32, #tpu.memory_space<vmem>> -> memref<1x80x128xf32, #tpu.memory_space<vmem>>
    %dma_wait3A_130 = tpu.memref_squeeze %dma_wait3A_129 : memref<1x80x128xf32, #tpu.memory_space<vmem>> -> memref<80x128xf32, #tpu.memory_space<vmem>>
    %dma_wait3A_131 = arith.constant 0 : i32
    %dma_wait3A_132 = tpu.memref_slice %arg7[%dma_wait3A_124, %dma_wait3A_125, %dma_wait3A_131] : memref<3x2x80xi32, #tpu.memory_space<vmem>> -> memref<1x1x80xi32, #tpu.memory_space<vmem>>
    %dma_wait3A_133 = tpu.memref_squeeze %dma_wait3A_132 : memref<1x1x80xi32, #tpu.memory_space<vmem>> -> memref<80xi32, #tpu.memory_space<vmem>>
    %dma_wait3A_134 = arith.constant 0 : i32
    %dma_wait3A_135 = arith.constant 0 : i32
    %dma_wait3A_136 = tpu.memref_slice %arg2[%dma_wait3A_134, %dma_wait3A_135] : memref<10000x128xf32, #tpu.memory_space<hbm>> -> memref<10000x128xf32, #tpu.memory_space<hbm>>
    tpu.wait_indirect_dma semaphore(%arg13 : memref<!tpu.dma_semaphore, #tpu.memory_space<semaphore_mem>>) src(%dma_wait3A_136 : memref<10000x128xf32, #tpu.memory_space<hbm>>) dst(%dma_wait3A_130 : memref<80x128xf32, #tpu.memory_space<vmem>>)
    %dma_start3A_137 = arith.constant 0 : i32
    %dma_start3A_138 = arith.constant 0 : i32
    %dma_start3A_139 = arith.constant 1 : i32
    %dma_start3A_140 = arith.constant 0 : i32
    %dma_start3A_141 = arith.constant 0 : i32
    %dma_start3A_142 = tpu.memref_slice %arg8[%dma_start3A_137, %dma_start3A_140, %dma_start3A_141] : memref<3x80x128xf32, #tpu.memory_space<vmem>> -> memref<1x80x128xf32, #tpu.memory_space<vmem>>
    %dma_start3A_143 = tpu.memref_squeeze %dma_start3A_142 : memref<1x80x128xf32, #tpu.memory_space<vmem>> -> memref<80x128xf32, #tpu.memory_space<vmem>>
    %dma_start3A_144 = arith.constant 0 : i32
    %dma_start3A_145 = tpu.memref_slice %arg7[%dma_start3A_138, %dma_start3A_139, %dma_start3A_144] : memref<3x2x80xi32, #tpu.memory_space<vmem>> -> memref<1x1x80xi32, #tpu.memory_space<vmem>>
    %dma_start3A_146 = tpu.memref_squeeze %dma_start3A_145 : memref<1x1x80xi32, #tpu.memory_space<vmem>> -> memref<80xi32, #tpu.memory_space<vmem>>
    %dma_start3A_147 = arith.constant 0 : i32
    %dma_start3A_148 = arith.constant 0 : i32
    %dma_start3A_149 = tpu.memref_slice %arg9[%dma_start3A_147, %dma_start3A_148] : memref<10000x128xf32, #tpu.memory_space<vmem_shared>> -> memref<10000x128xf32, #tpu.memory_space<vmem_shared>>
    tpu.enqueue_indirect_dma source(%dma_start3A_143 : memref<80x128xf32, #tpu.memory_space<vmem>>) target(%dma_start3A_149 : memref<10000x128xf32, #tpu.memory_space<vmem_shared>>) offsets(%dma_start3A_146 : memref<80xi32, #tpu.memory_space<vmem>>) semaphore(%arg16 : memref<!tpu.dma_semaphore, #tpu.memory_space<semaphore_mem>>) {add = true}
    %dma_wait3A_150 = arith.constant 0 : i32
    %dma_wait3A_151 = arith.constant 0 : i32
    %dma_wait3A_152 = arith.constant 1 : i32
    %dma_wait3A_153 = arith.constant 0 : i32
    %dma_wait3A_154 = arith.constant 0 : i32
    %dma_wait3A_155 = tpu.memref_slice %arg8[%dma_wait3A_150, %dma_wait3A_153, %dma_wait3A_154] : memref<3x80x128xf32, #tpu.memory_space<vmem>> -> memref<1x80x128xf32, #tpu.memory_space<vmem>>
    %dma_wait3A_156 = tpu.memref_squeeze %dma_wait3A_155 : memref<1x80x128xf32, #tpu.memory_space<vmem>> -> memref<80x128xf32, #tpu.memory_space<vmem>>
    %dma_wait3A_157 = arith.constant 0 : i32
    %dma_wait3A_158 = tpu.memref_slice %arg7[%dma_wait3A_151, %dma_wait3A_152, %dma_wait3A_157] : memref<3x2x80xi32, #tpu.memory_space<vmem>> -> memref<1x1x80xi32, #tpu.memory_space<vmem>>
    %dma_wait3A_159 = tpu.memref_squeeze %dma_wait3A_158 : memref<1x1x80xi32, #tpu.memory_space<vmem>> -> memref<80xi32, #tpu.memory_space<vmem>>
    %dma_wait3A_160 = arith.constant 0 : i32
    %dma_wait3A_161 = arith.constant 0 : i32
    %dma_wait3A_162 = tpu.memref_slice %arg9[%dma_wait3A_160, %dma_wait3A_161] : memref<10000x128xf32, #tpu.memory_space<vmem_shared>> -> memref<10000x128xf32, #tpu.memory_space<vmem_shared>>
    tpu.wait_indirect_dma semaphore(%arg16 : memref<!tpu.dma_semaphore, #tpu.memory_space<semaphore_mem>>) src(%dma_wait3A_156 : memref<80x128xf32, #tpu.memory_space<vmem>>) dst(%dma_wait3A_162 : memref<10000x128xf32, #tpu.memory_space<vmem_shared>>)
    %dma_wait3A_163 = arith.constant 122 : i32
    %dma_wait3A_164 = arith.constant 2 : i32
    %dma_wait3A_165 = arith.constant 0 : i32
    %dma_wait3A_166 = arith.constant 0 : i32
    %dma_wait3A_167 = tpu.memref_slice %arg7[%dma_wait3A_164, %dma_wait3A_165, %dma_wait3A_166] : memref<3x2x80xi32, #tpu.memory_space<vmem>> -> memref<1x2x80xi32, #tpu.memory_space<vmem>>
    %dma_wait3A_168 = tpu.memref_squeeze %dma_wait3A_167 : memref<1x2x80xi32, #tpu.memory_space<vmem>> -> memref<2x80xi32, #tpu.memory_space<vmem>>
    %dma_wait3A_169 = arith.constant 0 : i32
    %dma_wait3A_170 = arith.constant 0 : i32
    %dma_wait3A_171 = tpu.memref_slice %arg3[%add3A, %dma_wait3A_163, %dma_wait3A_169, %dma_wait3A_170] : memref<32x125x2x80xi32, #tpu.memory_space<hbm>> -> memref<1x1x2x80xi32, #tpu.memory_space<hbm>>
    %dma_wait3A_172 = tpu.memref_squeeze %dma_wait3A_171 : memref<1x1x2x80xi32, #tpu.memory_space<hbm>> -> memref<2x80xi32, #tpu.memory_space<hbm>>
    %dma_wait3A_173 = arith.constant 0 : i32
    %dma_wait3A_174 = arith.constant 0 : i32
    %dma_wait3A_175 = tpu.memref_slice %arg7[%dma_wait3A_164, %dma_wait3A_173, %dma_wait3A_174] : memref<3x2x80xi32, #tpu.memory_space<vmem>> -> memref<1x2x80xi32, #tpu.memory_space<vmem>>
    %dma_wait3A_176 = tpu.memref_squeeze %dma_wait3A_175 : memref<1x2x80xi32, #tpu.memory_space<vmem>> -> memref<2x80xi32, #tpu.memory_space<vmem>>
    %dma_wait3A_177 = arith.constant 0 : i32
    %dma_wait3A_178 = arith.constant 0 : i32
    %dma_wait3A_179 = tpu.memref_slice %arg3[%add3A, %dma_wait3A_163, %dma_wait3A_177, %dma_wait3A_178] : memref<32x125x2x80xi32, #tpu.memory_space<hbm>> -> memref<1x1x2x80xi32, #tpu.memory_space<hbm>>
    %dma_wait3A_180 = tpu.memref_squeeze %dma_wait3A_179 : memref<1x1x2x80xi32, #tpu.memory_space<hbm>> -> memref<2x80xi32, #tpu.memory_space<hbm>>
    tpu.wait_dma2 semaphore(%arg12 : memref<!tpu.dma_semaphore, #tpu.memory_space<semaphore_mem>>) src(%dma_wait3A_180 : memref<2x80xi32, #tpu.memory_space<hbm>>) dst(%dma_wait3A_176 : memref<2x80xi32, #tpu.memory_space<vmem>>)
    %dma_start3A_181 = arith.constant 2 : i32
    %dma_start3A_182 = arith.constant 0 : i32
    %dma_start3A_183 = arith.constant 2 : i32
    %dma_start3A_184 = arith.constant 0 : i32
    %dma_start3A_185 = arith.constant 0 : i32
    %dma_start3A_186 = tpu.memref_slice %arg8[%dma_start3A_183, %dma_start3A_184, %dma_start3A_185] : memref<3x80x128xf32, #tpu.memory_space<vmem>> -> memref<1x80x128xf32, #tpu.memory_space<vmem>>
    %dma_start3A_187 = tpu.memref_squeeze %dma_start3A_186 : memref<1x80x128xf32, #tpu.memory_space<vmem>> -> memref<80x128xf32, #tpu.memory_space<vmem>>
    %dma_start3A_188 = arith.constant 0 : i32
    %dma_start3A_189 = tpu.memref_slice %arg7[%dma_start3A_181, %dma_start3A_182, %dma_start3A_188] : memref<3x2x80xi32, #tpu.memory_space<vmem>> -> memref<1x1x80xi32, #tpu.memory_space<vmem>>
    %dma_start3A_190 = tpu.memref_squeeze %dma_start3A_189 : memref<1x1x80xi32, #tpu.memory_space<vmem>> -> memref<80xi32, #tpu.memory_space<vmem>>
    %dma_start3A_191 = arith.constant 0 : i32
    %dma_start3A_192 = arith.constant 0 : i32
    %dma_start3A_193 = tpu.memref_slice %arg2[%dma_start3A_191, %dma_start3A_192] : memref<10000x128xf32, #tpu.memory_space<hbm>> -> memref<10000x128xf32, #tpu.memory_space<hbm>>
    tpu.enqueue_indirect_dma source(%dma_start3A_193 : memref<10000x128xf32, #tpu.memory_space<hbm>>) target(%dma_start3A_187 : memref<80x128xf32, #tpu.memory_space<vmem>>) offsets(%dma_start3A_190 : memref<80xi32, #tpu.memory_space<vmem>>) semaphore(%arg15 : memref<!tpu.dma_semaphore, #tpu.memory_space<semaphore_mem>>)
    %dma_start3A_194 = arith.constant 123 : i32
    %dma_start3A_195 = arith.constant 0 : i32
    %dma_start3A_196 = arith.constant 0 : i32
    %dma_start3A_197 = arith.constant 0 : i32
    %dma_start3A_198 = tpu.memref_slice %arg7[%dma_start3A_195, %dma_start3A_196, %dma_start3A_197] : memref<3x2x80xi32, #tpu.memory_space<vmem>> -> memref<1x2x80xi32, #tpu.memory_space<vmem>>
    %dma_start3A_199 = tpu.memref_squeeze %dma_start3A_198 : memref<1x2x80xi32, #tpu.memory_space<vmem>> -> memref<2x80xi32, #tpu.memory_space<vmem>>
    %dma_start3A_200 = arith.constant 0 : i32
    %dma_start3A_201 = arith.constant 0 : i32
    %dma_start3A_202 = tpu.memref_slice %arg3[%add3A, %dma_start3A_194, %dma_start3A_200, %dma_start3A_201] : memref<32x125x2x80xi32, #tpu.memory_space<hbm>> -> memref<1x1x2x80xi32, #tpu.memory_space<hbm>>
    %dma_start3A_203 = tpu.memref_squeeze %dma_start3A_202 : memref<1x1x2x80xi32, #tpu.memory_space<hbm>> -> memref<2x80xi32, #tpu.memory_space<hbm>>
    %dma_start3A_204 = arith.constant 0 : i32
    %dma_start3A_205 = arith.constant 0 : i32
    %dma_start3A_206 = tpu.memref_slice %arg7[%dma_start3A_195, %dma_start3A_204, %dma_start3A_205] : memref<3x2x80xi32, #tpu.memory_space<vmem>> -> memref<1x2x80xi32, #tpu.memory_space<vmem>>
    %dma_start3A_207 = tpu.memref_squeeze %dma_start3A_206 : memref<1x2x80xi32, #tpu.memory_space<vmem>> -> memref<2x80xi32, #tpu.memory_space<vmem>>
    %dma_start3A_208 = arith.constant 0 : i32
    %dma_start3A_209 = arith.constant 0 : i32
    %dma_start3A_210 = tpu.memref_slice %arg3[%add3A, %dma_start3A_194, %dma_start3A_208, %dma_start3A_209] : memref<32x125x2x80xi32, #tpu.memory_space<hbm>> -> memref<1x1x2x80xi32, #tpu.memory_space<hbm>>
    %dma_start3A_211 = tpu.memref_squeeze %dma_start3A_210 : memref<1x1x2x80xi32, #tpu.memory_space<hbm>> -> memref<2x80xi32, #tpu.memory_space<hbm>>
    tpu.enqueue_dma source(%dma_start3A_211 : memref<2x80xi32, #tpu.memory_space<hbm>>) target(%dma_start3A_207 : memref<2x80xi32, #tpu.memory_space<vmem>>) target_semaphore(%arg10 : memref<!tpu.dma_semaphore, #tpu.memory_space<semaphore_mem>>)
    %dma_wait3A_212 = arith.constant 1 : i32
    %dma_wait3A_213 = arith.constant 0 : i32
    %dma_wait3A_214 = arith.constant 1 : i32
    %dma_wait3A_215 = arith.constant 0 : i32
    %dma_wait3A_216 = arith.constant 0 : i32
    %dma_wait3A_217 = tpu.memref_slice %arg8[%dma_wait3A_214, %dma_wait3A_215, %dma_wait3A_216] : memref<3x80x128xf32, #tpu.memory_space<vmem>> -> memref<1x80x128xf32, #tpu.memory_space<vmem>>
    %dma_wait3A_218 = tpu.memref_squeeze %dma_wait3A_217 : memref<1x80x128xf32, #tpu.memory_space<vmem>> -> memref<80x128xf32, #tpu.memory_space<vmem>>
    %dma_wait3A_219 = arith.constant 0 : i32
    %dma_wait3A_220 = tpu.memref_slice %arg7[%dma_wait3A_212, %dma_wait3A_213, %dma_wait3A_219] : memref<3x2x80xi32, #tpu.memory_space<vmem>> -> memref<1x1x80xi32, #tpu.memory_space<vmem>>
    %dma_wait3A_221 = tpu.memref_squeeze %dma_wait3A_220 : memref<1x1x80xi32, #tpu.memory_space<vmem>> -> memref<80xi32, #tpu.memory_space<vmem>>
    %dma_wait3A_222 = arith.constant 0 : i32
    %dma_wait3A_223 = arith.constant 0 : i32
    %dma_wait3A_224 = tpu.memref_slice %arg2[%dma_wait3A_222, %dma_wait3A_223] : memref<10000x128xf32, #tpu.memory_space<hbm>> -> memref<10000x128xf32, #tpu.memory_space<hbm>>
    tpu.wait_indirect_dma semaphore(%arg14 : memref<!tpu.dma_semaphore, #tpu.memory_space<semaphore_mem>>) src(%dma_wait3A_224 : memref<10000x128xf32, #tpu.memory_space<hbm>>) dst(%dma_wait3A_218 : memref<80x128xf32, #tpu.memory_space<vmem>>)
    %dma_start3A_225 = arith.constant 1 : i32
    %dma_start3A_226 = arith.constant 1 : i32
    %dma_start3A_227 = arith.constant 1 : i32
    %dma_start3A_228 = arith.constant 0 : i32
    %dma_start3A_229 = arith.constant 0 : i32
    %dma_start3A_230 = tpu.memref_slice %arg8[%dma_start3A_225, %dma_start3A_228, %dma_start3A_229] : memref<3x80x128xf32, #tpu.memory_space<vmem>> -> memref<1x80x128xf32, #tpu.memory_space<vmem>>
    %dma_start3A_231 = tpu.memref_squeeze %dma_start3A_230 : memref<1x80x128xf32, #tpu.memory_space<vmem>> -> memref<80x128xf32, #tpu.memory_space<vmem>>
    %dma_start3A_232 = arith.constant 0 : i32
    %dma_start3A_233 = tpu.memref_slice %arg7[%dma_start3A_226, %dma_start3A_227, %dma_start3A_232] : memref<3x2x80xi32, #tpu.memory_space<vmem>> -> memref<1x1x80xi32, #tpu.memory_space<vmem>>
    %dma_start3A_234 = tpu.memref_squeeze %dma_start3A_233 : memref<1x1x80xi32, #tpu.memory_space<vmem>> -> memref<80xi32, #tpu.memory_space<vmem>>
    %dma_start3A_235 = arith.constant 0 : i32
    %dma_start3A_236 = arith.constant 0 : i32
    %dma_start3A_237 = tpu.memref_slice %arg9[%dma_start3A_235, %dma_start3A_236] : memref<10000x128xf32, #tpu.memory_space<vmem_shared>> -> memref<10000x128xf32, #tpu.memory_space<vmem_shared>>
    tpu.enqueue_indirect_dma source(%dma_start3A_231 : memref<80x128xf32, #tpu.memory_space<vmem>>) target(%dma_start3A_237 : memref<10000x128xf32, #tpu.memory_space<vmem_shared>>) offsets(%dma_start3A_234 : memref<80xi32, #tpu.memory_space<vmem>>) semaphore(%arg17 : memref<!tpu.dma_semaphore, #tpu.memory_space<semaphore_mem>>) {add = true}
    %dma_wait3A_238 = arith.constant 1 : i32
    %dma_wait3A_239 = arith.constant 1 : i32
    %dma_wait3A_240 = arith.constant 1 : i32
    %dma_wait3A_241 = arith.constant 0 : i32
    %dma_wait3A_242 = arith.constant 0 : i32
    %dma_wait3A_243 = tpu.memref_slice %arg8[%dma_wait3A_238, %dma_wait3A_241, %dma_wait3A_242] : memref<3x80x128xf32, #tpu.memory_space<vmem>> -> memref<1x80x128xf32, #tpu.memory_space<vmem>>
    %dma_wait3A_244 = tpu.memref_squeeze %dma_wait3A_243 : memref<1x80x128xf32, #tpu.memory_space<vmem>> -> memref<80x128xf32, #tpu.memory_space<vmem>>
    %dma_wait3A_245 = arith.constant 0 : i32
    %dma_wait3A_246 = tpu.memref_slice %arg7[%dma_wait3A_239, %dma_wait3A_240, %dma_wait3A_245] : memref<3x2x80xi32, #tpu.memory_space<vmem>> -> memref<1x1x80xi32, #tpu.memory_space<vmem>>
    %dma_wait3A_247 = tpu.memref_squeeze %dma_wait3A_246 : memref<1x1x80xi32, #tpu.memory_space<vmem>> -> memref<80xi32, #tpu.memory_space<vmem>>
    %dma_wait3A_248 = arith.constant 0 : i32
    %dma_wait3A_249 = arith.constant 0 : i32
    %dma_wait3A_250 = tpu.memref_slice %arg9[%dma_wait3A_248, %dma_wait3A_249] : memref<10000x128xf32, #tpu.memory_space<vmem_shared>> -> memref<10000x128xf32, #tpu.memory_space<vmem_shared>>
    tpu.wait_indirect_dma semaphore(%arg17 : memref<!tpu.dma_semaphore, #tpu.memory_space<semaphore_mem>>) src(%dma_wait3A_244 : memref<80x128xf32, #tpu.memory_space<vmem>>) dst(%dma_wait3A_250 : memref<10000x128xf32, #tpu.memory_space<vmem_shared>>)
    %dma_wait3A_251 = arith.constant 123 : i32
    %dma_wait3A_252 = arith.constant 0 : i32
    %dma_wait3A_253 = arith.constant 0 : i32
    %dma_wait3A_254 = arith.constant 0 : i32
    %dma_wait3A_255 = tpu.memref_slice %arg7[%dma_wait3A_252, %dma_wait3A_253, %dma_wait3A_254] : memref<3x2x80xi32, #tpu.memory_space<vmem>> -> memref<1x2x80xi32, #tpu.memory_space<vmem>>
    %dma_wait3A_256 = tpu.memref_squeeze %dma_wait3A_255 : memref<1x2x80xi32, #tpu.memory_space<vmem>> -> memref<2x80xi32, #tpu.memory_space<vmem>>
    %dma_wait3A_257 = arith.constant 0 : i32
    %dma_wait3A_258 = arith.constant 0 : i32
    %dma_wait3A_259 = tpu.memref_slice %arg3[%add3A, %dma_wait3A_251, %dma_wait3A_257, %dma_wait3A_258] : memref<32x125x2x80xi32, #tpu.memory_space<hbm>> -> memref<1x1x2x80xi32, #tpu.memory_space<hbm>>
    %dma_wait3A_260 = tpu.memref_squeeze %dma_wait3A_259 : memref<1x1x2x80xi32, #tpu.memory_space<hbm>> -> memref<2x80xi32, #tpu.memory_space<hbm>>
    %dma_wait3A_261 = arith.constant 0 : i32
    %dma_wait3A_262 = arith.constant 0 : i32
    %dma_wait3A_263 = tpu.memref_slice %arg7[%dma_wait3A_252, %dma_wait3A_261, %dma_wait3A_262] : memref<3x2x80xi32, #tpu.memory_space<vmem>> -> memref<1x2x80xi32, #tpu.memory_space<vmem>>
    %dma_wait3A_264 = tpu.memref_squeeze %dma_wait3A_263 : memref<1x2x80xi32, #tpu.memory_space<vmem>> -> memref<2x80xi32, #tpu.memory_space<vmem>>
    %dma_wait3A_265 = arith.constant 0 : i32
    %dma_wait3A_266 = arith.constant 0 : i32
    %dma_wait3A_267 = tpu.memref_slice %arg3[%add3A, %dma_wait3A_251, %dma_wait3A_265, %dma_wait3A_266] : memref<32x125x2x80xi32, #tpu.memory_space<hbm>> -> memref<1x1x2x80xi32, #tpu.memory_space<hbm>>
    %dma_wait3A_268 = tpu.memref_squeeze %dma_wait3A_267 : memref<1x1x2x80xi32, #tpu.memory_space<hbm>> -> memref<2x80xi32, #tpu.memory_space<hbm>>
    tpu.wait_dma2 semaphore(%arg10 : memref<!tpu.dma_semaphore, #tpu.memory_space<semaphore_mem>>) src(%dma_wait3A_268 : memref<2x80xi32, #tpu.memory_space<hbm>>) dst(%dma_wait3A_264 : memref<2x80xi32, #tpu.memory_space<vmem>>)
    %dma_start3A_269 = arith.constant 0 : i32
    %dma_start3A_270 = arith.constant 0 : i32
    %dma_start3A_271 = arith.constant 0 : i32
    %dma_start3A_272 = arith.constant 0 : i32
    %dma_start3A_273 = arith.constant 0 : i32
    %dma_start3A_274 = tpu.memref_slice %arg8[%dma_start3A_271, %dma_start3A_272, %dma_start3A_273] : memref<3x80x128xf32, #tpu.memory_space<vmem>> -> memref<1x80x128xf32, #tpu.memory_space<vmem>>
    %dma_start3A_275 = tpu.memref_squeeze %dma_start3A_274 : memref<1x80x128xf32, #tpu.memory_space<vmem>> -> memref<80x128xf32, #tpu.memory_space<vmem>>
    %dma_start3A_276 = arith.constant 0 : i32
    %dma_start3A_277 = tpu.memref_slice %arg7[%dma_start3A_269, %dma_start3A_270, %dma_start3A_276] : memref<3x2x80xi32, #tpu.memory_space<vmem>> -> memref<1x1x80xi32, #tpu.memory_space<vmem>>
    %dma_start3A_278 = tpu.memref_squeeze %dma_start3A_277 : memref<1x1x80xi32, #tpu.memory_space<vmem>> -> memref<80xi32, #tpu.memory_space<vmem>>
    %dma_start3A_279 = arith.constant 0 : i32
    %dma_start3A_280 = arith.constant 0 : i32
    %dma_start3A_281 = tpu.memref_slice %arg2[%dma_start3A_279, %dma_start3A_280] : memref<10000x128xf32, #tpu.memory_space<hbm>> -> memref<10000x128xf32, #tpu.memory_space<hbm>>
    tpu.enqueue_indirect_dma source(%dma_start3A_281 : memref<10000x128xf32, #tpu.memory_space<hbm>>) target(%dma_start3A_275 : memref<80x128xf32, #tpu.memory_space<vmem>>) offsets(%dma_start3A_278 : memref<80xi32, #tpu.memory_space<vmem>>) semaphore(%arg13 : memref<!tpu.dma_semaphore, #tpu.memory_space<semaphore_mem>>)
    %dma_start3A_282 = arith.constant 124 : i32
    %dma_start3A_283 = arith.constant 1 : i32
    %dma_start3A_284 = arith.constant 0 : i32
    %dma_start3A_285 = arith.constant 0 : i32
    %dma_start3A_286 = tpu.memref_slice %arg7[%dma_start3A_283, %dma_start3A_284, %dma_start3A_285] : memref<3x2x80xi32, #tpu.memory_space<vmem>> -> memref<1x2x80xi32, #tpu.memory_space<vmem>>
    %dma_start3A_287 = tpu.memref_squeeze %dma_start3A_286 : memref<1x2x80xi32, #tpu.memory_space<vmem>> -> memref<2x80xi32, #tpu.memory_space<vmem>>
    %dma_start3A_288 = arith.constant 0 : i32
    %dma_start3A_289 = arith.constant 0 : i32
    %dma_start3A_290 = tpu.memref_slice %arg3[%add3A, %dma_start3A_282, %dma_start3A_288, %dma_start3A_289] : memref<32x125x2x80xi32, #tpu.memory_space<hbm>> -> memref<1x1x2x80xi32, #tpu.memory_space<hbm>>
    %dma_start3A_291 = tpu.memref_squeeze %dma_start3A_290 : memref<1x1x2x80xi32, #tpu.memory_space<hbm>> -> memref<2x80xi32, #tpu.memory_space<hbm>>
    %dma_start3A_292 = arith.constant 0 : i32
    %dma_start3A_293 = arith.constant 0 : i32
    %dma_start3A_294 = tpu.memref_slice %arg7[%dma_start3A_283, %dma_start3A_292, %dma_start3A_293] : memref<3x2x80xi32, #tpu.memory_space<vmem>> -> memref<1x2x80xi32, #tpu.memory_space<vmem>>
    %dma_start3A_295 = tpu.memref_squeeze %dma_start3A_294 : memref<1x2x80xi32, #tpu.memory_space<vmem>> -> memref<2x80xi32, #tpu.memory_space<vmem>>
    %dma_start3A_296 = arith.constant 0 : i32
    %dma_start3A_297 = arith.constant 0 : i32
    %dma_start3A_298 = tpu.memref_slice %arg3[%add3A, %dma_start3A_282, %dma_start3A_296, %dma_start3A_297] : memref<32x125x2x80xi32, #tpu.memory_space<hbm>> -> memref<1x1x2x80xi32, #tpu.memory_space<hbm>>
    %dma_start3A_299 = tpu.memref_squeeze %dma_start3A_298 : memref<1x1x2x80xi32, #tpu.memory_space<hbm>> -> memref<2x80xi32, #tpu.memory_space<hbm>>
    tpu.enqueue_dma source(%dma_start3A_299 : memref<2x80xi32, #tpu.memory_space<hbm>>) target(%dma_start3A_295 : memref<2x80xi32, #tpu.memory_space<vmem>>) target_semaphore(%arg11 : memref<!tpu.dma_semaphore, #tpu.memory_space<semaphore_mem>>)
    %dma_wait3A_300 = arith.constant 2 : i32
    %dma_wait3A_301 = arith.constant 0 : i32
    %dma_wait3A_302 = arith.constant 2 : i32
    %dma_wait3A_303 = arith.constant 0 : i32
    %dma_wait3A_304 = arith.constant 0 : i32
    %dma_wait3A_305 = tpu.memref_slice %arg8[%dma_wait3A_302, %dma_wait3A_303, %dma_wait3A_304] : memref<3x80x128xf32, #tpu.memory_space<vmem>> -> memref<1x80x128xf32, #tpu.memory_space<vmem>>
    %dma_wait3A_306 = tpu.memref_squeeze %dma_wait3A_305 : memref<1x80x128xf32, #tpu.memory_space<vmem>> -> memref<80x128xf32, #tpu.memory_space<vmem>>
    %dma_wait3A_307 = arith.constant 0 : i32
    %dma_wait3A_308 = tpu.memref_slice %arg7[%dma_wait3A_300, %dma_wait3A_301, %dma_wait3A_307] : memref<3x2x80xi32, #tpu.memory_space<vmem>> -> memref<1x1x80xi32, #tpu.memory_space<vmem>>
    %dma_wait3A_309 = tpu.memref_squeeze %dma_wait3A_308 : memref<1x1x80xi32, #tpu.memory_space<vmem>> -> memref<80xi32, #tpu.memory_space<vmem>>
    %dma_wait3A_310 = arith.constant 0 : i32
    %dma_wait3A_311 = arith.constant 0 : i32
    %dma_wait3A_312 = tpu.memref_slice %arg2[%dma_wait3A_310, %dma_wait3A_311] : memref<10000x128xf32, #tpu.memory_space<hbm>> -> memref<10000x128xf32, #tpu.memory_space<hbm>>
    tpu.wait_indirect_dma semaphore(%arg15 : memref<!tpu.dma_semaphore, #tpu.memory_space<semaphore_mem>>) src(%dma_wait3A_312 : memref<10000x128xf32, #tpu.memory_space<hbm>>) dst(%dma_wait3A_306 : memref<80x128xf32, #tpu.memory_space<vmem>>)
    %dma_start3A_313 = arith.constant 2 : i32
    %dma_start3A_314 = arith.constant 2 : i32
    %dma_start3A_315 = arith.constant 1 : i32
    %dma_start3A_316 = arith.constant 0 : i32
    %dma_start3A_317 = arith.constant 0 : i32
    %dma_start3A_318 = tpu.memref_slice %arg8[%dma_start3A_313, %dma_start3A_316, %dma_start3A_317] : memref<3x80x128xf32, #tpu.memory_space<vmem>> -> memref<1x80x128xf32, #tpu.memory_space<vmem>>
    %dma_start3A_319 = tpu.memref_squeeze %dma_start3A_318 : memref<1x80x128xf32, #tpu.memory_space<vmem>> -> memref<80x128xf32, #tpu.memory_space<vmem>>
    %dma_start3A_320 = arith.constant 0 : i32
    %dma_start3A_321 = tpu.memref_slice %arg7[%dma_start3A_314, %dma_start3A_315, %dma_start3A_320] : memref<3x2x80xi32, #tpu.memory_space<vmem>> -> memref<1x1x80xi32, #tpu.memory_space<vmem>>
    %dma_start3A_322 = tpu.memref_squeeze %dma_start3A_321 : memref<1x1x80xi32, #tpu.memory_space<vmem>> -> memref<80xi32, #tpu.memory_space<vmem>>
    %dma_start3A_323 = arith.constant 0 : i32
    %dma_start3A_324 = arith.constant 0 : i32
    %dma_start3A_325 = tpu.memref_slice %arg9[%dma_start3A_323, %dma_start3A_324] : memref<10000x128xf32, #tpu.memory_space<vmem_shared>> -> memref<10000x128xf32, #tpu.memory_space<vmem_shared>>
    tpu.enqueue_indirect_dma source(%dma_start3A_319 : memref<80x128xf32, #tpu.memory_space<vmem>>) target(%dma_start3A_325 : memref<10000x128xf32, #tpu.memory_space<vmem_shared>>) offsets(%dma_start3A_322 : memref<80xi32, #tpu.memory_space<vmem>>) semaphore(%arg18 : memref<!tpu.dma_semaphore, #tpu.memory_space<semaphore_mem>>) {add = true}
    %dma_wait3A_326 = arith.constant 2 : i32
    %dma_wait3A_327 = arith.constant 2 : i32
    %dma_wait3A_328 = arith.constant 1 : i32
    %dma_wait3A_329 = arith.constant 0 : i32
    %dma_wait3A_330 = arith.constant 0 : i32
    %dma_wait3A_331 = tpu.memref_slice %arg8[%dma_wait3A_326, %dma_wait3A_329, %dma_wait3A_330] : memref<3x80x128xf32, #tpu.memory_space<vmem>> -> memref<1x80x128xf32, #tpu.memory_space<vmem>>
    %dma_wait3A_332 = tpu.memref_squeeze %dma_wait3A_331 : memref<1x80x128xf32, #tpu.memory_space<vmem>> -> memref<80x128xf32, #tpu.memory_space<vmem>>
    %dma_wait3A_333 = arith.constant 0 : i32
    %dma_wait3A_334 = tpu.memref_slice %arg7[%dma_wait3A_327, %dma_wait3A_328, %dma_wait3A_333] : memref<3x2x80xi32, #tpu.memory_space<vmem>> -> memref<1x1x80xi32, #tpu.memory_space<vmem>>
    %dma_wait3A_335 = tpu.memref_squeeze %dma_wait3A_334 : memref<1x1x80xi32, #tpu.memory_space<vmem>> -> memref<80xi32, #tpu.memory_space<vmem>>
    %dma_wait3A_336 = arith.constant 0 : i32
    %dma_wait3A_337 = arith.constant 0 : i32
    %dma_wait3A_338 = tpu.memref_slice %arg9[%dma_wait3A_336, %dma_wait3A_337] : memref<10000x128xf32, #tpu.memory_space<vmem_shared>> -> memref<10000x128xf32, #tpu.memory_space<vmem_shared>>
    tpu.wait_indirect_dma semaphore(%arg18 : memref<!tpu.dma_semaphore, #tpu.memory_space<semaphore_mem>>) src(%dma_wait3A_332 : memref<80x128xf32, #tpu.memory_space<vmem>>) dst(%dma_wait3A_338 : memref<10000x128xf32, #tpu.memory_space<vmem_shared>>)
    %dma_wait3A_339 = arith.constant 124 : i32
    %dma_wait3A_340 = arith.constant 1 : i32
    %dma_wait3A_341 = arith.constant 0 : i32
    %dma_wait3A_342 = arith.constant 0 : i32
    %dma_wait3A_343 = tpu.memref_slice %arg7[%dma_wait3A_340, %dma_wait3A_341, %dma_wait3A_342] : memref<3x2x80xi32, #tpu.memory_space<vmem>> -> memref<1x2x80xi32, #tpu.memory_space<vmem>>
    %dma_wait3A_344 = tpu.memref_squeeze %dma_wait3A_343 : memref<1x2x80xi32, #tpu.memory_space<vmem>> -> memref<2x80xi32, #tpu.memory_space<vmem>>
    %dma_wait3A_345 = arith.constant 0 : i32
    %dma_wait3A_346 = arith.constant 0 : i32
    %dma_wait3A_347 = tpu.memref_slice %arg3[%add3A, %dma_wait3A_339, %dma_wait3A_345, %dma_wait3A_346] : memref<32x125x2x80xi32, #tpu.memory_space<hbm>> -> memref<1x1x2x80xi32, #tpu.memory_space<hbm>>
    %dma_wait3A_348 = tpu.memref_squeeze %dma_wait3A_347 : memref<1x1x2x80xi32, #tpu.memory_space<hbm>> -> memref<2x80xi32, #tpu.memory_space<hbm>>
    %dma_wait3A_349 = arith.constant 0 : i32
    %dma_wait3A_350 = arith.constant 0 : i32
    %dma_wait3A_351 = tpu.memref_slice %arg7[%dma_wait3A_340, %dma_wait3A_349, %dma_wait3A_350] : memref<3x2x80xi32, #tpu.memory_space<vmem>> -> memref<1x2x80xi32, #tpu.memory_space<vmem>>
    %dma_wait3A_352 = tpu.memref_squeeze %dma_wait3A_351 : memref<1x2x80xi32, #tpu.memory_space<vmem>> -> memref<2x80xi32, #tpu.memory_space<vmem>>
    %dma_wait3A_353 = arith.constant 0 : i32
    %dma_wait3A_354 = arith.constant 0 : i32
    %dma_wait3A_355 = tpu.memref_slice %arg3[%add3A, %dma_wait3A_339, %dma_wait3A_353, %dma_wait3A_354] : memref<32x125x2x80xi32, #tpu.memory_space<hbm>> -> memref<1x1x2x80xi32, #tpu.memory_space<hbm>>
    %dma_wait3A_356 = tpu.memref_squeeze %dma_wait3A_355 : memref<1x1x2x80xi32, #tpu.memory_space<hbm>> -> memref<2x80xi32, #tpu.memory_space<hbm>>
    tpu.wait_dma2 semaphore(%arg11 : memref<!tpu.dma_semaphore, #tpu.memory_space<semaphore_mem>>) src(%dma_wait3A_356 : memref<2x80xi32, #tpu.memory_space<hbm>>) dst(%dma_wait3A_352 : memref<2x80xi32, #tpu.memory_space<vmem>>)
    %dma_start3A_357 = arith.constant 1 : i32
    %dma_start3A_358 = arith.constant 0 : i32
    %dma_start3A_359 = arith.constant 1 : i32
    %dma_start3A_360 = arith.constant 0 : i32
    %dma_start3A_361 = arith.constant 0 : i32
    %dma_start3A_362 = tpu.memref_slice %arg8[%dma_start3A_359, %dma_start3A_360, %dma_start3A_361] : memref<3x80x128xf32, #tpu.memory_space<vmem>> -> memref<1x80x128xf32, #tpu.memory_space<vmem>>
    %dma_start3A_363 = tpu.memref_squeeze %dma_start3A_362 : memref<1x80x128xf32, #tpu.memory_space<vmem>> -> memref<80x128xf32, #tpu.memory_space<vmem>>
    %dma_start3A_364 = arith.constant 0 : i32
    %dma_start3A_365 = tpu.memref_slice %arg7[%dma_start3A_357, %dma_start3A_358, %dma_start3A_364] : memref<3x2x80xi32, #tpu.memory_space<vmem>> -> memref<1x1x80xi32, #tpu.memory_space<vmem>>
    %dma_start3A_366 = tpu.memref_squeeze %dma_start3A_365 : memref<1x1x80xi32, #tpu.memory_space<vmem>> -> memref<80xi32, #tpu.memory_space<vmem>>
    %dma_start3A_367 = arith.constant 0 : i32
    %dma_start3A_368 = arith.constant 0 : i32
    %dma_start3A_369 = tpu.memref_slice %arg2[%dma_start3A_367, %dma_start3A_368] : memref<10000x128xf32, #tpu.memory_space<hbm>> -> memref<10000x128xf32, #tpu.memory_space<hbm>>
    tpu.enqueue_indirect_dma source(%dma_start3A_369 : memref<10000x128xf32, #tpu.memory_space<hbm>>) target(%dma_start3A_363 : memref<80x128xf32, #tpu.memory_space<vmem>>) offsets(%dma_start3A_366 : memref<80xi32, #tpu.memory_space<vmem>>) semaphore(%arg14 : memref<!tpu.dma_semaphore, #tpu.memory_space<semaphore_mem>>)
    %dma_wait3A_370 = arith.constant 0 : i32
    %dma_wait3A_371 = arith.constant 0 : i32
    %dma_wait3A_372 = arith.constant 0 : i32
    %dma_wait3A_373 = arith.constant 0 : i32
    %dma_wait3A_374 = arith.constant 0 : i32
    %dma_wait3A_375 = tpu.memref_slice %arg8[%dma_wait3A_372, %dma_wait3A_373, %dma_wait3A_374] : memref<3x80x128xf32, #tpu.memory_space<vmem>> -> memref<1x80x128xf32, #tpu.memory_space<vmem>>
    %dma_wait3A_376 = tpu.memref_squeeze %dma_wait3A_375 : memref<1x80x128xf32, #tpu.memory_space<vmem>> -> memref<80x128xf32, #tpu.memory_space<vmem>>
    %dma_wait3A_377 = arith.constant 0 : i32
    %dma_wait3A_378 = tpu.memref_slice %arg7[%dma_wait3A_370, %dma_wait3A_371, %dma_wait3A_377] : memref<3x2x80xi32, #tpu.memory_space<vmem>> -> memref<1x1x80xi32, #tpu.memory_space<vmem>>
    %dma_wait3A_379 = tpu.memref_squeeze %dma_wait3A_378 : memref<1x1x80xi32, #tpu.memory_space<vmem>> -> memref<80xi32, #tpu.memory_space<vmem>>
    %dma_wait3A_380 = arith.constant 0 : i32
    %dma_wait3A_381 = arith.constant 0 : i32
    %dma_wait3A_382 = tpu.memref_slice %arg2[%dma_wait3A_380, %dma_wait3A_381] : memref<10000x128xf32, #tpu.memory_space<hbm>> -> memref<10000x128xf32, #tpu.memory_space<hbm>>
    tpu.wait_indirect_dma semaphore(%arg13 : memref<!tpu.dma_semaphore, #tpu.memory_space<semaphore_mem>>) src(%dma_wait3A_382 : memref<10000x128xf32, #tpu.memory_space<hbm>>) dst(%dma_wait3A_376 : memref<80x128xf32, #tpu.memory_space<vmem>>)
    %dma_start3A_383 = arith.constant 0 : i32
    %dma_start3A_384 = arith.constant 0 : i32
    %dma_start3A_385 = arith.constant 1 : i32
    %dma_start3A_386 = arith.constant 0 : i32
    %dma_start3A_387 = arith.constant 0 : i32
    %dma_start3A_388 = tpu.memref_slice %arg8[%dma_start3A_383, %dma_start3A_386, %dma_start3A_387] : memref<3x80x128xf32, #tpu.memory_space<vmem>> -> memref<1x80x128xf32, #tpu.memory_space<vmem>>
    %dma_start3A_389 = tpu.memref_squeeze %dma_start3A_388 : memref<1x80x128xf32, #tpu.memory_space<vmem>> -> memref<80x128xf32, #tpu.memory_space<vmem>>
    %dma_start3A_390 = arith.constant 0 : i32
    %dma_start3A_391 = tpu.memref_slice %arg7[%dma_start3A_384, %dma_start3A_385, %dma_start3A_390] : memref<3x2x80xi32, #tpu.memory_space<vmem>> -> memref<1x1x80xi32, #tpu.memory_space<vmem>>
    %dma_start3A_392 = tpu.memref_squeeze %dma_start3A_391 : memref<1x1x80xi32, #tpu.memory_space<vmem>> -> memref<80xi32, #tpu.memory_space<vmem>>
    %dma_start3A_393 = arith.constant 0 : i32
    %dma_start3A_394 = arith.constant 0 : i32
    %dma_start3A_395 = tpu.memref_slice %arg9[%dma_start3A_393, %dma_start3A_394] : memref<10000x128xf32, #tpu.memory_space<vmem_shared>> -> memref<10000x128xf32, #tpu.memory_space<vmem_shared>>
    tpu.enqueue_indirect_dma source(%dma_start3A_389 : memref<80x128xf32, #tpu.memory_space<vmem>>) target(%dma_start3A_395 : memref<10000x128xf32, #tpu.memory_space<vmem_shared>>) offsets(%dma_start3A_392 : memref<80xi32, #tpu.memory_space<vmem>>) semaphore(%arg16 : memref<!tpu.dma_semaphore, #tpu.memory_space<semaphore_mem>>) {add = true}
    %dma_wait3A_396 = arith.constant 0 : i32
    %dma_wait3A_397 = arith.constant 0 : i32
    %dma_wait3A_398 = arith.constant 1 : i32
    %dma_wait3A_399 = arith.constant 0 : i32
    %dma_wait3A_400 = arith.constant 0 : i32
    %dma_wait3A_401 = tpu.memref_slice %arg8[%dma_wait3A_396, %dma_wait3A_399, %dma_wait3A_400] : memref<3x80x128xf32, #tpu.memory_space<vmem>> -> memref<1x80x128xf32, #tpu.memory_space<vmem>>
    %dma_wait3A_402 = tpu.memref_squeeze %dma_wait3A_401 : memref<1x80x128xf32, #tpu.memory_space<vmem>> -> memref<80x128xf32, #tpu.memory_space<vmem>>
    %dma_wait3A_403 = arith.constant 0 : i32
    %dma_wait3A_404 = tpu.memref_slice %arg7[%dma_wait3A_397, %dma_wait3A_398, %dma_wait3A_403] : memref<3x2x80xi32, #tpu.memory_space<vmem>> -> memref<1x1x80xi32, #tpu.memory_space<vmem>>
    %dma_wait3A_405 = tpu.memref_squeeze %dma_wait3A_404 : memref<1x1x80xi32, #tpu.memory_space<vmem>> -> memref<80xi32, #tpu.memory_space<vmem>>
    %dma_wait3A_406 = arith.constant 0 : i32
    %dma_wait3A_407 = arith.constant 0 : i32
    %dma_wait3A_408 = tpu.memref_slice %arg9[%dma_wait3A_406, %dma_wait3A_407] : memref<10000x128xf32, #tpu.memory_space<vmem_shared>> -> memref<10000x128xf32, #tpu.memory_space<vmem_shared>>
    tpu.wait_indirect_dma semaphore(%arg16 : memref<!tpu.dma_semaphore, #tpu.memory_space<semaphore_mem>>) src(%dma_wait3A_402 : memref<80x128xf32, #tpu.memory_space<vmem>>) dst(%dma_wait3A_408 : memref<10000x128xf32, #tpu.memory_space<vmem_shared>>)
    %dma_wait3A_409 = arith.constant 1 : i32
    %dma_wait3A_410 = arith.constant 0 : i32
    %dma_wait3A_411 = arith.constant 1 : i32
    %dma_wait3A_412 = arith.constant 0 : i32
    %dma_wait3A_413 = arith.constant 0 : i32
    %dma_wait3A_414 = tpu.memref_slice %arg8[%dma_wait3A_411, %dma_wait3A_412, %dma_wait3A_413] : memref<3x80x128xf32, #tpu.memory_space<vmem>> -> memref<1x80x128xf32, #tpu.memory_space<vmem>>
    %dma_wait3A_415 = tpu.memref_squeeze %dma_wait3A_414 : memref<1x80x128xf32, #tpu.memory_space<vmem>> -> memref<80x128xf32, #tpu.memory_space<vmem>>
    %dma_wait3A_416 = arith.constant 0 : i32
    %dma_wait3A_417 = tpu.memref_slice %arg7[%dma_wait3A_409, %dma_wait3A_410, %dma_wait3A_416] : memref<3x2x80xi32, #tpu.memory_space<vmem>> -> memref<1x1x80xi32, #tpu.memory_space<vmem>>
    %dma_wait3A_418 = tpu.memref_squeeze %dma_wait3A_417 : memref<1x1x80xi32, #tpu.memory_space<vmem>> -> memref<80xi32, #tpu.memory_space<vmem>>
    %dma_wait3A_419 = arith.constant 0 : i32
    %dma_wait3A_420 = arith.constant 0 : i32
    %dma_wait3A_421 = tpu.memref_slice %arg2[%dma_wait3A_419, %dma_wait3A_420] : memref<10000x128xf32, #tpu.memory_space<hbm>> -> memref<10000x128xf32, #tpu.memory_space<hbm>>
    tpu.wait_indirect_dma semaphore(%arg14 : memref<!tpu.dma_semaphore, #tpu.memory_space<semaphore_mem>>) src(%dma_wait3A_421 : memref<10000x128xf32, #tpu.memory_space<hbm>>) dst(%dma_wait3A_415 : memref<80x128xf32, #tpu.memory_space<vmem>>)
    %dma_start3A_422 = arith.constant 1 : i32
    %dma_start3A_423 = arith.constant 1 : i32
    %dma_start3A_424 = arith.constant 1 : i32
    %dma_start3A_425 = arith.constant 0 : i32
    %dma_start3A_426 = arith.constant 0 : i32
    %dma_start3A_427 = tpu.memref_slice %arg8[%dma_start3A_422, %dma_start3A_425, %dma_start3A_426] : memref<3x80x128xf32, #tpu.memory_space<vmem>> -> memref<1x80x128xf32, #tpu.memory_space<vmem>>
    %dma_start3A_428 = tpu.memref_squeeze %dma_start3A_427 : memref<1x80x128xf32, #tpu.memory_space<vmem>> -> memref<80x128xf32, #tpu.memory_space<vmem>>
    %dma_start3A_429 = arith.constant 0 : i32
    %dma_start3A_430 = tpu.memref_slice %arg7[%dma_start3A_423, %dma_start3A_424, %dma_start3A_429] : memref<3x2x80xi32, #tpu.memory_space<vmem>> -> memref<1x1x80xi32, #tpu.memory_space<vmem>>
    %dma_start3A_431 = tpu.memref_squeeze %dma_start3A_430 : memref<1x1x80xi32, #tpu.memory_space<vmem>> -> memref<80xi32, #tpu.memory_space<vmem>>
    %dma_start3A_432 = arith.constant 0 : i32
    %dma_start3A_433 = arith.constant 0 : i32
    %dma_start3A_434 = tpu.memref_slice %arg9[%dma_start3A_432, %dma_start3A_433] : memref<10000x128xf32, #tpu.memory_space<vmem_shared>> -> memref<10000x128xf32, #tpu.memory_space<vmem_shared>>
    tpu.enqueue_indirect_dma source(%dma_start3A_428 : memref<80x128xf32, #tpu.memory_space<vmem>>) target(%dma_start3A_434 : memref<10000x128xf32, #tpu.memory_space<vmem_shared>>) offsets(%dma_start3A_431 : memref<80xi32, #tpu.memory_space<vmem>>) semaphore(%arg17 : memref<!tpu.dma_semaphore, #tpu.memory_space<semaphore_mem>>) {add = true}
    %dma_wait3A_435 = arith.constant 1 : i32
    %dma_wait3A_436 = arith.constant 1 : i32
    %dma_wait3A_437 = arith.constant 1 : i32
    %dma_wait3A_438 = arith.constant 0 : i32
    %dma_wait3A_439 = arith.constant 0 : i32
    %dma_wait3A_440 = tpu.memref_slice %arg8[%dma_wait3A_435, %dma_wait3A_438, %dma_wait3A_439] : memref<3x80x128xf32, #tpu.memory_space<vmem>> -> memref<1x80x128xf32, #tpu.memory_space<vmem>>
    %dma_wait3A_441 = tpu.memref_squeeze %dma_wait3A_440 : memref<1x80x128xf32, #tpu.memory_space<vmem>> -> memref<80x128xf32, #tpu.memory_space<vmem>>
    %dma_wait3A_442 = arith.constant 0 : i32
    %dma_wait3A_443 = tpu.memref_slice %arg7[%dma_wait3A_436, %dma_wait3A_437, %dma_wait3A_442] : memref<3x2x80xi32, #tpu.memory_space<vmem>> -> memref<1x1x80xi32, #tpu.memory_space<vmem>>
    %dma_wait3A_444 = tpu.memref_squeeze %dma_wait3A_443 : memref<1x1x80xi32, #tpu.memory_space<vmem>> -> memref<80xi32, #tpu.memory_space<vmem>>
    %dma_wait3A_445 = arith.constant 0 : i32
    %dma_wait3A_446 = arith.constant 0 : i32
    %dma_wait3A_447 = tpu.memref_slice %arg9[%dma_wait3A_445, %dma_wait3A_446] : memref<10000x128xf32, #tpu.memory_space<vmem_shared>> -> memref<10000x128xf32, #tpu.memory_space<vmem_shared>>
    tpu.wait_indirect_dma semaphore(%arg17 : memref<!tpu.dma_semaphore, #tpu.memory_space<semaphore_mem>>) src(%dma_wait3A_441 : memref<80x128xf32, #tpu.memory_space<vmem>>) dst(%dma_wait3A_447 : memref<10000x128xf32, #tpu.memory_space<vmem_shared>>)
    %barrier3A_448 = arith.constant 0 : index
    tpu.barrier barrier_id(%barrier3A_448)
    %eq3A_449 = arith.constant 0 : i32
    %eq3A_450 = arith.cmpi eq, %arg0, %eq3A_449 : i32
    %convert_element_type3A_451 = arith.extui %eq3A_450 : i1 to i32
    %cond3A_452 = arith.constant 0 : i32
    %cond3A_453 = arith.cmpi ne, %convert_element_type3A_451, %cond3A_452 : i32
    scf.if %cond3A_453 {
      "tpu.region"() ({
        %run_scoped3A = tpu.sem_alloc : memref<!tpu.dma_semaphore, #tpu.memory_space<semaphore_mem>>
        %dma_start3A_464 = arith.constant 0 : i32
        %dma_start3A_465 = tpu.memref_slice %arg5[%mul3A_19, %dma_start3A_464] : memref<10000x128xf32, #tpu.memory_space<hbm>> -> memref<624x128xf32, #tpu.memory_space<hbm>>
        %dma_start3A_466 = arith.constant 0 : i32
        %dma_start3A_467 = tpu.memref_slice %arg9[%mul3A_19, %dma_start3A_466] : memref<10000x128xf32, #tpu.memory_space<vmem_shared>> -> memref<624x128xf32, #tpu.memory_space<vmem_shared>>
        tpu.enqueue_dma source(%dma_start3A_467 : memref<624x128xf32, #tpu.memory_space<vmem_shared>>) target(%dma_start3A_465 : memref<624x128xf32, #tpu.memory_space<hbm>>) target_semaphore(%run_scoped3A : memref<!tpu.dma_semaphore, #tpu.memory_space<semaphore_mem>>)
        %dma_wait3A_468 = arith.constant 0 : i32
        %dma_wait3A_469 = tpu.memref_slice %arg5[%mul3A_19, %dma_wait3A_468] : memref<10000x128xf32, #tpu.memory_space<hbm>> -> memref<624x128xf32, #tpu.memory_space<hbm>>
        %dma_wait3A_470 = arith.constant 0 : i32
        %dma_wait3A_471 = tpu.memref_slice %arg9[%mul3A_19, %dma_wait3A_470] : memref<10000x128xf32, #tpu.memory_space<vmem_shared>> -> memref<624x128xf32, #tpu.memory_space<vmem_shared>>
        tpu.wait_dma2 semaphore(%run_scoped3A : memref<!tpu.dma_semaphore, #tpu.memory_space<semaphore_mem>>) src(%dma_wait3A_471 : memref<624x128xf32, #tpu.memory_space<vmem_shared>>) dst(%dma_wait3A_469 : memref<624x128xf32, #tpu.memory_space<hbm>>)
        tpu.yield
      }) : () -> ()
      %eq3A_459 = arith.constant 0 : i32
      %eq3A_460 = arith.cmpi eq, %arg1, %eq3A_459 : i32
      %convert_element_type3A_461 = arith.extui %eq3A_460 : i1 to i32
      %cond3A_462 = arith.constant 0 : i32
      %cond3A_463 = arith.cmpi ne, %convert_element_type3A_461, %cond3A_462 : i32
      scf.if %cond3A_463 {
        "tpu.region"() ({
          %run_scoped3A = tpu.sem_alloc : memref<!tpu.dma_semaphore, #tpu.memory_space<semaphore_mem>>
          %dma_start3A_464 = arith.constant 9984 : i32
          %dma_start3A_465 = arith.constant 0 : i32
          %dma_start3A_466 = tpu.memref_slice %arg5[%dma_start3A_464, %dma_start3A_465] : memref<10000x128xf32, #tpu.memory_space<hbm>> -> memref<16x128xf32, #tpu.memory_space<hbm>>
          %dma_start3A_467 = arith.constant 9984 : i32
          %dma_start3A_468 = arith.constant 0 : i32
          %dma_start3A_469 = tpu.memref_slice %arg9[%dma_start3A_467, %dma_start3A_468] : memref<10000x128xf32, #tpu.memory_space<vmem_shared>> -> memref<16x128xf32, #tpu.memory_space<vmem_shared>>
          tpu.enqueue_dma source(%dma_start3A_469 : memref<16x128xf32, #tpu.memory_space<vmem_shared>>) target(%dma_start3A_466 : memref<16x128xf32, #tpu.memory_space<hbm>>) target_semaphore(%run_scoped3A : memref<!tpu.dma_semaphore, #tpu.memory_space<semaphore_mem>>)
          %dma_wait3A_470 = arith.constant 9984 : i32
          %dma_wait3A_471 = arith.constant 0 : i32
          %dma_wait3A_472 = tpu.memref_slice %arg5[%dma_wait3A_470, %dma_wait3A_471] : memref<10000x128xf32, #tpu.memory_space<hbm>> -> memref<16x128xf32, #tpu.memory_space<hbm>>
          %dma_wait3A_473 = arith.constant 9984 : i32
          %dma_wait3A_474 = arith.constant 0 : i32
          %dma_wait3A_475 = tpu.memref_slice %arg9[%dma_wait3A_473, %dma_wait3A_474] : memref<10000x128xf32, #tpu.memory_space<vmem_shared>> -> memref<16x128xf32, #tpu.memory_space<vmem_shared>>
          tpu.wait_dma2 semaphore(%run_scoped3A : memref<!tpu.dma_semaphore, #tpu.memory_space<semaphore_mem>>) src(%dma_wait3A_475 : memref<16x128xf32, #tpu.memory_space<vmem_shared>>) dst(%dma_wait3A_472 : memref<16x128xf32, #tpu.memory_space<hbm>>)
          tpu.yield
        }) : () -> ()
      } else {
      }
    } else {
    }
    %eq3A_454 = arith.constant 1 : i32
    %eq3A_455 = arith.cmpi eq, %arg0, %eq3A_454 : i32
    %convert_element_type3A_456 = arith.extui %eq3A_455 : i1 to i32
    %cond3A_457 = arith.constant 0 : i32
    %cond3A_458 = arith.cmpi ne, %convert_element_type3A_456, %cond3A_457 : i32
    scf.if %cond3A_458 {
      "tpu.region"() ({
        %run_scoped3A = tpu.sem_alloc : memref<!tpu.dma_semaphore, #tpu.memory_space<semaphore_mem>>
        %dma_start3A_464 = arith.constant 0 : i32
        %dma_start3A_465 = tpu.memref_slice %arg6[%mul3A_19, %dma_start3A_464] : memref<10000x128xf32, #tpu.memory_space<hbm>> -> memref<624x128xf32, #tpu.memory_space<hbm>>
        %dma_start3A_466 = arith.constant 0 : i32
        %dma_start3A_467 = tpu.memref_slice %arg9[%mul3A_19, %dma_start3A_466] : memref<10000x128xf32, #tpu.memory_space<vmem_shared>> -> memref<624x128xf32, #tpu.memory_space<vmem_shared>>
        tpu.enqueue_dma source(%dma_start3A_467 : memref<624x128xf32, #tpu.memory_space<vmem_shared>>) target(%dma_start3A_465 : memref<624x128xf32, #tpu.memory_space<hbm>>) target_semaphore(%run_scoped3A : memref<!tpu.dma_semaphore, #tpu.memory_space<semaphore_mem>>)
        %dma_wait3A_468 = arith.constant 0 : i32
        %dma_wait3A_469 = tpu.memref_slice %arg6[%mul3A_19, %dma_wait3A_468] : memref<10000x128xf32, #tpu.memory_space<hbm>> -> memref<624x128xf32, #tpu.memory_space<hbm>>
        %dma_wait3A_470 = arith.constant 0 : i32
        %dma_wait3A_471 = tpu.memref_slice %arg9[%mul3A_19, %dma_wait3A_470] : memref<10000x128xf32, #tpu.memory_space<vmem_shared>> -> memref<624x128xf32, #tpu.memory_space<vmem_shared>>
        tpu.wait_dma2 semaphore(%run_scoped3A : memref<!tpu.dma_semaphore, #tpu.memory_space<semaphore_mem>>) src(%dma_wait3A_471 : memref<624x128xf32, #tpu.memory_space<vmem_shared>>) dst(%dma_wait3A_469 : memref<624x128xf32, #tpu.memory_space<hbm>>)
        tpu.yield
      }) : () -> ()
      %eq3A_459 = arith.constant 0 : i32
      %eq3A_460 = arith.cmpi eq, %arg1, %eq3A_459 : i32
      %convert_element_type3A_461 = arith.extui %eq3A_460 : i1 to i32
      %cond3A_462 = arith.constant 0 : i32
      %cond3A_463 = arith.cmpi ne, %convert_element_type3A_461, %cond3A_462 : i32
      scf.if %cond3A_463 {
        "tpu.region"() ({
          %run_scoped3A = tpu.sem_alloc : memref<!tpu.dma_semaphore, #tpu.memory_space<semaphore_mem>>
          %dma_start3A_464 = arith.constant 9984 : i32
          %dma_start3A_465 = arith.constant 0 : i32
          %dma_start3A_466 = tpu.memref_slice %arg6[%dma_start3A_464, %dma_start3A_465] : memref<10000x128xf32, #tpu.memory_space<hbm>> -> memref<16x128xf32, #tpu.memory_space<hbm>>
          %dma_start3A_467 = arith.constant 9984 : i32
          %dma_start3A_468 = arith.constant 0 : i32
          %dma_start3A_469 = tpu.memref_slice %arg9[%dma_start3A_467, %dma_start3A_468] : memref<10000x128xf32, #tpu.memory_space<vmem_shared>> -> memref<16x128xf32, #tpu.memory_space<vmem_shared>>
          tpu.enqueue_dma source(%dma_start3A_469 : memref<16x128xf32, #tpu.memory_space<vmem_shared>>) target(%dma_start3A_466 : memref<16x128xf32, #tpu.memory_space<hbm>>) target_semaphore(%run_scoped3A : memref<!tpu.dma_semaphore, #tpu.memory_space<semaphore_mem>>)
          %dma_wait3A_470 = arith.constant 9984 : i32
          %dma_wait3A_471 = arith.constant 0 : i32
          %dma_wait3A_472 = tpu.memref_slice %arg6[%dma_wait3A_470, %dma_wait3A_471] : memref<10000x128xf32, #tpu.memory_space<hbm>> -> memref<16x128xf32, #tpu.memory_space<hbm>>
          %dma_wait3A_473 = arith.constant 9984 : i32
          %dma_wait3A_474 = arith.constant 0 : i32
          %dma_wait3A_475 = tpu.memref_slice %arg9[%dma_wait3A_473, %dma_wait3A_474] : memref<10000x128xf32, #tpu.memory_space<vmem_shared>> -> memref<16x128xf32, #tpu.memory_space<vmem_shared>>
          tpu.wait_dma2 semaphore(%run_scoped3A : memref<!tpu.dma_semaphore, #tpu.memory_space<semaphore_mem>>) src(%dma_wait3A_475 : memref<16x128xf32, #tpu.memory_space<vmem_shared>>) dst(%dma_wait3A_472 : memref<16x128xf32, #tpu.memory_space<hbm>>)
          tpu.yield
        }) : () -> ()
      } else {
      }
    } else {
    }
    return
  }
}

#map = affine_map<(d0, d1) -> (0, 0)>
#map1 = affine_map<(d0, d1) -> (0, 0, 0, 0)>
module attributes {stable_mosaic.version = 14 : i64} {
  func.func @k(%arg0: i32, %arg1: i32, %arg2: memref<10000x128xf32, #tpu.memory_space<hbm>>, %arg3: memref<32x125x2x80xi32, #tpu.memory_space<hbm>>, %arg4: memref<10000x128xf32, #tpu.memory_space<hbm>>, %arg5: memref<10000x128xf32, #tpu.memory_space<hbm>>, %arg6: memref<10000x128xf32, #tpu.memory_space<hbm>>, %arg7: memref<3x2x80xi32, #tpu.memory_space<vmem>>, %arg8: memref<3x80x128xf32, #tpu.memory_space<vmem>>, %arg9: memref<10000x128xf32, #tpu.memory_space<vmem_shared>>, %arg10: memref<!tpu.dma_semaphore, #tpu.memory_space<semaphore_mem>>, %arg11: memref<!tpu.dma_semaphore, #tpu.memory_space<semaphore_mem>>, %arg12: memref<!tpu.dma_semaphore, #tpu.memory_space<semaphore_mem>>, %arg13: memref<!tpu.dma_semaphore, #tpu.memory_space<semaphore_mem>>, %arg14: memref<!tpu.dma_semaphore, #tpu.memory_space<semaphore_mem>>, %arg15: memref<!tpu.dma_semaphore, #tpu.memory_space<semaphore_mem>>, %arg16: memref<!tpu.dma_semaphore, #tpu.memory_space<semaphore_mem>>, %arg17: memref<!tpu.dma_semaphore, #tpu.memory_space<semaphore_mem>>, %arg18: memref<!tpu.dma_semaphore, #tpu.memory_space<semaphore_mem>>) attributes {dimension_semantics = [#tpu.dimension_semantics<core_parallel>, #tpu.dimension_semantics<subcore_parallel>], iteration_bounds = array<i64: 2, 16>, scalar_prefetch = 0 : i64, scratch_operands = 12 : i64, tpu.core_type = #tpu.core_type<sc_vector_subcore>, window_params = [{transform_indices = #map}, {transform_indices = #map1}, {transform_indices = #map}, {transform_indices = #map}, {transform_indices = #map}]} {
    %mul3A = arith.constant 16 : i32
    %mul3A_0 = arith.muli %arg0, %mul3A : i32
    %add3A = arith.addi %mul3A_0, %arg1 : i32
    %dma_start3A = arith.constant 0 : i32
    %dma_start3A_1 = arith.constant 0 : i32
    %dma_start3A_2 = arith.constant 0 : i32
    %dma_start3A_3 = arith.constant 0 : i32
    %dma_start3A_4 = tpu.memref_slice %arg7[%dma_start3A_1, %dma_start3A_2, %dma_start3A_3] : memref<3x2x80xi32, #tpu.memory_space<vmem>> -> memref<1x2x80xi32, #tpu.memory_space<vmem>>
    %dma_start3A_5 = tpu.memref_squeeze %dma_start3A_4 : memref<1x2x80xi32, #tpu.memory_space<vmem>> -> memref<2x80xi32, #tpu.memory_space<vmem>>
    %dma_start3A_6 = arith.constant 0 : i32
    %dma_start3A_7 = arith.constant 0 : i32
    %dma_start3A_8 = tpu.memref_slice %arg3[%add3A, %dma_start3A, %dma_start3A_6, %dma_start3A_7] : memref<32x125x2x80xi32, #tpu.memory_space<hbm>> -> memref<1x1x2x80xi32, #tpu.memory_space<hbm>>
    %dma_start3A_9 = tpu.memref_squeeze %dma_start3A_8 : memref<1x1x2x80xi32, #tpu.memory_space<hbm>> -> memref<2x80xi32, #tpu.memory_space<hbm>>
    %dma_start3A_10 = arith.constant 0 : i32
    %dma_start3A_11 = arith.constant 0 : i32
    %dma_start3A_12 = tpu.memref_slice %arg7[%dma_start3A_1, %dma_start3A_10, %dma_start3A_11] : memref<3x2x80xi32, #tpu.memory_space<vmem>> -> memref<1x2x80xi32, #tpu.memory_space<vmem>>
    %dma_start3A_13 = tpu.memref_squeeze %dma_start3A_12 : memref<1x2x80xi32, #tpu.memory_space<vmem>> -> memref<2x80xi32, #tpu.memory_space<vmem>>
    %dma_start3A_14 = arith.constant 0 : i32
    %dma_start3A_15 = arith.constant 0 : i32
    %dma_start3A_16 = tpu.memref_slice %arg3[%add3A, %dma_start3A, %dma_start3A_14, %dma_start3A_15] : memref<32x125x2x80xi32, #tpu.memory_space<hbm>> -> memref<1x1x2x80xi32, #tpu.memory_space<hbm>>
    %dma_start3A_17 = tpu.memref_squeeze %dma_start3A_16 : memref<1x1x2x80xi32, #tpu.memory_space<hbm>> -> memref<2x80xi32, #tpu.memory_space<hbm>>
    tpu.enqueue_dma source(%dma_start3A_17 : memref<2x80xi32, #tpu.memory_space<hbm>>) target(%dma_start3A_13 : memref<2x80xi32, #tpu.memory_space<vmem>>) target_semaphore(%arg10 : memref<!tpu.dma_semaphore, #tpu.memory_space<semaphore_mem>>)
    %mul3A_18 = arith.constant 624 : i32
    %mul3A_19 = arith.muli %arg1, %mul3A_18 : i32
    "tpu.region"() ({
      %run_scoped3A = tpu.sem_alloc : memref<!tpu.dma_semaphore, #tpu.memory_space<semaphore_mem>>
      %dma_start3A_459 = arith.constant 0 : i32
      %dma_start3A_460 = tpu.memref_slice %arg9[%mul3A_19, %dma_start3A_459] : memref<10000x128xf32, #tpu.memory_space<vmem_shared>> -> memref<624x128xf32, #tpu.memory_space<vmem_shared>>
      %dma_start3A_461 = arith.constant 0 : i32
      %dma_start3A_462 = tpu.memref_slice %arg4[%mul3A_19, %dma_start3A_461] : memref<10000x128xf32, #tpu.memory_space<hbm>> -> memref<624x128xf32, #tpu.memory_space<hbm>>
      tpu.enqueue_dma source(%dma_start3A_462 : memref<624x128xf32, #tpu.memory_space<hbm>>) target(%dma_start3A_460 : memref<624x128xf32, #tpu.memory_space<vmem_shared>>) target_semaphore(%run_scoped3A : memref<!tpu.dma_semaphore, #tpu.memory_space<semaphore_mem>>)
      %dma_wait3A_463 = arith.constant 0 : i32
      %dma_wait3A_464 = tpu.memref_slice %arg9[%mul3A_19, %dma_wait3A_463] : memref<10000x128xf32, #tpu.memory_space<vmem_shared>> -> memref<624x128xf32, #tpu.memory_space<vmem_shared>>
      %dma_wait3A_465 = arith.constant 0 : i32
      %dma_wait3A_466 = tpu.memref_slice %arg4[%mul3A_19, %dma_wait3A_465] : memref<10000x128xf32, #tpu.memory_space<hbm>> -> memref<624x128xf32, #tpu.memory_space<hbm>>
      tpu.wait_dma2 semaphore(%run_scoped3A : memref<!tpu.dma_semaphore, #tpu.memory_space<semaphore_mem>>) src(%dma_wait3A_466 : memref<624x128xf32, #tpu.memory_space<hbm>>) dst(%dma_wait3A_464 : memref<624x128xf32, #tpu.memory_space<vmem_shared>>)
      tpu.yield
    }) : () -> ()
    %eq3A = arith.constant 0 : i32
    %eq3A_20 = arith.cmpi eq, %arg1, %eq3A : i32
    %convert_element_type3A = arith.extui %eq3A_20 : i1 to i32
    %cond3A = arith.constant 0 : i32
    %cond3A_21 = arith.cmpi ne, %convert_element_type3A, %cond3A : i32
    scf.if %cond3A_21 {
      "tpu.region"() ({
        %run_scoped3A = tpu.sem_alloc : memref<!tpu.dma_semaphore, #tpu.memory_space<semaphore_mem>>
        %dma_start3A_459 = arith.constant 9984 : i32
        %dma_start3A_460 = arith.constant 0 : i32
        %dma_start3A_461 = tpu.memref_slice %arg9[%dma_start3A_459, %dma_start3A_460] : memref<10000x128xf32, #tpu.memory_space<vmem_shared>> -> memref<16x128xf32, #tpu.memory_space<vmem_shared>>
        %dma_start3A_462 = arith.constant 9984 : i32
        %dma_start3A_463 = arith.constant 0 : i32
        %dma_start3A_464 = tpu.memref_slice %arg4[%dma_start3A_462, %dma_start3A_463] : memref<10000x128xf32, #tpu.memory_space<hbm>> -> memref<16x128xf32, #tpu.memory_space<hbm>>
        tpu.enqueue_dma source(%dma_start3A_464 : memref<16x128xf32, #tpu.memory_space<hbm>>) target(%dma_start3A_461 : memref<16x128xf32, #tpu.memory_space<vmem_shared>>) target_semaphore(%run_scoped3A : memref<!tpu.dma_semaphore, #tpu.memory_space<semaphore_mem>>)
        %dma_wait3A_465 = arith.constant 9984 : i32
        %dma_wait3A_466 = arith.constant 0 : i32
        %dma_wait3A_467 = tpu.memref_slice %arg9[%dma_wait3A_465, %dma_wait3A_466] : memref<10000x128xf32, #tpu.memory_space<vmem_shared>> -> memref<16x128xf32, #tpu.memory_space<vmem_shared>>
        %dma_wait3A_468 = arith.constant 9984 : i32
        %dma_wait3A_469 = arith.constant 0 : i32
        %dma_wait3A_470 = tpu.memref_slice %arg4[%dma_wait3A_468, %dma_wait3A_469] : memref<10000x128xf32, #tpu.memory_space<hbm>> -> memref<16x128xf32, #tpu.memory_space<hbm>>
        tpu.wait_dma2 semaphore(%run_scoped3A : memref<!tpu.dma_semaphore, #tpu.memory_space<semaphore_mem>>) src(%dma_wait3A_470 : memref<16x128xf32, #tpu.memory_space<hbm>>) dst(%dma_wait3A_467 : memref<16x128xf32, #tpu.memory_space<vmem_shared>>)
        tpu.yield
      }) : () -> ()
    } else {
    }
    %barrier3A = arith.constant 0 : index
    tpu.barrier barrier_id(%barrier3A)
    %dma_start3A_22 = arith.constant 1 : i32
    %dma_start3A_23 = arith.constant 1 : i32
    %dma_start3A_24 = arith.constant 0 : i32
    %dma_start3A_25 = arith.constant 0 : i32
    %dma_start3A_26 = tpu.memref_slice %arg7[%dma_start3A_23, %dma_start3A_24, %dma_start3A_25] : memref<3x2x80xi32, #tpu.memory_space<vmem>> -> memref<1x2x80xi32, #tpu.memory_space<vmem>>
    %dma_start3A_27 = tpu.memref_squeeze %dma_start3A_26 : memref<1x2x80xi32, #tpu.memory_space<vmem>> -> memref<2x80xi32, #tpu.memory_space<vmem>>
    %dma_start3A_28 = arith.constant 0 : i32
    %dma_start3A_29 = arith.constant 0 : i32
    %dma_start3A_30 = tpu.memref_slice %arg3[%add3A, %dma_start3A_22, %dma_start3A_28, %dma_start3A_29] : memref<32x125x2x80xi32, #tpu.memory_space<hbm>> -> memref<1x1x2x80xi32, #tpu.memory_space<hbm>>
    %dma_start3A_31 = tpu.memref_squeeze %dma_start3A_30 : memref<1x1x2x80xi32, #tpu.memory_space<hbm>> -> memref<2x80xi32, #tpu.memory_space<hbm>>
    %dma_start3A_32 = arith.constant 0 : i32
    %dma_start3A_33 = arith.constant 0 : i32
    %dma_start3A_34 = tpu.memref_slice %arg7[%dma_start3A_23, %dma_start3A_32, %dma_start3A_33] : memref<3x2x80xi32, #tpu.memory_space<vmem>> -> memref<1x2x80xi32, #tpu.memory_space<vmem>>
    %dma_start3A_35 = tpu.memref_squeeze %dma_start3A_34 : memref<1x2x80xi32, #tpu.memory_space<vmem>> -> memref<2x80xi32, #tpu.memory_space<vmem>>
    %dma_start3A_36 = arith.constant 0 : i32
    %dma_start3A_37 = arith.constant 0 : i32
    %dma_start3A_38 = tpu.memref_slice %arg3[%add3A, %dma_start3A_22, %dma_start3A_36, %dma_start3A_37] : memref<32x125x2x80xi32, #tpu.memory_space<hbm>> -> memref<1x1x2x80xi32, #tpu.memory_space<hbm>>
    %dma_start3A_39 = tpu.memref_squeeze %dma_start3A_38 : memref<1x1x2x80xi32, #tpu.memory_space<hbm>> -> memref<2x80xi32, #tpu.memory_space<hbm>>
    tpu.enqueue_dma source(%dma_start3A_39 : memref<2x80xi32, #tpu.memory_space<hbm>>) target(%dma_start3A_35 : memref<2x80xi32, #tpu.memory_space<vmem>>) target_semaphore(%arg11 : memref<!tpu.dma_semaphore, #tpu.memory_space<semaphore_mem>>)
    %dma_wait3A = arith.constant 0 : i32
    %dma_wait3A_40 = arith.constant 0 : i32
    %dma_wait3A_41 = arith.constant 0 : i32
    %dma_wait3A_42 = arith.constant 0 : i32
    %dma_wait3A_43 = tpu.memref_slice %arg7[%dma_wait3A_40, %dma_wait3A_41, %dma_wait3A_42] : memref<3x2x80xi32, #tpu.memory_space<vmem>> -> memref<1x2x80xi32, #tpu.memory_space<vmem>>
    %dma_wait3A_44 = tpu.memref_squeeze %dma_wait3A_43 : memref<1x2x80xi32, #tpu.memory_space<vmem>> -> memref<2x80xi32, #tpu.memory_space<vmem>>
    %dma_wait3A_45 = arith.constant 0 : i32
    %dma_wait3A_46 = arith.constant 0 : i32
    %dma_wait3A_47 = tpu.memref_slice %arg3[%add3A, %dma_wait3A, %dma_wait3A_45, %dma_wait3A_46] : memref<32x125x2x80xi32, #tpu.memory_space<hbm>> -> memref<1x1x2x80xi32, #tpu.memory_space<hbm>>
    %dma_wait3A_48 = tpu.memref_squeeze %dma_wait3A_47 : memref<1x1x2x80xi32, #tpu.memory_space<hbm>> -> memref<2x80xi32, #tpu.memory_space<hbm>>
    %dma_wait3A_49 = arith.constant 0 : i32
    %dma_wait3A_50 = arith.constant 0 : i32
    %dma_wait3A_51 = tpu.memref_slice %arg7[%dma_wait3A_40, %dma_wait3A_49, %dma_wait3A_50] : memref<3x2x80xi32, #tpu.memory_space<vmem>> -> memref<1x2x80xi32, #tpu.memory_space<vmem>>
    %dma_wait3A_52 = tpu.memref_squeeze %dma_wait3A_51 : memref<1x2x80xi32, #tpu.memory_space<vmem>> -> memref<2x80xi32, #tpu.memory_space<vmem>>
    %dma_wait3A_53 = arith.constant 0 : i32
    %dma_wait3A_54 = arith.constant 0 : i32
    %dma_wait3A_55 = tpu.memref_slice %arg3[%add3A, %dma_wait3A, %dma_wait3A_53, %dma_wait3A_54] : memref<32x125x2x80xi32, #tpu.memory_space<hbm>> -> memref<1x1x2x80xi32, #tpu.memory_space<hbm>>
    %dma_wait3A_56 = tpu.memref_squeeze %dma_wait3A_55 : memref<1x1x2x80xi32, #tpu.memory_space<hbm>> -> memref<2x80xi32, #tpu.memory_space<hbm>>
    tpu.wait_dma2 semaphore(%arg10 : memref<!tpu.dma_semaphore, #tpu.memory_space<semaphore_mem>>) src(%dma_wait3A_56 : memref<2x80xi32, #tpu.memory_space<hbm>>) dst(%dma_wait3A_52 : memref<2x80xi32, #tpu.memory_space<vmem>>)
    %dma_start3A_57 = arith.constant 0 : i32
    %dma_start3A_58 = arith.constant 0 : i32
    %dma_start3A_59 = arith.constant 0 : i32
    %dma_start3A_60 = arith.constant 0 : i32
    %dma_start3A_61 = arith.constant 0 : i32
    %dma_start3A_62 = tpu.memref_slice %arg8[%dma_start3A_59, %dma_start3A_60, %dma_start3A_61] : memref<3x80x128xf32, #tpu.memory_space<vmem>> -> memref<1x80x128xf32, #tpu.memory_space<vmem>>
    %dma_start3A_63 = tpu.memref_squeeze %dma_start3A_62 : memref<1x80x128xf32, #tpu.memory_space<vmem>> -> memref<80x128xf32, #tpu.memory_space<vmem>>
    %dma_start3A_64 = arith.constant 0 : i32
    %dma_start3A_65 = tpu.memref_slice %arg7[%dma_start3A_57, %dma_start3A_58, %dma_start3A_64] : memref<3x2x80xi32, #tpu.memory_space<vmem>> -> memref<1x1x80xi32, #tpu.memory_space<vmem>>
    %dma_start3A_66 = tpu.memref_squeeze %dma_start3A_65 : memref<1x1x80xi32, #tpu.memory_space<vmem>> -> memref<80xi32, #tpu.memory_space<vmem>>
    %dma_start3A_67 = arith.constant 0 : i32
    %dma_start3A_68 = arith.constant 0 : i32
    %dma_start3A_69 = tpu.memref_slice %arg2[%dma_start3A_67, %dma_start3A_68] : memref<10000x128xf32, #tpu.memory_space<hbm>> -> memref<10000x128xf32, #tpu.memory_space<hbm>>
    tpu.enqueue_indirect_dma source(%dma_start3A_69 : memref<10000x128xf32, #tpu.memory_space<hbm>>) target(%dma_start3A_63 : memref<80x128xf32, #tpu.memory_space<vmem>>) offsets(%dma_start3A_66 : memref<80xi32, #tpu.memory_space<vmem>>) semaphore(%arg13 : memref<!tpu.dma_semaphore, #tpu.memory_space<semaphore_mem>>)
    %dma_start3A_70 = arith.constant 2 : i32
    %dma_start3A_71 = arith.constant 2 : i32
    %dma_start3A_72 = arith.constant 0 : i32
    %dma_start3A_73 = arith.constant 0 : i32
    %dma_start3A_74 = tpu.memref_slice %arg7[%dma_start3A_71, %dma_start3A_72, %dma_start3A_73] : memref<3x2x80xi32, #tpu.memory_space<vmem>> -> memref<1x2x80xi32, #tpu.memory_space<vmem>>
    %dma_start3A_75 = tpu.memref_squeeze %dma_start3A_74 : memref<1x2x80xi32, #tpu.memory_space<vmem>> -> memref<2x80xi32, #tpu.memory_space<vmem>>
    %dma_start3A_76 = arith.constant 0 : i32
    %dma_start3A_77 = arith.constant 0 : i32
    %dma_start3A_78 = tpu.memref_slice %arg3[%add3A, %dma_start3A_70, %dma_start3A_76, %dma_start3A_77] : memref<32x125x2x80xi32, #tpu.memory_space<hbm>> -> memref<1x1x2x80xi32, #tpu.memory_space<hbm>>
    %dma_start3A_79 = tpu.memref_squeeze %dma_start3A_78 : memref<1x1x2x80xi32, #tpu.memory_space<hbm>> -> memref<2x80xi32, #tpu.memory_space<hbm>>
    %dma_start3A_80 = arith.constant 0 : i32
    %dma_start3A_81 = arith.constant 0 : i32
    %dma_start3A_82 = tpu.memref_slice %arg7[%dma_start3A_71, %dma_start3A_80, %dma_start3A_81] : memref<3x2x80xi32, #tpu.memory_space<vmem>> -> memref<1x2x80xi32, #tpu.memory_space<vmem>>
    %dma_start3A_83 = tpu.memref_squeeze %dma_start3A_82 : memref<1x2x80xi32, #tpu.memory_space<vmem>> -> memref<2x80xi32, #tpu.memory_space<vmem>>
    %dma_start3A_84 = arith.constant 0 : i32
    %dma_start3A_85 = arith.constant 0 : i32
    %dma_start3A_86 = tpu.memref_slice %arg3[%add3A, %dma_start3A_70, %dma_start3A_84, %dma_start3A_85] : memref<32x125x2x80xi32, #tpu.memory_space<hbm>> -> memref<1x1x2x80xi32, #tpu.memory_space<hbm>>
    %dma_start3A_87 = tpu.memref_squeeze %dma_start3A_86 : memref<1x1x2x80xi32, #tpu.memory_space<hbm>> -> memref<2x80xi32, #tpu.memory_space<hbm>>
    tpu.enqueue_dma source(%dma_start3A_87 : memref<2x80xi32, #tpu.memory_space<hbm>>) target(%dma_start3A_83 : memref<2x80xi32, #tpu.memory_space<vmem>>) target_semaphore(%arg12 : memref<!tpu.dma_semaphore, #tpu.memory_space<semaphore_mem>>)
    %dma_wait3A_88 = arith.constant 1 : i32
    %dma_wait3A_89 = arith.constant 1 : i32
    %dma_wait3A_90 = arith.constant 0 : i32
    %dma_wait3A_91 = arith.constant 0 : i32
    %dma_wait3A_92 = tpu.memref_slice %arg7[%dma_wait3A_89, %dma_wait3A_90, %dma_wait3A_91] : memref<3x2x80xi32, #tpu.memory_space<vmem>> -> memref<1x2x80xi32, #tpu.memory_space<vmem>>
    %dma_wait3A_93 = tpu.memref_squeeze %dma_wait3A_92 : memref<1x2x80xi32, #tpu.memory_space<vmem>> -> memref<2x80xi32, #tpu.memory_space<vmem>>
    %dma_wait3A_94 = arith.constant 0 : i32
    %dma_wait3A_95 = arith.constant 0 : i32
    %dma_wait3A_96 = tpu.memref_slice %arg3[%add3A, %dma_wait3A_88, %dma_wait3A_94, %dma_wait3A_95] : memref<32x125x2x80xi32, #tpu.memory_space<hbm>> -> memref<1x1x2x80xi32, #tpu.memory_space<hbm>>
    %dma_wait3A_97 = tpu.memref_squeeze %dma_wait3A_96 : memref<1x1x2x80xi32, #tpu.memory_space<hbm>> -> memref<2x80xi32, #tpu.memory_space<hbm>>
    %dma_wait3A_98 = arith.constant 0 : i32
    %dma_wait3A_99 = arith.constant 0 : i32
    %dma_wait3A_100 = tpu.memref_slice %arg7[%dma_wait3A_89, %dma_wait3A_98, %dma_wait3A_99] : memref<3x2x80xi32, #tpu.memory_space<vmem>> -> memref<1x2x80xi32, #tpu.memory_space<vmem>>
    %dma_wait3A_101 = tpu.memref_squeeze %dma_wait3A_100 : memref<1x2x80xi32, #tpu.memory_space<vmem>> -> memref<2x80xi32, #tpu.memory_space<vmem>>
    %dma_wait3A_102 = arith.constant 0 : i32
    %dma_wait3A_103 = arith.constant 0 : i32
    %dma_wait3A_104 = tpu.memref_slice %arg3[%add3A, %dma_wait3A_88, %dma_wait3A_102, %dma_wait3A_103] : memref<32x125x2x80xi32, #tpu.memory_space<hbm>> -> memref<1x1x2x80xi32, #tpu.memory_space<hbm>>
    %dma_wait3A_105 = tpu.memref_squeeze %dma_wait3A_104 : memref<1x1x2x80xi32, #tpu.memory_space<hbm>> -> memref<2x80xi32, #tpu.memory_space<hbm>>
    tpu.wait_dma2 semaphore(%arg11 : memref<!tpu.dma_semaphore, #tpu.memory_space<semaphore_mem>>) src(%dma_wait3A_105 : memref<2x80xi32, #tpu.memory_space<hbm>>) dst(%dma_wait3A_101 : memref<2x80xi32, #tpu.memory_space<vmem>>)
    %dma_start3A_106 = arith.constant 1 : i32
    %dma_start3A_107 = arith.constant 0 : i32
    %dma_start3A_108 = arith.constant 1 : i32
    %dma_start3A_109 = arith.constant 0 : i32
    %dma_start3A_110 = arith.constant 0 : i32
    %dma_start3A_111 = tpu.memref_slice %arg8[%dma_start3A_108, %dma_start3A_109, %dma_start3A_110] : memref<3x80x128xf32, #tpu.memory_space<vmem>> -> memref<1x80x128xf32, #tpu.memory_space<vmem>>
    %dma_start3A_112 = tpu.memref_squeeze %dma_start3A_111 : memref<1x80x128xf32, #tpu.memory_space<vmem>> -> memref<80x128xf32, #tpu.memory_space<vmem>>
    %dma_start3A_113 = arith.constant 0 : i32
    %dma_start3A_114 = tpu.memref_slice %arg7[%dma_start3A_106, %dma_start3A_107, %dma_start3A_113] : memref<3x2x80xi32, #tpu.memory_space<vmem>> -> memref<1x1x80xi32, #tpu.memory_space<vmem>>
    %dma_start3A_115 = tpu.memref_squeeze %dma_start3A_114 : memref<1x1x80xi32, #tpu.memory_space<vmem>> -> memref<80xi32, #tpu.memory_space<vmem>>
    %dma_start3A_116 = arith.constant 0 : i32
    %dma_start3A_117 = arith.constant 0 : i32
    %dma_start3A_118 = tpu.memref_slice %arg2[%dma_start3A_116, %dma_start3A_117] : memref<10000x128xf32, #tpu.memory_space<hbm>> -> memref<10000x128xf32, #tpu.memory_space<hbm>>
    tpu.enqueue_indirect_dma source(%dma_start3A_118 : memref<10000x128xf32, #tpu.memory_space<hbm>>) target(%dma_start3A_112 : memref<80x128xf32, #tpu.memory_space<vmem>>) offsets(%dma_start3A_115 : memref<80xi32, #tpu.memory_space<vmem>>) semaphore(%arg14 : memref<!tpu.dma_semaphore, #tpu.memory_space<semaphore_mem>>)
    %scan3A = arith.constant 0 : i32
    %scan3A_119 = arith.constant 0 : i32
    %scan3A_120 = arith.constant 40 : i32
    %scan3A_121 = arith.addi %scan3A_119, %scan3A_120 : i32
    %scan3A_122 = arith.constant 1 : i32
    scf.for %scan3A_459 = %scan3A_119 to %scan3A_121 step %scan3A_122  : i32 {
      %mul3A_460 = arith.constant 3 : i32
      %mul3A_461 = arith.muli %mul3A_460, %scan3A_459 : i32
      %dma_wait3A_462 = arith.constant 0 : i32
      %dma_wait3A_463 = arith.constant 0 : i32
      %dma_wait3A_464 = arith.constant 0 : i32
      %dma_wait3A_465 = arith.constant 0 : i32
      %dma_wait3A_466 = arith.constant 0 : i32
      %dma_wait3A_467 = tpu.memref_slice %arg8[%dma_wait3A_464, %dma_wait3A_465, %dma_wait3A_466] : memref<3x80x128xf32, #tpu.memory_space<vmem>> -> memref<1x80x128xf32, #tpu.memory_space<vmem>>
      %dma_wait3A_468 = tpu.memref_squeeze %dma_wait3A_467 : memref<1x80x128xf32, #tpu.memory_space<vmem>> -> memref<80x128xf32, #tpu.memory_space<vmem>>
      %dma_wait3A_469 = arith.constant 0 : i32
      %dma_wait3A_470 = tpu.memref_slice %arg7[%dma_wait3A_462, %dma_wait3A_463, %dma_wait3A_469] : memref<3x2x80xi32, #tpu.memory_space<vmem>> -> memref<1x1x80xi32, #tpu.memory_space<vmem>>
      %dma_wait3A_471 = tpu.memref_squeeze %dma_wait3A_470 : memref<1x1x80xi32, #tpu.memory_space<vmem>> -> memref<80xi32, #tpu.memory_space<vmem>>
      %dma_wait3A_472 = arith.constant 0 : i32
      %dma_wait3A_473 = arith.constant 0 : i32
      %dma_wait3A_474 = tpu.memref_slice %arg2[%dma_wait3A_472, %dma_wait3A_473] : memref<10000x128xf32, #tpu.memory_space<hbm>> -> memref<10000x128xf32, #tpu.memory_space<hbm>>
      tpu.wait_indirect_dma semaphore(%arg13 : memref<!tpu.dma_semaphore, #tpu.memory_space<semaphore_mem>>) src(%dma_wait3A_474 : memref<10000x128xf32, #tpu.memory_space<hbm>>) dst(%dma_wait3A_468 : memref<80x128xf32, #tpu.memory_space<vmem>>)
      %dma_start3A_475 = arith.constant 0 : i32
      %dma_start3A_476 = arith.constant 0 : i32
      %dma_start3A_477 = arith.constant 1 : i32
      %dma_start3A_478 = arith.constant 0 : i32
      %dma_start3A_479 = arith.constant 0 : i32
      %dma_start3A_480 = tpu.memref_slice %arg8[%dma_start3A_475, %dma_start3A_478, %dma_start3A_479] : memref<3x80x128xf32, #tpu.memory_space<vmem>> -> memref<1x80x128xf32, #tpu.memory_space<vmem>>
      %dma_start3A_481 = tpu.memref_squeeze %dma_start3A_480 : memref<1x80x128xf32, #tpu.memory_space<vmem>> -> memref<80x128xf32, #tpu.memory_space<vmem>>
      %dma_start3A_482 = arith.constant 0 : i32
      %dma_start3A_483 = tpu.memref_slice %arg7[%dma_start3A_476, %dma_start3A_477, %dma_start3A_482] : memref<3x2x80xi32, #tpu.memory_space<vmem>> -> memref<1x1x80xi32, #tpu.memory_space<vmem>>
      %dma_start3A_484 = tpu.memref_squeeze %dma_start3A_483 : memref<1x1x80xi32, #tpu.memory_space<vmem>> -> memref<80xi32, #tpu.memory_space<vmem>>
      %dma_start3A_485 = arith.constant 0 : i32
      %dma_start3A_486 = arith.constant 0 : i32
      %dma_start3A_487 = tpu.memref_slice %arg9[%dma_start3A_485, %dma_start3A_486] : memref<10000x128xf32, #tpu.memory_space<vmem_shared>> -> memref<10000x128xf32, #tpu.memory_space<vmem_shared>>
      tpu.enqueue_indirect_dma source(%dma_start3A_481 : memref<80x128xf32, #tpu.memory_space<vmem>>) target(%dma_start3A_487 : memref<10000x128xf32, #tpu.memory_space<vmem_shared>>) offsets(%dma_start3A_484 : memref<80xi32, #tpu.memory_space<vmem>>) semaphore(%arg16 : memref<!tpu.dma_semaphore, #tpu.memory_space<semaphore_mem>>) {add = true}
      %dma_wait3A_488 = arith.constant 0 : i32
      %dma_wait3A_489 = arith.constant 0 : i32
      %dma_wait3A_490 = arith.constant 1 : i32
      %dma_wait3A_491 = arith.constant 0 : i32
      %dma_wait3A_492 = arith.constant 0 : i32
      %dma_wait3A_493 = tpu.memref_slice %arg8[%dma_wait3A_488, %dma_wait3A_491, %dma_wait3A_492] : memref<3x80x128xf32, #tpu.memory_space<vmem>> -> memref<1x80x128xf32, #tpu.memory_space<vmem>>
      %dma_wait3A_494 = tpu.memref_squeeze %dma_wait3A_493 : memref<1x80x128xf32, #tpu.memory_space<vmem>> -> memref<80x128xf32, #tpu.memory_space<vmem>>
      %dma_wait3A_495 = arith.constant 0 : i32
      %dma_wait3A_496 = tpu.memref_slice %arg7[%dma_wait3A_489, %dma_wait3A_490, %dma_wait3A_495] : memref<3x2x80xi32, #tpu.memory_space<vmem>> -> memref<1x1x80xi32, #tpu.memory_space<vmem>>
      %dma_wait3A_497 = tpu.memref_squeeze %dma_wait3A_496 : memref<1x1x80xi32, #tpu.memory_space<vmem>> -> memref<80xi32, #tpu.memory_space<vmem>>
      %dma_wait3A_498 = arith.constant 0 : i32
      %dma_wait3A_499 = arith.constant 0 : i32
      %dma_wait3A_500 = tpu.memref_slice %arg9[%dma_wait3A_498, %dma_wait3A_499] : memref<10000x128xf32, #tpu.memory_space<vmem_shared>> -> memref<10000x128xf32, #tpu.memory_space<vmem_shared>>
      tpu.wait_indirect_dma semaphore(%arg16 : memref<!tpu.dma_semaphore, #tpu.memory_space<semaphore_mem>>) src(%dma_wait3A_494 : memref<80x128xf32, #tpu.memory_space<vmem>>) dst(%dma_wait3A_500 : memref<10000x128xf32, #tpu.memory_space<vmem_shared>>)
      %add3A_501 = arith.constant 2 : i32
      %add3A_502 = arith.addi %mul3A_461, %add3A_501 : i32
      %dma_wait3A_503 = arith.constant 2 : i32
      %dma_wait3A_504 = arith.constant 0 : i32
      %dma_wait3A_505 = arith.constant 0 : i32
      %dma_wait3A_506 = tpu.memref_slice %arg7[%dma_wait3A_503, %dma_wait3A_504, %dma_wait3A_505] : memref<3x2x80xi32, #tpu.memory_space<vmem>> -> memref<1x2x80xi32, #tpu.memory_space<vmem>>
      %dma_wait3A_507 = tpu.memref_squeeze %dma_wait3A_506 : memref<1x2x80xi32, #tpu.memory_space<vmem>> -> memref<2x80xi32, #tpu.memory_space<vmem>>
      %dma_wait3A_508 = arith.constant 0 : i32
      %dma_wait3A_509 = arith.constant 0 : i32
      %dma_wait3A_510 = tpu.memref_slice %arg3[%add3A, %add3A_502, %dma_wait3A_508, %dma_wait3A_509] : memref<32x125x2x80xi32, #tpu.memory_space<hbm>> -> memref<1x1x2x80xi32, #tpu.memory_space<hbm>>
      %dma_wait3A_511 = tpu.memref_squeeze %dma_wait3A_510 : memref<1x1x2x80xi32, #tpu.memory_space<hbm>> -> memref<2x80xi32, #tpu.memory_space<hbm>>
      %dma_wait3A_512 = arith.constant 0 : i32
      %dma_wait3A_513 = arith.constant 0 : i32
      %dma_wait3A_514 = tpu.memref_slice %arg7[%dma_wait3A_503, %dma_wait3A_512, %dma_wait3A_513] : memref<3x2x80xi32, #tpu.memory_space<vmem>> -> memref<1x2x80xi32, #tpu.memory_space<vmem>>
      %dma_wait3A_515 = tpu.memref_squeeze %dma_wait3A_514 : memref<1x2x80xi32, #tpu.memory_space<vmem>> -> memref<2x80xi32, #tpu.memory_space<vmem>>
      %dma_wait3A_516 = arith.constant 0 : i32
      %dma_wait3A_517 = arith.constant 0 : i32
      %dma_wait3A_518 = tpu.memref_slice %arg3[%add3A, %add3A_502, %dma_wait3A_516, %dma_wait3A_517] : memref<32x125x2x80xi32, #tpu.memory_space<hbm>> -> memref<1x1x2x80xi32, #tpu.memory_space<hbm>>
      %dma_wait3A_519 = tpu.memref_squeeze %dma_wait3A_518 : memref<1x1x2x80xi32, #tpu.memory_space<hbm>> -> memref<2x80xi32, #tpu.memory_space<hbm>>
      tpu.wait_dma2 semaphore(%arg12 : memref<!tpu.dma_semaphore, #tpu.memory_space<semaphore_mem>>) src(%dma_wait3A_519 : memref<2x80xi32, #tpu.memory_space<hbm>>) dst(%dma_wait3A_515 : memref<2x80xi32, #tpu.memory_space<vmem>>)
      %dma_start3A_520 = arith.constant 2 : i32
      %dma_start3A_521 = arith.constant 0 : i32
      %dma_start3A_522 = arith.constant 2 : i32
      %dma_start3A_523 = arith.constant 0 : i32
      %dma_start3A_524 = arith.constant 0 : i32
      %dma_start3A_525 = tpu.memref_slice %arg8[%dma_start3A_522, %dma_start3A_523, %dma_start3A_524] : memref<3x80x128xf32, #tpu.memory_space<vmem>> -> memref<1x80x128xf32, #tpu.memory_space<vmem>>
      %dma_start3A_526 = tpu.memref_squeeze %dma_start3A_525 : memref<1x80x128xf32, #tpu.memory_space<vmem>> -> memref<80x128xf32, #tpu.memory_space<vmem>>
      %dma_start3A_527 = arith.constant 0 : i32
      %dma_start3A_528 = tpu.memref_slice %arg7[%dma_start3A_520, %dma_start3A_521, %dma_start3A_527] : memref<3x2x80xi32, #tpu.memory_space<vmem>> -> memref<1x1x80xi32, #tpu.memory_space<vmem>>
      %dma_start3A_529 = tpu.memref_squeeze %dma_start3A_528 : memref<1x1x80xi32, #tpu.memory_space<vmem>> -> memref<80xi32, #tpu.memory_space<vmem>>
      %dma_start3A_530 = arith.constant 0 : i32
      %dma_start3A_531 = arith.constant 0 : i32
      %dma_start3A_532 = tpu.memref_slice %arg2[%dma_start3A_530, %dma_start3A_531] : memref<10000x128xf32, #tpu.memory_space<hbm>> -> memref<10000x128xf32, #tpu.memory_space<hbm>>
      tpu.enqueue_indirect_dma source(%dma_start3A_532 : memref<10000x128xf32, #tpu.memory_space<hbm>>) target(%dma_start3A_526 : memref<80x128xf32, #tpu.memory_space<vmem>>) offsets(%dma_start3A_529 : memref<80xi32, #tpu.memory_space<vmem>>) semaphore(%arg15 : memref<!tpu.dma_semaphore, #tpu.memory_space<semaphore_mem>>)
      %add3A_533 = arith.constant 3 : i32
      %add3A_534 = arith.addi %mul3A_461, %add3A_533 : i32
      %dma_start3A_535 = arith.constant 0 : i32
      %dma_start3A_536 = arith.constant 0 : i32
      %dma_start3A_537 = arith.constant 0 : i32
      %dma_start3A_538 = tpu.memref_slice %arg7[%dma_start3A_535, %dma_start3A_536, %dma_start3A_537] : memref<3x2x80xi32, #tpu.memory_space<vmem>> -> memref<1x2x80xi32, #tpu.memory_space<vmem>>
      %dma_start3A_539 = tpu.memref_squeeze %dma_start3A_538 : memref<1x2x80xi32, #tpu.memory_space<vmem>> -> memref<2x80xi32, #tpu.memory_space<vmem>>
      %dma_start3A_540 = arith.constant 0 : i32
      %dma_start3A_541 = arith.constant 0 : i32
      %dma_start3A_542 = tpu.memref_slice %arg3[%add3A, %add3A_534, %dma_start3A_540, %dma_start3A_541] : memref<32x125x2x80xi32, #tpu.memory_space<hbm>> -> memref<1x1x2x80xi32, #tpu.memory_space<hbm>>
      %dma_start3A_543 = tpu.memref_squeeze %dma_start3A_542 : memref<1x1x2x80xi32, #tpu.memory_space<hbm>> -> memref<2x80xi32, #tpu.memory_space<hbm>>
      %dma_start3A_544 = arith.constant 0 : i32
      %dma_start3A_545 = arith.constant 0 : i32
      %dma_start3A_546 = tpu.memref_slice %arg7[%dma_start3A_535, %dma_start3A_544, %dma_start3A_545] : memref<3x2x80xi32, #tpu.memory_space<vmem>> -> memref<1x2x80xi32, #tpu.memory_space<vmem>>
      %dma_start3A_547 = tpu.memref_squeeze %dma_start3A_546 : memref<1x2x80xi32, #tpu.memory_space<vmem>> -> memref<2x80xi32, #tpu.memory_space<vmem>>
      %dma_start3A_548 = arith.constant 0 : i32
      %dma_start3A_549 = arith.constant 0 : i32
      %dma_start3A_550 = tpu.memref_slice %arg3[%add3A, %add3A_534, %dma_start3A_548, %dma_start3A_549] : memref<32x125x2x80xi32, #tpu.memory_space<hbm>> -> memref<1x1x2x80xi32, #tpu.memory_space<hbm>>
      %dma_start3A_551 = tpu.memref_squeeze %dma_start3A_550 : memref<1x1x2x80xi32, #tpu.memory_space<hbm>> -> memref<2x80xi32, #tpu.memory_space<hbm>>
      tpu.enqueue_dma source(%dma_start3A_551 : memref<2x80xi32, #tpu.memory_space<hbm>>) target(%dma_start3A_547 : memref<2x80xi32, #tpu.memory_space<vmem>>) target_semaphore(%arg10 : memref<!tpu.dma_semaphore, #tpu.memory_space<semaphore_mem>>)
      %add3A_552 = arith.constant 1 : i32
      %add3A_553 = arith.addi %mul3A_461, %add3A_552 : i32
      %dma_wait3A_554 = arith.constant 1 : i32
      %dma_wait3A_555 = arith.constant 0 : i32
      %dma_wait3A_556 = arith.constant 1 : i32
      %dma_wait3A_557 = arith.constant 0 : i32
      %dma_wait3A_558 = arith.constant 0 : i32
      %dma_wait3A_559 = tpu.memref_slice %arg8[%dma_wait3A_556, %dma_wait3A_557, %dma_wait3A_558] : memref<3x80x128xf32, #tpu.memory_space<vmem>> -> memref<1x80x128xf32, #tpu.memory_space<vmem>>
      %dma_wait3A_560 = tpu.memref_squeeze %dma_wait3A_559 : memref<1x80x128xf32, #tpu.memory_space<vmem>> -> memref<80x128xf32, #tpu.memory_space<vmem>>
      %dma_wait3A_561 = arith.constant 0 : i32
      %dma_wait3A_562 = tpu.memref_slice %arg7[%dma_wait3A_554, %dma_wait3A_555, %dma_wait3A_561] : memref<3x2x80xi32, #tpu.memory_space<vmem>> -> memref<1x1x80xi32, #tpu.memory_space<vmem>>
      %dma_wait3A_563 = tpu.memref_squeeze %dma_wait3A_562 : memref<1x1x80xi32, #tpu.memory_space<vmem>> -> memref<80xi32, #tpu.memory_space<vmem>>
      %dma_wait3A_564 = arith.constant 0 : i32
      %dma_wait3A_565 = arith.constant 0 : i32
      %dma_wait3A_566 = tpu.memref_slice %arg2[%dma_wait3A_564, %dma_wait3A_565] : memref<10000x128xf32, #tpu.memory_space<hbm>> -> memref<10000x128xf32, #tpu.memory_space<hbm>>
      tpu.wait_indirect_dma semaphore(%arg14 : memref<!tpu.dma_semaphore, #tpu.memory_space<semaphore_mem>>) src(%dma_wait3A_566 : memref<10000x128xf32, #tpu.memory_space<hbm>>) dst(%dma_wait3A_560 : memref<80x128xf32, #tpu.memory_space<vmem>>)
      %dma_start3A_567 = arith.constant 1 : i32
      %dma_start3A_568 = arith.constant 1 : i32
      %dma_start3A_569 = arith.constant 1 : i32
      %dma_start3A_570 = arith.constant 0 : i32
      %dma_start3A_571 = arith.constant 0 : i32
      %dma_start3A_572 = tpu.memref_slice %arg8[%dma_start3A_567, %dma_start3A_570, %dma_start3A_571] : memref<3x80x128xf32, #tpu.memory_space<vmem>> -> memref<1x80x128xf32, #tpu.memory_space<vmem>>
      %dma_start3A_573 = tpu.memref_squeeze %dma_start3A_572 : memref<1x80x128xf32, #tpu.memory_space<vmem>> -> memref<80x128xf32, #tpu.memory_space<vmem>>
      %dma_start3A_574 = arith.constant 0 : i32
      %dma_start3A_575 = tpu.memref_slice %arg7[%dma_start3A_568, %dma_start3A_569, %dma_start3A_574] : memref<3x2x80xi32, #tpu.memory_space<vmem>> -> memref<1x1x80xi32, #tpu.memory_space<vmem>>
      %dma_start3A_576 = tpu.memref_squeeze %dma_start3A_575 : memref<1x1x80xi32, #tpu.memory_space<vmem>> -> memref<80xi32, #tpu.memory_space<vmem>>
      %dma_start3A_577 = arith.constant 0 : i32
      %dma_start3A_578 = arith.constant 0 : i32
      %dma_start3A_579 = tpu.memref_slice %arg9[%dma_start3A_577, %dma_start3A_578] : memref<10000x128xf32, #tpu.memory_space<vmem_shared>> -> memref<10000x128xf32, #tpu.memory_space<vmem_shared>>
      tpu.enqueue_indirect_dma source(%dma_start3A_573 : memref<80x128xf32, #tpu.memory_space<vmem>>) target(%dma_start3A_579 : memref<10000x128xf32, #tpu.memory_space<vmem_shared>>) offsets(%dma_start3A_576 : memref<80xi32, #tpu.memory_space<vmem>>) semaphore(%arg17 : memref<!tpu.dma_semaphore, #tpu.memory_space<semaphore_mem>>) {add = true}
      %dma_wait3A_580 = arith.constant 1 : i32
      %dma_wait3A_581 = arith.constant 1 : i32
      %dma_wait3A_582 = arith.constant 1 : i32
      %dma_wait3A_583 = arith.constant 0 : i32
      %dma_wait3A_584 = arith.constant 0 : i32
      %dma_wait3A_585 = tpu.memref_slice %arg8[%dma_wait3A_580, %dma_wait3A_583, %dma_wait3A_584] : memref<3x80x128xf32, #tpu.memory_space<vmem>> -> memref<1x80x128xf32, #tpu.memory_space<vmem>>
      %dma_wait3A_586 = tpu.memref_squeeze %dma_wait3A_585 : memref<1x80x128xf32, #tpu.memory_space<vmem>> -> memref<80x128xf32, #tpu.memory_space<vmem>>
      %dma_wait3A_587 = arith.constant 0 : i32
      %dma_wait3A_588 = tpu.memref_slice %arg7[%dma_wait3A_581, %dma_wait3A_582, %dma_wait3A_587] : memref<3x2x80xi32, #tpu.memory_space<vmem>> -> memref<1x1x80xi32, #tpu.memory_space<vmem>>
      %dma_wait3A_589 = tpu.memref_squeeze %dma_wait3A_588 : memref<1x1x80xi32, #tpu.memory_space<vmem>> -> memref<80xi32, #tpu.memory_space<vmem>>
      %dma_wait3A_590 = arith.constant 0 : i32
      %dma_wait3A_591 = arith.constant 0 : i32
      %dma_wait3A_592 = tpu.memref_slice %arg9[%dma_wait3A_590, %dma_wait3A_591] : memref<10000x128xf32, #tpu.memory_space<vmem_shared>> -> memref<10000x128xf32, #tpu.memory_space<vmem_shared>>
      tpu.wait_indirect_dma semaphore(%arg17 : memref<!tpu.dma_semaphore, #tpu.memory_space<semaphore_mem>>) src(%dma_wait3A_586 : memref<80x128xf32, #tpu.memory_space<vmem>>) dst(%dma_wait3A_592 : memref<10000x128xf32, #tpu.memory_space<vmem_shared>>)
      %add3A_593 = arith.constant 2 : i32
      %add3A_594 = arith.addi %add3A_553, %add3A_593 : i32
      %dma_wait3A_595 = arith.constant 0 : i32
      %dma_wait3A_596 = arith.constant 0 : i32
      %dma_wait3A_597 = arith.constant 0 : i32
      %dma_wait3A_598 = tpu.memref_slice %arg7[%dma_wait3A_595, %dma_wait3A_596, %dma_wait3A_597] : memref<3x2x80xi32, #tpu.memory_space<vmem>> -> memref<1x2x80xi32, #tpu.memory_space<vmem>>
      %dma_wait3A_599 = tpu.memref_squeeze %dma_wait3A_598 : memref<1x2x80xi32, #tpu.memory_space<vmem>> -> memref<2x80xi32, #tpu.memory_space<vmem>>
      %dma_wait3A_600 = arith.constant 0 : i32
      %dma_wait3A_601 = arith.constant 0 : i32
      %dma_wait3A_602 = tpu.memref_slice %arg3[%add3A, %add3A_594, %dma_wait3A_600, %dma_wait3A_601] : memref<32x125x2x80xi32, #tpu.memory_space<hbm>> -> memref<1x1x2x80xi32, #tpu.memory_space<hbm>>
      %dma_wait3A_603 = tpu.memref_squeeze %dma_wait3A_602 : memref<1x1x2x80xi32, #tpu.memory_space<hbm>> -> memref<2x80xi32, #tpu.memory_space<hbm>>
      %dma_wait3A_604 = arith.constant 0 : i32
      %dma_wait3A_605 = arith.constant 0 : i32
      %dma_wait3A_606 = tpu.memref_slice %arg7[%dma_wait3A_595, %dma_wait3A_604, %dma_wait3A_605] : memref<3x2x80xi32, #tpu.memory_space<vmem>> -> memref<1x2x80xi32, #tpu.memory_space<vmem>>
      %dma_wait3A_607 = tpu.memref_squeeze %dma_wait3A_606 : memref<1x2x80xi32, #tpu.memory_space<vmem>> -> memref<2x80xi32, #tpu.memory_space<vmem>>
      %dma_wait3A_608 = arith.constant 0 : i32
      %dma_wait3A_609 = arith.constant 0 : i32
      %dma_wait3A_610 = tpu.memref_slice %arg3[%add3A, %add3A_594, %dma_wait3A_608, %dma_wait3A_609] : memref<32x125x2x80xi32, #tpu.memory_space<hbm>> -> memref<1x1x2x80xi32, #tpu.memory_space<hbm>>
      %dma_wait3A_611 = tpu.memref_squeeze %dma_wait3A_610 : memref<1x1x2x80xi32, #tpu.memory_space<hbm>> -> memref<2x80xi32, #tpu.memory_space<hbm>>
      tpu.wait_dma2 semaphore(%arg10 : memref<!tpu.dma_semaphore, #tpu.memory_space<semaphore_mem>>) src(%dma_wait3A_611 : memref<2x80xi32, #tpu.memory_space<hbm>>) dst(%dma_wait3A_607 : memref<2x80xi32, #tpu.memory_space<vmem>>)
      %dma_start3A_612 = arith.constant 0 : i32
      %dma_start3A_613 = arith.constant 0 : i32
      %dma_start3A_614 = arith.constant 0 : i32
      %dma_start3A_615 = arith.constant 0 : i32
      %dma_start3A_616 = arith.constant 0 : i32
      %dma_start3A_617 = tpu.memref_slice %arg8[%dma_start3A_614, %dma_start3A_615, %dma_start3A_616] : memref<3x80x128xf32, #tpu.memory_space<vmem>> -> memref<1x80x128xf32, #tpu.memory_space<vmem>>
      %dma_start3A_618 = tpu.memref_squeeze %dma_start3A_617 : memref<1x80x128xf32, #tpu.memory_space<vmem>> -> memref<80x128xf32, #tpu.memory_space<vmem>>
      %dma_start3A_619 = arith.constant 0 : i32
      %dma_start3A_620 = tpu.memref_slice %arg7[%dma_start3A_612, %dma_start3A_613, %dma_start3A_619] : memref<3x2x80xi32, #tpu.memory_space<vmem>> -> memref<1x1x80xi32, #tpu.memory_space<vmem>>
      %dma_start3A_621 = tpu.memref_squeeze %dma_start3A_620 : memref<1x1x80xi32, #tpu.memory_space<vmem>> -> memref<80xi32, #tpu.memory_space<vmem>>
      %dma_start3A_622 = arith.constant 0 : i32
      %dma_start3A_623 = arith.constant 0 : i32
      %dma_start3A_624 = tpu.memref_slice %arg2[%dma_start3A_622, %dma_start3A_623] : memref<10000x128xf32, #tpu.memory_space<hbm>> -> memref<10000x128xf32, #tpu.memory_space<hbm>>
      tpu.enqueue_indirect_dma source(%dma_start3A_624 : memref<10000x128xf32, #tpu.memory_space<hbm>>) target(%dma_start3A_618 : memref<80x128xf32, #tpu.memory_space<vmem>>) offsets(%dma_start3A_621 : memref<80xi32, #tpu.memory_space<vmem>>) semaphore(%arg13 : memref<!tpu.dma_semaphore, #tpu.memory_space<semaphore_mem>>)
      %add3A_625 = arith.constant 3 : i32
      %add3A_626 = arith.addi %add3A_553, %add3A_625 : i32
      %dma_start3A_627 = arith.constant 1 : i32
      %dma_start3A_628 = arith.constant 0 : i32
      %dma_start3A_629 = arith.constant 0 : i32
      %dma_start3A_630 = tpu.memref_slice %arg7[%dma_start3A_627, %dma_start3A_628, %dma_start3A_629] : memref<3x2x80xi32, #tpu.memory_space<vmem>> -> memref<1x2x80xi32, #tpu.memory_space<vmem>>
      %dma_start3A_631 = tpu.memref_squeeze %dma_start3A_630 : memref<1x2x80xi32, #tpu.memory_space<vmem>> -> memref<2x80xi32, #tpu.memory_space<vmem>>
      %dma_start3A_632 = arith.constant 0 : i32
      %dma_start3A_633 = arith.constant 0 : i32
      %dma_start3A_634 = tpu.memref_slice %arg3[%add3A, %add3A_626, %dma_start3A_632, %dma_start3A_633] : memref<32x125x2x80xi32, #tpu.memory_space<hbm>> -> memref<1x1x2x80xi32, #tpu.memory_space<hbm>>
      %dma_start3A_635 = tpu.memref_squeeze %dma_start3A_634 : memref<1x1x2x80xi32, #tpu.memory_space<hbm>> -> memref<2x80xi32, #tpu.memory_space<hbm>>
      %dma_start3A_636 = arith.constant 0 : i32
      %dma_start3A_637 = arith.constant 0 : i32
      %dma_start3A_638 = tpu.memref_slice %arg7[%dma_start3A_627, %dma_start3A_636, %dma_start3A_637] : memref<3x2x80xi32, #tpu.memory_space<vmem>> -> memref<1x2x80xi32, #tpu.memory_space<vmem>>
      %dma_start3A_639 = tpu.memref_squeeze %dma_start3A_638 : memref<1x2x80xi32, #tpu.memory_space<vmem>> -> memref<2x80xi32, #tpu.memory_space<vmem>>
      %dma_start3A_640 = arith.constant 0 : i32
      %dma_start3A_641 = arith.constant 0 : i32
      %dma_start3A_642 = tpu.memref_slice %arg3[%add3A, %add3A_626, %dma_start3A_640, %dma_start3A_641] : memref<32x125x2x80xi32, #tpu.memory_space<hbm>> -> memref<1x1x2x80xi32, #tpu.memory_space<hbm>>
      %dma_start3A_643 = tpu.memref_squeeze %dma_start3A_642 : memref<1x1x2x80xi32, #tpu.memory_space<hbm>> -> memref<2x80xi32, #tpu.memory_space<hbm>>
      tpu.enqueue_dma source(%dma_start3A_643 : memref<2x80xi32, #tpu.memory_space<hbm>>) target(%dma_start3A_639 : memref<2x80xi32, #tpu.memory_space<vmem>>) target_semaphore(%arg11 : memref<!tpu.dma_semaphore, #tpu.memory_space<semaphore_mem>>)
      %add3A_644 = arith.constant 2 : i32
      %add3A_645 = arith.addi %mul3A_461, %add3A_644 : i32
      %dma_wait3A_646 = arith.constant 2 : i32
      %dma_wait3A_647 = arith.constant 0 : i32
      %dma_wait3A_648 = arith.constant 2 : i32
      %dma_wait3A_649 = arith.constant 0 : i32
      %dma_wait3A_650 = arith.constant 0 : i32
      %dma_wait3A_651 = tpu.memref_slice %arg8[%dma_wait3A_648, %dma_wait3A_649, %dma_wait3A_650] : memref<3x80x128xf32, #tpu.memory_space<vmem>> -> memref<1x80x128xf32, #tpu.memory_space<vmem>>
      %dma_wait3A_652 = tpu.memref_squeeze %dma_wait3A_651 : memref<1x80x128xf32, #tpu.memory_space<vmem>> -> memref<80x128xf32, #tpu.memory_space<vmem>>
      %dma_wait3A_653 = arith.constant 0 : i32
      %dma_wait3A_654 = tpu.memref_slice %arg7[%dma_wait3A_646, %dma_wait3A_647, %dma_wait3A_653] : memref<3x2x80xi32, #tpu.memory_space<vmem>> -> memref<1x1x80xi32, #tpu.memory_space<vmem>>
      %dma_wait3A_655 = tpu.memref_squeeze %dma_wait3A_654 : memref<1x1x80xi32, #tpu.memory_space<vmem>> -> memref<80xi32, #tpu.memory_space<vmem>>
      %dma_wait3A_656 = arith.constant 0 : i32
      %dma_wait3A_657 = arith.constant 0 : i32
      %dma_wait3A_658 = tpu.memref_slice %arg2[%dma_wait3A_656, %dma_wait3A_657] : memref<10000x128xf32, #tpu.memory_space<hbm>> -> memref<10000x128xf32, #tpu.memory_space<hbm>>
      tpu.wait_indirect_dma semaphore(%arg15 : memref<!tpu.dma_semaphore, #tpu.memory_space<semaphore_mem>>) src(%dma_wait3A_658 : memref<10000x128xf32, #tpu.memory_space<hbm>>) dst(%dma_wait3A_652 : memref<80x128xf32, #tpu.memory_space<vmem>>)
      %dma_start3A_659 = arith.constant 2 : i32
      %dma_start3A_660 = arith.constant 2 : i32
      %dma_start3A_661 = arith.constant 1 : i32
      %dma_start3A_662 = arith.constant 0 : i32
      %dma_start3A_663 = arith.constant 0 : i32
      %dma_start3A_664 = tpu.memref_slice %arg8[%dma_start3A_659, %dma_start3A_662, %dma_start3A_663] : memref<3x80x128xf32, #tpu.memory_space<vmem>> -> memref<1x80x128xf32, #tpu.memory_space<vmem>>
      %dma_start3A_665 = tpu.memref_squeeze %dma_start3A_664 : memref<1x80x128xf32, #tpu.memory_space<vmem>> -> memref<80x128xf32, #tpu.memory_space<vmem>>
      %dma_start3A_666 = arith.constant 0 : i32
      %dma_start3A_667 = tpu.memref_slice %arg7[%dma_start3A_660, %dma_start3A_661, %dma_start3A_666] : memref<3x2x80xi32, #tpu.memory_space<vmem>> -> memref<1x1x80xi32, #tpu.memory_space<vmem>>
      %dma_start3A_668 = tpu.memref_squeeze %dma_start3A_667 : memref<1x1x80xi32, #tpu.memory_space<vmem>> -> memref<80xi32, #tpu.memory_space<vmem>>
      %dma_start3A_669 = arith.constant 0 : i32
      %dma_start3A_670 = arith.constant 0 : i32
      %dma_start3A_671 = tpu.memref_slice %arg9[%dma_start3A_669, %dma_start3A_670] : memref<10000x128xf32, #tpu.memory_space<vmem_shared>> -> memref<10000x128xf32, #tpu.memory_space<vmem_shared>>
      tpu.enqueue_indirect_dma source(%dma_start3A_665 : memref<80x128xf32, #tpu.memory_space<vmem>>) target(%dma_start3A_671 : memref<10000x128xf32, #tpu.memory_space<vmem_shared>>) offsets(%dma_start3A_668 : memref<80xi32, #tpu.memory_space<vmem>>) semaphore(%arg18 : memref<!tpu.dma_semaphore, #tpu.memory_space<semaphore_mem>>) {add = true}
      %dma_wait3A_672 = arith.constant 2 : i32
      %dma_wait3A_673 = arith.constant 2 : i32
      %dma_wait3A_674 = arith.constant 1 : i32
      %dma_wait3A_675 = arith.constant 0 : i32
      %dma_wait3A_676 = arith.constant 0 : i32
      %dma_wait3A_677 = tpu.memref_slice %arg8[%dma_wait3A_672, %dma_wait3A_675, %dma_wait3A_676] : memref<3x80x128xf32, #tpu.memory_space<vmem>> -> memref<1x80x128xf32, #tpu.memory_space<vmem>>
      %dma_wait3A_678 = tpu.memref_squeeze %dma_wait3A_677 : memref<1x80x128xf32, #tpu.memory_space<vmem>> -> memref<80x128xf32, #tpu.memory_space<vmem>>
      %dma_wait3A_679 = arith.constant 0 : i32
      %dma_wait3A_680 = tpu.memref_slice %arg7[%dma_wait3A_673, %dma_wait3A_674, %dma_wait3A_679] : memref<3x2x80xi32, #tpu.memory_space<vmem>> -> memref<1x1x80xi32, #tpu.memory_space<vmem>>
      %dma_wait3A_681 = tpu.memref_squeeze %dma_wait3A_680 : memref<1x1x80xi32, #tpu.memory_space<vmem>> -> memref<80xi32, #tpu.memory_space<vmem>>
      %dma_wait3A_682 = arith.constant 0 : i32
      %dma_wait3A_683 = arith.constant 0 : i32
      %dma_wait3A_684 = tpu.memref_slice %arg9[%dma_wait3A_682, %dma_wait3A_683] : memref<10000x128xf32, #tpu.memory_space<vmem_shared>> -> memref<10000x128xf32, #tpu.memory_space<vmem_shared>>
      tpu.wait_indirect_dma semaphore(%arg18 : memref<!tpu.dma_semaphore, #tpu.memory_space<semaphore_mem>>) src(%dma_wait3A_678 : memref<80x128xf32, #tpu.memory_space<vmem>>) dst(%dma_wait3A_684 : memref<10000x128xf32, #tpu.memory_space<vmem_shared>>)
      %add3A_685 = arith.constant 2 : i32
      %add3A_686 = arith.addi %add3A_645, %add3A_685 : i32
      %dma_wait3A_687 = arith.constant 1 : i32
      %dma_wait3A_688 = arith.constant 0 : i32
      %dma_wait3A_689 = arith.constant 0 : i32
      %dma_wait3A_690 = tpu.memref_slice %arg7[%dma_wait3A_687, %dma_wait3A_688, %dma_wait3A_689] : memref<3x2x80xi32, #tpu.memory_space<vmem>> -> memref<1x2x80xi32, #tpu.memory_space<vmem>>
      %dma_wait3A_691 = tpu.memref_squeeze %dma_wait3A_690 : memref<1x2x80xi32, #tpu.memory_space<vmem>> -> memref<2x80xi32, #tpu.memory_space<vmem>>
      %dma_wait3A_692 = arith.constant 0 : i32
      %dma_wait3A_693 = arith.constant 0 : i32
      %dma_wait3A_694 = tpu.memref_slice %arg3[%add3A, %add3A_686, %dma_wait3A_692, %dma_wait3A_693] : memref<32x125x2x80xi32, #tpu.memory_space<hbm>> -> memref<1x1x2x80xi32, #tpu.memory_space<hbm>>
      %dma_wait3A_695 = tpu.memref_squeeze %dma_wait3A_694 : memref<1x1x2x80xi32, #tpu.memory_space<hbm>> -> memref<2x80xi32, #tpu.memory_space<hbm>>
      %dma_wait3A_696 = arith.constant 0 : i32
      %dma_wait3A_697 = arith.constant 0 : i32
      %dma_wait3A_698 = tpu.memref_slice %arg7[%dma_wait3A_687, %dma_wait3A_696, %dma_wait3A_697] : memref<3x2x80xi32, #tpu.memory_space<vmem>> -> memref<1x2x80xi32, #tpu.memory_space<vmem>>
      %dma_wait3A_699 = tpu.memref_squeeze %dma_wait3A_698 : memref<1x2x80xi32, #tpu.memory_space<vmem>> -> memref<2x80xi32, #tpu.memory_space<vmem>>
      %dma_wait3A_700 = arith.constant 0 : i32
      %dma_wait3A_701 = arith.constant 0 : i32
      %dma_wait3A_702 = tpu.memref_slice %arg3[%add3A, %add3A_686, %dma_wait3A_700, %dma_wait3A_701] : memref<32x125x2x80xi32, #tpu.memory_space<hbm>> -> memref<1x1x2x80xi32, #tpu.memory_space<hbm>>
      %dma_wait3A_703 = tpu.memref_squeeze %dma_wait3A_702 : memref<1x1x2x80xi32, #tpu.memory_space<hbm>> -> memref<2x80xi32, #tpu.memory_space<hbm>>
      tpu.wait_dma2 semaphore(%arg11 : memref<!tpu.dma_semaphore, #tpu.memory_space<semaphore_mem>>) src(%dma_wait3A_703 : memref<2x80xi32, #tpu.memory_space<hbm>>) dst(%dma_wait3A_699 : memref<2x80xi32, #tpu.memory_space<vmem>>)
      %dma_start3A_704 = arith.constant 1 : i32
      %dma_start3A_705 = arith.constant 0 : i32
      %dma_start3A_706 = arith.constant 1 : i32
      %dma_start3A_707 = arith.constant 0 : i32
      %dma_start3A_708 = arith.constant 0 : i32
      %dma_start3A_709 = tpu.memref_slice %arg8[%dma_start3A_706, %dma_start3A_707, %dma_start3A_708] : memref<3x80x128xf32, #tpu.memory_space<vmem>> -> memref<1x80x128xf32, #tpu.memory_space<vmem>>
      %dma_start3A_710 = tpu.memref_squeeze %dma_start3A_709 : memref<1x80x128xf32, #tpu.memory_space<vmem>> -> memref<80x128xf32, #tpu.memory_space<vmem>>
      %dma_start3A_711 = arith.constant 0 : i32
      %dma_start3A_712 = tpu.memref_slice %arg7[%dma_start3A_704, %dma_start3A_705, %dma_start3A_711] : memref<3x2x80xi32, #tpu.memory_space<vmem>> -> memref<1x1x80xi32, #tpu.memory_space<vmem>>
      %dma_start3A_713 = tpu.memref_squeeze %dma_start3A_712 : memref<1x1x80xi32, #tpu.memory_space<vmem>> -> memref<80xi32, #tpu.memory_space<vmem>>
      %dma_start3A_714 = arith.constant 0 : i32
      %dma_start3A_715 = arith.constant 0 : i32
      %dma_start3A_716 = tpu.memref_slice %arg2[%dma_start3A_714, %dma_start3A_715] : memref<10000x128xf32, #tpu.memory_space<hbm>> -> memref<10000x128xf32, #tpu.memory_space<hbm>>
      tpu.enqueue_indirect_dma source(%dma_start3A_716 : memref<10000x128xf32, #tpu.memory_space<hbm>>) target(%dma_start3A_710 : memref<80x128xf32, #tpu.memory_space<vmem>>) offsets(%dma_start3A_713 : memref<80xi32, #tpu.memory_space<vmem>>) semaphore(%arg14 : memref<!tpu.dma_semaphore, #tpu.memory_space<semaphore_mem>>)
      %add3A_717 = arith.constant 3 : i32
      %add3A_718 = arith.addi %add3A_645, %add3A_717 : i32
      %dma_start3A_719 = arith.constant 2 : i32
      %dma_start3A_720 = arith.constant 0 : i32
      %dma_start3A_721 = arith.constant 0 : i32
      %dma_start3A_722 = tpu.memref_slice %arg7[%dma_start3A_719, %dma_start3A_720, %dma_start3A_721] : memref<3x2x80xi32, #tpu.memory_space<vmem>> -> memref<1x2x80xi32, #tpu.memory_space<vmem>>
      %dma_start3A_723 = tpu.memref_squeeze %dma_start3A_722 : memref<1x2x80xi32, #tpu.memory_space<vmem>> -> memref<2x80xi32, #tpu.memory_space<vmem>>
      %dma_start3A_724 = arith.constant 0 : i32
      %dma_start3A_725 = arith.constant 0 : i32
      %dma_start3A_726 = tpu.memref_slice %arg3[%add3A, %add3A_718, %dma_start3A_724, %dma_start3A_725] : memref<32x125x2x80xi32, #tpu.memory_space<hbm>> -> memref<1x1x2x80xi32, #tpu.memory_space<hbm>>
      %dma_start3A_727 = tpu.memref_squeeze %dma_start3A_726 : memref<1x1x2x80xi32, #tpu.memory_space<hbm>> -> memref<2x80xi32, #tpu.memory_space<hbm>>
      %dma_start3A_728 = arith.constant 0 : i32
      %dma_start3A_729 = arith.constant 0 : i32
      %dma_start3A_730 = tpu.memref_slice %arg7[%dma_start3A_719, %dma_start3A_728, %dma_start3A_729] : memref<3x2x80xi32, #tpu.memory_space<vmem>> -> memref<1x2x80xi32, #tpu.memory_space<vmem>>
      %dma_start3A_731 = tpu.memref_squeeze %dma_start3A_730 : memref<1x2x80xi32, #tpu.memory_space<vmem>> -> memref<2x80xi32, #tpu.memory_space<vmem>>
      %dma_start3A_732 = arith.constant 0 : i32
      %dma_start3A_733 = arith.constant 0 : i32
      %dma_start3A_734 = tpu.memref_slice %arg3[%add3A, %add3A_718, %dma_start3A_732, %dma_start3A_733] : memref<32x125x2x80xi32, #tpu.memory_space<hbm>> -> memref<1x1x2x80xi32, #tpu.memory_space<hbm>>
      %dma_start3A_735 = tpu.memref_squeeze %dma_start3A_734 : memref<1x1x2x80xi32, #tpu.memory_space<hbm>> -> memref<2x80xi32, #tpu.memory_space<hbm>>
      tpu.enqueue_dma source(%dma_start3A_735 : memref<2x80xi32, #tpu.memory_space<hbm>>) target(%dma_start3A_731 : memref<2x80xi32, #tpu.memory_space<vmem>>) target_semaphore(%arg12 : memref<!tpu.dma_semaphore, #tpu.memory_space<semaphore_mem>>)
    }
    %scan3A_123 = arith.constant 40 : i32
    %dma_wait3A_124 = arith.constant 0 : i32
    %dma_wait3A_125 = arith.constant 0 : i32
    %dma_wait3A_126 = arith.constant 0 : i32
    %dma_wait3A_127 = arith.constant 0 : i32
    %dma_wait3A_128 = arith.constant 0 : i32
    %dma_wait3A_129 = tpu.memref_slice %arg8[%dma_wait3A_126, %dma_wait3A_127, %dma_wait3A_128] : memref<3x80x128xf32, #tpu.memory_space<vmem>> -> memref<1x80x128xf32, #tpu.memory_space<vmem>>
    %dma_wait3A_130 = tpu.memref_squeeze %dma_wait3A_129 : memref<1x80x128xf32, #tpu.memory_space<vmem>> -> memref<80x128xf32, #tpu.memory_space<vmem>>
    %dma_wait3A_131 = arith.constant 0 : i32
    %dma_wait3A_132 = tpu.memref_slice %arg7[%dma_wait3A_124, %dma_wait3A_125, %dma_wait3A_131] : memref<3x2x80xi32, #tpu.memory_space<vmem>> -> memref<1x1x80xi32, #tpu.memory_space<vmem>>
    %dma_wait3A_133 = tpu.memref_squeeze %dma_wait3A_132 : memref<1x1x80xi32, #tpu.memory_space<vmem>> -> memref<80xi32, #tpu.memory_space<vmem>>
    %dma_wait3A_134 = arith.constant 0 : i32
    %dma_wait3A_135 = arith.constant 0 : i32
    %dma_wait3A_136 = tpu.memref_slice %arg2[%dma_wait3A_134, %dma_wait3A_135] : memref<10000x128xf32, #tpu.memory_space<hbm>> -> memref<10000x128xf32, #tpu.memory_space<hbm>>
    tpu.wait_indirect_dma semaphore(%arg13 : memref<!tpu.dma_semaphore, #tpu.memory_space<semaphore_mem>>) src(%dma_wait3A_136 : memref<10000x128xf32, #tpu.memory_space<hbm>>) dst(%dma_wait3A_130 : memref<80x128xf32, #tpu.memory_space<vmem>>)
    %dma_start3A_137 = arith.constant 0 : i32
    %dma_start3A_138 = arith.constant 0 : i32
    %dma_start3A_139 = arith.constant 1 : i32
    %dma_start3A_140 = arith.constant 0 : i32
    %dma_start3A_141 = arith.constant 0 : i32
    %dma_start3A_142 = tpu.memref_slice %arg8[%dma_start3A_137, %dma_start3A_140, %dma_start3A_141] : memref<3x80x128xf32, #tpu.memory_space<vmem>> -> memref<1x80x128xf32, #tpu.memory_space<vmem>>
    %dma_start3A_143 = tpu.memref_squeeze %dma_start3A_142 : memref<1x80x128xf32, #tpu.memory_space<vmem>> -> memref<80x128xf32, #tpu.memory_space<vmem>>
    %dma_start3A_144 = arith.constant 0 : i32
    %dma_start3A_145 = tpu.memref_slice %arg7[%dma_start3A_138, %dma_start3A_139, %dma_start3A_144] : memref<3x2x80xi32, #tpu.memory_space<vmem>> -> memref<1x1x80xi32, #tpu.memory_space<vmem>>
    %dma_start3A_146 = tpu.memref_squeeze %dma_start3A_145 : memref<1x1x80xi32, #tpu.memory_space<vmem>> -> memref<80xi32, #tpu.memory_space<vmem>>
    %dma_start3A_147 = arith.constant 0 : i32
    %dma_start3A_148 = arith.constant 0 : i32
    %dma_start3A_149 = tpu.memref_slice %arg9[%dma_start3A_147, %dma_start3A_148] : memref<10000x128xf32, #tpu.memory_space<vmem_shared>> -> memref<10000x128xf32, #tpu.memory_space<vmem_shared>>
    tpu.enqueue_indirect_dma source(%dma_start3A_143 : memref<80x128xf32, #tpu.memory_space<vmem>>) target(%dma_start3A_149 : memref<10000x128xf32, #tpu.memory_space<vmem_shared>>) offsets(%dma_start3A_146 : memref<80xi32, #tpu.memory_space<vmem>>) semaphore(%arg16 : memref<!tpu.dma_semaphore, #tpu.memory_space<semaphore_mem>>) {add = true}
    %dma_wait3A_150 = arith.constant 0 : i32
    %dma_wait3A_151 = arith.constant 0 : i32
    %dma_wait3A_152 = arith.constant 1 : i32
    %dma_wait3A_153 = arith.constant 0 : i32
    %dma_wait3A_154 = arith.constant 0 : i32
    %dma_wait3A_155 = tpu.memref_slice %arg8[%dma_wait3A_150, %dma_wait3A_153, %dma_wait3A_154] : memref<3x80x128xf32, #tpu.memory_space<vmem>> -> memref<1x80x128xf32, #tpu.memory_space<vmem>>
    %dma_wait3A_156 = tpu.memref_squeeze %dma_wait3A_155 : memref<1x80x128xf32, #tpu.memory_space<vmem>> -> memref<80x128xf32, #tpu.memory_space<vmem>>
    %dma_wait3A_157 = arith.constant 0 : i32
    %dma_wait3A_158 = tpu.memref_slice %arg7[%dma_wait3A_151, %dma_wait3A_152, %dma_wait3A_157] : memref<3x2x80xi32, #tpu.memory_space<vmem>> -> memref<1x1x80xi32, #tpu.memory_space<vmem>>
    %dma_wait3A_159 = tpu.memref_squeeze %dma_wait3A_158 : memref<1x1x80xi32, #tpu.memory_space<vmem>> -> memref<80xi32, #tpu.memory_space<vmem>>
    %dma_wait3A_160 = arith.constant 0 : i32
    %dma_wait3A_161 = arith.constant 0 : i32
    %dma_wait3A_162 = tpu.memref_slice %arg9[%dma_wait3A_160, %dma_wait3A_161] : memref<10000x128xf32, #tpu.memory_space<vmem_shared>> -> memref<10000x128xf32, #tpu.memory_space<vmem_shared>>
    tpu.wait_indirect_dma semaphore(%arg16 : memref<!tpu.dma_semaphore, #tpu.memory_space<semaphore_mem>>) src(%dma_wait3A_156 : memref<80x128xf32, #tpu.memory_space<vmem>>) dst(%dma_wait3A_162 : memref<10000x128xf32, #tpu.memory_space<vmem_shared>>)
    %dma_wait3A_163 = arith.constant 122 : i32
    %dma_wait3A_164 = arith.constant 2 : i32
    %dma_wait3A_165 = arith.constant 0 : i32
    %dma_wait3A_166 = arith.constant 0 : i32
    %dma_wait3A_167 = tpu.memref_slice %arg7[%dma_wait3A_164, %dma_wait3A_165, %dma_wait3A_166] : memref<3x2x80xi32, #tpu.memory_space<vmem>> -> memref<1x2x80xi32, #tpu.memory_space<vmem>>
    %dma_wait3A_168 = tpu.memref_squeeze %dma_wait3A_167 : memref<1x2x80xi32, #tpu.memory_space<vmem>> -> memref<2x80xi32, #tpu.memory_space<vmem>>
    %dma_wait3A_169 = arith.constant 0 : i32
    %dma_wait3A_170 = arith.constant 0 : i32
    %dma_wait3A_171 = tpu.memref_slice %arg3[%add3A, %dma_wait3A_163, %dma_wait3A_169, %dma_wait3A_170] : memref<32x125x2x80xi32, #tpu.memory_space<hbm>> -> memref<1x1x2x80xi32, #tpu.memory_space<hbm>>
    %dma_wait3A_172 = tpu.memref_squeeze %dma_wait3A_171 : memref<1x1x2x80xi32, #tpu.memory_space<hbm>> -> memref<2x80xi32, #tpu.memory_space<hbm>>
    %dma_wait3A_173 = arith.constant 0 : i32
    %dma_wait3A_174 = arith.constant 0 : i32
    %dma_wait3A_175 = tpu.memref_slice %arg7[%dma_wait3A_164, %dma_wait3A_173, %dma_wait3A_174] : memref<3x2x80xi32, #tpu.memory_space<vmem>> -> memref<1x2x80xi32, #tpu.memory_space<vmem>>
    %dma_wait3A_176 = tpu.memref_squeeze %dma_wait3A_175 : memref<1x2x80xi32, #tpu.memory_space<vmem>> -> memref<2x80xi32, #tpu.memory_space<vmem>>
    %dma_wait3A_177 = arith.constant 0 : i32
    %dma_wait3A_178 = arith.constant 0 : i32
    %dma_wait3A_179 = tpu.memref_slice %arg3[%add3A, %dma_wait3A_163, %dma_wait3A_177, %dma_wait3A_178] : memref<32x125x2x80xi32, #tpu.memory_space<hbm>> -> memref<1x1x2x80xi32, #tpu.memory_space<hbm>>
    %dma_wait3A_180 = tpu.memref_squeeze %dma_wait3A_179 : memref<1x1x2x80xi32, #tpu.memory_space<hbm>> -> memref<2x80xi32, #tpu.memory_space<hbm>>
    tpu.wait_dma2 semaphore(%arg12 : memref<!tpu.dma_semaphore, #tpu.memory_space<semaphore_mem>>) src(%dma_wait3A_180 : memref<2x80xi32, #tpu.memory_space<hbm>>) dst(%dma_wait3A_176 : memref<2x80xi32, #tpu.memory_space<vmem>>)
    %dma_start3A_181 = arith.constant 2 : i32
    %dma_start3A_182 = arith.constant 0 : i32
    %dma_start3A_183 = arith.constant 2 : i32
    %dma_start3A_184 = arith.constant 0 : i32
    %dma_start3A_185 = arith.constant 0 : i32
    %dma_start3A_186 = tpu.memref_slice %arg8[%dma_start3A_183, %dma_start3A_184, %dma_start3A_185] : memref<3x80x128xf32, #tpu.memory_space<vmem>> -> memref<1x80x128xf32, #tpu.memory_space<vmem>>
    %dma_start3A_187 = tpu.memref_squeeze %dma_start3A_186 : memref<1x80x128xf32, #tpu.memory_space<vmem>> -> memref<80x128xf32, #tpu.memory_space<vmem>>
    %dma_start3A_188 = arith.constant 0 : i32
    %dma_start3A_189 = tpu.memref_slice %arg7[%dma_start3A_181, %dma_start3A_182, %dma_start3A_188] : memref<3x2x80xi32, #tpu.memory_space<vmem>> -> memref<1x1x80xi32, #tpu.memory_space<vmem>>
    %dma_start3A_190 = tpu.memref_squeeze %dma_start3A_189 : memref<1x1x80xi32, #tpu.memory_space<vmem>> -> memref<80xi32, #tpu.memory_space<vmem>>
    %dma_start3A_191 = arith.constant 0 : i32
    %dma_start3A_192 = arith.constant 0 : i32
    %dma_start3A_193 = tpu.memref_slice %arg2[%dma_start3A_191, %dma_start3A_192] : memref<10000x128xf32, #tpu.memory_space<hbm>> -> memref<10000x128xf32, #tpu.memory_space<hbm>>
    tpu.enqueue_indirect_dma source(%dma_start3A_193 : memref<10000x128xf32, #tpu.memory_space<hbm>>) target(%dma_start3A_187 : memref<80x128xf32, #tpu.memory_space<vmem>>) offsets(%dma_start3A_190 : memref<80xi32, #tpu.memory_space<vmem>>) semaphore(%arg15 : memref<!tpu.dma_semaphore, #tpu.memory_space<semaphore_mem>>)
    %dma_start3A_194 = arith.constant 123 : i32
    %dma_start3A_195 = arith.constant 0 : i32
    %dma_start3A_196 = arith.constant 0 : i32
    %dma_start3A_197 = arith.constant 0 : i32
    %dma_start3A_198 = tpu.memref_slice %arg7[%dma_start3A_195, %dma_start3A_196, %dma_start3A_197] : memref<3x2x80xi32, #tpu.memory_space<vmem>> -> memref<1x2x80xi32, #tpu.memory_space<vmem>>
    %dma_start3A_199 = tpu.memref_squeeze %dma_start3A_198 : memref<1x2x80xi32, #tpu.memory_space<vmem>> -> memref<2x80xi32, #tpu.memory_space<vmem>>
    %dma_start3A_200 = arith.constant 0 : i32
    %dma_start3A_201 = arith.constant 0 : i32
    %dma_start3A_202 = tpu.memref_slice %arg3[%add3A, %dma_start3A_194, %dma_start3A_200, %dma_start3A_201] : memref<32x125x2x80xi32, #tpu.memory_space<hbm>> -> memref<1x1x2x80xi32, #tpu.memory_space<hbm>>
    %dma_start3A_203 = tpu.memref_squeeze %dma_start3A_202 : memref<1x1x2x80xi32, #tpu.memory_space<hbm>> -> memref<2x80xi32, #tpu.memory_space<hbm>>
    %dma_start3A_204 = arith.constant 0 : i32
    %dma_start3A_205 = arith.constant 0 : i32
    %dma_start3A_206 = tpu.memref_slice %arg7[%dma_start3A_195, %dma_start3A_204, %dma_start3A_205] : memref<3x2x80xi32, #tpu.memory_space<vmem>> -> memref<1x2x80xi32, #tpu.memory_space<vmem>>
    %dma_start3A_207 = tpu.memref_squeeze %dma_start3A_206 : memref<1x2x80xi32, #tpu.memory_space<vmem>> -> memref<2x80xi32, #tpu.memory_space<vmem>>
    %dma_start3A_208 = arith.constant 0 : i32
    %dma_start3A_209 = arith.constant 0 : i32
    %dma_start3A_210 = tpu.memref_slice %arg3[%add3A, %dma_start3A_194, %dma_start3A_208, %dma_start3A_209] : memref<32x125x2x80xi32, #tpu.memory_space<hbm>> -> memref<1x1x2x80xi32, #tpu.memory_space<hbm>>
    %dma_start3A_211 = tpu.memref_squeeze %dma_start3A_210 : memref<1x1x2x80xi32, #tpu.memory_space<hbm>> -> memref<2x80xi32, #tpu.memory_space<hbm>>
    tpu.enqueue_dma source(%dma_start3A_211 : memref<2x80xi32, #tpu.memory_space<hbm>>) target(%dma_start3A_207 : memref<2x80xi32, #tpu.memory_space<vmem>>) target_semaphore(%arg10 : memref<!tpu.dma_semaphore, #tpu.memory_space<semaphore_mem>>)
    %dma_wait3A_212 = arith.constant 1 : i32
    %dma_wait3A_213 = arith.constant 0 : i32
    %dma_wait3A_214 = arith.constant 1 : i32
    %dma_wait3A_215 = arith.constant 0 : i32
    %dma_wait3A_216 = arith.constant 0 : i32
    %dma_wait3A_217 = tpu.memref_slice %arg8[%dma_wait3A_214, %dma_wait3A_215, %dma_wait3A_216] : memref<3x80x128xf32, #tpu.memory_space<vmem>> -> memref<1x80x128xf32, #tpu.memory_space<vmem>>
    %dma_wait3A_218 = tpu.memref_squeeze %dma_wait3A_217 : memref<1x80x128xf32, #tpu.memory_space<vmem>> -> memref<80x128xf32, #tpu.memory_space<vmem>>
    %dma_wait3A_219 = arith.constant 0 : i32
    %dma_wait3A_220 = tpu.memref_slice %arg7[%dma_wait3A_212, %dma_wait3A_213, %dma_wait3A_219] : memref<3x2x80xi32, #tpu.memory_space<vmem>> -> memref<1x1x80xi32, #tpu.memory_space<vmem>>
    %dma_wait3A_221 = tpu.memref_squeeze %dma_wait3A_220 : memref<1x1x80xi32, #tpu.memory_space<vmem>> -> memref<80xi32, #tpu.memory_space<vmem>>
    %dma_wait3A_222 = arith.constant 0 : i32
    %dma_wait3A_223 = arith.constant 0 : i32
    %dma_wait3A_224 = tpu.memref_slice %arg2[%dma_wait3A_222, %dma_wait3A_223] : memref<10000x128xf32, #tpu.memory_space<hbm>> -> memref<10000x128xf32, #tpu.memory_space<hbm>>
    tpu.wait_indirect_dma semaphore(%arg14 : memref<!tpu.dma_semaphore, #tpu.memory_space<semaphore_mem>>) src(%dma_wait3A_224 : memref<10000x128xf32, #tpu.memory_space<hbm>>) dst(%dma_wait3A_218 : memref<80x128xf32, #tpu.memory_space<vmem>>)
    %dma_start3A_225 = arith.constant 1 : i32
    %dma_start3A_226 = arith.constant 1 : i32
    %dma_start3A_227 = arith.constant 1 : i32
    %dma_start3A_228 = arith.constant 0 : i32
    %dma_start3A_229 = arith.constant 0 : i32
    %dma_start3A_230 = tpu.memref_slice %arg8[%dma_start3A_225, %dma_start3A_228, %dma_start3A_229] : memref<3x80x128xf32, #tpu.memory_space<vmem>> -> memref<1x80x128xf32, #tpu.memory_space<vmem>>
    %dma_start3A_231 = tpu.memref_squeeze %dma_start3A_230 : memref<1x80x128xf32, #tpu.memory_space<vmem>> -> memref<80x128xf32, #tpu.memory_space<vmem>>
    %dma_start3A_232 = arith.constant 0 : i32
    %dma_start3A_233 = tpu.memref_slice %arg7[%dma_start3A_226, %dma_start3A_227, %dma_start3A_232] : memref<3x2x80xi32, #tpu.memory_space<vmem>> -> memref<1x1x80xi32, #tpu.memory_space<vmem>>
    %dma_start3A_234 = tpu.memref_squeeze %dma_start3A_233 : memref<1x1x80xi32, #tpu.memory_space<vmem>> -> memref<80xi32, #tpu.memory_space<vmem>>
    %dma_start3A_235 = arith.constant 0 : i32
    %dma_start3A_236 = arith.constant 0 : i32
    %dma_start3A_237 = tpu.memref_slice %arg9[%dma_start3A_235, %dma_start3A_236] : memref<10000x128xf32, #tpu.memory_space<vmem_shared>> -> memref<10000x128xf32, #tpu.memory_space<vmem_shared>>
    tpu.enqueue_indirect_dma source(%dma_start3A_231 : memref<80x128xf32, #tpu.memory_space<vmem>>) target(%dma_start3A_237 : memref<10000x128xf32, #tpu.memory_space<vmem_shared>>) offsets(%dma_start3A_234 : memref<80xi32, #tpu.memory_space<vmem>>) semaphore(%arg17 : memref<!tpu.dma_semaphore, #tpu.memory_space<semaphore_mem>>) {add = true}
    %dma_wait3A_238 = arith.constant 1 : i32
    %dma_wait3A_239 = arith.constant 1 : i32
    %dma_wait3A_240 = arith.constant 1 : i32
    %dma_wait3A_241 = arith.constant 0 : i32
    %dma_wait3A_242 = arith.constant 0 : i32
    %dma_wait3A_243 = tpu.memref_slice %arg8[%dma_wait3A_238, %dma_wait3A_241, %dma_wait3A_242] : memref<3x80x128xf32, #tpu.memory_space<vmem>> -> memref<1x80x128xf32, #tpu.memory_space<vmem>>
    %dma_wait3A_244 = tpu.memref_squeeze %dma_wait3A_243 : memref<1x80x128xf32, #tpu.memory_space<vmem>> -> memref<80x128xf32, #tpu.memory_space<vmem>>
    %dma_wait3A_245 = arith.constant 0 : i32
    %dma_wait3A_246 = tpu.memref_slice %arg7[%dma_wait3A_239, %dma_wait3A_240, %dma_wait3A_245] : memref<3x2x80xi32, #tpu.memory_space<vmem>> -> memref<1x1x80xi32, #tpu.memory_space<vmem>>
    %dma_wait3A_247 = tpu.memref_squeeze %dma_wait3A_246 : memref<1x1x80xi32, #tpu.memory_space<vmem>> -> memref<80xi32, #tpu.memory_space<vmem>>
    %dma_wait3A_248 = arith.constant 0 : i32
    %dma_wait3A_249 = arith.constant 0 : i32
    %dma_wait3A_250 = tpu.memref_slice %arg9[%dma_wait3A_248, %dma_wait3A_249] : memref<10000x128xf32, #tpu.memory_space<vmem_shared>> -> memref<10000x128xf32, #tpu.memory_space<vmem_shared>>
    tpu.wait_indirect_dma semaphore(%arg17 : memref<!tpu.dma_semaphore, #tpu.memory_space<semaphore_mem>>) src(%dma_wait3A_244 : memref<80x128xf32, #tpu.memory_space<vmem>>) dst(%dma_wait3A_250 : memref<10000x128xf32, #tpu.memory_space<vmem_shared>>)
    %dma_wait3A_251 = arith.constant 123 : i32
    %dma_wait3A_252 = arith.constant 0 : i32
    %dma_wait3A_253 = arith.constant 0 : i32
    %dma_wait3A_254 = arith.constant 0 : i32
    %dma_wait3A_255 = tpu.memref_slice %arg7[%dma_wait3A_252, %dma_wait3A_253, %dma_wait3A_254] : memref<3x2x80xi32, #tpu.memory_space<vmem>> -> memref<1x2x80xi32, #tpu.memory_space<vmem>>
    %dma_wait3A_256 = tpu.memref_squeeze %dma_wait3A_255 : memref<1x2x80xi32, #tpu.memory_space<vmem>> -> memref<2x80xi32, #tpu.memory_space<vmem>>
    %dma_wait3A_257 = arith.constant 0 : i32
    %dma_wait3A_258 = arith.constant 0 : i32
    %dma_wait3A_259 = tpu.memref_slice %arg3[%add3A, %dma_wait3A_251, %dma_wait3A_257, %dma_wait3A_258] : memref<32x125x2x80xi32, #tpu.memory_space<hbm>> -> memref<1x1x2x80xi32, #tpu.memory_space<hbm>>
    %dma_wait3A_260 = tpu.memref_squeeze %dma_wait3A_259 : memref<1x1x2x80xi32, #tpu.memory_space<hbm>> -> memref<2x80xi32, #tpu.memory_space<hbm>>
    %dma_wait3A_261 = arith.constant 0 : i32
    %dma_wait3A_262 = arith.constant 0 : i32
    %dma_wait3A_263 = tpu.memref_slice %arg7[%dma_wait3A_252, %dma_wait3A_261, %dma_wait3A_262] : memref<3x2x80xi32, #tpu.memory_space<vmem>> -> memref<1x2x80xi32, #tpu.memory_space<vmem>>
    %dma_wait3A_264 = tpu.memref_squeeze %dma_wait3A_263 : memref<1x2x80xi32, #tpu.memory_space<vmem>> -> memref<2x80xi32, #tpu.memory_space<vmem>>
    %dma_wait3A_265 = arith.constant 0 : i32
    %dma_wait3A_266 = arith.constant 0 : i32
    %dma_wait3A_267 = tpu.memref_slice %arg3[%add3A, %dma_wait3A_251, %dma_wait3A_265, %dma_wait3A_266] : memref<32x125x2x80xi32, #tpu.memory_space<hbm>> -> memref<1x1x2x80xi32, #tpu.memory_space<hbm>>
    %dma_wait3A_268 = tpu.memref_squeeze %dma_wait3A_267 : memref<1x1x2x80xi32, #tpu.memory_space<hbm>> -> memref<2x80xi32, #tpu.memory_space<hbm>>
    tpu.wait_dma2 semaphore(%arg10 : memref<!tpu.dma_semaphore, #tpu.memory_space<semaphore_mem>>) src(%dma_wait3A_268 : memref<2x80xi32, #tpu.memory_space<hbm>>) dst(%dma_wait3A_264 : memref<2x80xi32, #tpu.memory_space<vmem>>)
    %dma_start3A_269 = arith.constant 0 : i32
    %dma_start3A_270 = arith.constant 0 : i32
    %dma_start3A_271 = arith.constant 0 : i32
    %dma_start3A_272 = arith.constant 0 : i32
    %dma_start3A_273 = arith.constant 0 : i32
    %dma_start3A_274 = tpu.memref_slice %arg8[%dma_start3A_271, %dma_start3A_272, %dma_start3A_273] : memref<3x80x128xf32, #tpu.memory_space<vmem>> -> memref<1x80x128xf32, #tpu.memory_space<vmem>>
    %dma_start3A_275 = tpu.memref_squeeze %dma_start3A_274 : memref<1x80x128xf32, #tpu.memory_space<vmem>> -> memref<80x128xf32, #tpu.memory_space<vmem>>
    %dma_start3A_276 = arith.constant 0 : i32
    %dma_start3A_277 = tpu.memref_slice %arg7[%dma_start3A_269, %dma_start3A_270, %dma_start3A_276] : memref<3x2x80xi32, #tpu.memory_space<vmem>> -> memref<1x1x80xi32, #tpu.memory_space<vmem>>
    %dma_start3A_278 = tpu.memref_squeeze %dma_start3A_277 : memref<1x1x80xi32, #tpu.memory_space<vmem>> -> memref<80xi32, #tpu.memory_space<vmem>>
    %dma_start3A_279 = arith.constant 0 : i32
    %dma_start3A_280 = arith.constant 0 : i32
    %dma_start3A_281 = tpu.memref_slice %arg2[%dma_start3A_279, %dma_start3A_280] : memref<10000x128xf32, #tpu.memory_space<hbm>> -> memref<10000x128xf32, #tpu.memory_space<hbm>>
    tpu.enqueue_indirect_dma source(%dma_start3A_281 : memref<10000x128xf32, #tpu.memory_space<hbm>>) target(%dma_start3A_275 : memref<80x128xf32, #tpu.memory_space<vmem>>) offsets(%dma_start3A_278 : memref<80xi32, #tpu.memory_space<vmem>>) semaphore(%arg13 : memref<!tpu.dma_semaphore, #tpu.memory_space<semaphore_mem>>)
    %dma_start3A_282 = arith.constant 124 : i32
    %dma_start3A_283 = arith.constant 1 : i32
    %dma_start3A_284 = arith.constant 0 : i32
    %dma_start3A_285 = arith.constant 0 : i32
    %dma_start3A_286 = tpu.memref_slice %arg7[%dma_start3A_283, %dma_start3A_284, %dma_start3A_285] : memref<3x2x80xi32, #tpu.memory_space<vmem>> -> memref<1x2x80xi32, #tpu.memory_space<vmem>>
    %dma_start3A_287 = tpu.memref_squeeze %dma_start3A_286 : memref<1x2x80xi32, #tpu.memory_space<vmem>> -> memref<2x80xi32, #tpu.memory_space<vmem>>
    %dma_start3A_288 = arith.constant 0 : i32
    %dma_start3A_289 = arith.constant 0 : i32
    %dma_start3A_290 = tpu.memref_slice %arg3[%add3A, %dma_start3A_282, %dma_start3A_288, %dma_start3A_289] : memref<32x125x2x80xi32, #tpu.memory_space<hbm>> -> memref<1x1x2x80xi32, #tpu.memory_space<hbm>>
    %dma_start3A_291 = tpu.memref_squeeze %dma_start3A_290 : memref<1x1x2x80xi32, #tpu.memory_space<hbm>> -> memref<2x80xi32, #tpu.memory_space<hbm>>
    %dma_start3A_292 = arith.constant 0 : i32
    %dma_start3A_293 = arith.constant 0 : i32
    %dma_start3A_294 = tpu.memref_slice %arg7[%dma_start3A_283, %dma_start3A_292, %dma_start3A_293] : memref<3x2x80xi32, #tpu.memory_space<vmem>> -> memref<1x2x80xi32, #tpu.memory_space<vmem>>
    %dma_start3A_295 = tpu.memref_squeeze %dma_start3A_294 : memref<1x2x80xi32, #tpu.memory_space<vmem>> -> memref<2x80xi32, #tpu.memory_space<vmem>>
    %dma_start3A_296 = arith.constant 0 : i32
    %dma_start3A_297 = arith.constant 0 : i32
    %dma_start3A_298 = tpu.memref_slice %arg3[%add3A, %dma_start3A_282, %dma_start3A_296, %dma_start3A_297] : memref<32x125x2x80xi32, #tpu.memory_space<hbm>> -> memref<1x1x2x80xi32, #tpu.memory_space<hbm>>
    %dma_start3A_299 = tpu.memref_squeeze %dma_start3A_298 : memref<1x1x2x80xi32, #tpu.memory_space<hbm>> -> memref<2x80xi32, #tpu.memory_space<hbm>>
    tpu.enqueue_dma source(%dma_start3A_299 : memref<2x80xi32, #tpu.memory_space<hbm>>) target(%dma_start3A_295 : memref<2x80xi32, #tpu.memory_space<vmem>>) target_semaphore(%arg11 : memref<!tpu.dma_semaphore, #tpu.memory_space<semaphore_mem>>)
    %dma_wait3A_300 = arith.constant 2 : i32
    %dma_wait3A_301 = arith.constant 0 : i32
    %dma_wait3A_302 = arith.constant 2 : i32
    %dma_wait3A_303 = arith.constant 0 : i32
    %dma_wait3A_304 = arith.constant 0 : i32
    %dma_wait3A_305 = tpu.memref_slice %arg8[%dma_wait3A_302, %dma_wait3A_303, %dma_wait3A_304] : memref<3x80x128xf32, #tpu.memory_space<vmem>> -> memref<1x80x128xf32, #tpu.memory_space<vmem>>
    %dma_wait3A_306 = tpu.memref_squeeze %dma_wait3A_305 : memref<1x80x128xf32, #tpu.memory_space<vmem>> -> memref<80x128xf32, #tpu.memory_space<vmem>>
    %dma_wait3A_307 = arith.constant 0 : i32
    %dma_wait3A_308 = tpu.memref_slice %arg7[%dma_wait3A_300, %dma_wait3A_301, %dma_wait3A_307] : memref<3x2x80xi32, #tpu.memory_space<vmem>> -> memref<1x1x80xi32, #tpu.memory_space<vmem>>
    %dma_wait3A_309 = tpu.memref_squeeze %dma_wait3A_308 : memref<1x1x80xi32, #tpu.memory_space<vmem>> -> memref<80xi32, #tpu.memory_space<vmem>>
    %dma_wait3A_310 = arith.constant 0 : i32
    %dma_wait3A_311 = arith.constant 0 : i32
    %dma_wait3A_312 = tpu.memref_slice %arg2[%dma_wait3A_310, %dma_wait3A_311] : memref<10000x128xf32, #tpu.memory_space<hbm>> -> memref<10000x128xf32, #tpu.memory_space<hbm>>
    tpu.wait_indirect_dma semaphore(%arg15 : memref<!tpu.dma_semaphore, #tpu.memory_space<semaphore_mem>>) src(%dma_wait3A_312 : memref<10000x128xf32, #tpu.memory_space<hbm>>) dst(%dma_wait3A_306 : memref<80x128xf32, #tpu.memory_space<vmem>>)
    %dma_start3A_313 = arith.constant 2 : i32
    %dma_start3A_314 = arith.constant 2 : i32
    %dma_start3A_315 = arith.constant 1 : i32
    %dma_start3A_316 = arith.constant 0 : i32
    %dma_start3A_317 = arith.constant 0 : i32
    %dma_start3A_318 = tpu.memref_slice %arg8[%dma_start3A_313, %dma_start3A_316, %dma_start3A_317] : memref<3x80x128xf32, #tpu.memory_space<vmem>> -> memref<1x80x128xf32, #tpu.memory_space<vmem>>
    %dma_start3A_319 = tpu.memref_squeeze %dma_start3A_318 : memref<1x80x128xf32, #tpu.memory_space<vmem>> -> memref<80x128xf32, #tpu.memory_space<vmem>>
    %dma_start3A_320 = arith.constant 0 : i32
    %dma_start3A_321 = tpu.memref_slice %arg7[%dma_start3A_314, %dma_start3A_315, %dma_start3A_320] : memref<3x2x80xi32, #tpu.memory_space<vmem>> -> memref<1x1x80xi32, #tpu.memory_space<vmem>>
    %dma_start3A_322 = tpu.memref_squeeze %dma_start3A_321 : memref<1x1x80xi32, #tpu.memory_space<vmem>> -> memref<80xi32, #tpu.memory_space<vmem>>
    %dma_start3A_323 = arith.constant 0 : i32
    %dma_start3A_324 = arith.constant 0 : i32
    %dma_start3A_325 = tpu.memref_slice %arg9[%dma_start3A_323, %dma_start3A_324] : memref<10000x128xf32, #tpu.memory_space<vmem_shared>> -> memref<10000x128xf32, #tpu.memory_space<vmem_shared>>
    tpu.enqueue_indirect_dma source(%dma_start3A_319 : memref<80x128xf32, #tpu.memory_space<vmem>>) target(%dma_start3A_325 : memref<10000x128xf32, #tpu.memory_space<vmem_shared>>) offsets(%dma_start3A_322 : memref<80xi32, #tpu.memory_space<vmem>>) semaphore(%arg18 : memref<!tpu.dma_semaphore, #tpu.memory_space<semaphore_mem>>) {add = true}
    %dma_wait3A_326 = arith.constant 2 : i32
    %dma_wait3A_327 = arith.constant 2 : i32
    %dma_wait3A_328 = arith.constant 1 : i32
    %dma_wait3A_329 = arith.constant 0 : i32
    %dma_wait3A_330 = arith.constant 0 : i32
    %dma_wait3A_331 = tpu.memref_slice %arg8[%dma_wait3A_326, %dma_wait3A_329, %dma_wait3A_330] : memref<3x80x128xf32, #tpu.memory_space<vmem>> -> memref<1x80x128xf32, #tpu.memory_space<vmem>>
    %dma_wait3A_332 = tpu.memref_squeeze %dma_wait3A_331 : memref<1x80x128xf32, #tpu.memory_space<vmem>> -> memref<80x128xf32, #tpu.memory_space<vmem>>
    %dma_wait3A_333 = arith.constant 0 : i32
    %dma_wait3A_334 = tpu.memref_slice %arg7[%dma_wait3A_327, %dma_wait3A_328, %dma_wait3A_333] : memref<3x2x80xi32, #tpu.memory_space<vmem>> -> memref<1x1x80xi32, #tpu.memory_space<vmem>>
    %dma_wait3A_335 = tpu.memref_squeeze %dma_wait3A_334 : memref<1x1x80xi32, #tpu.memory_space<vmem>> -> memref<80xi32, #tpu.memory_space<vmem>>
    %dma_wait3A_336 = arith.constant 0 : i32
    %dma_wait3A_337 = arith.constant 0 : i32
    %dma_wait3A_338 = tpu.memref_slice %arg9[%dma_wait3A_336, %dma_wait3A_337] : memref<10000x128xf32, #tpu.memory_space<vmem_shared>> -> memref<10000x128xf32, #tpu.memory_space<vmem_shared>>
    tpu.wait_indirect_dma semaphore(%arg18 : memref<!tpu.dma_semaphore, #tpu.memory_space<semaphore_mem>>) src(%dma_wait3A_332 : memref<80x128xf32, #tpu.memory_space<vmem>>) dst(%dma_wait3A_338 : memref<10000x128xf32, #tpu.memory_space<vmem_shared>>)
    %dma_wait3A_339 = arith.constant 124 : i32
    %dma_wait3A_340 = arith.constant 1 : i32
    %dma_wait3A_341 = arith.constant 0 : i32
    %dma_wait3A_342 = arith.constant 0 : i32
    %dma_wait3A_343 = tpu.memref_slice %arg7[%dma_wait3A_340, %dma_wait3A_341, %dma_wait3A_342] : memref<3x2x80xi32, #tpu.memory_space<vmem>> -> memref<1x2x80xi32, #tpu.memory_space<vmem>>
    %dma_wait3A_344 = tpu.memref_squeeze %dma_wait3A_343 : memref<1x2x80xi32, #tpu.memory_space<vmem>> -> memref<2x80xi32, #tpu.memory_space<vmem>>
    %dma_wait3A_345 = arith.constant 0 : i32
    %dma_wait3A_346 = arith.constant 0 : i32
    %dma_wait3A_347 = tpu.memref_slice %arg3[%add3A, %dma_wait3A_339, %dma_wait3A_345, %dma_wait3A_346] : memref<32x125x2x80xi32, #tpu.memory_space<hbm>> -> memref<1x1x2x80xi32, #tpu.memory_space<hbm>>
    %dma_wait3A_348 = tpu.memref_squeeze %dma_wait3A_347 : memref<1x1x2x80xi32, #tpu.memory_space<hbm>> -> memref<2x80xi32, #tpu.memory_space<hbm>>
    %dma_wait3A_349 = arith.constant 0 : i32
    %dma_wait3A_350 = arith.constant 0 : i32
    %dma_wait3A_351 = tpu.memref_slice %arg7[%dma_wait3A_340, %dma_wait3A_349, %dma_wait3A_350] : memref<3x2x80xi32, #tpu.memory_space<vmem>> -> memref<1x2x80xi32, #tpu.memory_space<vmem>>
    %dma_wait3A_352 = tpu.memref_squeeze %dma_wait3A_351 : memref<1x2x80xi32, #tpu.memory_space<vmem>> -> memref<2x80xi32, #tpu.memory_space<vmem>>
    %dma_wait3A_353 = arith.constant 0 : i32
    %dma_wait3A_354 = arith.constant 0 : i32
    %dma_wait3A_355 = tpu.memref_slice %arg3[%add3A, %dma_wait3A_339, %dma_wait3A_353, %dma_wait3A_354] : memref<32x125x2x80xi32, #tpu.memory_space<hbm>> -> memref<1x1x2x80xi32, #tpu.memory_space<hbm>>
    %dma_wait3A_356 = tpu.memref_squeeze %dma_wait3A_355 : memref<1x1x2x80xi32, #tpu.memory_space<hbm>> -> memref<2x80xi32, #tpu.memory_space<hbm>>
    tpu.wait_dma2 semaphore(%arg11 : memref<!tpu.dma_semaphore, #tpu.memory_space<semaphore_mem>>) src(%dma_wait3A_356 : memref<2x80xi32, #tpu.memory_space<hbm>>) dst(%dma_wait3A_352 : memref<2x80xi32, #tpu.memory_space<vmem>>)
    %dma_start3A_357 = arith.constant 1 : i32
    %dma_start3A_358 = arith.constant 0 : i32
    %dma_start3A_359 = arith.constant 1 : i32
    %dma_start3A_360 = arith.constant 0 : i32
    %dma_start3A_361 = arith.constant 0 : i32
    %dma_start3A_362 = tpu.memref_slice %arg8[%dma_start3A_359, %dma_start3A_360, %dma_start3A_361] : memref<3x80x128xf32, #tpu.memory_space<vmem>> -> memref<1x80x128xf32, #tpu.memory_space<vmem>>
    %dma_start3A_363 = tpu.memref_squeeze %dma_start3A_362 : memref<1x80x128xf32, #tpu.memory_space<vmem>> -> memref<80x128xf32, #tpu.memory_space<vmem>>
    %dma_start3A_364 = arith.constant 0 : i32
    %dma_start3A_365 = tpu.memref_slice %arg7[%dma_start3A_357, %dma_start3A_358, %dma_start3A_364] : memref<3x2x80xi32, #tpu.memory_space<vmem>> -> memref<1x1x80xi32, #tpu.memory_space<vmem>>
    %dma_start3A_366 = tpu.memref_squeeze %dma_start3A_365 : memref<1x1x80xi32, #tpu.memory_space<vmem>> -> memref<80xi32, #tpu.memory_space<vmem>>
    %dma_start3A_367 = arith.constant 0 : i32
    %dma_start3A_368 = arith.constant 0 : i32
    %dma_start3A_369 = tpu.memref_slice %arg2[%dma_start3A_367, %dma_start3A_368] : memref<10000x128xf32, #tpu.memory_space<hbm>> -> memref<10000x128xf32, #tpu.memory_space<hbm>>
    tpu.enqueue_indirect_dma source(%dma_start3A_369 : memref<10000x128xf32, #tpu.memory_space<hbm>>) target(%dma_start3A_363 : memref<80x128xf32, #tpu.memory_space<vmem>>) offsets(%dma_start3A_366 : memref<80xi32, #tpu.memory_space<vmem>>) semaphore(%arg14 : memref<!tpu.dma_semaphore, #tpu.memory_space<semaphore_mem>>)
    %dma_wait3A_370 = arith.constant 0 : i32
    %dma_wait3A_371 = arith.constant 0 : i32
    %dma_wait3A_372 = arith.constant 0 : i32
    %dma_wait3A_373 = arith.constant 0 : i32
    %dma_wait3A_374 = arith.constant 0 : i32
    %dma_wait3A_375 = tpu.memref_slice %arg8[%dma_wait3A_372, %dma_wait3A_373, %dma_wait3A_374] : memref<3x80x128xf32, #tpu.memory_space<vmem>> -> memref<1x80x128xf32, #tpu.memory_space<vmem>>
    %dma_wait3A_376 = tpu.memref_squeeze %dma_wait3A_375 : memref<1x80x128xf32, #tpu.memory_space<vmem>> -> memref<80x128xf32, #tpu.memory_space<vmem>>
    %dma_wait3A_377 = arith.constant 0 : i32
    %dma_wait3A_378 = tpu.memref_slice %arg7[%dma_wait3A_370, %dma_wait3A_371, %dma_wait3A_377] : memref<3x2x80xi32, #tpu.memory_space<vmem>> -> memref<1x1x80xi32, #tpu.memory_space<vmem>>
    %dma_wait3A_379 = tpu.memref_squeeze %dma_wait3A_378 : memref<1x1x80xi32, #tpu.memory_space<vmem>> -> memref<80xi32, #tpu.memory_space<vmem>>
    %dma_wait3A_380 = arith.constant 0 : i32
    %dma_wait3A_381 = arith.constant 0 : i32
    %dma_wait3A_382 = tpu.memref_slice %arg2[%dma_wait3A_380, %dma_wait3A_381] : memref<10000x128xf32, #tpu.memory_space<hbm>> -> memref<10000x128xf32, #tpu.memory_space<hbm>>
    tpu.wait_indirect_dma semaphore(%arg13 : memref<!tpu.dma_semaphore, #tpu.memory_space<semaphore_mem>>) src(%dma_wait3A_382 : memref<10000x128xf32, #tpu.memory_space<hbm>>) dst(%dma_wait3A_376 : memref<80x128xf32, #tpu.memory_space<vmem>>)
    %dma_start3A_383 = arith.constant 0 : i32
    %dma_start3A_384 = arith.constant 0 : i32
    %dma_start3A_385 = arith.constant 1 : i32
    %dma_start3A_386 = arith.constant 0 : i32
    %dma_start3A_387 = arith.constant 0 : i32
    %dma_start3A_388 = tpu.memref_slice %arg8[%dma_start3A_383, %dma_start3A_386, %dma_start3A_387] : memref<3x80x128xf32, #tpu.memory_space<vmem>> -> memref<1x80x128xf32, #tpu.memory_space<vmem>>
    %dma_start3A_389 = tpu.memref_squeeze %dma_start3A_388 : memref<1x80x128xf32, #tpu.memory_space<vmem>> -> memref<80x128xf32, #tpu.memory_space<vmem>>
    %dma_start3A_390 = arith.constant 0 : i32
    %dma_start3A_391 = tpu.memref_slice %arg7[%dma_start3A_384, %dma_start3A_385, %dma_start3A_390] : memref<3x2x80xi32, #tpu.memory_space<vmem>> -> memref<1x1x80xi32, #tpu.memory_space<vmem>>
    %dma_start3A_392 = tpu.memref_squeeze %dma_start3A_391 : memref<1x1x80xi32, #tpu.memory_space<vmem>> -> memref<80xi32, #tpu.memory_space<vmem>>
    %dma_start3A_393 = arith.constant 0 : i32
    %dma_start3A_394 = arith.constant 0 : i32
    %dma_start3A_395 = tpu.memref_slice %arg9[%dma_start3A_393, %dma_start3A_394] : memref<10000x128xf32, #tpu.memory_space<vmem_shared>> -> memref<10000x128xf32, #tpu.memory_space<vmem_shared>>
    tpu.enqueue_indirect_dma source(%dma_start3A_389 : memref<80x128xf32, #tpu.memory_space<vmem>>) target(%dma_start3A_395 : memref<10000x128xf32, #tpu.memory_space<vmem_shared>>) offsets(%dma_start3A_392 : memref<80xi32, #tpu.memory_space<vmem>>) semaphore(%arg16 : memref<!tpu.dma_semaphore, #tpu.memory_space<semaphore_mem>>) {add = true}
    %dma_wait3A_396 = arith.constant 0 : i32
    %dma_wait3A_397 = arith.constant 0 : i32
    %dma_wait3A_398 = arith.constant 1 : i32
    %dma_wait3A_399 = arith.constant 0 : i32
    %dma_wait3A_400 = arith.constant 0 : i32
    %dma_wait3A_401 = tpu.memref_slice %arg8[%dma_wait3A_396, %dma_wait3A_399, %dma_wait3A_400] : memref<3x80x128xf32, #tpu.memory_space<vmem>> -> memref<1x80x128xf32, #tpu.memory_space<vmem>>
    %dma_wait3A_402 = tpu.memref_squeeze %dma_wait3A_401 : memref<1x80x128xf32, #tpu.memory_space<vmem>> -> memref<80x128xf32, #tpu.memory_space<vmem>>
    %dma_wait3A_403 = arith.constant 0 : i32
    %dma_wait3A_404 = tpu.memref_slice %arg7[%dma_wait3A_397, %dma_wait3A_398, %dma_wait3A_403] : memref<3x2x80xi32, #tpu.memory_space<vmem>> -> memref<1x1x80xi32, #tpu.memory_space<vmem>>
    %dma_wait3A_405 = tpu.memref_squeeze %dma_wait3A_404 : memref<1x1x80xi32, #tpu.memory_space<vmem>> -> memref<80xi32, #tpu.memory_space<vmem>>
    %dma_wait3A_406 = arith.constant 0 : i32
    %dma_wait3A_407 = arith.constant 0 : i32
    %dma_wait3A_408 = tpu.memref_slice %arg9[%dma_wait3A_406, %dma_wait3A_407] : memref<10000x128xf32, #tpu.memory_space<vmem_shared>> -> memref<10000x128xf32, #tpu.memory_space<vmem_shared>>
    tpu.wait_indirect_dma semaphore(%arg16 : memref<!tpu.dma_semaphore, #tpu.memory_space<semaphore_mem>>) src(%dma_wait3A_402 : memref<80x128xf32, #tpu.memory_space<vmem>>) dst(%dma_wait3A_408 : memref<10000x128xf32, #tpu.memory_space<vmem_shared>>)
    %dma_wait3A_409 = arith.constant 1 : i32
    %dma_wait3A_410 = arith.constant 0 : i32
    %dma_wait3A_411 = arith.constant 1 : i32
    %dma_wait3A_412 = arith.constant 0 : i32
    %dma_wait3A_413 = arith.constant 0 : i32
    %dma_wait3A_414 = tpu.memref_slice %arg8[%dma_wait3A_411, %dma_wait3A_412, %dma_wait3A_413] : memref<3x80x128xf32, #tpu.memory_space<vmem>> -> memref<1x80x128xf32, #tpu.memory_space<vmem>>
    %dma_wait3A_415 = tpu.memref_squeeze %dma_wait3A_414 : memref<1x80x128xf32, #tpu.memory_space<vmem>> -> memref<80x128xf32, #tpu.memory_space<vmem>>
    %dma_wait3A_416 = arith.constant 0 : i32
    %dma_wait3A_417 = tpu.memref_slice %arg7[%dma_wait3A_409, %dma_wait3A_410, %dma_wait3A_416] : memref<3x2x80xi32, #tpu.memory_space<vmem>> -> memref<1x1x80xi32, #tpu.memory_space<vmem>>
    %dma_wait3A_418 = tpu.memref_squeeze %dma_wait3A_417 : memref<1x1x80xi32, #tpu.memory_space<vmem>> -> memref<80xi32, #tpu.memory_space<vmem>>
    %dma_wait3A_419 = arith.constant 0 : i32
    %dma_wait3A_420 = arith.constant 0 : i32
    %dma_wait3A_421 = tpu.memref_slice %arg2[%dma_wait3A_419, %dma_wait3A_420] : memref<10000x128xf32, #tpu.memory_space<hbm>> -> memref<10000x128xf32, #tpu.memory_space<hbm>>
    tpu.wait_indirect_dma semaphore(%arg14 : memref<!tpu.dma_semaphore, #tpu.memory_space<semaphore_mem>>) src(%dma_wait3A_421 : memref<10000x128xf32, #tpu.memory_space<hbm>>) dst(%dma_wait3A_415 : memref<80x128xf32, #tpu.memory_space<vmem>>)
    %dma_start3A_422 = arith.constant 1 : i32
    %dma_start3A_423 = arith.constant 1 : i32
    %dma_start3A_424 = arith.constant 1 : i32
    %dma_start3A_425 = arith.constant 0 : i32
    %dma_start3A_426 = arith.constant 0 : i32
    %dma_start3A_427 = tpu.memref_slice %arg8[%dma_start3A_422, %dma_start3A_425, %dma_start3A_426] : memref<3x80x128xf32, #tpu.memory_space<vmem>> -> memref<1x80x128xf32, #tpu.memory_space<vmem>>
    %dma_start3A_428 = tpu.memref_squeeze %dma_start3A_427 : memref<1x80x128xf32, #tpu.memory_space<vmem>> -> memref<80x128xf32, #tpu.memory_space<vmem>>
    %dma_start3A_429 = arith.constant 0 : i32
    %dma_start3A_430 = tpu.memref_slice %arg7[%dma_start3A_423, %dma_start3A_424, %dma_start3A_429] : memref<3x2x80xi32, #tpu.memory_space<vmem>> -> memref<1x1x80xi32, #tpu.memory_space<vmem>>
    %dma_start3A_431 = tpu.memref_squeeze %dma_start3A_430 : memref<1x1x80xi32, #tpu.memory_space<vmem>> -> memref<80xi32, #tpu.memory_space<vmem>>
    %dma_start3A_432 = arith.constant 0 : i32
    %dma_start3A_433 = arith.constant 0 : i32
    %dma_start3A_434 = tpu.memref_slice %arg9[%dma_start3A_432, %dma_start3A_433] : memref<10000x128xf32, #tpu.memory_space<vmem_shared>> -> memref<10000x128xf32, #tpu.memory_space<vmem_shared>>
    tpu.enqueue_indirect_dma source(%dma_start3A_428 : memref<80x128xf32, #tpu.memory_space<vmem>>) target(%dma_start3A_434 : memref<10000x128xf32, #tpu.memory_space<vmem_shared>>) offsets(%dma_start3A_431 : memref<80xi32, #tpu.memory_space<vmem>>) semaphore(%arg17 : memref<!tpu.dma_semaphore, #tpu.memory_space<semaphore_mem>>) {add = true}
    %dma_wait3A_435 = arith.constant 1 : i32
    %dma_wait3A_436 = arith.constant 1 : i32
    %dma_wait3A_437 = arith.constant 1 : i32
    %dma_wait3A_438 = arith.constant 0 : i32
    %dma_wait3A_439 = arith.constant 0 : i32
    %dma_wait3A_440 = tpu.memref_slice %arg8[%dma_wait3A_435, %dma_wait3A_438, %dma_wait3A_439] : memref<3x80x128xf32, #tpu.memory_space<vmem>> -> memref<1x80x128xf32, #tpu.memory_space<vmem>>
    %dma_wait3A_441 = tpu.memref_squeeze %dma_wait3A_440 : memref<1x80x128xf32, #tpu.memory_space<vmem>> -> memref<80x128xf32, #tpu.memory_space<vmem>>
    %dma_wait3A_442 = arith.constant 0 : i32
    %dma_wait3A_443 = tpu.memref_slice %arg7[%dma_wait3A_436, %dma_wait3A_437, %dma_wait3A_442] : memref<3x2x80xi32, #tpu.memory_space<vmem>> -> memref<1x1x80xi32, #tpu.memory_space<vmem>>
    %dma_wait3A_444 = tpu.memref_squeeze %dma_wait3A_443 : memref<1x1x80xi32, #tpu.memory_space<vmem>> -> memref<80xi32, #tpu.memory_space<vmem>>
    %dma_wait3A_445 = arith.constant 0 : i32
    %dma_wait3A_446 = arith.constant 0 : i32
    %dma_wait3A_447 = tpu.memref_slice %arg9[%dma_wait3A_445, %dma_wait3A_446] : memref<10000x128xf32, #tpu.memory_space<vmem_shared>> -> memref<10000x128xf32, #tpu.memory_space<vmem_shared>>
    tpu.wait_indirect_dma semaphore(%arg17 : memref<!tpu.dma_semaphore, #tpu.memory_space<semaphore_mem>>) src(%dma_wait3A_441 : memref<80x128xf32, #tpu.memory_space<vmem>>) dst(%dma_wait3A_447 : memref<10000x128xf32, #tpu.memory_space<vmem_shared>>)
    %barrier3A_448 = arith.constant 0 : index
    tpu.barrier barrier_id(%barrier3A_448)
    %eq3A_449 = arith.constant 0 : i32
    %eq3A_450 = arith.cmpi eq, %arg0, %eq3A_449 : i32
    %convert_element_type3A_451 = arith.extui %eq3A_450 : i1 to i32
    %cond3A_452 = arith.constant 0 : i32
    %cond3A_453 = arith.cmpi ne, %convert_element_type3A_451, %cond3A_452 : i32
    scf.if %cond3A_453 {
      "tpu.region"() ({
        %run_scoped3A = tpu.sem_alloc : memref<!tpu.dma_semaphore, #tpu.memory_space<semaphore_mem>>
        %dma_start3A_464 = arith.constant 0 : i32
        %dma_start3A_465 = tpu.memref_slice %arg5[%mul3A_19, %dma_start3A_464] : memref<10000x128xf32, #tpu.memory_space<hbm>> -> memref<624x128xf32, #tpu.memory_space<hbm>>
        %dma_start3A_466 = arith.constant 0 : i32
        %dma_start3A_467 = tpu.memref_slice %arg9[%mul3A_19, %dma_start3A_466] : memref<10000x128xf32, #tpu.memory_space<vmem_shared>> -> memref<624x128xf32, #tpu.memory_space<vmem_shared>>
        tpu.enqueue_dma source(%dma_start3A_467 : memref<624x128xf32, #tpu.memory_space<vmem_shared>>) target(%dma_start3A_465 : memref<624x128xf32, #tpu.memory_space<hbm>>) target_semaphore(%run_scoped3A : memref<!tpu.dma_semaphore, #tpu.memory_space<semaphore_mem>>)
        %dma_wait3A_468 = arith.constant 0 : i32
        %dma_wait3A_469 = tpu.memref_slice %arg5[%mul3A_19, %dma_wait3A_468] : memref<10000x128xf32, #tpu.memory_space<hbm>> -> memref<624x128xf32, #tpu.memory_space<hbm>>
        %dma_wait3A_470 = arith.constant 0 : i32
        %dma_wait3A_471 = tpu.memref_slice %arg9[%mul3A_19, %dma_wait3A_470] : memref<10000x128xf32, #tpu.memory_space<vmem_shared>> -> memref<624x128xf32, #tpu.memory_space<vmem_shared>>
        tpu.wait_dma2 semaphore(%run_scoped3A : memref<!tpu.dma_semaphore, #tpu.memory_space<semaphore_mem>>) src(%dma_wait3A_471 : memref<624x128xf32, #tpu.memory_space<vmem_shared>>) dst(%dma_wait3A_469 : memref<624x128xf32, #tpu.memory_space<hbm>>)
        tpu.yield
      }) : () -> ()
      %eq3A_459 = arith.constant 0 : i32
      %eq3A_460 = arith.cmpi eq, %arg1, %eq3A_459 : i32
      %convert_element_type3A_461 = arith.extui %eq3A_460 : i1 to i32
      %cond3A_462 = arith.constant 0 : i32
      %cond3A_463 = arith.cmpi ne, %convert_element_type3A_461, %cond3A_462 : i32
      scf.if %cond3A_463 {
        "tpu.region"() ({
          %run_scoped3A = tpu.sem_alloc : memref<!tpu.dma_semaphore, #tpu.memory_space<semaphore_mem>>
          %dma_start3A_464 = arith.constant 9984 : i32
          %dma_start3A_465 = arith.constant 0 : i32
          %dma_start3A_466 = tpu.memref_slice %arg5[%dma_start3A_464, %dma_start3A_465] : memref<10000x128xf32, #tpu.memory_space<hbm>> -> memref<16x128xf32, #tpu.memory_space<hbm>>
          %dma_start3A_467 = arith.constant 9984 : i32
          %dma_start3A_468 = arith.constant 0 : i32
          %dma_start3A_469 = tpu.memref_slice %arg9[%dma_start3A_467, %dma_start3A_468] : memref<10000x128xf32, #tpu.memory_space<vmem_shared>> -> memref<16x128xf32, #tpu.memory_space<vmem_shared>>
          tpu.enqueue_dma source(%dma_start3A_469 : memref<16x128xf32, #tpu.memory_space<vmem_shared>>) target(%dma_start3A_466 : memref<16x128xf32, #tpu.memory_space<hbm>>) target_semaphore(%run_scoped3A : memref<!tpu.dma_semaphore, #tpu.memory_space<semaphore_mem>>)
          %dma_wait3A_470 = arith.constant 9984 : i32
          %dma_wait3A_471 = arith.constant 0 : i32
          %dma_wait3A_472 = tpu.memref_slice %arg5[%dma_wait3A_470, %dma_wait3A_471] : memref<10000x128xf32, #tpu.memory_space<hbm>> -> memref<16x128xf32, #tpu.memory_space<hbm>>
          %dma_wait3A_473 = arith.constant 9984 : i32
          %dma_wait3A_474 = arith.constant 0 : i32
          %dma_wait3A_475 = tpu.memref_slice %arg9[%dma_wait3A_473, %dma_wait3A_474] : memref<10000x128xf32, #tpu.memory_space<vmem_shared>> -> memref<16x128xf32, #tpu.memory_space<vmem_shared>>
          tpu.wait_dma2 semaphore(%run_scoped3A : memref<!tpu.dma_semaphore, #tpu.memory_space<semaphore_mem>>) src(%dma_wait3A_475 : memref<16x128xf32, #tpu.memory_space<vmem_shared>>) dst(%dma_wait3A_472 : memref<16x128xf32, #tpu.memory_space<hbm>>)
          tpu.yield
        }) : () -> ()
      } else {
      }
    } else {
    }
    %eq3A_454 = arith.constant 1 : i32
    %eq3A_455 = arith.cmpi eq, %arg0, %eq3A_454 : i32
    %convert_element_type3A_456 = arith.extui %eq3A_455 : i1 to i32
    %cond3A_457 = arith.constant 0 : i32
    %cond3A_458 = arith.cmpi ne, %convert_element_type3A_456, %cond3A_457 : i32
    scf.if %cond3A_458 {
      "tpu.region"() ({
        %run_scoped3A = tpu.sem_alloc : memref<!tpu.dma_semaphore, #tpu.memory_space<semaphore_mem>>
        %dma_start3A_464 = arith.constant 0 : i32
        %dma_start3A_465 = tpu.memref_slice %arg6[%mul3A_19, %dma_start3A_464] : memref<10000x128xf32, #tpu.memory_space<hbm>> -> memref<624x128xf32, #tpu.memory_space<hbm>>
        %dma_start3A_466 = arith.constant 0 : i32
        %dma_start3A_467 = tpu.memref_slice %arg9[%mul3A_19, %dma_start3A_466] : memref<10000x128xf32, #tpu.memory_space<vmem_shared>> -> memref<624x128xf32, #tpu.memory_space<vmem_shared>>
        tpu.enqueue_dma source(%dma_start3A_467 : memref<624x128xf32, #tpu.memory_space<vmem_shared>>) target(%dma_start3A_465 : memref<624x128xf32, #tpu.memory_space<hbm>>) target_semaphore(%run_scoped3A : memref<!tpu.dma_semaphore, #tpu.memory_space<semaphore_mem>>)
        %dma_wait3A_468 = arith.constant 0 : i32
        %dma_wait3A_469 = tpu.memref_slice %arg6[%mul3A_19, %dma_wait3A_468] : memref<10000x128xf32, #tpu.memory_space<hbm>> -> memref<624x128xf32, #tpu.memory_space<hbm>>
        %dma_wait3A_470 = arith.constant 0 : i32
        %dma_wait3A_471 = tpu.memref_slice %arg9[%mul3A_19, %dma_wait3A_470] : memref<10000x128xf32, #tpu.memory_space<vmem_shared>> -> memref<624x128xf32, #tpu.memory_space<vmem_shared>>
        tpu.wait_dma2 semaphore(%run_scoped3A : memref<!tpu.dma_semaphore, #tpu.memory_space<semaphore_mem>>) src(%dma_wait3A_471 : memref<624x128xf32, #tpu.memory_space<vmem_shared>>) dst(%dma_wait3A_469 : memref<624x128xf32, #tpu.memory_space<hbm>>)
        tpu.yield
      }) : () -> ()
      %eq3A_459 = arith.constant 0 : i32
      %eq3A_460 = arith.cmpi eq, %arg1, %eq3A_459 : i32
      %convert_element_type3A_461 = arith.extui %eq3A_460 : i1 to i32
      %cond3A_462 = arith.constant 0 : i32
      %cond3A_463 = arith.cmpi ne, %convert_element_type3A_461, %cond3A_462 : i32
      scf.if %cond3A_463 {
        "tpu.region"() ({
          %run_scoped3A = tpu.sem_alloc : memref<!tpu.dma_semaphore, #tpu.memory_space<semaphore_mem>>
          %dma_start3A_464 = arith.constant 9984 : i32
          %dma_start3A_465 = arith.constant 0 : i32
          %dma_start3A_466 = tpu.memref_slice %arg6[%dma_start3A_464, %dma_start3A_465] : memref<10000x128xf32, #tpu.memory_space<hbm>> -> memref<16x128xf32, #tpu.memory_space<hbm>>
          %dma_start3A_467 = arith.constant 9984 : i32
          %dma_start3A_468 = arith.constant 0 : i32
          %dma_start3A_469 = tpu.memref_slice %arg9[%dma_start3A_467, %dma_start3A_468] : memref<10000x128xf32, #tpu.memory_space<vmem_shared>> -> memref<16x128xf32, #tpu.memory_space<vmem_shared>>
          tpu.enqueue_dma source(%dma_start3A_469 : memref<16x128xf32, #tpu.memory_space<vmem_shared>>) target(%dma_start3A_466 : memref<16x128xf32, #tpu.memory_space<hbm>>) target_semaphore(%run_scoped3A : memref<!tpu.dma_semaphore, #tpu.memory_space<semaphore_mem>>)
          %dma_wait3A_470 = arith.constant 9984 : i32
          %dma_wait3A_471 = arith.constant 0 : i32
          %dma_wait3A_472 = tpu.memref_slice %arg6[%dma_wait3A_470, %dma_wait3A_471] : memref<10000x128xf32, #tpu.memory_space<hbm>> -> memref<16x128xf32, #tpu.memory_space<hbm>>
          %dma_wait3A_473 = arith.constant 9984 : i32
          %dma_wait3A_474 = arith.constant 0 : i32
          %dma_wait3A_475 = tpu.memref_slice %arg9[%dma_wait3A_473, %dma_wait3A_474] : memref<10000x128xf32, #tpu.memory_space<vmem_shared>> -> memref<16x128xf32, #tpu.memory_space<vmem_shared>>
          tpu.wait_dma2 semaphore(%run_scoped3A : memref<!tpu.dma_semaphore, #tpu.memory_space<semaphore_mem>>) src(%dma_wait3A_475 : memref<16x128xf32, #tpu.memory_space<vmem_shared>>) dst(%dma_wait3A_472 : memref<16x128xf32, #tpu.memory_space<hbm>>)
          tpu.yield
        }) : () -> ()
      } else {
      }
    } else {
    }
    return
  }
}

module attributes {stable_mosaic.version = 14 : i64} {
  func.func @_first_body(%arg0: i32, %arg1: memref<2000x128xf32, #tpu.memory_space<vmem>>, %arg2: memref<128x128xf32, #tpu.memory_space<vmem>>, %arg3: memref<1xf32, #tpu.memory_space<smem>>, %arg4: memref<2000x128xf32, #tpu.memory_space<vmem>>) attributes {dimension_semantics = [#tpu.dimension_semantics<arbitrary>], iteration_bounds = array<i64: 5>, scalar_prefetch = 0 : i64, scratch_operands = 0 : i64, tpu.core_type = #tpu.core_type<tc>, window_params = [{transform_indices = @transform_0, window_bounds = array<i64: 2000, 128>}, {pipeline_mode = #tpu.pipeline_mode<synchronous>, transform_indices = @transform_1, window_bounds = array<i64: 128, 128>}, {transform_indices = @transform_2, window_bounds = array<i64: 1>}, {transform_indices = @transform_3, window_bounds = array<i64: 2000, 128>}]} {
    %get3A = arith.constant 0 : index
    %get3A_0 = arith.constant 0 : index
    %get3A_1 = vector.load %arg1[%get3A, %get3A_0] : memref<2000x128xf32, #tpu.memory_space<vmem>>, vector<2000x128xf32>
    %get3A_2 = arith.constant 0 : index
    %get3A_3 = arith.constant 0 : index
    %get3A_4 = vector.load %arg2[%get3A_2, %get3A_3] : memref<128x128xf32, #tpu.memory_space<vmem>>, vector<128x128xf32>
    %dot_general3A = arith.constant dense<0.000000e+00> : vector<2000x128xf32>
    %dot_general3A_5 = tpu.matmul %get3A_1, %get3A_4, %dot_general3A {dimension_numbers = #tpu.dot_dimension_numbers<[1], [1], [0], [0], [0, 0, 1, 0], [], []>, precision = #tpu.contract_precision<fp32>, transpose_lhs_hint = false} : vector<2000x128xf32>, vector<128x128xf32>, vector<2000x128xf32> -> vector<2000x128xf32>
    %get3A_6 = arith.constant 0 : index
    %get3A_7 = memref.load %arg3[%get3A_6] : memref<1xf32, #tpu.memory_space<smem>>
    %slice3A = vector.extract_strided_slice %dot_general3A_5 {offsets = [0, 0], sizes = [2000, 1], strides = [1, 1]} : vector<2000x128xf32> to vector<2000x1xf32>
    %logistic3A = arith.negf %slice3A : vector<2000x1xf32>
    %logistic3A_8 = math.exp %logistic3A : vector<2000x1xf32>
    %logistic3A_9 = arith.constant 1.000000e+00 : f32
    %logistic3A_10 = vector.broadcast %logistic3A_9 : f32 to vector<2000x1xf32>
    %logistic3A_11 = arith.addf %logistic3A_10, %logistic3A_8 : vector<2000x1xf32>
    %logistic3A_12 = arith.divf %logistic3A_10, %logistic3A_11 : vector<2000x1xf32>
    %exp3A = math.exp %get3A_7 : f32
    %mul3A = vector.broadcast %exp3A : f32 to vector<2000x1xf32>
    %mul3A_13 = arith.mulf %logistic3A_12, %mul3A : vector<2000x1xf32>
    %add3A = arith.constant 1.100000e+00 : f32
    %add3A_14 = vector.broadcast %add3A : f32 to vector<2000x1xf32>
    %add3A_15 = arith.addf %mul3A_13, %add3A_14 : vector<2000x1xf32>
    %mul3A_16 = arith.mulf %dot_general3A_5, %dot_general3A_5 : vector<2000x128xf32>
    %reduce_sum3A = arith.constant dense<0.000000e+00> : vector<2000xf32>
    %reduce_sum3A_17 = vector.multi_reduction <add>, %mul3A_16, %reduce_sum3A [1] : vector<2000x128xf32> to vector<2000xf32>
    %broadcast_in_dim3A = vector.shape_cast %reduce_sum3A_17 : vector<2000xf32> to vector<2000x1xf32>
    %mul3A_18 = arith.mulf %slice3A, %slice3A : vector<2000x1xf32>
    %sub3A = arith.subf %broadcast_in_dim3A, %mul3A_18 : vector<2000x1xf32>
    %max3A = arith.constant 9.99999993E-9 : f32
    %max3A_19 = vector.broadcast %max3A : f32 to vector<2000x1xf32>
    %max3A_20 = arith.maximumf %sub3A, %max3A_19 : vector<2000x1xf32>
    %mul3A_21 = arith.mulf %add3A_15, %add3A_15 : vector<2000x1xf32>
    %sub3A_22 = arith.constant 1.000000e+00 : f32
    %sub3A_23 = vector.broadcast %sub3A_22 : f32 to vector<2000x1xf32>
    %sub3A_24 = arith.subf %mul3A_21, %sub3A_23 : vector<2000x1xf32>
    %div3A = arith.divf %sub3A_24, %max3A_20 : vector<2000x1xf32>
    %sqrt3A = math.sqrt %div3A : vector<2000x1xf32>
    %mul3A_25 = vector.broadcast %sqrt3A : vector<2000x1xf32> to vector<2000x128xf32>
    %mul3A_26 = arith.mulf %dot_general3A_5, %mul3A_25 : vector<2000x128xf32>
    %iota3A = tpu.iota {dimensions = array<i32: 1>} : vector<2000x128xi32>
    %eq3A = arith.constant 0 : i32
    %eq3A_27 = vector.broadcast %eq3A : i32 to vector<2000x128xi32>
    %eq3A_28 = arith.cmpi eq, %iota3A, %eq3A_27 : vector<2000x128xi32>
    %broadcast_in_dim3A_29 = vector.shape_cast %add3A_15 : vector<2000x1xf32> to vector<2000x1xf32>
    %broadcast_in_dim3A_30 = vector.broadcast %broadcast_in_dim3A_29 : vector<2000x1xf32> to vector<2000x128xf32>
    %select_n3A = arith.select %eq3A_28, %broadcast_in_dim3A_30, %mul3A_26 : vector<2000x128xi1>, vector<2000x128xf32>
    %swap3A = arith.constant 0 : index
    %swap3A_31 = arith.constant 0 : index
    %swap3A_32 = vector.load %arg4[%swap3A, %swap3A_31] : memref<2000x128xf32, #tpu.memory_space<vmem>>, vector<2000x128xf32>
    tpu.vector_store %arg4[%swap3A, %swap3A_31], %select_n3A {strides = array<i32>} : memref<2000x128xf32, #tpu.memory_space<vmem>>, vector<2000x128xf32>,
    return
  }
  func.func @transform_0(%arg0: i32) -> (i32, i32) {
    %c0_i32 = arith.constant 0 : i32
    %c0_i32_0 = arith.constant 0 : i32
    return %arg0, %c0_i32 : i32, i32
  }
  func.func @transform_1(%arg0: i32) -> (i32, i32) {
    %c0_i32 = arith.constant 0 : i32
    %c0_i32_0 = arith.constant 0 : i32
    %c0_i32_1 = arith.constant 0 : i32
    return %c0_i32, %c0_i32_0 : i32, i32
  }
  func.func @transform_2(%arg0: i32) -> i32 {
    %c0_i32 = arith.constant 0 : i32
    %c0_i32_0 = arith.constant 0 : i32
    return %c0_i32 : i32
  }
  func.func @transform_3(%arg0: i32) -> (i32, i32) {
    %c0_i32 = arith.constant 0 : i32
    %c0_i32_0 = arith.constant 0 : i32
    return %arg0, %c0_i32 : i32, i32
  }
}

module attributes {stable_mosaic.version = 14 : i64} {
  func.func @_mid_body(%arg0: i32, %arg1: memref<2000x128xf32, #tpu.memory_space<vmem>>, %arg2: memref<2000x128xf32, #tpu.memory_space<vmem>>, %arg3: memref<128x128xf32, #tpu.memory_space<vmem>>, %arg4: memref<1xf32, #tpu.memory_space<smem>>, %arg5: memref<2000x128xf32, #tpu.memory_space<vmem>>) attributes {dimension_semantics = [#tpu.dimension_semantics<arbitrary>], iteration_bounds = array<i64: 5>, scalar_prefetch = 0 : i64, scratch_operands = 0 : i64, tpu.core_type = #tpu.core_type<tc>, window_params = [{transform_indices = @transform_0, window_bounds = array<i64: 2000, 128>}, {transform_indices = @transform_1, window_bounds = array<i64: 2000, 128>}, {pipeline_mode = #tpu.pipeline_mode<synchronous>, transform_indices = @transform_2, window_bounds = array<i64: 128, 128>}, {transform_indices = @transform_3, window_bounds = array<i64: 1>}, {transform_indices = @transform_4, window_bounds = array<i64: 2000, 128>}]} {
    %get3A = arith.constant 0 : index
    %get3A_0 = arith.constant 0 : index
    %get3A_1 = vector.load %arg1[%get3A, %get3A_0] : memref<2000x128xf32, #tpu.memory_space<vmem>>, vector<2000x128xf32>
    %get3A_2 = arith.constant 0 : index
    %get3A_3 = arith.constant 0 : index
    %get3A_4 = vector.load %arg2[%get3A_2, %get3A_3] : memref<2000x128xf32, #tpu.memory_space<vmem>>, vector<2000x128xf32>
    %add3A = arith.addf %get3A_1, %get3A_4 : vector<2000x128xf32>
    %slice3A = vector.extract_strided_slice %add3A {offsets = [0, 0], sizes = [2000, 1], strides = [1, 1]} : vector<2000x128xf32> to vector<2000x1xf32>
    %mul3A = arith.mulf %add3A, %add3A : vector<2000x128xf32>
    %reduce_sum3A = arith.constant dense<0.000000e+00> : vector<2000xf32>
    %reduce_sum3A_5 = vector.multi_reduction <add>, %mul3A, %reduce_sum3A [1] : vector<2000x128xf32> to vector<2000xf32>
    %broadcast_in_dim3A = vector.shape_cast %reduce_sum3A_5 : vector<2000xf32> to vector<2000x1xf32>
    %mul3A_6 = arith.constant 2.000000e+00 : f32
    %mul3A_7 = vector.broadcast %mul3A_6 : f32 to vector<2000x1xf32>
    %mul3A_8 = arith.mulf %mul3A_7, %slice3A : vector<2000x1xf32>
    %mul3A_9 = arith.mulf %mul3A_8, %slice3A : vector<2000x1xf32>
    %sub3A = arith.subf %broadcast_in_dim3A, %mul3A_9 : vector<2000x1xf32>
    %abs3A = math.absf %sub3A : vector<2000x1xf32>
    %max3A = arith.constant 9.99999993E-9 : f32
    %max3A_10 = vector.broadcast %max3A : f32 to vector<2000x1xf32>
    %max3A_11 = arith.maximumf %abs3A, %max3A_10 : vector<2000x1xf32>
    %sqrt3A = math.sqrt %max3A_11 : vector<2000x1xf32>
    %div3A = vector.broadcast %sqrt3A : vector<2000x1xf32> to vector<2000x128xf32>
    %div3A_12 = arith.divf %add3A, %div3A : vector<2000x128xf32>
    %max3A_13 = arith.constant 0.000000e+00 : f32
    %max3A_14 = vector.broadcast %max3A_13 : f32 to vector<2000x128xf32>
    %max3A_15 = arith.maximumf %div3A_12, %max3A_14 : vector<2000x128xf32>
    %get3A_16 = arith.constant 0 : index
    %get3A_17 = arith.constant 0 : index
    %get3A_18 = vector.load %arg3[%get3A_16, %get3A_17] : memref<128x128xf32, #tpu.memory_space<vmem>>, vector<128x128xf32>
    %dot_general3A = arith.constant dense<0.000000e+00> : vector<2000x128xf32>
    %dot_general3A_19 = tpu.matmul %max3A_15, %get3A_18, %dot_general3A {dimension_numbers = #tpu.dot_dimension_numbers<[1], [1], [0], [0], [0, 0, 1, 0], [], []>, precision = #tpu.contract_precision<fp32>, transpose_lhs_hint = false} : vector<2000x128xf32>, vector<128x128xf32>, vector<2000x128xf32> -> vector<2000x128xf32>
    %get3A_20 = arith.constant 0 : index
    %get3A_21 = memref.load %arg4[%get3A_20] : memref<1xf32, #tpu.memory_space<smem>>
    %slice3A_22 = vector.extract_strided_slice %dot_general3A_19 {offsets = [0, 0], sizes = [2000, 1], strides = [1, 1]} : vector<2000x128xf32> to vector<2000x1xf32>
    %logistic3A = arith.negf %slice3A_22 : vector<2000x1xf32>
    %logistic3A_23 = math.exp %logistic3A : vector<2000x1xf32>
    %logistic3A_24 = arith.constant 1.000000e+00 : f32
    %logistic3A_25 = vector.broadcast %logistic3A_24 : f32 to vector<2000x1xf32>
    %logistic3A_26 = arith.addf %logistic3A_25, %logistic3A_23 : vector<2000x1xf32>
    %logistic3A_27 = arith.divf %logistic3A_25, %logistic3A_26 : vector<2000x1xf32>
    %exp3A = math.exp %get3A_21 : f32
    %mul3A_28 = vector.broadcast %exp3A : f32 to vector<2000x1xf32>
    %mul3A_29 = arith.mulf %logistic3A_27, %mul3A_28 : vector<2000x1xf32>
    %add3A_30 = arith.constant 1.100000e+00 : f32
    %add3A_31 = vector.broadcast %add3A_30 : f32 to vector<2000x1xf32>
    %add3A_32 = arith.addf %mul3A_29, %add3A_31 : vector<2000x1xf32>
    %mul3A_33 = arith.mulf %dot_general3A_19, %dot_general3A_19 : vector<2000x128xf32>
    %reduce_sum3A_34 = arith.constant dense<0.000000e+00> : vector<2000xf32>
    %reduce_sum3A_35 = vector.multi_reduction <add>, %mul3A_33, %reduce_sum3A_34 [1] : vector<2000x128xf32> to vector<2000xf32>
    %broadcast_in_dim3A_36 = vector.shape_cast %reduce_sum3A_35 : vector<2000xf32> to vector<2000x1xf32>
    %mul3A_37 = arith.mulf %slice3A_22, %slice3A_22 : vector<2000x1xf32>
    %sub3A_38 = arith.subf %broadcast_in_dim3A_36, %mul3A_37 : vector<2000x1xf32>
    %max3A_39 = arith.constant 9.99999993E-9 : f32
    %max3A_40 = vector.broadcast %max3A_39 : f32 to vector<2000x1xf32>
    %max3A_41 = arith.maximumf %sub3A_38, %max3A_40 : vector<2000x1xf32>
    %mul3A_42 = arith.mulf %add3A_32, %add3A_32 : vector<2000x1xf32>
    %sub3A_43 = arith.constant 1.000000e+00 : f32
    %sub3A_44 = vector.broadcast %sub3A_43 : f32 to vector<2000x1xf32>
    %sub3A_45 = arith.subf %mul3A_42, %sub3A_44 : vector<2000x1xf32>
    %div3A_46 = arith.divf %sub3A_45, %max3A_41 : vector<2000x1xf32>
    %sqrt3A_47 = math.sqrt %div3A_46 : vector<2000x1xf32>
    %mul3A_48 = vector.broadcast %sqrt3A_47 : vector<2000x1xf32> to vector<2000x128xf32>
    %mul3A_49 = arith.mulf %dot_general3A_19, %mul3A_48 : vector<2000x128xf32>
    %iota3A = tpu.iota {dimensions = array<i32: 1>} : vector<2000x128xi32>
    %eq3A = arith.constant 0 : i32
    %eq3A_50 = vector.broadcast %eq3A : i32 to vector<2000x128xi32>
    %eq3A_51 = arith.cmpi eq, %iota3A, %eq3A_50 : vector<2000x128xi32>
    %broadcast_in_dim3A_52 = vector.shape_cast %add3A_32 : vector<2000x1xf32> to vector<2000x1xf32>
    %broadcast_in_dim3A_53 = vector.broadcast %broadcast_in_dim3A_52 : vector<2000x1xf32> to vector<2000x128xf32>
    %select_n3A = arith.select %eq3A_51, %broadcast_in_dim3A_53, %mul3A_49 : vector<2000x128xi1>, vector<2000x128xf32>
    %swap3A = arith.constant 0 : index
    %swap3A_54 = arith.constant 0 : index
    %swap3A_55 = vector.load %arg5[%swap3A, %swap3A_54] : memref<2000x128xf32, #tpu.memory_space<vmem>>, vector<2000x128xf32>
    tpu.vector_store %arg5[%swap3A, %swap3A_54], %select_n3A {strides = array<i32>} : memref<2000x128xf32, #tpu.memory_space<vmem>>, vector<2000x128xf32>,
    return
  }
  func.func @transform_0(%arg0: i32) -> (i32, i32) {
    %c0_i32 = arith.constant 0 : i32
    %c0_i32_0 = arith.constant 0 : i32
    return %arg0, %c0_i32 : i32, i32
  }
  func.func @transform_1(%arg0: i32) -> (i32, i32) {
    %c0_i32 = arith.constant 0 : i32
    %c0_i32_0 = arith.constant 0 : i32
    return %arg0, %c0_i32 : i32, i32
  }
  func.func @transform_2(%arg0: i32) -> (i32, i32) {
    %c0_i32 = arith.constant 0 : i32
    %c0_i32_0 = arith.constant 0 : i32
    %c0_i32_1 = arith.constant 0 : i32
    return %c0_i32, %c0_i32_0 : i32, i32
  }
  func.func @transform_3(%arg0: i32) -> i32 {
    %c0_i32 = arith.constant 0 : i32
    %c0_i32_0 = arith.constant 0 : i32
    return %c0_i32 : i32
  }
  func.func @transform_4(%arg0: i32) -> (i32, i32) {
    %c0_i32 = arith.constant 0 : i32
    %c0_i32_0 = arith.constant 0 : i32
    return %arg0, %c0_i32 : i32, i32
  }
}

module attributes {stable_mosaic.version = 14 : i64} {
  func.func @_final_body(%arg0: i32, %arg1: memref<2000x128xf32, #tpu.memory_space<vmem>>, %arg2: memref<2000x128xf32, #tpu.memory_space<vmem>>, %arg3: memref<2000x128xf32, #tpu.memory_space<vmem>>) attributes {dimension_semantics = [#tpu.dimension_semantics<arbitrary>], iteration_bounds = array<i64: 5>, scalar_prefetch = 0 : i64, scratch_operands = 0 : i64, tpu.core_type = #tpu.core_type<tc>, window_params = [{transform_indices = @transform_0, window_bounds = array<i64: 2000, 128>}, {transform_indices = @transform_1, window_bounds = array<i64: 2000, 128>}, {transform_indices = @transform_2, window_bounds = array<i64: 2000, 128>}]} {
    %get3A = arith.constant 0 : index
    %get3A_0 = arith.constant 0 : index
    %get3A_1 = vector.load %arg1[%get3A, %get3A_0] : memref<2000x128xf32, #tpu.memory_space<vmem>>, vector<2000x128xf32>
    %get3A_2 = arith.constant 0 : index
    %get3A_3 = arith.constant 0 : index
    %get3A_4 = vector.load %arg2[%get3A_2, %get3A_3] : memref<2000x128xf32, #tpu.memory_space<vmem>>, vector<2000x128xf32>
    %add3A = arith.addf %get3A_1, %get3A_4 : vector<2000x128xf32>
    %slice3A = vector.extract_strided_slice %add3A {offsets = [0, 0], sizes = [2000, 1], strides = [1, 1]} : vector<2000x128xf32> to vector<2000x1xf32>
    %mul3A = arith.mulf %add3A, %add3A : vector<2000x128xf32>
    %reduce_sum3A = arith.constant dense<0.000000e+00> : vector<2000xf32>
    %reduce_sum3A_5 = vector.multi_reduction <add>, %mul3A, %reduce_sum3A [1] : vector<2000x128xf32> to vector<2000xf32>
    %broadcast_in_dim3A = vector.shape_cast %reduce_sum3A_5 : vector<2000xf32> to vector<2000x1xf32>
    %mul3A_6 = arith.constant 2.000000e+00 : f32
    %mul3A_7 = vector.broadcast %mul3A_6 : f32 to vector<2000x1xf32>
    %mul3A_8 = arith.mulf %mul3A_7, %slice3A : vector<2000x1xf32>
    %mul3A_9 = arith.mulf %mul3A_8, %slice3A : vector<2000x1xf32>
    %sub3A = arith.subf %broadcast_in_dim3A, %mul3A_9 : vector<2000x1xf32>
    %abs3A = math.absf %sub3A : vector<2000x1xf32>
    %max3A = arith.constant 9.99999993E-9 : f32
    %max3A_10 = vector.broadcast %max3A : f32 to vector<2000x1xf32>
    %max3A_11 = arith.maximumf %abs3A, %max3A_10 : vector<2000x1xf32>
    %sqrt3A = math.sqrt %max3A_11 : vector<2000x1xf32>
    %div3A = vector.broadcast %sqrt3A : vector<2000x1xf32> to vector<2000x128xf32>
    %div3A_12 = arith.divf %add3A, %div3A : vector<2000x128xf32>
    %swap3A = arith.constant 0 : index
    %swap3A_13 = arith.constant 0 : index
    %swap3A_14 = vector.load %arg3[%swap3A, %swap3A_13] : memref<2000x128xf32, #tpu.memory_space<vmem>>, vector<2000x128xf32>
    tpu.vector_store %arg3[%swap3A, %swap3A_13], %div3A_12 {strides = array<i32>} : memref<2000x128xf32, #tpu.memory_space<vmem>>, vector<2000x128xf32>,
    return
  }
  func.func @transform_0(%arg0: i32) -> (i32, i32) {
    %c0_i32 = arith.constant 0 : i32
    %c0_i32_0 = arith.constant 0 : i32
    return %arg0, %c0_i32 : i32, i32
  }
  func.func @transform_1(%arg0: i32) -> (i32, i32) {
    %c0_i32 = arith.constant 0 : i32
    %c0_i32_0 = arith.constant 0 : i32
    return %arg0, %c0_i32 : i32, i32
  }
  func.func @transform_2(%arg0: i32) -> (i32, i32) {
    %c0_i32 = arith.constant 0 : i32
    %c0_i32_0 = arith.constant 0 : i32
    return %arg0, %c0_i32 : i32, i32
  }
}

</mosaic_0001>

<sc_bundles>
// kernel: kernel.12.cloned.1.call-start
scs
__scs_entry_jumppad:
0x0: {  	(pc) =	sbr.rel $0x88, $3  }
0x1: {  	(tag) =	ssettag $0x0;
	lr =	simm.s32 $0x1  }
0x2: {  	[smem:$0x3F99] =	sst lr;
	_ =	strace $0xD0000000  }
0x3: {  	_ = 	snop  }
0x4: {  	_ = 	snop  }
0x5: {  	_ = 	snop  }
0x6: {  	_ = 	snop  }
0x7: {  	_ = 	snop  }
__scs_overlays_trampoline_lowered:
0x8: {  	[smem:$0x3FA8] =	sst s0  }
0x9: {  	[smem:$0x3FA9] =	sst s1  }
0xa: {  	[smem:$0x3FAA] =	sst s2  }
0xb: {  	[smem:$0x3FAB] =	sst s3  }
0xc: {  	[smem:$0x3FAC] =	sst s4  }
0xd: {  	[smem:$0x3FAD] =	sst s5  }
0xe: {  	[smem:$0x3FAE] =	sst s6  }
0xf: {  	[smem:$0x3FAF] =	sst s7  }
0x10: {  	[smem:$0x3FB0] =	sst s8  }
0x11: {  	[smem:$0x3FB1] =	sst s9;
	s0 =	simm.s32 @!p0 $0x0  }
0x12: {  	s1 =	sld [smem:$0x3F97];
	s0 =	simm.s32 @p0 $0x1  }
0x13: {  	[smem:$0x3FB2] =	sst s0;
	s0 =	simm.s32 @!p1 $0x0  }
0x14: {  	s2 =	sld [smem:$0x3F96];
	s0 =	simm.s32 @p1 $0x1  }
0x15: {  	[smem:$0x3FB3] =	sst s0;
	s0 =	simm.s32 @!p2 $0x0  }
0x16: {  	s3 =	sld [smem:$0x3FDB];
	s0 =	simm.s32 @p2 $0x1  }
0x17: {  	s4 =	simm.s32 $0x1BF5;
	[smem:$0x3FB5] =	sst s0  }
0x18: {  	s0 =	sld [smem:$0x3F98];
	_ =	swait.ge [sflag:s4], $0x0  }
0x19: {  	s7 =	sld [smem:$0x3F99]  }
0x1a: {  	s8 =	sadd.s32 $0xFFFFE003, lr  }
0x1b: {  	s9 =	sadd.s32 $0xFFFFFEF7, lr;
	s5 =	simm.s32 $0xFFFFFFFF;
	p2 =	slt.u32 s8, $0xFFFFF086  }
0x1c: {  	p1 =	slt.u32 s9, $0xF7A;
	s5 =	simm.s32 @!p2 $0x0  }
0x1d: {  	s5 =	simm.s32 @p1 $0x1;
	p0 =	seq.s32 s7, s2  }
0x1e: {  	s7 =	smul.u32 @!p0 $0xF7A, s2;
	p2 =	seq.s32 @!p0 s5, $0x0  }
0x1f: {  	s9 =	smul.u32 $0xF7A, s1;
	s8 =	simm.s32 @!p0 $0x1BF5;
	p2 =	por !p2, p0  }
0x20: {  	[sflag:s8] =	ssyncset.s32 @!p0 $0xFFFFF086;
	s6 =	sadd.s32 @!p0 s3, s7;
	s7 =	simm.s32 @!p0 $0x108  }
0x21: {  	s3 =	sadd.s32 s3, s9;
	s6 =	sadd.s32 @!p0 $0x88, s6;
	s7 =	simm.s32 @p2 $0x1082  }
0x22: {  	[simem:s7], [sflag:s8] =	dma.local @!p0 [hbm:s6], $0xF7A  }
0x23: {  	s9 =	sor.u32 $0xD0000000, s2;
	s6 =	simm.s32 $0x108;
	_ =	swait.ge @!p0 [sflag:s8], $0x0  }
0x24: {  	s3 =	sadd.s32 $0x88, s3;
	s6 =	simm.s32 @!p1 $0x1082;
	[sflag:s4] =	ssyncset.s32 $0xFFFFF086  }
0x25: {  	[simem:s6], [sflag:s4] =	dma.local [hbm:s3], $0xF7A  }
0x26: {  	[smem:$0x3F99] =	sst s1;
	(tag) =	ssettag s2;
	_ =	strace s9  }
0x27: {  	s1 =	sld [smem:$0x3FA9]  }
0x28: {  	s2 =	sld [smem:$0x3FAA]  }
0x29: {  	s4 =	sld [smem:$0x3FAC]  }
0x2a: {  	p0 =	seq.s32 s5, $0x0;
	s5 =	sld [smem:$0x3FAD]  }
0x2b: {  	s6 =	sld [smem:$0x3FAE]  }
0x2c: {  	s7 =	sld [smem:$0x3FAF]  }
0x2d: {  	s3 =	simm.s32 $0x108;
	s8 =	sld [smem:$0x3FB0]  }
0x2e: {  	s3 =	simm.s32 @!p0 $0x1082;
	s9 =	sld [smem:$0x3FB1]  }
0x2f: {  	lr =	sadd.s32 s0, s3;
	s0 =	sld [smem:$0x3FA8]  }
0x30: {  	s3 =	sld [smem:$0x3FAB]  }
0x31: {  	[smem:$0x3FB4] =	sst s10  }
0x32: {  	s10 =	sld [smem:$0x3FB2];
	_ =	sdelay $0x3  }
0x33: {  	p0 =	seq.s32 s10, $0x1;
	s10 =	sld [smem:$0x3FB4];
	_ =	sdelay $0x3  }
0x34: {  	[smem:$0x3FB4] =	sst s10  }
0x35: {  	s10 =	sld [smem:$0x3FB3];
	_ =	sdelay $0x3  }
0x36: {  	p1 =	seq.s32 s10, $0x1;
	s10 =	sld [smem:$0x3FB4];
	_ =	sdelay $0x3  }
0x37: {  	[smem:$0x3FB4] =	sst s10  }
0x38: {  	s10 =	sld [smem:$0x3FB5]  }
0x39: {  	_ = 	snop;
	(pc) =	sbr.ind lr, $3  }
0x3a: {  	_ = 	snop  }
0x3b: {  	_ = 	snop  }
0x3c: {  	p2 =	seq.s32 s10, $0x1;
	s10 =	sld [smem:$0x3FB4]  }
0x3d: {  	_ =	shalt  }
0x3e: {  	_ =	shalt  }
0x3f: {  	_ =	shalt  }
0x40: {  	_ =	shalt  }
0x41: {  	_ =	shalt  }
0x42: {  	_ =	shalt  }
0x43: {  	_ =	shalt  }
0x44: {  	_ =	shalt  }
0x45: {  	_ =	shalt  }
0x46: {  	_ =	shalt  }
0x47: {  	_ =	shalt  }
0x48: {  	_ =	shalt  }
0x49: {  	_ =	shalt  }
0x4a: {  	_ =	shalt  }
0x4b: {  	_ =	shalt  }
0x4c: {  	_ =	shalt  }
0x4d: {  	_ =	shalt  }
0x4e: {  	_ =	shalt  }
0x4f: {  	_ =	shalt  }
0x50: {  	_ =	shalt  }
0x51: {  	_ =	shalt  }
0x52: {  	_ =	shalt  }
0x53: {  	_ =	shalt  }
0x54: {  	_ =	shalt  }
0x55: {  	_ =	shalt  }
0x56: {  	_ =	shalt  }
0x57: {  	_ =	shalt  }
0x58: {  	_ =	shalt  }
0x59: {  	_ =	shalt  }
0x5a: {  	_ =	shalt  }
0x5b: {  	_ =	shalt  }
0x5c: {  	_ =	shalt  }
0x5d: {  	_ =	shalt  }
0x5e: {  	_ =	shalt  }
0x5f: {  	_ =	shalt  }
0x60: {  	_ =	shalt  }
0x61: {  	_ =	shalt  }
0x62: {  	_ =	shalt  }
0x63: {  	_ =	shalt  }
0x64: {  	_ =	shalt  }
0x65: {  	_ =	shalt  }
0x66: {  	_ =	shalt  }
0x67: {  	_ =	shalt  }
0x68: {  	_ =	shalt  }
0x69: {  	_ =	shalt  }
0x6a: {  	_ =	shalt  }
0x6b: {  	_ =	shalt  }
0x6c: {  	_ =	shalt  }
0x6d: {  	_ =	shalt  }
0x6e: {  	_ =	shalt  }
0x6f: {  	_ =	shalt  }
0x70: {  	_ =	shalt  }
0x71: {  	_ =	shalt  }
0x72: {  	_ =	shalt  }
0x73: {  	_ =	shalt  }
0x74: {  	_ =	shalt  }
0x75: {  	_ =	shalt  }
0x76: {  	_ =	shalt  }
0x77: {  	_ =	shalt  }
0x78: {  	_ =	shalt  }
0x79: {  	_ =	shalt  }
0x7a: {  	_ =	shalt  }
0x7b: {  	_ =	shalt  }
0x7c: {  	_ =	shalt  }
0x7d: {  	_ =	shalt  }
0x7e: {  	_ =	shalt  }
0x7f: {  	_ =	shalt  }
0x80: {  	_ =	shalt  }
0x81: {  	_ =	shalt  }
0x82: {  	_ =	shalt  }
0x83: {  	_ =	shalt  }
0x84: {  	_ =	shalt  }
0x85: {  	_ =	shalt  }
0x86: {  	_ =	shalt  }
0x87: {  	_ =	shalt  }
.Lfunc_end0:
.L_simem_size_0:
called_computation.1_lowered:
.L_overlay_start_0:
0x88: {  	s2 =	sld [smem:$0x3FD9]  }
0x89: {  	s3 =	sld [smem:$0x3FFE];
	_ =	sdelay $0x1  }
0x8a: {  	s1 =	srdreg.scid  }
0x8b: {  	s0 =	sand.u32 $0x1, s1  }
0x8c: {  	s17 =	sshll.u32 s0, $0xA;
	s2 =	sadd.s32 s3, s2  }
0x8d: {  	s2 =	sadd.s32 s2, s17  }
0x8e: {  	[smem:$0x3FC0] =	sst s2  }
0x8f: {  	_ = 	snop  }
0x90: {  	s2 =	sld [smem:$0x3FD0];
	(tm) =	ssettm $0x1  }
0x91: {  	s18 =	sld [smem:$0x3FFB];
	_ =	sdelay $0x3  }
0x92: {  	_ =	strace s18  }
0x93: {  	s3 =	sld [smem:$0x3FFC];
	_ =	sdelay $0x3  }
0x94: {  	_ =	strace s3  }
0x95: {  	s3 =	sld [smem:$0x3FFD];
	_ =	sdelay $0x3  }
0x96: {  	_ =	strace s3  }
0x97: {  	_ =	strace $0x8FFFFFFF  }
0x98: {  	s19 =	sld [smem:$0x3FDB];
	_ =	sdelay $0x1  }
0x99: {  	s4 =	simm.s32 $_scs_section_size  }
0x9a: {  	s5 =	simm.s32 $_size__tile_overlayer_lowered;
	s6 =	simm.s32 $_tile_overlayer_lowered  }
0x9b: {  	s22 =	simm.s32 $0x1BFF;
	s21 =	sshll.u32 s6, $0x1;
	s3 =	sadd.s32 s4, s19  }
0x9c: {  	s7 =	simm.s32 $0x0;
	s20 =	sshll.u32 s5, $0x1;
	s5 =	sadd.s32 s21, s3  }
0x9d: {  	[timem:s7], [sflag:s22] =	dma.local [hbm:s5], s20  }
0x9e: {  	_ =	swait.ge [sflag:s22], s20  }
0x9f: {  	s4 =	ssub.s32 $0x0, s20;
	[sflag:s22] =	ssyncset.done $0x0  }
0xa0: {  	[sflag:s22] =	ssyncadd.s32 s4;
	_ =	sdelay $0x1  }
0xa1: {  	s23 =	simm.s32 $0x1B8B  }
0xa2: {  	_ =	swait.ge [sflag:s23], $0x1  }
0xa3: {  	[sflag:s23] =	ssyncset.done $0x0  }
0xa4: {  	s25 =	simm.s32 $0x1B8E;
	s24 =	sld [smem:$0x3FFE];
	[sflag:s23] =	ssyncadd.s32 $0xFFFFFFFF  }
0xa5: {  	s26 =	simm.s32 $execute0_lowered;
	[smem:$0x3FD2] =	sst s25  }
0xa6: {  	s5 =	sshll.u32 s26, $0x1;
	_ =	strace $0x80000049;
	[dreg:$0x1] =	wrdreg $0xFFFFFFFF  }
0xa7: {  	s28 =	simm.s32 $_size_execute0_lowered;
	s3 =	sadd.s32 s3, s5;
	[dreg:$0x0] =	wrdreg $0x0  }
0xa8: {  	s5 =	sshll.u32 s28, $0x1;
	[dreg:$0x2] =	wrdreg s3  }
0xa9: {  	[dreg:$0x3] =	wrdreg s5  }
0xaa: {  	[dreg:$0x4] =	wrdreg $0xC0  }
0xab: {  	_ =	task [dreg:s7], $0x5FFFF  }
0xac: {  	[dreg:$0x1] =	wrdreg $0xFFFFFFFF  }
0xad: {  	[dreg:$0x0] =	wrdreg $0x60  }
0xae: {  	[dreg:$0x2] =	wrdreg s2  }
0xaf: {  	[dreg:$0x3] =	wrdreg s24  }
0xb0: {  	[dreg:$0x4] =	wrdreg $0x7B000  }
0xb1: {  	[dreg:$0x5] =	wrdreg $0x9  }
0xb2: {  	_ =	task.clear_ibuf [dreg:s7], $0x6FFFF;
	_ =	strace $0x90000049  }
0xb3: {  	s29 =	simm.s32 $0x9;
	_ =	strace $0x8000004B  }
0xb4: {  	_ =	swait.ge [sflag:s29], $0x1  }
0xb5: {  	[sflag:s29] =	ssyncadd.s32 $0xFFFFFFFF  }
0xb6: {  	_ =	strace $0x9000004B  }
0xb7: {  	_ =	sfence  }
0xb8: {  	s30 =	sld [smem:$0x0];
	_ =	sdelay $0x2  }
0xb9: {  	s31 =	sshll.u32 s1, $0xD;
	s1 =	sshrl.u32 s1, $0x2  }
0xba: {  	s3 =	sand.u32 $0x4000, s31;
	s1 =	sadd.s32 s1, s30  }
0xbb: {  	s0 =	sor.u32 s3, s0;
	s1 =	sshll.u32 s1, $0x11  }
0xbc: {  	s0 =	sor.u32 s1, s0  }
0xbd: {  	s0 =	sadd.s32 $0x8F2B, s0  }
0xbe: {  	[sflag:s0] =	ssyncadd.remote.s32 $0x1  }
0xbf: {  	_ =	sfence.sel $0xFFFF  }
0xc0: {  	[dreg:$0x0] =	wrdreg $0xFFFFFFFF;
	(pc) =	sbr.abs _section_cstart, $3  }
0xc1: {  	[dreg:$0x1] =	wrdreg $0xFFFFFFFF  }
0xc2: {  	_ =	task.clear_ibuf [dreg:s7], $0x2FFFF;
	_ =	strace $0x9FFFFFFF  }
0xc3: {  	(tm) =	ssettm $0x7FFFFFFF  }
tec
execute0_lowered:
.L_overlay_start_1:
0x0: {  	(tag) =	ssettag $0x1  }
0x1: {  	s1 =	rddreg [dreg:$0x0]  }
0x2: {  	s0 =	rddreg [dreg:$0x1]  }
0x3: {  	s2 =	rddreg [dreg:$0x2]  }
0x4: {  	s4 =	srdreg.scid;
	s3 =	simm.s32 $0x0;
	s5 =	stileid.u32  }
0x5: {  	s28 =	simm.s32 $0x200;
	s29 =	simm.s32 $0x2;
	s30 =	simm.s32 $0x2B00  }
0x6: {  	s31 =	simm.s32 $0x4;
	s6 =	sand.u32 $0x1, s4;
	s7 =	smul.u32 $0x2700, s5  }
0x7: {  	[smem:$0x7FF] =	sst s3;
	s13 =	sadd.s32 $0x49E00, s0;
	s11 =	smul.u32 $0x4E000, s5  }
0x8: {  	s14 =	sadd.s32 $0x71000, s0;
	s25 =	sshll.u32 s5, $0x6;
	s17 =	smul.u32 $0x7D00, s5  }
0x9: {  	s16 =	sadd.s32 $0x138000, s2;
	p1 =	sne.s32 s5, $0x0;
	p2 =	seq.s32 s5, $0x0  }
0xa: {  	s4 =	sshll.u32 s6, $0x4;
	_ =	strace $0x8000004A;
	[dreg:$0x9] =	wrdreg s16  }
0xb: {  	s10 =	ssub.s32 $0x2, s6;
	s26 =	smul.u32 $0x7D000, s6;
	[dreg:$0x5] =	wrdreg s13  }
0xc: {  	p0 =	seq.s32 s6, $0x1;
	[dreg:$0x6] =	wrdreg s14;
	s16 =	simm.s32 $0x5300  }
0xd: {  	s8 =	sor.u32 s5, s4;
	s4 =	sadd.s32 $0x3800, s0;
	s9 =	sadd.s32 s7, s0  }
0xe: {  	s12 =	sshrl.u32 s10, $0x1;
	s24 =	sshrl.u32 s11, $0x2;
	s0 =	sadd.s32 $0x49C00, s0  }
0xf: {  	s5 =	simm.s32 $0x7;
	s11 =	simm.s32 $0x8;
	s8 =	smul.u32 $0x7D00, s8  }
0x10: {  	s10 =	ssub.s32 s10, s12;
	s9 =	sadd.s32 $0x22C00, s9;
	[dreg:$0xa] =	wrdreg s0  }
0x11: {  	s21 =	sadd.s32 s17, s26;
	s17 =	simm.s32 $0x5;
	s12 =	simm.s32 $0x6  }
0x12: {  	[dreg:$0x8] =	wrdreg s9;
	s9 =	sor.u32 $0x1C0A, s25;
	s23 =	sadd.s32 $0x500, s21  }
0x13: {  	s25 =	sadd.s32 $0x400, s21;
	s10 =	smax.u32 s10, $0x1;
	s0 =	sadd.s32 $0x300, s21  }
0x14: {  	s8 =	sshrl.u32 s8, $0x3;
	s6 =	sshrl.u32 s23, $0x3;
	[dreg:$0x11] =	wrdreg s10  }
0x15: {  	s26 =	sshrl.u32 s25, $0x3;
	[dreg:$0x12] =	wrdreg s0;
	s23 =	simm.s32 $0x100  }
0x16: {  	s25 =	simm.s32 $0x50;
	s0 =	simm.s32 $0x80;
	s15 =	sadd.s32 s4, s8  }
0x17: {  	s8 =	sadd.s32 s24, s2;
	s24 =	sadd.s32 s13, s7;
	[dreg:$0x7] =	wrdreg s15  }
0x18: {  	s7 =	sadd.s32 s14, s7;
	s6 =	sadd.s32 s6, s4;
	[dreg:$0xf] =	wrdreg s24  }
0x19: {  	s13 =	simm.s32 $0x280;
	s14 =	simm.s32 $0x9;
	[dreg:$0x10] =	wrdreg s7  }
0x1a: {  	s18 =	sadd.s32 $0x20, s15;
	s19 =	sadd.s32 $0x40, s15;
	[dreg:$0x4] =	wrdreg s6  }
.Ltmp0:
0x1b: {  	s20 =	sadd.s32 $0xF60, s15;
	[dreg:$0xb] =	wrdreg s18;
	(pc) =	sbr.rel .LBB2_1-.Ltmp0, $4  }
0x1c: {  	s22 =	sadd.s32 $0xF80, s15;
	s21 =	sshrl.u32 s8, $0x3;
	[dreg:$0xc] =	wrdreg s19  }
0x1d: {  	s24 =	simm.s32 $0x1;
	s6 =	simm.s32 $0x3;
	[dreg:$0xd] =	wrdreg s20  }
0x1e: {  	s8 =	simm.s32 $0x180;
	s15 =	simm.s32 $0x0;
	[dreg:$0xe] =	wrdreg s22  }
0x1f: {  	s19 =	sadd.s32 s26, s4;
	s22 =	simm.s32 $0xA;
	s26 =	simm.s32 $0x300  }
.LBB2_6:
0x20: {  	s10 =	rddreg [dreg:$0x9]  }
0x21: {  	s7 =	sadd.s32 $0x27000, s7;
	s10 =	sshrl.u32 s10, $0x3  }
0x22: {  	[hbm:s7], [sflag:s9] =	dma.local [spmem:s10], $0x100  }
0x23: {  	_ =	swait.ge [sflag:s22], $0x100  }
0x24: {  	[sflag:s22] =	ssyncset.done $0x0  }
0x25: {  	[sflag:s22] =	ssyncadd.s32 $0xFFFFFF00  }
.LBB2_7:
0x26: {  	s15 =	sadd.s32 $0x1, s15;
	s7 =	rddreg [dreg:$0x11]  }
0x27: {  	p3 =	sne.s32 s15, s7  }
.Ltmp1:
0x28: {  	_ = 	snop;
	(pc) =	sbr.rel @!p3 .LBB2_8-.Ltmp1, $1  }
0x29: {  	_ =	sdelay $0x3  }
.LBB2_1:
0x2a: {  	s7 =	rddreg [dreg:$0x7]  }
0x2b: {  	s10 =	rddreg [dreg:$0x8]  }
0x2c: {  	[tilespmem:s3], [sflag:$0x1] =	stream.linear.gather [hbm4b:s7+s3], $0x100, $0x38;
	[tilespmem:$0x1B380] =	vst v63  }
0x2d: {  	[spmem:s21], [sflag:s9] =	dma.local [hbm:s10], $0x2700  }
0x2e: {  	_ =	swait.ge [sflag:s22], $0x2700  }
0x2f: {  	[sflag:s22] =	ssyncset.done $0x0;
	s7 =	rddreg [dreg:$0x9]  }
0x30: {  	s10 =	rddreg [dreg:$0xa];
	[sflag:s22] =	ssyncadd.s32 $0xFFFFD900;
	s7 =	sshrl.u32 @!p1 s7, $0x3  }
0x31: {  	[spmem:s7], [sflag:s9] =	dma.local @!p1 [hbm:s10], $0x100  }
0x32: {  	s7 =	simm.s32 @!p1 $0xA  }
0x33: {  	_ =	swait.ge @!p1 [sflag:s7], $0x100  }
0x34: {  	[sflag:s7] =	ssyncset.done @!p1 $0x0  }
0x35: {  	[sflag:s7] =	ssyncadd.s32 @!p1 $0xFFFFFF00  }
0x36: {  	[bflag:$0x0] =	sbarrier.arrive $0xFFFF  }
0x37: {  	s18 =	rddreg [dreg:$0xb]  }
0x38: {  	[tilespmem:s23], [sflag:$0x2] =	stream.linear.gather [hbm4b:s18+s3], $0x100, $0x38;
	[tilespmem:$0x1B380] =	vst v63  }
0x39: {  	_ =	swait.ge [sflag:s24], $0x100  }
0x3a: {  	[sflag:s24] =	ssyncset.done $0x0  }
0x3b: {  	[sflag:s24] =	ssyncadd.s32 $0xFFFFFF00  }
0x3c: {  	[tilespmem:s26], [sflag:$0x4] =	stream.indirect.gather [hbm4b:s1+s25], $0x80, s3, s25, $0xb8;
	[tilespmem:$0x1B380] =	vst v63  }
0x3d: {  	s20 =	rddreg [dreg:$0xc]  }
0x3e: {  	[tilespmem:s28], [sflag:$0x3] =	stream.linear.gather [hbm4b:s20+s3], $0x100, $0x38;
	[tilespmem:$0x1B380] =	vst v63  }
0x3f: {  	_ =	swait.ge [sflag:s29], $0x100  }
0x40: {  	[sflag:s29] =	ssyncset.done $0x0  }
0x41: {  	[sflag:s29] =	ssyncadd.s32 $0xFFFFFF00  }
0x42: {  	[tilespmem:s30], [sflag:$0x5] =	stream.indirect.gather [hbm4b:s1+s25], $0x80, s23, s25, $0xb8;
	[tilespmem:$0x1B380] =	vst v63  }
0x43: {  	_ =	swait.ge [sflag:s31], $0x2800  }
0x44: {  	[sflag:s31] =	ssyncset.done $0x0  }
0x45: {  	[sflag:s31] =	ssyncadd.s32 $0xFFFFD800  }
0x46: {  	[spmem:s2] =	stream.indirect.scatter.add.f32 [tilespmem:s26], [sflag:$0x7], $0x80, s0, s25, $0xb8;
	[tilespmem:$0x1B380] =	vst v63  }
0x47: {  	_ =	swait.ge [sflag:s5], $0x2800  }
0x48: {  	[sflag:s5] =	ssyncset.done $0x0  }
0x49: {  	[sflag:s5] =	ssyncadd.s32 $0xFFFFD800  }
0x4a: {  	_ =	swait.ge [sflag:s6], $0x100  }
0x4b: {  	[sflag:s6] =	ssyncset.done $0x0;
	s20 =	rddreg [dreg:$0x12]  }
0x4c: {  	[sflag:s6] =	ssyncadd.s32 $0xFFFFFF00;
	s10 =	sshrl.u32 s20, $0x3  }
0x4d: {  	[tilespmem:s16], [sflag:$0x6] =	stream.indirect.gather [hbm4b:s1+s25], $0x80, s28, s25, $0xb8;
	[tilespmem:$0x1B380] =	vst v63  }
0x4e: {  	s7 =	sadd.s32 s4, s10  }
0x4f: {  	[tilespmem:s3], [sflag:$0x1] =	stream.linear.gather [hbm4b:s7+s3], $0x100, $0x38;
	[tilespmem:$0x1B380] =	vst v63  }
0x50: {  	_ =	swait.ge [sflag:s17], $0x2800  }
0x51: {  	[sflag:s17] =	ssyncset.done $0x0  }
0x52: {  	[sflag:s17] =	ssyncadd.s32 $0xFFFFD800  }
0x53: {  	[spmem:s2] =	stream.indirect.scatter.add.f32 [tilespmem:s30], [sflag:$0x8], $0x80, s8, s25, $0xb8;
	[tilespmem:$0x1B380] =	vst v63  }
0x54: {  	_ =	swait.ge [sflag:s11], $0x2800  }
0x55: {  	[sflag:s11] =	ssyncset.done $0x0  }
0x56: {  	[sflag:s11] =	ssyncadd.s32 $0xFFFFD800  }
0x57: {  	_ =	swait.ge [sflag:s24], $0x100  }
0x58: {  	[sflag:s24] =	ssyncset.done $0x0  }
0x59: {  	[sflag:s24] =	ssyncadd.s32 $0xFFFFFF00  }
0x5a: {  	[tilespmem:s26], [sflag:$0x4] =	stream.indirect.gather [hbm4b:s1+s25], $0x80, s3, s25, $0xb8;
	[tilespmem:$0x1B380] =	vst v63  }
0x5b: {  	s18 =	sadd.s32 $0x0, s19  }
0x5c: {  	[tilespmem:s23], [sflag:$0x2] =	stream.linear.gather [hbm4b:s18+s3], $0x100, $0x38;
	[tilespmem:$0x1B380] =	vst v63  }
0x5d: {  	_ =	swait.ge [sflag:s12], $0x2800  }
0x5e: {  	[sflag:s12] =	ssyncset.done $0x0  }
0x5f: {  	[sflag:s12] =	ssyncadd.s32 $0xFFFFD800  }
0x60: {  	[spmem:s2] =	stream.indirect.scatter.add.f32 [tilespmem:s16], [sflag:$0x9], $0x80, s13, s25, $0xb8;
	[tilespmem:$0x1B380] =	vst v63  }
0x61: {  	_ =	swait.ge [sflag:s14], $0x2800  }
0x62: {  	[sflag:s14] =	ssyncset.done $0x0  }
0x63: {  	[sflag:s14] =	ssyncadd.s32 $0xFFFFD800  }
0x64: {  	_ =	swait.ge [sflag:s29], $0x100  }
0x65: {  	s7 =	sadd.s32 $0x300, s20;
	[sflag:s29] =	ssyncset.done $0x0;
	s10 =	rddreg [dreg:$0x4]  }
0x66: {  	s18 =	simm.s32 $0x60;
	[sflag:s29] =	ssyncadd.s32 $0xFFFFFF00;
	s10 =	sadd.s32 $0x0, s10  }
0x67: {  	[tilespmem:s30], [sflag:$0x5] =	stream.indirect.gather [hbm4b:s1+s25], $0x80, s23, s25, $0xb8;
	[tilespmem:$0x1B380] =	vst v63  }
.LBB2_2:
0x68: {  	[tilespmem:s28], [sflag:$0x3] =	stream.linear.gather [hbm4b:s10+s3], $0x100, $0x38;
	[tilespmem:$0x1B380] =	vst v63  }
0x69: {  	_ =	swait.ge [sflag:s31], $0x2800  }
0x6a: {  	[sflag:s31] =	ssyncset.done $0x0  }
0x6b: {  	[sflag:s31] =	ssyncadd.s32 $0xFFFFD800  }
0x6c: {  	[spmem:s2] =	stream.indirect.scatter.add.f32 [tilespmem:s26], [sflag:$0x7], $0x80, s0, s25, $0xb8;
	[tilespmem:$0x1B380] =	vst v63  }
0x6d: {  	_ =	swait.ge [sflag:s5], $0x2800  }
0x6e: {  	[sflag:s5] =	ssyncset.done $0x0  }
0x6f: {  	[sflag:s5] =	ssyncadd.s32 $0xFFFFD800  }
0x70: {  	_ =	swait.ge [sflag:s6], $0x100  }
0x71: {  	[sflag:s6] =	ssyncset.done $0x0  }
0x72: {  	s20 =	sshrl.u32 s7, $0x3;
	[sflag:s6] =	ssyncadd.s32 $0xFFFFFF00  }
0x73: {  	[tilespmem:s16], [sflag:$0x6] =	stream.indirect.gather [hbm4b:s1+s25], $0x80, s28, s25, $0xb8;
	[tilespmem:$0x1B380] =	vst v63  }
0x74: {  	s20 =	sadd.s32 s4, s20  }
0x75: {  	[tilespmem:s3], [sflag:$0x1] =	stream.linear.gather [hbm4b:s20+s3], $0x100, $0x38;
	[tilespmem:$0x1B380] =	vst v63  }
0x76: {  	_ =	swait.ge [sflag:s17], $0x2800  }
0x77: {  	[sflag:s17] =	ssyncset.done $0x0  }
0x78: {  	[sflag:s17] =	ssyncadd.s32 $0xFFFFD800  }
0x79: {  	[spmem:s2] =	stream.indirect.scatter.add.f32 [tilespmem:s30], [sflag:$0x8], $0x80, s8, s25, $0xb8;
	[tilespmem:$0x1B380] =	vst v63  }
0x7a: {  	_ =	swait.ge [sflag:s11], $0x2800  }
0x7b: {  	[sflag:s11] =	ssyncset.done $0x0  }
0x7c: {  	[sflag:s11] =	ssyncadd.s32 $0xFFFFD800  }
0x7d: {  	_ =	swait.ge [sflag:s24], $0x100  }
0x7e: {  	[sflag:s24] =	ssyncset.done $0x0  }
0x7f: {  	s10 =	smov.u32 s18;
	[sflag:s24] =	ssyncadd.s32 $0xFFFFFF00  }
0x80: {  	[tilespmem:s26], [sflag:$0x4] =	stream.indirect.gather [hbm4b:s1+s25], $0x80, s3, s25, $0xb8;
	[tilespmem:$0x1B380] =	vst v63  }
0x81: {  	s20 =	sadd.s32 s10, s19  }
0x82: {  	[tilespmem:s23], [sflag:$0x2] =	stream.linear.gather [hbm4b:s20+s3], $0x100, $0x38;
	[tilespmem:$0x1B380] =	vst v63  }
0x83: {  	_ =	swait.ge [sflag:s12], $0x2800  }
0x84: {  	[sflag:s12] =	ssyncset.done $0x0  }
0x85: {  	[sflag:s12] =	ssyncadd.s32 $0xFFFFD800  }
0x86: {  	[spmem:s2] =	stream.indirect.scatter.add.f32 [tilespmem:s16], [sflag:$0x9], $0x80, s13, s25, $0xb8;
	[tilespmem:$0x1B380] =	vst v63  }
0x87: {  	_ =	swait.ge [sflag:s14], $0x2800  }
0x88: {  	p3 =	sne.s32 s18, $0xEA0;
	[sflag:s14] =	ssyncset.done $0x0  }
.Ltmp2:
0x89: {  	[sflag:s14] =	ssyncadd.s32 $0xFFFFD800;
	(pc) =	sbr.rel @p3 .LBB2_2-.Ltmp2, $4  }
0x8a: {  	_ =	swait.ge [sflag:s29], $0x100  }
0x8b: {  	s18 =	sadd.s32 $0x60, s18;
	[sflag:s29] =	ssyncset.done $0x0;
	s20 =	rddreg [dreg:$0x4]  }
0x8c: {  	s7 =	sadd.s32 $0x300, s7;
	[sflag:s29] =	ssyncadd.s32 $0xFFFFFF00;
	s10 =	sadd.s32 s10, s20  }
0x8d: {  	[tilespmem:s30], [sflag:$0x5] =	stream.indirect.gather [hbm4b:s1+s25], $0x80, s23, s25, $0xb8;
	[tilespmem:$0x1B380] =	vst v63  }
0x8e: {  	[tilespmem:s28], [sflag:$0x3] =	stream.linear.gather [hbm4b:s10+s3], $0x100, $0x38;
	[tilespmem:$0x1B380] =	vst v63  }
0x8f: {  	_ =	swait.ge [sflag:s31], $0x2800  }
0x90: {  	[sflag:s31] =	ssyncset.done $0x0  }
0x91: {  	[sflag:s31] =	ssyncadd.s32 $0xFFFFD800  }
0x92: {  	[spmem:s2] =	stream.indirect.scatter.add.f32 [tilespmem:s26], [sflag:$0x7], $0x80, s0, s25, $0xb8;
	[tilespmem:$0x1B380] =	vst v63  }
0x93: {  	_ =	swait.ge [sflag:s5], $0x2800  }
0x94: {  	[sflag:s5] =	ssyncset.done $0x0  }
0x95: {  	[sflag:s5] =	ssyncadd.s32 $0xFFFFD800  }
0x96: {  	_ =	swait.ge [sflag:s6], $0x100  }
0x97: {  	[sflag:s6] =	ssyncset.done $0x0  }
0x98: {  	[sflag:s6] =	ssyncadd.s32 $0xFFFFFF00  }
0x99: {  	[tilespmem:s16], [sflag:$0x6] =	stream.indirect.gather [hbm4b:s1+s25], $0x80, s28, s25, $0xb8;
	[tilespmem:$0x1B380] =	vst v63  }
0x9a: {  	s7 =	rddreg [dreg:$0xd]  }
0x9b: {  	[tilespmem:s3], [sflag:$0x1] =	stream.linear.gather [hbm4b:s7+s3], $0x100, $0x38;
	[tilespmem:$0x1B380] =	vst v63  }
0x9c: {  	_ =	swait.ge [sflag:s17], $0x2800  }
0x9d: {  	[sflag:s17] =	ssyncset.done $0x0  }
0x9e: {  	[sflag:s17] =	ssyncadd.s32 $0xFFFFD800  }
0x9f: {  	[spmem:s2] =	stream.indirect.scatter.add.f32 [tilespmem:s30], [sflag:$0x8], $0x80, s8, s25, $0xb8;
	[tilespmem:$0x1B380] =	vst v63  }
0xa0: {  	_ =	swait.ge [sflag:s11], $0x2800  }
0xa1: {  	[sflag:s11] =	ssyncset.done $0x0  }
0xa2: {  	[sflag:s11] =	ssyncadd.s32 $0xFFFFD800  }
0xa3: {  	_ =	swait.ge [sflag:s24], $0x100  }
0xa4: {  	[sflag:s24] =	ssyncset.done $0x0  }
0xa5: {  	[sflag:s24] =	ssyncadd.s32 $0xFFFFFF00  }
0xa6: {  	[tilespmem:s26], [sflag:$0x4] =	stream.indirect.gather [hbm4b:s1+s25], $0x80, s3, s25, $0xb8;
	[tilespmem:$0x1B380] =	vst v63  }
0xa7: {  	s20 =	rddreg [dreg:$0xe]  }
0xa8: {  	[tilespmem:s23], [sflag:$0x2] =	stream.linear.gather [hbm4b:s20+s3], $0x100, $0x38;
	[tilespmem:$0x1B380] =	vst v63  }
0xa9: {  	_ =	swait.ge [sflag:s12], $0x2800  }
0xaa: {  	[sflag:s12] =	ssyncset.done $0x0  }
0xab: {  	[sflag:s12] =	ssyncadd.s32 $0xFFFFD800  }
0xac: {  	[spmem:s2] =	stream.indirect.scatter.add.f32 [tilespmem:s16], [sflag:$0x9], $0x80, s13, s25, $0xb8;
	[tilespmem:$0x1B380] =	vst v63  }
0xad: {  	_ =	swait.ge [sflag:s14], $0x2800  }
0xae: {  	[sflag:s14] =	ssyncset.done $0x0  }
0xaf: {  	[sflag:s14] =	ssyncadd.s32 $0xFFFFD800  }
0xb0: {  	_ =	swait.ge [sflag:s29], $0x100  }
0xb1: {  	[sflag:s29] =	ssyncset.done $0x0  }
0xb2: {  	[sflag:s29] =	ssyncadd.s32 $0xFFFFFF00  }
0xb3: {  	[tilespmem:s30], [sflag:$0x5] =	stream.indirect.gather [hbm4b:s1+s25], $0x80, s23, s25, $0xb8;
	[tilespmem:$0x1B380] =	vst v63  }
0xb4: {  	_ =	swait.ge [sflag:s31], $0x2800  }
0xb5: {  	[sflag:s31] =	ssyncset.done $0x0  }
0xb6: {  	[sflag:s31] =	ssyncadd.s32 $0xFFFFD800  }
0xb7: {  	[spmem:s2] =	stream.indirect.scatter.add.f32 [tilespmem:s26], [sflag:$0x7], $0x80, s0, s25, $0xb8;
	[tilespmem:$0x1B380] =	vst v63  }
0xb8: {  	_ =	swait.ge [sflag:s5], $0x2800  }
0xb9: {  	[sflag:s5] =	ssyncset.done $0x0  }
0xba: {  	[sflag:s5] =	ssyncadd.s32 $0xFFFFD800  }
0xbb: {  	_ =	swait.ge [sflag:s17], $0x2800  }
0xbc: {  	[sflag:s17] =	ssyncset.done $0x0  }
0xbd: {  	[sflag:s17] =	ssyncadd.s32 $0xFFFFD800  }
0xbe: {  	[spmem:s2] =	stream.indirect.scatter.add.f32 [tilespmem:s30], [sflag:$0x8], $0x80, s8, s25, $0xb8;
	[tilespmem:$0x1B380] =	vst v63  }
.Ltmp3:
0xbf: {  	_ =	swait.ge [sflag:s11], $0x2800;
	(pc) =	sbr.rel @!p0 .LBB2_4-.Ltmp3, $3  }
0xc0: {  	[sflag:s11] =	ssyncset.done $0x0  }
0xc1: {  	[sflag:s11] =	ssyncadd.s32 $0xFFFFD800  }
0xc2: {  	[bflag:$0x0] =	sbarrier.arrive $0xFFFF;
	_ =	sdelay $0x1  }
0xc3: {  	s7 =	rddreg [dreg:$0x10]  }
0xc4: {  	[hbm:s7], [sflag:s9] =	dma.local [spmem:s21], $0x2700  }
.Ltmp4:
0xc5: {  	_ = 	snop;
	(pc) =	sbr.rel @p1 .LBB2_7-.Ltmp4, $4  }
.Ltmp5:
0xc6: {  	_ = 	snop;
	(pc) =	sbr.rel @!p1 .LBB2_6-.Ltmp5, $4  }
0xc7: {  	_ =	swait.ge [sflag:s22], $0x2700  }
0xc8: {  	[sflag:s22] =	ssyncset.done $0x0  }
0xc9: {  	s7 =	rddreg [dreg:$0x6];
	[sflag:s22] =	ssyncadd.s32 $0xFFFFD900  }
0xca: {  	_ = 	snop  }
.LBB2_4:
0xcb: {  	s7 =	rddreg [dreg:$0xf]  }
0xcc: {  	[hbm:s7], [sflag:s9] =	dma.local [spmem:s21], $0x2700  }
.Ltmp6:
0xcd: {  	_ = 	snop;
	(pc) =	sbr.rel @!p2 .LBB2_7-.Ltmp6, $4  }
.Ltmp7:
0xce: {  	_ = 	snop;
	(pc) =	sbr.rel @p2 .LBB2_6-.Ltmp7, $4  }
0xcf: {  	_ =	swait.ge [sflag:s22], $0x2700  }
0xd0: {  	[sflag:s22] =	ssyncset.done $0x0  }
0xd1: {  	s7 =	rddreg [dreg:$0x5];
	[sflag:s22] =	ssyncadd.s32 $0xFFFFD900  }
0xd2: {  	_ = 	snop  }
.LBB2_8:
0xd3: {  	_ =	sfence.sel $0x180000  }
0xd4: {  	[bflag:$0x0] =	sbarrier.arrive $0xFFFF  }
0xd5: {  	_ =	strace $0x9000004A  }
0xd6: {  	[bflag:$0x2] =	sbarrier.arrive $0xFFFF  }
0xd7: {  	s0 =	rddreg [dreg:$0x3]  }
0xd8: {  	s0 =	sadd.s32 @!p1 $0x100000, s0  }
0xd9: {  	[sflag:s0] =	ssyncadd.tile.s32 @!p1 $0x1;
	_ =	shalt  }
.Lfunc_end2:
_tile_overlayer_lowered:
.L_overlay_start_2:
0xda: {  	(tag) =	ssettag $0x2  }
0xdb: {  	s0 =	rddreg [dreg:$0x0];
	s2 =	stileid.u32  }
0xdc: {  	s1 =	rddreg [dreg:$0x1];
	p0 =	sne.s32 s2, $0x0  }
0xdd: {  	s3 =	rddreg [dreg:$0x2];
	[bflag:$0x3] =	sbarrier.arrive $0xFFFF;
	s2 =	simm.s32 @!p0 $0x1C0A  }
0xde: {  	[timem:s3], [sflag:s2] =	dma.local @!p0 [hbm:s0], s1  }
0xdf: {  	s0 =	simm.s32 @!p0 $0xA  }
0xe0: {  	_ =	swait.ge @!p0 [sflag:s0], s1  }
0xe1: {  	s1 =	ssub.s32 @!p0 $0x0, s1;
	[sflag:s0] =	ssyncset.done @!p0 $0x0  }
0xe2: {  	[sflag:s0] =	ssyncadd.s32 @!p0 s1  }
0xe3: {  	[bflag:$0x3] =	sbarrier.arrive $0xFFFF  }
0xe4: {  	_ =	shalt  }

// kernel: kernel.15.cloned.1.call-start
scs
__scs_entry_jumppad:
0x0: {  	(pc) =	sbr.rel $0x88, $3  }
0x1: {  	(tag) =	ssettag $0x0;
	lr =	simm.s32 $0x1  }
0x2: {  	[smem:$0x3F99] =	sst lr;
	_ =	strace $0xD0000000  }
0x3: {  	_ = 	snop  }
0x4: {  	_ = 	snop  }
0x5: {  	_ = 	snop  }
0x6: {  	_ = 	snop  }
0x7: {  	_ = 	snop  }
__scs_overlays_trampoline_lowered:
0x8: {  	[smem:$0x3FA8] =	sst s0  }
0x9: {  	[smem:$0x3FA9] =	sst s1  }
0xa: {  	[smem:$0x3FAA] =	sst s2  }
0xb: {  	[smem:$0x3FAB] =	sst s3  }
0xc: {  	[smem:$0x3FAC] =	sst s4  }
0xd: {  	[smem:$0x3FAD] =	sst s5  }
0xe: {  	[smem:$0x3FAE] =	sst s6  }
0xf: {  	[smem:$0x3FAF] =	sst s7  }
0x10: {  	[smem:$0x3FB0] =	sst s8  }
0x11: {  	[smem:$0x3FB1] =	sst s9;
	s0 =	simm.s32 @!p0 $0x0  }
0x12: {  	s1 =	sld [smem:$0x3F97];
	s0 =	simm.s32 @p0 $0x1  }
0x13: {  	[smem:$0x3FB2] =	sst s0;
	s0 =	simm.s32 @!p1 $0x0  }
0x14: {  	s2 =	sld [smem:$0x3F96];
	s0 =	simm.s32 @p1 $0x1  }
0x15: {  	[smem:$0x3FB3] =	sst s0;
	s0 =	simm.s32 @!p2 $0x0  }
0x16: {  	s3 =	sld [smem:$0x3FDB];
	s0 =	simm.s32 @p2 $0x1  }
0x17: {  	s4 =	simm.s32 $0x1BF5;
	[smem:$0x3FB5] =	sst s0  }
0x18: {  	s0 =	sld [smem:$0x3F98];
	_ =	swait.ge [sflag:s4], $0x0  }
0x19: {  	s7 =	sld [smem:$0x3F99]  }
0x1a: {  	s8 =	sadd.s32 $0xFFFFE003, lr  }
0x1b: {  	s9 =	sadd.s32 $0xFFFFFEF7, lr;
	s5 =	simm.s32 $0xFFFFFFFF;
	p2 =	slt.u32 s8, $0xFFFFF086  }
0x1c: {  	p1 =	slt.u32 s9, $0xF7A;
	s5 =	simm.s32 @!p2 $0x0  }
0x1d: {  	s5 =	simm.s32 @p1 $0x1;
	p0 =	seq.s32 s7, s2  }
0x1e: {  	s7 =	smul.u32 @!p0 $0xF7A, s2;
	p2 =	seq.s32 @!p0 s5, $0x0  }
0x1f: {  	s9 =	smul.u32 $0xF7A, s1;
	s8 =	simm.s32 @!p0 $0x1BF5;
	p2 =	por !p2, p0  }
0x20: {  	[sflag:s8] =	ssyncset.s32 @!p0 $0xFFFFF086;
	s6 =	sadd.s32 @!p0 s3, s7;
	s7 =	simm.s32 @!p0 $0x108  }
0x21: {  	s3 =	sadd.s32 s3, s9;
	s6 =	sadd.s32 @!p0 $0x88, s6;
	s7 =	simm.s32 @p2 $0x1082  }
0x22: {  	[simem:s7], [sflag:s8] =	dma.local @!p0 [hbm:s6], $0xF7A  }
0x23: {  	s9 =	sor.u32 $0xD0000000, s2;
	s6 =	simm.s32 $0x108;
	_ =	swait.ge @!p0 [sflag:s8], $0x0  }
0x24: {  	s3 =	sadd.s32 $0x88, s3;
	s6 =	simm.s32 @!p1 $0x1082;
	[sflag:s4] =	ssyncset.s32 $0xFFFFF086  }
0x25: {  	[simem:s6], [sflag:s4] =	dma.local [hbm:s3], $0xF7A  }
0x26: {  	[smem:$0x3F99] =	sst s1;
	(tag) =	ssettag s2;
	_ =	strace s9  }
0x27: {  	s1 =	sld [smem:$0x3FA9]  }
0x28: {  	s2 =	sld [smem:$0x3FAA]  }
0x29: {  	s4 =	sld [smem:$0x3FAC]  }
0x2a: {  	p0 =	seq.s32 s5, $0x0;
	s5 =	sld [smem:$0x3FAD]  }
0x2b: {  	s6 =	sld [smem:$0x3FAE]  }
0x2c: {  	s7 =	sld [smem:$0x3FAF]  }
0x2d: {  	s3 =	simm.s32 $0x108;
	s8 =	sld [smem:$0x3FB0]  }
0x2e: {  	s3 =	simm.s32 @!p0 $0x1082;
	s9 =	sld [smem:$0x3FB1]  }
0x2f: {  	lr =	sadd.s32 s0, s3;
	s0 =	sld [smem:$0x3FA8]  }
0x30: {  	s3 =	sld [smem:$0x3FAB]  }
0x31: {  	[smem:$0x3FB4] =	sst s10  }
0x32: {  	s10 =	sld [smem:$0x3FB2];
	_ =	sdelay $0x3  }
0x33: {  	p0 =	seq.s32 s10, $0x1;
	s10 =	sld [smem:$0x3FB4];
	_ =	sdelay $0x3  }
0x34: {  	[smem:$0x3FB4] =	sst s10  }
0x35: {  	s10 =	sld [smem:$0x3FB3];
	_ =	sdelay $0x3  }
0x36: {  	p1 =	seq.s32 s10, $0x1;
	s10 =	sld [smem:$0x3FB4];
	_ =	sdelay $0x3  }
0x37: {  	[smem:$0x3FB4] =	sst s10  }
0x38: {  	s10 =	sld [smem:$0x3FB5]  }
0x39: {  	_ = 	snop;
	(pc) =	sbr.ind lr, $3  }
0x3a: {  	_ = 	snop  }
0x3b: {  	_ = 	snop  }
0x3c: {  	p2 =	seq.s32 s10, $0x1;
	s10 =	sld [smem:$0x3FB4]  }
0x3d: {  	_ =	shalt  }
0x3e: {  	_ =	shalt  }
0x3f: {  	_ =	shalt  }
0x40: {  	_ =	shalt  }
0x41: {  	_ =	shalt  }
0x42: {  	_ =	shalt  }
0x43: {  	_ =	shalt  }
0x44: {  	_ =	shalt  }
0x45: {  	_ =	shalt  }
0x46: {  	_ =	shalt  }
0x47: {  	_ =	shalt  }
0x48: {  	_ =	shalt  }
0x49: {  	_ =	shalt  }
0x4a: {  	_ =	shalt  }
0x4b: {  	_ =	shalt  }
0x4c: {  	_ =	shalt  }
0x4d: {  	_ =	shalt  }
0x4e: {  	_ =	shalt  }
0x4f: {  	_ =	shalt  }
0x50: {  	_ =	shalt  }
0x51: {  	_ =	shalt  }
0x52: {  	_ =	shalt  }
0x53: {  	_ =	shalt  }
0x54: {  	_ =	shalt  }
0x55: {  	_ =	shalt  }
0x56: {  	_ =	shalt  }
0x57: {  	_ =	shalt  }
0x58: {  	_ =	shalt  }
0x59: {  	_ =	shalt  }
0x5a: {  	_ =	shalt  }
0x5b: {  	_ =	shalt  }
0x5c: {  	_ =	shalt  }
0x5d: {  	_ =	shalt  }
0x5e: {  	_ =	shalt  }
0x5f: {  	_ =	shalt  }
0x60: {  	_ =	shalt  }
0x61: {  	_ =	shalt  }
0x62: {  	_ =	shalt  }
0x63: {  	_ =	shalt  }
0x64: {  	_ =	shalt  }
0x65: {  	_ =	shalt  }
0x66: {  	_ =	shalt  }
0x67: {  	_ =	shalt  }
0x68: {  	_ =	shalt  }
0x69: {  	_ =	shalt  }
0x6a: {  	_ =	shalt  }
0x6b: {  	_ =	shalt  }
0x6c: {  	_ =	shalt  }
0x6d: {  	_ =	shalt  }
0x6e: {  	_ =	shalt  }
0x6f: {  	_ =	shalt  }
0x70: {  	_ =	shalt  }
0x71: {  	_ =	shalt  }
0x72: {  	_ =	shalt  }
0x73: {  	_ =	shalt  }
0x74: {  	_ =	shalt  }
0x75: {  	_ =	shalt  }
0x76: {  	_ =	shalt  }
0x77: {  	_ =	shalt  }
0x78: {  	_ =	shalt  }
0x79: {  	_ =	shalt  }
0x7a: {  	_ =	shalt  }
0x7b: {  	_ =	shalt  }
0x7c: {  	_ =	shalt  }
0x7d: {  	_ =	shalt  }
0x7e: {  	_ =	shalt  }
0x7f: {  	_ =	shalt  }
0x80: {  	_ =	shalt  }
0x81: {  	_ =	shalt  }
0x82: {  	_ =	shalt  }
0x83: {  	_ =	shalt  }
0x84: {  	_ =	shalt  }
0x85: {  	_ =	shalt  }
0x86: {  	_ =	shalt  }
0x87: {  	_ =	shalt  }
.Lfunc_end0:
.L_simem_size_0:
called_computation.2_lowered:
.L_overlay_start_0:
0x88: {  	s2 =	sld [smem:$0x3FD9]  }
0x89: {  	s3 =	sld [smem:$0x3FFE];
	_ =	sdelay $0x1  }
0x8a: {  	s1 =	srdreg.scid  }
0x8b: {  	s0 =	sand.u32 $0x1, s1  }
0x8c: {  	s17 =	sshll.u32 s0, $0xA;
	s2 =	sadd.s32 s3, s2  }
0x8d: {  	s2 =	sadd.s32 s2, s17  }
0x8e: {  	[smem:$0x3FC0] =	sst s2  }
0x8f: {  	_ = 	snop  }
0x90: {  	s2 =	sld [smem:$0x3FD0];
	(tm) =	ssettm $0x1  }
0x91: {  	s18 =	sld [smem:$0x3FFB];
	_ =	sdelay $0x3  }
0x92: {  	_ =	strace s18  }
0x93: {  	s3 =	sld [smem:$0x3FFC];
	_ =	sdelay $0x3  }
0x94: {  	_ =	strace s3  }
0x95: {  	s3 =	sld [smem:$0x3FFD];
	_ =	sdelay $0x3  }
0x96: {  	_ =	strace s3  }
0x97: {  	_ =	strace $0x8FFFFFFF  }
0x98: {  	s19 =	sld [smem:$0x3FDB];
	_ =	sdelay $0x1  }
0x99: {  	s4 =	simm.s32 $_scs_section_size  }
0x9a: {  	s5 =	simm.s32 $_size__tile_overlayer_lowered;
	s6 =	simm.s32 $_tile_overlayer_lowered  }
0x9b: {  	s22 =	simm.s32 $0x1BFF;
	s21 =	sshll.u32 s6, $0x1;
	s3 =	sadd.s32 s4, s19  }
0x9c: {  	s7 =	simm.s32 $0x0;
	s20 =	sshll.u32 s5, $0x1;
	s5 =	sadd.s32 s21, s3  }
0x9d: {  	[timem:s7], [sflag:s22] =	dma.local [hbm:s5], s20  }
0x9e: {  	_ =	swait.ge [sflag:s22], s20  }
0x9f: {  	s4 =	ssub.s32 $0x0, s20;
	[sflag:s22] =	ssyncset.done $0x0  }
0xa0: {  	[sflag:s22] =	ssyncadd.s32 s4;
	_ =	sdelay $0x1  }
0xa1: {  	s23 =	simm.s32 $0x1B8B  }
0xa2: {  	_ =	swait.ge [sflag:s23], $0x1  }
0xa3: {  	[sflag:s23] =	ssyncset.done $0x0  }
0xa4: {  	s25 =	simm.s32 $0x1B8E;
	s24 =	sld [smem:$0x3FFE];
	[sflag:s23] =	ssyncadd.s32 $0xFFFFFFFF  }
0xa5: {  	s26 =	simm.s32 $execute0_lowered;
	[smem:$0x3FD2] =	sst s25  }
0xa6: {  	s5 =	sshll.u32 s26, $0x1;
	_ =	strace $0x8000004C;
	[dreg:$0x1] =	wrdreg $0xFFFFFFFF  }
0xa7: {  	s28 =	simm.s32 $_size_execute0_lowered;
	s3 =	sadd.s32 s3, s5;
	[dreg:$0x0] =	wrdreg $0x0  }
0xa8: {  	s5 =	sshll.u32 s28, $0x1;
	[dreg:$0x2] =	wrdreg s3  }
0xa9: {  	[dreg:$0x3] =	wrdreg s5  }
0xaa: {  	[dreg:$0x4] =	wrdreg $0xC0  }
0xab: {  	_ =	task [dreg:s7], $0x5FFFF  }
0xac: {  	[dreg:$0x1] =	wrdreg $0xFFFFFFFF  }
0xad: {  	[dreg:$0x0] =	wrdreg $0x60  }
0xae: {  	[dreg:$0x2] =	wrdreg s2  }
0xaf: {  	[dreg:$0x3] =	wrdreg s24  }
0xb0: {  	[dreg:$0x4] =	wrdreg $0x7B000  }
0xb1: {  	[dreg:$0x5] =	wrdreg $0x9  }
0xb2: {  	_ =	task.clear_ibuf [dreg:s7], $0x6FFFF;
	_ =	strace $0x9000004C  }
0xb3: {  	s29 =	simm.s32 $0x9;
	_ =	strace $0x8000004E  }
0xb4: {  	_ =	swait.ge [sflag:s29], $0x1  }
0xb5: {  	[sflag:s29] =	ssyncadd.s32 $0xFFFFFFFF  }
0xb6: {  	_ =	strace $0x9000004E  }
0xb7: {  	_ =	sfence  }
0xb8: {  	s30 =	sld [smem:$0x0];
	_ =	sdelay $0x2  }
0xb9: {  	s31 =	sshll.u32 s1, $0xD;
	s1 =	sshrl.u32 s1, $0x2  }
0xba: {  	s3 =	sand.u32 $0x4000, s31;
	s1 =	sadd.s32 s1, s30  }
0xbb: {  	s0 =	sor.u32 s3, s0;
	s1 =	sshll.u32 s1, $0x11  }
0xbc: {  	s0 =	sor.u32 s1, s0  }
0xbd: {  	s0 =	sadd.s32 $0x8F2B, s0  }
0xbe: {  	[sflag:s0] =	ssyncadd.remote.s32 $0x1  }
0xbf: {  	_ =	sfence.sel $0xFFFF  }
0xc0: {  	[dreg:$0x0] =	wrdreg $0xFFFFFFFF;
	(pc) =	sbr.abs _section_cstart, $3  }
0xc1: {  	[dreg:$0x1] =	wrdreg $0xFFFFFFFF  }
0xc2: {  	_ =	task.clear_ibuf [dreg:s7], $0x2FFFF;
	_ =	strace $0x9FFFFFFF  }
0xc3: {  	(tm) =	ssettm $0x7FFFFFFF  }
tec
execute0_lowered:
.L_overlay_start_1:
0x0: {  	(tag) =	ssettag $0x1  }
0x1: {  	s1 =	rddreg [dreg:$0x0]  }
0x2: {  	s0 =	rddreg [dreg:$0x1]  }
0x3: {  	s2 =	rddreg [dreg:$0x2]  }
0x4: {  	s4 =	srdreg.scid;
	s3 =	simm.s32 $0x0;
	s5 =	stileid.u32  }
0x5: {  	s28 =	simm.s32 $0x200;
	s29 =	simm.s32 $0x2;
	s30 =	simm.s32 $0x2B00  }
0x6: {  	s31 =	simm.s32 $0x4;
	s6 =	sand.u32 $0x1, s4;
	s7 =	smul.u32 $0x2700, s5  }
0x7: {  	[smem:$0x7FF] =	sst s3;
	s13 =	sadd.s32 $0x49E00, s0;
	s11 =	smul.u32 $0x4E000, s5  }
0x8: {  	s14 =	sadd.s32 $0x71000, s0;
	s25 =	sshll.u32 s5, $0x6;
	s17 =	smul.u32 $0x7D00, s5  }
0x9: {  	s16 =	sadd.s32 $0x138000, s2;
	p1 =	sne.s32 s5, $0x0;
	p2 =	seq.s32 s5, $0x0  }
0xa: {  	s4 =	sshll.u32 s6, $0x4;
	_ =	strace $0x8000004D;
	[dreg:$0x9] =	wrdreg s16  }
0xb: {  	s10 =	ssub.s32 $0x2, s6;
	s26 =	smul.u32 $0x7D000, s6;
	[dreg:$0x5] =	wrdreg s13  }
0xc: {  	p0 =	seq.s32 s6, $0x1;
	[dreg:$0x6] =	wrdreg s14;
	s16 =	simm.s32 $0x5300  }
0xd: {  	s8 =	sor.u32 s5, s4;
	s4 =	sadd.s32 $0x3800, s0;
	s9 =	sadd.s32 s7, s0  }
0xe: {  	s12 =	sshrl.u32 s10, $0x1;
	s24 =	sshrl.u32 s11, $0x2;
	s0 =	sadd.s32 $0x49C00, s0  }
0xf: {  	s5 =	simm.s32 $0x7;
	s11 =	simm.s32 $0x8;
	s8 =	smul.u32 $0x7D00, s8  }
0x10: {  	s10 =	ssub.s32 s10, s12;
	s9 =	sadd.s32 $0x22C00, s9;
	[dreg:$0xa] =	wrdreg s0  }
0x11: {  	s21 =	sadd.s32 s17, s26;
	s17 =	simm.s32 $0x5;
	s12 =	simm.s32 $0x6  }
0x12: {  	[dreg:$0x8] =	wrdreg s9;
	s9 =	sor.u32 $0x1C0A, s25;
	s23 =	sadd.s32 $0x500, s21  }
0x13: {  	s25 =	sadd.s32 $0x400, s21;
	s10 =	smax.u32 s10, $0x1;
	s0 =	sadd.s32 $0x300, s21  }
0x14: {  	s8 =	sshrl.u32 s8, $0x3;
	s6 =	sshrl.u32 s23, $0x3;
	[dreg:$0x11] =	wrdreg s10  }
0x15: {  	s26 =	sshrl.u32 s25, $0x3;
	[dreg:$0x12] =	wrdreg s0;
	s23 =	simm.s32 $0x100  }
0x16: {  	s25 =	simm.s32 $0x50;
	s0 =	simm.s32 $0x80;
	s15 =	sadd.s32 s4, s8  }
0x17: {  	s8 =	sadd.s32 s24, s2;
	s24 =	sadd.s32 s13, s7;
	[dreg:$0x7] =	wrdreg s15  }
0x18: {  	s7 =	sadd.s32 s14, s7;
	s6 =	sadd.s32 s6, s4;
	[dreg:$0xf] =	wrdreg s24  }
0x19: {  	s13 =	simm.s32 $0x280;
	s14 =	simm.s32 $0x9;
	[dreg:$0x10] =	wrdreg s7  }
0x1a: {  	s18 =	sadd.s32 $0x20, s15;
	s19 =	sadd.s32 $0x40, s15;
	[dreg:$0x4] =	wrdreg s6  }
.Ltmp0:
0x1b: {  	s20 =	sadd.s32 $0xF60, s15;
	[dreg:$0xb] =	wrdreg s18;
	(pc) =	sbr.rel .LBB2_1-.Ltmp0, $4  }
0x1c: {  	s22 =	sadd.s32 $0xF80, s15;
	s21 =	sshrl.u32 s8, $0x3;
	[dreg:$0xc] =	wrdreg s19  }
0x1d: {  	s24 =	simm.s32 $0x1;
	s6 =	simm.s32 $0x3;
	[dreg:$0xd] =	wrdreg s20  }
0x1e: {  	s8 =	simm.s32 $0x180;
	s15 =	simm.s32 $0x0;
	[dreg:$0xe] =	wrdreg s22  }
0x1f: {  	s19 =	sadd.s32 s26, s4;
	s22 =	simm.s32 $0xA;
	s26 =	simm.s32 $0x300  }
.LBB2_6:
0x20: {  	s10 =	rddreg [dreg:$0x9]  }
0x21: {  	s7 =	sadd.s32 $0x27000, s7;
	s10 =	sshrl.u32 s10, $0x3  }
0x22: {  	[hbm:s7], [sflag:s9] =	dma.local [spmem:s10], $0x100  }
0x23: {  	_ =	swait.ge [sflag:s22], $0x100  }
0x24: {  	[sflag:s22] =	ssyncset.done $0x0  }
0x25: {  	[sflag:s22] =	ssyncadd.s32 $0xFFFFFF00  }
.LBB2_7:
0x26: {  	s15 =	sadd.s32 $0x1, s15;
	s7 =	rddreg [dreg:$0x11]  }
0x27: {  	p3 =	sne.s32 s15, s7  }
.Ltmp1:
0x28: {  	_ = 	snop;
	(pc) =	sbr.rel @!p3 .LBB2_8-.Ltmp1, $1  }
0x29: {  	_ =	sdelay $0x3  }
.LBB2_1:
0x2a: {  	s7 =	rddreg [dreg:$0x7]  }
0x2b: {  	s10 =	rddreg [dreg:$0x8]  }
0x2c: {  	[tilespmem:s3], [sflag:$0x1] =	stream.linear.gather [hbm4b:s7+s3], $0x100, $0x38;
	[tilespmem:$0x1B380] =	vst v63  }
0x2d: {  	[spmem:s21], [sflag:s9] =	dma.local [hbm:s10], $0x2700  }
0x2e: {  	_ =	swait.ge [sflag:s22], $0x2700  }
0x2f: {  	[sflag:s22] =	ssyncset.done $0x0;
	s7 =	rddreg [dreg:$0x9]  }
0x30: {  	s10 =	rddreg [dreg:$0xa];
	[sflag:s22] =	ssyncadd.s32 $0xFFFFD900;
	s7 =	sshrl.u32 @!p1 s7, $0x3  }
0x31: {  	[spmem:s7], [sflag:s9] =	dma.local @!p1 [hbm:s10], $0x100  }
0x32: {  	s7 =	simm.s32 @!p1 $0xA  }
0x33: {  	_ =	swait.ge @!p1 [sflag:s7], $0x100  }
0x34: {  	[sflag:s7] =	ssyncset.done @!p1 $0x0  }
0x35: {  	[sflag:s7] =	ssyncadd.s32 @!p1 $0xFFFFFF00  }
0x36: {  	[bflag:$0x0] =	sbarrier.arrive $0xFFFF  }
0x37: {  	s18 =	rddreg [dreg:$0xb]  }
0x38: {  	[tilespmem:s23], [sflag:$0x2] =	stream.linear.gather [hbm4b:s18+s3], $0x100, $0x38;
	[tilespmem:$0x1B380] =	vst v63  }
0x39: {  	_ =	swait.ge [sflag:s24], $0x100  }
0x3a: {  	[sflag:s24] =	ssyncset.done $0x0  }
0x3b: {  	[sflag:s24] =	ssyncadd.s32 $0xFFFFFF00  }
0x3c: {  	[tilespmem:s26], [sflag:$0x4] =	stream.indirect.gather [hbm4b:s1+s25], $0x80, s3, s25, $0xb8;
	[tilespmem:$0x1B380] =	vst v63  }
0x3d: {  	s20 =	rddreg [dreg:$0xc]  }
0x3e: {  	[tilespmem:s28], [sflag:$0x3] =	stream.linear.gather [hbm4b:s20+s3], $0x100, $0x38;
	[tilespmem:$0x1B380] =	vst v63  }
0x3f: {  	_ =	swait.ge [sflag:s29], $0x100  }
0x40: {  	[sflag:s29] =	ssyncset.done $0x0  }
0x41: {  	[sflag:s29] =	ssyncadd.s32 $0xFFFFFF00  }
0x42: {  	[tilespmem:s30], [sflag:$0x5] =	stream.indirect.gather [hbm4b:s1+s25], $0x80, s23, s25, $0xb8;
	[tilespmem:$0x1B380] =	vst v63  }
0x43: {  	_ =	swait.ge [sflag:s31], $0x2800  }
0x44: {  	[sflag:s31] =	ssyncset.done $0x0  }
0x45: {  	[sflag:s31] =	ssyncadd.s32 $0xFFFFD800  }
0x46: {  	[spmem:s2] =	stream.indirect.scatter.add.f32 [tilespmem:s26], [sflag:$0x7], $0x80, s0, s25, $0xb8;
	[tilespmem:$0x1B380] =	vst v63  }
0x47: {  	_ =	swait.ge [sflag:s5], $0x2800  }
0x48: {  	[sflag:s5] =	ssyncset.done $0x0  }
0x49: {  	[sflag:s5] =	ssyncadd.s32 $0xFFFFD800  }
0x4a: {  	_ =	swait.ge [sflag:s6], $0x100  }
0x4b: {  	[sflag:s6] =	ssyncset.done $0x0;
	s20 =	rddreg [dreg:$0x12]  }
0x4c: {  	[sflag:s6] =	ssyncadd.s32 $0xFFFFFF00;
	s10 =	sshrl.u32 s20, $0x3  }
0x4d: {  	[tilespmem:s16], [sflag:$0x6] =	stream.indirect.gather [hbm4b:s1+s25], $0x80, s28, s25, $0xb8;
	[tilespmem:$0x1B380] =	vst v63  }
0x4e: {  	s7 =	sadd.s32 s4, s10  }
0x4f: {  	[tilespmem:s3], [sflag:$0x1] =	stream.linear.gather [hbm4b:s7+s3], $0x100, $0x38;
	[tilespmem:$0x1B380] =	vst v63  }
0x50: {  	_ =	swait.ge [sflag:s17], $0x2800  }
0x51: {  	[sflag:s17] =	ssyncset.done $0x0  }
0x52: {  	[sflag:s17] =	ssyncadd.s32 $0xFFFFD800  }
0x53: {  	[spmem:s2] =	stream.indirect.scatter.add.f32 [tilespmem:s30], [sflag:$0x8], $0x80, s8, s25, $0xb8;
	[tilespmem:$0x1B380] =	vst v63  }
0x54: {  	_ =	swait.ge [sflag:s11], $0x2800  }
0x55: {  	[sflag:s11] =	ssyncset.done $0x0  }
0x56: {  	[sflag:s11] =	ssyncadd.s32 $0xFFFFD800  }
0x57: {  	_ =	swait.ge [sflag:s24], $0x100  }
0x58: {  	[sflag:s24] =	ssyncset.done $0x0  }
0x59: {  	[sflag:s24] =	ssyncadd.s32 $0xFFFFFF00  }
0x5a: {  	[tilespmem:s26], [sflag:$0x4] =	stream.indirect.gather [hbm4b:s1+s25], $0x80, s3, s25, $0xb8;
	[tilespmem:$0x1B380] =	vst v63  }
0x5b: {  	s18 =	sadd.s32 $0x0, s19  }
0x5c: {  	[tilespmem:s23], [sflag:$0x2] =	stream.linear.gather [hbm4b:s18+s3], $0x100, $0x38;
	[tilespmem:$0x1B380] =	vst v63  }
0x5d: {  	_ =	swait.ge [sflag:s12], $0x2800  }
0x5e: {  	[sflag:s12] =	ssyncset.done $0x0  }
0x5f: {  	[sflag:s12] =	ssyncadd.s32 $0xFFFFD800  }
0x60: {  	[spmem:s2] =	stream.indirect.scatter.add.f32 [tilespmem:s16], [sflag:$0x9], $0x80, s13, s25, $0xb8;
	[tilespmem:$0x1B380] =	vst v63  }
0x61: {  	_ =	swait.ge [sflag:s14], $0x2800  }
0x62: {  	[sflag:s14] =	ssyncset.done $0x0  }
0x63: {  	[sflag:s14] =	ssyncadd.s32 $0xFFFFD800  }
0x64: {  	_ =	swait.ge [sflag:s29], $0x100  }
0x65: {  	s7 =	sadd.s32 $0x300, s20;
	[sflag:s29] =	ssyncset.done $0x0;
	s10 =	rddreg [dreg:$0x4]  }
0x66: {  	s18 =	simm.s32 $0x60;
	[sflag:s29] =	ssyncadd.s32 $0xFFFFFF00;
	s10 =	sadd.s32 $0x0, s10  }
0x67: {  	[tilespmem:s30], [sflag:$0x5] =	stream.indirect.gather [hbm4b:s1+s25], $0x80, s23, s25, $0xb8;
	[tilespmem:$0x1B380] =	vst v63  }
.LBB2_2:
0x68: {  	[tilespmem:s28], [sflag:$0x3] =	stream.linear.gather [hbm4b:s10+s3], $0x100, $0x38;
	[tilespmem:$0x1B380] =	vst v63  }
0x69: {  	_ =	swait.ge [sflag:s31], $0x2800  }
0x6a: {  	[sflag:s31] =	ssyncset.done $0x0  }
0x6b: {  	[sflag:s31] =	ssyncadd.s32 $0xFFFFD800  }
0x6c: {  	[spmem:s2] =	stream.indirect.scatter.add.f32 [tilespmem:s26], [sflag:$0x7], $0x80, s0, s25, $0xb8;
	[tilespmem:$0x1B380] =	vst v63  }
0x6d: {  	_ =	swait.ge [sflag:s5], $0x2800  }
0x6e: {  	[sflag:s5] =	ssyncset.done $0x0  }
0x6f: {  	[sflag:s5] =	ssyncadd.s32 $0xFFFFD800  }
0x70: {  	_ =	swait.ge [sflag:s6], $0x100  }
0x71: {  	[sflag:s6] =	ssyncset.done $0x0  }
0x72: {  	s20 =	sshrl.u32 s7, $0x3;
	[sflag:s6] =	ssyncadd.s32 $0xFFFFFF00  }
0x73: {  	[tilespmem:s16], [sflag:$0x6] =	stream.indirect.gather [hbm4b:s1+s25], $0x80, s28, s25, $0xb8;
	[tilespmem:$0x1B380] =	vst v63  }
0x74: {  	s20 =	sadd.s32 s4, s20  }
0x75: {  	[tilespmem:s3], [sflag:$0x1] =	stream.linear.gather [hbm4b:s20+s3], $0x100, $0x38;
	[tilespmem:$0x1B380] =	vst v63  }
0x76: {  	_ =	swait.ge [sflag:s17], $0x2800  }
0x77: {  	[sflag:s17] =	ssyncset.done $0x0  }
0x78: {  	[sflag:s17] =	ssyncadd.s32 $0xFFFFD800  }
0x79: {  	[spmem:s2] =	stream.indirect.scatter.add.f32 [tilespmem:s30], [sflag:$0x8], $0x80, s8, s25, $0xb8;
	[tilespmem:$0x1B380] =	vst v63  }
0x7a: {  	_ =	swait.ge [sflag:s11], $0x2800  }
0x7b: {  	[sflag:s11] =	ssyncset.done $0x0  }
0x7c: {  	[sflag:s11] =	ssyncadd.s32 $0xFFFFD800  }
0x7d: {  	_ =	swait.ge [sflag:s24], $0x100  }
0x7e: {  	[sflag:s24] =	ssyncset.done $0x0  }
0x7f: {  	s10 =	smov.u32 s18;
	[sflag:s24] =	ssyncadd.s32 $0xFFFFFF00  }
0x80: {  	[tilespmem:s26], [sflag:$0x4] =	stream.indirect.gather [hbm4b:s1+s25], $0x80, s3, s25, $0xb8;
	[tilespmem:$0x1B380] =	vst v63  }
0x81: {  	s20 =	sadd.s32 s10, s19  }
0x82: {  	[tilespmem:s23], [sflag:$0x2] =	stream.linear.gather [hbm4b:s20+s3], $0x100, $0x38;
	[tilespmem:$0x1B380] =	vst v63  }
0x83: {  	_ =	swait.ge [sflag:s12], $0x2800  }
0x84: {  	[sflag:s12] =	ssyncset.done $0x0  }
0x85: {  	[sflag:s12] =	ssyncadd.s32 $0xFFFFD800  }
0x86: {  	[spmem:s2] =	stream.indirect.scatter.add.f32 [tilespmem:s16], [sflag:$0x9], $0x80, s13, s25, $0xb8;
	[tilespmem:$0x1B380] =	vst v63  }
0x87: {  	_ =	swait.ge [sflag:s14], $0x2800  }
0x88: {  	p3 =	sne.s32 s18, $0xEA0;
	[sflag:s14] =	ssyncset.done $0x0  }
.Ltmp2:
0x89: {  	[sflag:s14] =	ssyncadd.s32 $0xFFFFD800;
	(pc) =	sbr.rel @p3 .LBB2_2-.Ltmp2, $4  }
0x8a: {  	_ =	swait.ge [sflag:s29], $0x100  }
0x8b: {  	s18 =	sadd.s32 $0x60, s18;
	[sflag:s29] =	ssyncset.done $0x0;
	s20 =	rddreg [dreg:$0x4]  }
0x8c: {  	s7 =	sadd.s32 $0x300, s7;
	[sflag:s29] =	ssyncadd.s32 $0xFFFFFF00;
	s10 =	sadd.s32 s10, s20  }
0x8d: {  	[tilespmem:s30], [sflag:$0x5] =	stream.indirect.gather [hbm4b:s1+s25], $0x80, s23, s25, $0xb8;
	[tilespmem:$0x1B380] =	vst v63  }
0x8e: {  	[tilespmem:s28], [sflag:$0x3] =	stream.linear.gather [hbm4b:s10+s3], $0x100, $0x38;
	[tilespmem:$0x1B380] =	vst v63  }
0x8f: {  	_ =	swait.ge [sflag:s31], $0x2800  }
0x90: {  	[sflag:s31] =	ssyncset.done $0x0  }
0x91: {  	[sflag:s31] =	ssyncadd.s32 $0xFFFFD800  }
0x92: {  	[spmem:s2] =	stream.indirect.scatter.add.f32 [tilespmem:s26], [sflag:$0x7], $0x80, s0, s25, $0xb8;
	[tilespmem:$0x1B380] =	vst v63  }
0x93: {  	_ =	swait.ge [sflag:s5], $0x2800  }
0x94: {  	[sflag:s5] =	ssyncset.done $0x0  }
0x95: {  	[sflag:s5] =	ssyncadd.s32 $0xFFFFD800  }
0x96: {  	_ =	swait.ge [sflag:s6], $0x100  }
0x97: {  	[sflag:s6] =	ssyncset.done $0x0  }
0x98: {  	[sflag:s6] =	ssyncadd.s32 $0xFFFFFF00  }
0x99: {  	[tilespmem:s16], [sflag:$0x6] =	stream.indirect.gather [hbm4b:s1+s25], $0x80, s28, s25, $0xb8;
	[tilespmem:$0x1B380] =	vst v63  }
0x9a: {  	s7 =	rddreg [dreg:$0xd]  }
0x9b: {  	[tilespmem:s3], [sflag:$0x1] =	stream.linear.gather [hbm4b:s7+s3], $0x100, $0x38;
	[tilespmem:$0x1B380] =	vst v63  }
0x9c: {  	_ =	swait.ge [sflag:s17], $0x2800  }
0x9d: {  	[sflag:s17] =	ssyncset.done $0x0  }
0x9e: {  	[sflag:s17] =	ssyncadd.s32 $0xFFFFD800  }
0x9f: {  	[spmem:s2] =	stream.indirect.scatter.add.f32 [tilespmem:s30], [sflag:$0x8], $0x80, s8, s25, $0xb8;
	[tilespmem:$0x1B380] =	vst v63  }
0xa0: {  	_ =	swait.ge [sflag:s11], $0x2800  }
0xa1: {  	[sflag:s11] =	ssyncset.done $0x0  }
0xa2: {  	[sflag:s11] =	ssyncadd.s32 $0xFFFFD800  }
0xa3: {  	_ =	swait.ge [sflag:s24], $0x100  }
0xa4: {  	[sflag:s24] =	ssyncset.done $0x0  }
0xa5: {  	[sflag:s24] =	ssyncadd.s32 $0xFFFFFF00  }
0xa6: {  	[tilespmem:s26], [sflag:$0x4] =	stream.indirect.gather [hbm4b:s1+s25], $0x80, s3, s25, $0xb8;
	[tilespmem:$0x1B380] =	vst v63  }
0xa7: {  	s20 =	rddreg [dreg:$0xe]  }
0xa8: {  	[tilespmem:s23], [sflag:$0x2] =	stream.linear.gather [hbm4b:s20+s3], $0x100, $0x38;
	[tilespmem:$0x1B380] =	vst v63  }
0xa9: {  	_ =	swait.ge [sflag:s12], $0x2800  }
0xaa: {  	[sflag:s12] =	ssyncset.done $0x0  }
0xab: {  	[sflag:s12] =	ssyncadd.s32 $0xFFFFD800  }
0xac: {  	[spmem:s2] =	stream.indirect.scatter.add.f32 [tilespmem:s16], [sflag:$0x9], $0x80, s13, s25, $0xb8;
	[tilespmem:$0x1B380] =	vst v63  }
0xad: {  	_ =	swait.ge [sflag:s14], $0x2800  }
0xae: {  	[sflag:s14] =	ssyncset.done $0x0  }
0xaf: {  	[sflag:s14] =	ssyncadd.s32 $0xFFFFD800  }
0xb0: {  	_ =	swait.ge [sflag:s29], $0x100  }
0xb1: {  	[sflag:s29] =	ssyncset.done $0x0  }
0xb2: {  	[sflag:s29] =	ssyncadd.s32 $0xFFFFFF00  }
0xb3: {  	[tilespmem:s30], [sflag:$0x5] =	stream.indirect.gather [hbm4b:s1+s25], $0x80, s23, s25, $0xb8;
	[tilespmem:$0x1B380] =	vst v63  }
0xb4: {  	_ =	swait.ge [sflag:s31], $0x2800  }
0xb5: {  	[sflag:s31] =	ssyncset.done $0x0  }
0xb6: {  	[sflag:s31] =	ssyncadd.s32 $0xFFFFD800  }
0xb7: {  	[spmem:s2] =	stream.indirect.scatter.add.f32 [tilespmem:s26], [sflag:$0x7], $0x80, s0, s25, $0xb8;
	[tilespmem:$0x1B380] =	vst v63  }
0xb8: {  	_ =	swait.ge [sflag:s5], $0x2800  }
0xb9: {  	[sflag:s5] =	ssyncset.done $0x0  }
0xba: {  	[sflag:s5] =	ssyncadd.s32 $0xFFFFD800  }
0xbb: {  	_ =	swait.ge [sflag:s17], $0x2800  }
0xbc: {  	[sflag:s17] =	ssyncset.done $0x0  }
0xbd: {  	[sflag:s17] =	ssyncadd.s32 $0xFFFFD800  }
0xbe: {  	[spmem:s2] =	stream.indirect.scatter.add.f32 [tilespmem:s30], [sflag:$0x8], $0x80, s8, s25, $0xb8;
	[tilespmem:$0x1B380] =	vst v63  }
.Ltmp3:
0xbf: {  	_ =	swait.ge [sflag:s11], $0x2800;
	(pc) =	sbr.rel @!p0 .LBB2_4-.Ltmp3, $3  }
0xc0: {  	[sflag:s11] =	ssyncset.done $0x0  }
0xc1: {  	[sflag:s11] =	ssyncadd.s32 $0xFFFFD800  }
0xc2: {  	[bflag:$0x0] =	sbarrier.arrive $0xFFFF;
	_ =	sdelay $0x1  }
0xc3: {  	s7 =	rddreg [dreg:$0x10]  }
0xc4: {  	[hbm:s7], [sflag:s9] =	dma.local [spmem:s21], $0x2700  }
.Ltmp4:
0xc5: {  	_ = 	snop;
	(pc) =	sbr.rel @p1 .LBB2_7-.Ltmp4, $4  }
.Ltmp5:
0xc6: {  	_ = 	snop;
	(pc) =	sbr.rel @!p1 .LBB2_6-.Ltmp5, $4  }
0xc7: {  	_ =	swait.ge [sflag:s22], $0x2700  }
0xc8: {  	[sflag:s22] =	ssyncset.done $0x0  }
0xc9: {  	s7 =	rddreg [dreg:$0x6];
	[sflag:s22] =	ssyncadd.s32 $0xFFFFD900  }
0xca: {  	_ = 	snop  }
.LBB2_4:
0xcb: {  	s7 =	rddreg [dreg:$0xf]  }
0xcc: {  	[hbm:s7], [sflag:s9] =	dma.local [spmem:s21], $0x2700  }
.Ltmp6:
0xcd: {  	_ = 	snop;
	(pc) =	sbr.rel @!p2 .LBB2_7-.Ltmp6, $4  }
.Ltmp7:
0xce: {  	_ = 	snop;
	(pc) =	sbr.rel @p2 .LBB2_6-.Ltmp7, $4  }
0xcf: {  	_ =	swait.ge [sflag:s22], $0x2700  }
0xd0: {  	[sflag:s22] =	ssyncset.done $0x0  }
0xd1: {  	s7 =	rddreg [dreg:$0x5];
	[sflag:s22] =	ssyncadd.s32 $0xFFFFD900  }
0xd2: {  	_ = 	snop  }
.LBB2_8:
0xd3: {  	_ =	sfence.sel $0x180000  }
0xd4: {  	[bflag:$0x0] =	sbarrier.arrive $0xFFFF  }
0xd5: {  	_ =	strace $0x9000004D  }
0xd6: {  	[bflag:$0x2] =	sbarrier.arrive $0xFFFF  }
0xd7: {  	s0 =	rddreg [dreg:$0x3]  }
0xd8: {  	s0 =	sadd.s32 @!p1 $0x100000, s0  }
0xd9: {  	[sflag:s0] =	ssyncadd.tile.s32 @!p1 $0x1;
	_ =	shalt  }
.Lfunc_end2:
_tile_overlayer_lowered:
.L_overlay_start_2:
0xda: {  	(tag) =	ssettag $0x2  }
0xdb: {  	s0 =	rddreg [dreg:$0x0];
	s2 =	stileid.u32  }
0xdc: {  	s1 =	rddreg [dreg:$0x1];
	p0 =	sne.s32 s2, $0x0  }
0xdd: {  	s3 =	rddreg [dreg:$0x2];
	[bflag:$0x3] =	sbarrier.arrive $0xFFFF;
	s2 =	simm.s32 @!p0 $0x1C0A  }
0xde: {  	[timem:s3], [sflag:s2] =	dma.local @!p0 [hbm:s0], s1  }
0xdf: {  	s0 =	simm.s32 @!p0 $0xA  }
0xe0: {  	_ =	swait.ge @!p0 [sflag:s0], s1  }
0xe1: {  	s1 =	ssub.s32 @!p0 $0x0, s1;
	[sflag:s0] =	ssyncset.done @!p0 $0x0  }
0xe2: {  	[sflag:s0] =	ssyncadd.s32 @!p0 s1  }
0xe3: {  	[bflag:$0x3] =	sbarrier.arrive $0xFFFF  }
0xe4: {  	_ =	shalt  }

// kernel: kernel.9.cloned.1.call-start
scs
__scs_entry_jumppad:
0x0: {  	(pc) =	sbr.rel $0x88, $3  }
0x1: {  	(tag) =	ssettag $0x0;
	lr =	simm.s32 $0x1  }
0x2: {  	[smem:$0x3F99] =	sst lr;
	_ =	strace $0xD0000000  }
0x3: {  	_ = 	snop  }
0x4: {  	_ = 	snop  }
0x5: {  	_ = 	snop  }
0x6: {  	_ = 	snop  }
0x7: {  	_ = 	snop  }
__scs_overlays_trampoline_lowered:
0x8: {  	[smem:$0x3FA8] =	sst s0  }
0x9: {  	[smem:$0x3FA9] =	sst s1  }
0xa: {  	[smem:$0x3FAA] =	sst s2  }
0xb: {  	[smem:$0x3FAB] =	sst s3  }
0xc: {  	[smem:$0x3FAC] =	sst s4  }
0xd: {  	[smem:$0x3FAD] =	sst s5  }
0xe: {  	[smem:$0x3FAE] =	sst s6  }
0xf: {  	[smem:$0x3FAF] =	sst s7  }
0x10: {  	[smem:$0x3FB0] =	sst s8  }
0x11: {  	[smem:$0x3FB1] =	sst s9;
	s0 =	simm.s32 @!p0 $0x0  }
0x12: {  	s1 =	sld [smem:$0x3F97];
	s0 =	simm.s32 @p0 $0x1  }
0x13: {  	[smem:$0x3FB2] =	sst s0;
	s0 =	simm.s32 @!p1 $0x0  }
0x14: {  	s2 =	sld [smem:$0x3F96];
	s0 =	simm.s32 @p1 $0x1  }
0x15: {  	[smem:$0x3FB3] =	sst s0;
	s0 =	simm.s32 @!p2 $0x0  }
0x16: {  	s3 =	sld [smem:$0x3FDB];
	s0 =	simm.s32 @p2 $0x1  }
0x17: {  	s4 =	simm.s32 $0x1BF5;
	[smem:$0x3FB5] =	sst s0  }
0x18: {  	s0 =	sld [smem:$0x3F98];
	_ =	swait.ge [sflag:s4], $0x0  }
0x19: {  	s7 =	sld [smem:$0x3F99]  }
0x1a: {  	s8 =	sadd.s32 $0xFFFFE003, lr  }
0x1b: {  	s9 =	sadd.s32 $0xFFFFFEF7, lr;
	s5 =	simm.s32 $0xFFFFFFFF;
	p2 =	slt.u32 s8, $0xFFFFF086  }
0x1c: {  	p1 =	slt.u32 s9, $0xF7A;
	s5 =	simm.s32 @!p2 $0x0  }
0x1d: {  	s5 =	simm.s32 @p1 $0x1;
	p0 =	seq.s32 s7, s2  }
0x1e: {  	s7 =	smul.u32 @!p0 $0xF7A, s2;
	p2 =	seq.s32 @!p0 s5, $0x0  }
0x1f: {  	s9 =	smul.u32 $0xF7A, s1;
	s8 =	simm.s32 @!p0 $0x1BF5;
	p2 =	por !p2, p0  }
0x20: {  	[sflag:s8] =	ssyncset.s32 @!p0 $0xFFFFF086;
	s6 =	sadd.s32 @!p0 s3, s7;
	s7 =	simm.s32 @!p0 $0x108  }
0x21: {  	s3 =	sadd.s32 s3, s9;
	s6 =	sadd.s32 @!p0 $0x88, s6;
	s7 =	simm.s32 @p2 $0x1082  }
0x22: {  	[simem:s7], [sflag:s8] =	dma.local @!p0 [hbm:s6], $0xF7A  }
0x23: {  	s9 =	sor.u32 $0xD0000000, s2;
	s6 =	simm.s32 $0x108;
	_ =	swait.ge @!p0 [sflag:s8], $0x0  }
0x24: {  	s3 =	sadd.s32 $0x88, s3;
	s6 =	simm.s32 @!p1 $0x1082;
	[sflag:s4] =	ssyncset.s32 $0xFFFFF086  }
0x25: {  	[simem:s6], [sflag:s4] =	dma.local [hbm:s3], $0xF7A  }
0x26: {  	[smem:$0x3F99] =	sst s1;
	(tag) =	ssettag s2;
	_ =	strace s9  }
0x27: {  	s1 =	sld [smem:$0x3FA9]  }
0x28: {  	s2 =	sld [smem:$0x3FAA]  }
0x29: {  	s4 =	sld [smem:$0x3FAC]  }
0x2a: {  	p0 =	seq.s32 s5, $0x0;
	s5 =	sld [smem:$0x3FAD]  }
0x2b: {  	s6 =	sld [smem:$0x3FAE]  }
0x2c: {  	s7 =	sld [smem:$0x3FAF]  }
0x2d: {  	s3 =	simm.s32 $0x108;
	s8 =	sld [smem:$0x3FB0]  }
0x2e: {  	s3 =	simm.s32 @!p0 $0x1082;
	s9 =	sld [smem:$0x3FB1]  }
0x2f: {  	lr =	sadd.s32 s0, s3;
	s0 =	sld [smem:$0x3FA8]  }
0x30: {  	s3 =	sld [smem:$0x3FAB]  }
0x31: {  	[smem:$0x3FB4] =	sst s10  }
0x32: {  	s10 =	sld [smem:$0x3FB2];
	_ =	sdelay $0x3  }
0x33: {  	p0 =	seq.s32 s10, $0x1;
	s10 =	sld [smem:$0x3FB4];
	_ =	sdelay $0x3  }
0x34: {  	[smem:$0x3FB4] =	sst s10  }
0x35: {  	s10 =	sld [smem:$0x3FB3];
	_ =	sdelay $0x3  }
0x36: {  	p1 =	seq.s32 s10, $0x1;
	s10 =	sld [smem:$0x3FB4];
	_ =	sdelay $0x3  }
0x37: {  	[smem:$0x3FB4] =	sst s10  }
0x38: {  	s10 =	sld [smem:$0x3FB5]  }
0x39: {  	_ = 	snop;
	(pc) =	sbr.ind lr, $3  }
0x3a: {  	_ = 	snop  }
0x3b: {  	_ = 	snop  }
0x3c: {  	p2 =	seq.s32 s10, $0x1;
	s10 =	sld [smem:$0x3FB4]  }
0x3d: {  	_ =	shalt  }
0x3e: {  	_ =	shalt  }
0x3f: {  	_ =	shalt  }
0x40: {  	_ =	shalt  }
0x41: {  	_ =	shalt  }
0x42: {  	_ =	shalt  }
0x43: {  	_ =	shalt  }
0x44: {  	_ =	shalt  }
0x45: {  	_ =	shalt  }
0x46: {  	_ =	shalt  }
0x47: {  	_ =	shalt  }
0x48: {  	_ =	shalt  }
0x49: {  	_ =	shalt  }
0x4a: {  	_ =	shalt  }
0x4b: {  	_ =	shalt  }
0x4c: {  	_ =	shalt  }
0x4d: {  	_ =	shalt  }
0x4e: {  	_ =	shalt  }
0x4f: {  	_ =	shalt  }
0x50: {  	_ =	shalt  }
0x51: {  	_ =	shalt  }
0x52: {  	_ =	shalt  }
0x53: {  	_ =	shalt  }
0x54: {  	_ =	shalt  }
0x55: {  	_ =	shalt  }
0x56: {  	_ =	shalt  }
0x57: {  	_ =	shalt  }
0x58: {  	_ =	shalt  }
0x59: {  	_ =	shalt  }
0x5a: {  	_ =	shalt  }
0x5b: {  	_ =	shalt  }
0x5c: {  	_ =	shalt  }
0x5d: {  	_ =	shalt  }
0x5e: {  	_ =	shalt  }
0x5f: {  	_ =	shalt  }
0x60: {  	_ =	shalt  }
0x61: {  	_ =	shalt  }
0x62: {  	_ =	shalt  }
0x63: {  	_ =	shalt  }
0x64: {  	_ =	shalt  }
0x65: {  	_ =	shalt  }
0x66: {  	_ =	shalt  }
0x67: {  	_ =	shalt  }
0x68: {  	_ =	shalt  }
0x69: {  	_ =	shalt  }
0x6a: {  	_ =	shalt  }
0x6b: {  	_ =	shalt  }
0x6c: {  	_ =	shalt  }
0x6d: {  	_ =	shalt  }
0x6e: {  	_ =	shalt  }
0x6f: {  	_ =	shalt  }
0x70: {  	_ =	shalt  }
0x71: {  	_ =	shalt  }
0x72: {  	_ =	shalt  }
0x73: {  	_ =	shalt  }
0x74: {  	_ =	shalt  }
0x75: {  	_ =	shalt  }
0x76: {  	_ =	shalt  }
0x77: {  	_ =	shalt  }
0x78: {  	_ =	shalt  }
0x79: {  	_ =	shalt  }
0x7a: {  	_ =	shalt  }
0x7b: {  	_ =	shalt  }
0x7c: {  	_ =	shalt  }
0x7d: {  	_ =	shalt  }
0x7e: {  	_ =	shalt  }
0x7f: {  	_ =	shalt  }
0x80: {  	_ =	shalt  }
0x81: {  	_ =	shalt  }
0x82: {  	_ =	shalt  }
0x83: {  	_ =	shalt  }
0x84: {  	_ =	shalt  }
0x85: {  	_ =	shalt  }
0x86: {  	_ =	shalt  }
0x87: {  	_ =	shalt  }
.Lfunc_end0:
.L_simem_size_0:
called_computation_lowered:
.L_overlay_start_0:
0x88: {  	s2 =	sld [smem:$0x3FD9]  }
0x89: {  	s3 =	sld [smem:$0x3FFE];
	_ =	sdelay $0x1  }
0x8a: {  	s1 =	srdreg.scid  }
0x8b: {  	s0 =	sand.u32 $0x1, s1  }
0x8c: {  	s17 =	sshll.u32 s0, $0xA;
	s2 =	sadd.s32 s3, s2  }
0x8d: {  	s2 =	sadd.s32 s2, s17  }
0x8e: {  	[smem:$0x3FC0] =	sst s2  }
0x8f: {  	_ = 	snop  }
0x90: {  	s2 =	sld [smem:$0x3FD0];
	(tm) =	ssettm $0x1  }
0x91: {  	s18 =	sld [smem:$0x3FFB];
	_ =	sdelay $0x3  }
0x92: {  	_ =	strace s18  }
0x93: {  	s3 =	sld [smem:$0x3FFC];
	_ =	sdelay $0x3  }
0x94: {  	_ =	strace s3  }
0x95: {  	s3 =	sld [smem:$0x3FFD];
	_ =	sdelay $0x3  }
0x96: {  	_ =	strace s3  }
0x97: {  	_ =	strace $0x8FFFFFFF  }
0x98: {  	s19 =	sld [smem:$0x3FDB];
	_ =	sdelay $0x1  }
0x99: {  	s4 =	simm.s32 $_scs_section_size  }
0x9a: {  	s5 =	simm.s32 $_size__tile_overlayer_lowered;
	s6 =	simm.s32 $_tile_overlayer_lowered  }
0x9b: {  	s22 =	simm.s32 $0x1BFF;
	s21 =	sshll.u32 s6, $0x1;
	s3 =	sadd.s32 s4, s19  }
0x9c: {  	s7 =	simm.s32 $0x0;
	s20 =	sshll.u32 s5, $0x1;
	s5 =	sadd.s32 s21, s3  }
0x9d: {  	[timem:s7], [sflag:s22] =	dma.local [hbm:s5], s20  }
0x9e: {  	_ =	swait.ge [sflag:s22], s20  }
0x9f: {  	s4 =	ssub.s32 $0x0, s20;
	[sflag:s22] =	ssyncset.done $0x0  }
0xa0: {  	[sflag:s22] =	ssyncadd.s32 s4;
	_ =	sdelay $0x1  }
0xa1: {  	s23 =	simm.s32 $0x1B8B  }
0xa2: {  	_ =	swait.ge [sflag:s23], $0x1  }
0xa3: {  	[sflag:s23] =	ssyncset.done $0x0  }
0xa4: {  	s25 =	simm.s32 $0x1B8E;
	s24 =	sld [smem:$0x3FFE];
	[sflag:s23] =	ssyncadd.s32 $0xFFFFFFFF  }
0xa5: {  	s26 =	simm.s32 $execute0_lowered;
	[smem:$0x3FD2] =	sst s25  }
0xa6: {  	s5 =	sshll.u32 s26, $0x1;
	_ =	strace $0x80000046;
	[dreg:$0x1] =	wrdreg $0xFFFFFFFF  }
0xa7: {  	s28 =	simm.s32 $_size_execute0_lowered;
	s3 =	sadd.s32 s3, s5;
	[dreg:$0x0] =	wrdreg $0x0  }
0xa8: {  	s5 =	sshll.u32 s28, $0x1;
	[dreg:$0x2] =	wrdreg s3  }
0xa9: {  	[dreg:$0x3] =	wrdreg s5  }
0xaa: {  	[dreg:$0x4] =	wrdreg $0xC0  }
0xab: {  	_ =	task [dreg:s7], $0x5FFFF  }
0xac: {  	[dreg:$0x1] =	wrdreg $0xFFFFFFFF  }
0xad: {  	[dreg:$0x0] =	wrdreg $0x60  }
0xae: {  	[dreg:$0x2] =	wrdreg s2  }
0xaf: {  	[dreg:$0x3] =	wrdreg s24  }
0xb0: {  	[dreg:$0x4] =	wrdreg $0x7B000  }
0xb1: {  	[dreg:$0x5] =	wrdreg $0x9  }
0xb2: {  	_ =	task.clear_ibuf [dreg:s7], $0x6FFFF;
	_ =	strace $0x90000046  }
0xb3: {  	s29 =	simm.s32 $0x9;
	_ =	strace $0x80000048  }
0xb4: {  	_ =	swait.ge [sflag:s29], $0x1  }
0xb5: {  	[sflag:s29] =	ssyncadd.s32 $0xFFFFFFFF  }
0xb6: {  	_ =	strace $0x90000048  }
0xb7: {  	_ =	sfence  }
0xb8: {  	s30 =	sld [smem:$0x0];
	_ =	sdelay $0x2  }
0xb9: {  	s31 =	sshll.u32 s1, $0xD;
	s1 =	sshrl.u32 s1, $0x2  }
0xba: {  	s3 =	sand.u32 $0x4000, s31;
	s1 =	sadd.s32 s1, s30  }
0xbb: {  	s0 =	sor.u32 s3, s0;
	s1 =	sshll.u32 s1, $0x11  }
0xbc: {  	s0 =	sor.u32 s1, s0  }
0xbd: {  	s0 =	sadd.s32 $0x8F2B, s0  }
0xbe: {  	[sflag:s0] =	ssyncadd.remote.s32 $0x1  }
0xbf: {  	_ =	sfence.sel $0xFFFF  }
0xc0: {  	[dreg:$0x0] =	wrdreg $0xFFFFFFFF;
	(pc) =	sbr.abs _section_cstart, $3  }
0xc1: {  	[dreg:$0x1] =	wrdreg $0xFFFFFFFF  }
0xc2: {  	_ =	task.clear_ibuf [dreg:s7], $0x2FFFF;
	_ =	strace $0x9FFFFFFF  }
0xc3: {  	(tm) =	ssettm $0x7FFFFFFF  }
tec
execute0_lowered:
.L_overlay_start_1:
0x0: {  	(tag) =	ssettag $0x1  }
0x1: {  	s1 =	rddreg [dreg:$0x0]  }
0x2: {  	s0 =	rddreg [dreg:$0x1]  }
0x3: {  	s2 =	rddreg [dreg:$0x2]  }
0x4: {  	s4 =	srdreg.scid;
	s3 =	simm.s32 $0x0;
	s5 =	stileid.u32  }
0x5: {  	s28 =	simm.s32 $0x200;
	s29 =	simm.s32 $0x2;
	s30 =	simm.s32 $0x2B00  }
0x6: {  	s31 =	simm.s32 $0x4;
	s6 =	sand.u32 $0x1, s4;
	s7 =	smul.u32 $0x2700, s5  }
0x7: {  	[smem:$0x7FF] =	sst s3;
	s13 =	sadd.s32 $0x49E00, s0;
	s11 =	smul.u32 $0x4E000, s5  }
0x8: {  	s14 =	sadd.s32 $0x71000, s0;
	s25 =	sshll.u32 s5, $0x6;
	s17 =	smul.u32 $0x7D00, s5  }
0x9: {  	s16 =	sadd.s32 $0x138000, s2;
	p1 =	sne.s32 s5, $0x0;
	p2 =	seq.s32 s5, $0x0  }
0xa: {  	s4 =	sshll.u32 s6, $0x4;
	_ =	strace $0x80000047;
	[dreg:$0x9] =	wrdreg s16  }
0xb: {  	s10 =	ssub.s32 $0x2, s6;
	s26 =	smul.u32 $0x7D000, s6;
	[dreg:$0x5] =	wrdreg s13  }
0xc: {  	p0 =	seq.s32 s6, $0x1;
	[dreg:$0x6] =	wrdreg s14;
	s16 =	simm.s32 $0x5300  }
0xd: {  	s8 =	sor.u32 s5, s4;
	s4 =	sadd.s32 $0x3800, s0;
	s9 =	sadd.s32 s7, s0  }
0xe: {  	s12 =	sshrl.u32 s10, $0x1;
	s24 =	sshrl.u32 s11, $0x2;
	s0 =	sadd.s32 $0x49C00, s0  }
0xf: {  	s5 =	simm.s32 $0x7;
	s11 =	simm.s32 $0x8;
	s8 =	smul.u32 $0x7D00, s8  }
0x10: {  	s10 =	ssub.s32 s10, s12;
	s9 =	sadd.s32 $0x22C00, s9;
	[dreg:$0xa] =	wrdreg s0  }
0x11: {  	s21 =	sadd.s32 s17, s26;
	s17 =	simm.s32 $0x5;
	s12 =	simm.s32 $0x6  }
0x12: {  	[dreg:$0x8] =	wrdreg s9;
	s9 =	sor.u32 $0x1C0A, s25;
	s23 =	sadd.s32 $0x500, s21  }
0x13: {  	s25 =	sadd.s32 $0x400, s21;
	s10 =	smax.u32 s10, $0x1;
	s0 =	sadd.s32 $0x300, s21  }
0x14: {  	s8 =	sshrl.u32 s8, $0x3;
	s6 =	sshrl.u32 s23, $0x3;
	[dreg:$0x11] =	wrdreg s10  }
0x15: {  	s26 =	sshrl.u32 s25, $0x3;
	[dreg:$0x12] =	wrdreg s0;
	s23 =	simm.s32 $0x100  }
0x16: {  	s25 =	simm.s32 $0x50;
	s0 =	simm.s32 $0x80;
	s15 =	sadd.s32 s4, s8  }
0x17: {  	s8 =	sadd.s32 s24, s2;
	s24 =	sadd.s32 s13, s7;
	[dreg:$0x7] =	wrdreg s15  }
0x18: {  	s7 =	sadd.s32 s14, s7;
	s6 =	sadd.s32 s6, s4;
	[dreg:$0xf] =	wrdreg s24  }
0x19: {  	s13 =	simm.s32 $0x280;
	s14 =	simm.s32 $0x9;
	[dreg:$0x10] =	wrdreg s7  }
0x1a: {  	s18 =	sadd.s32 $0x20, s15;
	s19 =	sadd.s32 $0x40, s15;
	[dreg:$0x4] =	wrdreg s6  }
.Ltmp0:
0x1b: {  	s20 =	sadd.s32 $0xF60, s15;
	[dreg:$0xb] =	wrdreg s18;
	(pc) =	sbr.rel .LBB2_1-.Ltmp0, $4  }
0x1c: {  	s22 =	sadd.s32 $0xF80, s15;
	s21 =	sshrl.u32 s8, $0x3;
	[dreg:$0xc] =	wrdreg s19  }
0x1d: {  	s24 =	simm.s32 $0x1;
	s6 =	simm.s32 $0x3;
	[dreg:$0xd] =	wrdreg s20  }
0x1e: {  	s8 =	simm.s32 $0x180;
	s15 =	simm.s32 $0x0;
	[dreg:$0xe] =	wrdreg s22  }
0x1f: {  	s19 =	sadd.s32 s26, s4;
	s22 =	simm.s32 $0xA;
	s26 =	simm.s32 $0x300  }
.LBB2_6:
0x20: {  	s10 =	rddreg [dreg:$0x9]  }
0x21: {  	s7 =	sadd.s32 $0x27000, s7;
	s10 =	sshrl.u32 s10, $0x3  }
0x22: {  	[hbm:s7], [sflag:s9] =	dma.local [spmem:s10], $0x100  }
0x23: {  	_ =	swait.ge [sflag:s22], $0x100  }
0x24: {  	[sflag:s22] =	ssyncset.done $0x0  }
0x25: {  	[sflag:s22] =	ssyncadd.s32 $0xFFFFFF00  }
.LBB2_7:
0x26: {  	s15 =	sadd.s32 $0x1, s15;
	s7 =	rddreg [dreg:$0x11]  }
0x27: {  	p3 =	sne.s32 s15, s7  }
.Ltmp1:
0x28: {  	_ = 	snop;
	(pc) =	sbr.rel @!p3 .LBB2_8-.Ltmp1, $1  }
0x29: {  	_ =	sdelay $0x3  }
.LBB2_1:
0x2a: {  	s7 =	rddreg [dreg:$0x7]  }
0x2b: {  	s10 =	rddreg [dreg:$0x8]  }
0x2c: {  	[tilespmem:s3], [sflag:$0x1] =	stream.linear.gather [hbm4b:s7+s3], $0x100, $0x38;
	[tilespmem:$0x1B380] =	vst v63  }
0x2d: {  	[spmem:s21], [sflag:s9] =	dma.local [hbm:s10], $0x2700  }
0x2e: {  	_ =	swait.ge [sflag:s22], $0x2700  }
0x2f: {  	[sflag:s22] =	ssyncset.done $0x0;
	s7 =	rddreg [dreg:$0x9]  }
0x30: {  	s10 =	rddreg [dreg:$0xa];
	[sflag:s22] =	ssyncadd.s32 $0xFFFFD900;
	s7 =	sshrl.u32 @!p1 s7, $0x3  }
0x31: {  	[spmem:s7], [sflag:s9] =	dma.local @!p1 [hbm:s10], $0x100  }
0x32: {  	s7 =	simm.s32 @!p1 $0xA  }
0x33: {  	_ =	swait.ge @!p1 [sflag:s7], $0x100  }
0x34: {  	[sflag:s7] =	ssyncset.done @!p1 $0x0  }
0x35: {  	[sflag:s7] =	ssyncadd.s32 @!p1 $0xFFFFFF00  }
0x36: {  	[bflag:$0x0] =	sbarrier.arrive $0xFFFF  }
0x37: {  	s18 =	rddreg [dreg:$0xb]  }
0x38: {  	[tilespmem:s23], [sflag:$0x2] =	stream.linear.gather [hbm4b:s18+s3], $0x100, $0x38;
	[tilespmem:$0x1B380] =	vst v63  }
0x39: {  	_ =	swait.ge [sflag:s24], $0x100  }
0x3a: {  	[sflag:s24] =	ssyncset.done $0x0  }
0x3b: {  	[sflag:s24] =	ssyncadd.s32 $0xFFFFFF00  }
0x3c: {  	[tilespmem:s26], [sflag:$0x4] =	stream.indirect.gather [hbm4b:s1+s25], $0x80, s3, s25, $0xb8;
	[tilespmem:$0x1B380] =	vst v63  }
0x3d: {  	s20 =	rddreg [dreg:$0xc]  }
0x3e: {  	[tilespmem:s28], [sflag:$0x3] =	stream.linear.gather [hbm4b:s20+s3], $0x100, $0x38;
	[tilespmem:$0x1B380] =	vst v63  }
0x3f: {  	_ =	swait.ge [sflag:s29], $0x100  }
0x40: {  	[sflag:s29] =	ssyncset.done $0x0  }
0x41: {  	[sflag:s29] =	ssyncadd.s32 $0xFFFFFF00  }
0x42: {  	[tilespmem:s30], [sflag:$0x5] =	stream.indirect.gather [hbm4b:s1+s25], $0x80, s23, s25, $0xb8;
	[tilespmem:$0x1B380] =	vst v63  }
0x43: {  	_ =	swait.ge [sflag:s31], $0x2800  }
0x44: {  	[sflag:s31] =	ssyncset.done $0x0  }
0x45: {  	[sflag:s31] =	ssyncadd.s32 $0xFFFFD800  }
0x46: {  	[spmem:s2] =	stream.indirect.scatter.add.f32 [tilespmem:s26], [sflag:$0x7], $0x80, s0, s25, $0xb8;
	[tilespmem:$0x1B380] =	vst v63  }
0x47: {  	_ =	swait.ge [sflag:s5], $0x2800  }
0x48: {  	[sflag:s5] =	ssyncset.done $0x0  }
0x49: {  	[sflag:s5] =	ssyncadd.s32 $0xFFFFD800  }
0x4a: {  	_ =	swait.ge [sflag:s6], $0x100  }
0x4b: {  	[sflag:s6] =	ssyncset.done $0x0;
	s20 =	rddreg [dreg:$0x12]  }
0x4c: {  	[sflag:s6] =	ssyncadd.s32 $0xFFFFFF00;
	s10 =	sshrl.u32 s20, $0x3  }
0x4d: {  	[tilespmem:s16], [sflag:$0x6] =	stream.indirect.gather [hbm4b:s1+s25], $0x80, s28, s25, $0xb8;
	[tilespmem:$0x1B380] =	vst v63  }
0x4e: {  	s7 =	sadd.s32 s4, s10  }
0x4f: {  	[tilespmem:s3], [sflag:$0x1] =	stream.linear.gather [hbm4b:s7+s3], $0x100, $0x38;
	[tilespmem:$0x1B380] =	vst v63  }
0x50: {  	_ =	swait.ge [sflag:s17], $0x2800  }
0x51: {  	[sflag:s17] =	ssyncset.done $0x0  }
0x52: {  	[sflag:s17] =	ssyncadd.s32 $0xFFFFD800  }
0x53: {  	[spmem:s2] =	stream.indirect.scatter.add.f32 [tilespmem:s30], [sflag:$0x8], $0x80, s8, s25, $0xb8;
	[tilespmem:$0x1B380] =	vst v63  }
0x54: {  	_ =	swait.ge [sflag:s11], $0x2800  }
0x55: {  	[sflag:s11] =	ssyncset.done $0x0  }
0x56: {  	[sflag:s11] =	ssyncadd.s32 $0xFFFFD800  }
0x57: {  	_ =	swait.ge [sflag:s24], $0x100  }
0x58: {  	[sflag:s24] =	ssyncset.done $0x0  }
0x59: {  	[sflag:s24] =	ssyncadd.s32 $0xFFFFFF00  }
0x5a: {  	[tilespmem:s26], [sflag:$0x4] =	stream.indirect.gather [hbm4b:s1+s25], $0x80, s3, s25, $0xb8;
	[tilespmem:$0x1B380] =	vst v63  }
0x5b: {  	s18 =	sadd.s32 $0x0, s19  }
0x5c: {  	[tilespmem:s23], [sflag:$0x2] =	stream.linear.gather [hbm4b:s18+s3], $0x100, $0x38;
	[tilespmem:$0x1B380] =	vst v63  }
0x5d: {  	_ =	swait.ge [sflag:s12], $0x2800  }
0x5e: {  	[sflag:s12] =	ssyncset.done $0x0  }
0x5f: {  	[sflag:s12] =	ssyncadd.s32 $0xFFFFD800  }
0x60: {  	[spmem:s2] =	stream.indirect.scatter.add.f32 [tilespmem:s16], [sflag:$0x9], $0x80, s13, s25, $0xb8;
	[tilespmem:$0x1B380] =	vst v63  }
0x61: {  	_ =	swait.ge [sflag:s14], $0x2800  }
0x62: {  	[sflag:s14] =	ssyncset.done $0x0  }
0x63: {  	[sflag:s14] =	ssyncadd.s32 $0xFFFFD800  }
0x64: {  	_ =	swait.ge [sflag:s29], $0x100  }
0x65: {  	s7 =	sadd.s32 $0x300, s20;
	[sflag:s29] =	ssyncset.done $0x0;
	s10 =	rddreg [dreg:$0x4]  }
0x66: {  	s18 =	simm.s32 $0x60;
	[sflag:s29] =	ssyncadd.s32 $0xFFFFFF00;
	s10 =	sadd.s32 $0x0, s10  }
0x67: {  	[tilespmem:s30], [sflag:$0x5] =	stream.indirect.gather [hbm4b:s1+s25], $0x80, s23, s25, $0xb8;
	[tilespmem:$0x1B380] =	vst v63  }
.LBB2_2:
0x68: {  	[tilespmem:s28], [sflag:$0x3] =	stream.linear.gather [hbm4b:s10+s3], $0x100, $0x38;
	[tilespmem:$0x1B380] =	vst v63  }
0x69: {  	_ =	swait.ge [sflag:s31], $0x2800  }
0x6a: {  	[sflag:s31] =	ssyncset.done $0x0  }
0x6b: {  	[sflag:s31] =	ssyncadd.s32 $0xFFFFD800  }
0x6c: {  	[spmem:s2] =	stream.indirect.scatter.add.f32 [tilespmem:s26], [sflag:$0x7], $0x80, s0, s25, $0xb8;
	[tilespmem:$0x1B380] =	vst v63  }
0x6d: {  	_ =	swait.ge [sflag:s5], $0x2800  }
0x6e: {  	[sflag:s5] =	ssyncset.done $0x0  }
0x6f: {  	[sflag:s5] =	ssyncadd.s32 $0xFFFFD800  }
0x70: {  	_ =	swait.ge [sflag:s6], $0x100  }
0x71: {  	[sflag:s6] =	ssyncset.done $0x0  }
0x72: {  	s20 =	sshrl.u32 s7, $0x3;
	[sflag:s6] =	ssyncadd.s32 $0xFFFFFF00  }
0x73: {  	[tilespmem:s16], [sflag:$0x6] =	stream.indirect.gather [hbm4b:s1+s25], $0x80, s28, s25, $0xb8;
	[tilespmem:$0x1B380] =	vst v63  }
0x74: {  	s20 =	sadd.s32 s4, s20  }
0x75: {  	[tilespmem:s3], [sflag:$0x1] =	stream.linear.gather [hbm4b:s20+s3], $0x100, $0x38;
	[tilespmem:$0x1B380] =	vst v63  }
0x76: {  	_ =	swait.ge [sflag:s17], $0x2800  }
0x77: {  	[sflag:s17] =	ssyncset.done $0x0  }
0x78: {  	[sflag:s17] =	ssyncadd.s32 $0xFFFFD800  }
0x79: {  	[spmem:s2] =	stream.indirect.scatter.add.f32 [tilespmem:s30], [sflag:$0x8], $0x80, s8, s25, $0xb8;
	[tilespmem:$0x1B380] =	vst v63  }
0x7a: {  	_ =	swait.ge [sflag:s11], $0x2800  }
0x7b: {  	[sflag:s11] =	ssyncset.done $0x0  }
0x7c: {  	[sflag:s11] =	ssyncadd.s32 $0xFFFFD800  }
0x7d: {  	_ =	swait.ge [sflag:s24], $0x100  }
0x7e: {  	[sflag:s24] =	ssyncset.done $0x0  }
0x7f: {  	s10 =	smov.u32 s18;
	[sflag:s24] =	ssyncadd.s32 $0xFFFFFF00  }
0x80: {  	[tilespmem:s26], [sflag:$0x4] =	stream.indirect.gather [hbm4b:s1+s25], $0x80, s3, s25, $0xb8;
	[tilespmem:$0x1B380] =	vst v63  }
0x81: {  	s20 =	sadd.s32 s10, s19  }
0x82: {  	[tilespmem:s23], [sflag:$0x2] =	stream.linear.gather [hbm4b:s20+s3], $0x100, $0x38;
	[tilespmem:$0x1B380] =	vst v63  }
0x83: {  	_ =	swait.ge [sflag:s12], $0x2800  }
0x84: {  	[sflag:s12] =	ssyncset.done $0x0  }
0x85: {  	[sflag:s12] =	ssyncadd.s32 $0xFFFFD800  }
0x86: {  	[spmem:s2] =	stream.indirect.scatter.add.f32 [tilespmem:s16], [sflag:$0x9], $0x80, s13, s25, $0xb8;
	[tilespmem:$0x1B380] =	vst v63  }
0x87: {  	_ =	swait.ge [sflag:s14], $0x2800  }
0x88: {  	p3 =	sne.s32 s18, $0xEA0;
	[sflag:s14] =	ssyncset.done $0x0  }
.Ltmp2:
0x89: {  	[sflag:s14] =	ssyncadd.s32 $0xFFFFD800;
	(pc) =	sbr.rel @p3 .LBB2_2-.Ltmp2, $4  }
0x8a: {  	_ =	swait.ge [sflag:s29], $0x100  }
0x8b: {  	s18 =	sadd.s32 $0x60, s18;
	[sflag:s29] =	ssyncset.done $0x0;
	s20 =	rddreg [dreg:$0x4]  }
0x8c: {  	s7 =	sadd.s32 $0x300, s7;
	[sflag:s29] =	ssyncadd.s32 $0xFFFFFF00;
	s10 =	sadd.s32 s10, s20  }
0x8d: {  	[tilespmem:s30], [sflag:$0x5] =	stream.indirect.gather [hbm4b:s1+s25], $0x80, s23, s25, $0xb8;
	[tilespmem:$0x1B380] =	vst v63  }
0x8e: {  	[tilespmem:s28], [sflag:$0x3] =	stream.linear.gather [hbm4b:s10+s3], $0x100, $0x38;
	[tilespmem:$0x1B380] =	vst v63  }
0x8f: {  	_ =	swait.ge [sflag:s31], $0x2800  }
0x90: {  	[sflag:s31] =	ssyncset.done $0x0  }
0x91: {  	[sflag:s31] =	ssyncadd.s32 $0xFFFFD800  }
0x92: {  	[spmem:s2] =	stream.indirect.scatter.add.f32 [tilespmem:s26], [sflag:$0x7], $0x80, s0, s25, $0xb8;
	[tilespmem:$0x1B380] =	vst v63  }
0x93: {  	_ =	swait.ge [sflag:s5], $0x2800  }
0x94: {  	[sflag:s5] =	ssyncset.done $0x0  }
0x95: {  	[sflag:s5] =	ssyncadd.s32 $0xFFFFD800  }
0x96: {  	_ =	swait.ge [sflag:s6], $0x100  }
0x97: {  	[sflag:s6] =	ssyncset.done $0x0  }
0x98: {  	[sflag:s6] =	ssyncadd.s32 $0xFFFFFF00  }
0x99: {  	[tilespmem:s16], [sflag:$0x6] =	stream.indirect.gather [hbm4b:s1+s25], $0x80, s28, s25, $0xb8;
	[tilespmem:$0x1B380] =	vst v63  }
0x9a: {  	s7 =	rddreg [dreg:$0xd]  }
0x9b: {  	[tilespmem:s3], [sflag:$0x1] =	stream.linear.gather [hbm4b:s7+s3], $0x100, $0x38;
	[tilespmem:$0x1B380] =	vst v63  }
0x9c: {  	_ =	swait.ge [sflag:s17], $0x2800  }
0x9d: {  	[sflag:s17] =	ssyncset.done $0x0  }
0x9e: {  	[sflag:s17] =	ssyncadd.s32 $0xFFFFD800  }
0x9f: {  	[spmem:s2] =	stream.indirect.scatter.add.f32 [tilespmem:s30], [sflag:$0x8], $0x80, s8, s25, $0xb8;
	[tilespmem:$0x1B380] =	vst v63  }
0xa0: {  	_ =	swait.ge [sflag:s11], $0x2800  }
0xa1: {  	[sflag:s11] =	ssyncset.done $0x0  }
0xa2: {  	[sflag:s11] =	ssyncadd.s32 $0xFFFFD800  }
0xa3: {  	_ =	swait.ge [sflag:s24], $0x100  }
0xa4: {  	[sflag:s24] =	ssyncset.done $0x0  }
0xa5: {  	[sflag:s24] =	ssyncadd.s32 $0xFFFFFF00  }
0xa6: {  	[tilespmem:s26], [sflag:$0x4] =	stream.indirect.gather [hbm4b:s1+s25], $0x80, s3, s25, $0xb8;
	[tilespmem:$0x1B380] =	vst v63  }
0xa7: {  	s20 =	rddreg [dreg:$0xe]  }
0xa8: {  	[tilespmem:s23], [sflag:$0x2] =	stream.linear.gather [hbm4b:s20+s3], $0x100, $0x38;
	[tilespmem:$0x1B380] =	vst v63  }
0xa9: {  	_ =	swait.ge [sflag:s12], $0x2800  }
0xaa: {  	[sflag:s12] =	ssyncset.done $0x0  }
0xab: {  	[sflag:s12] =	ssyncadd.s32 $0xFFFFD800  }
0xac: {  	[spmem:s2] =	stream.indirect.scatter.add.f32 [tilespmem:s16], [sflag:$0x9], $0x80, s13, s25, $0xb8;
	[tilespmem:$0x1B380] =	vst v63  }
0xad: {  	_ =	swait.ge [sflag:s14], $0x2800  }
0xae: {  	[sflag:s14] =	ssyncset.done $0x0  }
0xaf: {  	[sflag:s14] =	ssyncadd.s32 $0xFFFFD800  }
0xb0: {  	_ =	swait.ge [sflag:s29], $0x100  }
0xb1: {  	[sflag:s29] =	ssyncset.done $0x0  }
0xb2: {  	[sflag:s29] =	ssyncadd.s32 $0xFFFFFF00  }
0xb3: {  	[tilespmem:s30], [sflag:$0x5] =	stream.indirect.gather [hbm4b:s1+s25], $0x80, s23, s25, $0xb8;
	[tilespmem:$0x1B380] =	vst v63  }
0xb4: {  	_ =	swait.ge [sflag:s31], $0x2800  }
0xb5: {  	[sflag:s31] =	ssyncset.done $0x0  }
0xb6: {  	[sflag:s31] =	ssyncadd.s32 $0xFFFFD800  }
0xb7: {  	[spmem:s2] =	stream.indirect.scatter.add.f32 [tilespmem:s26], [sflag:$0x7], $0x80, s0, s25, $0xb8;
	[tilespmem:$0x1B380] =	vst v63  }
0xb8: {  	_ =	swait.ge [sflag:s5], $0x2800  }
0xb9: {  	[sflag:s5] =	ssyncset.done $0x0  }
0xba: {  	[sflag:s5] =	ssyncadd.s32 $0xFFFFD800  }
0xbb: {  	_ =	swait.ge [sflag:s17], $0x2800  }
0xbc: {  	[sflag:s17] =	ssyncset.done $0x0  }
0xbd: {  	[sflag:s17] =	ssyncadd.s32 $0xFFFFD800  }
0xbe: {  	[spmem:s2] =	stream.indirect.scatter.add.f32 [tilespmem:s30], [sflag:$0x8], $0x80, s8, s25, $0xb8;
	[tilespmem:$0x1B380] =	vst v63  }
.Ltmp3:
0xbf: {  	_ =	swait.ge [sflag:s11], $0x2800;
	(pc) =	sbr.rel @!p0 .LBB2_4-.Ltmp3, $3  }
0xc0: {  	[sflag:s11] =	ssyncset.done $0x0  }
0xc1: {  	[sflag:s11] =	ssyncadd.s32 $0xFFFFD800  }
0xc2: {  	[bflag:$0x0] =	sbarrier.arrive $0xFFFF;
	_ =	sdelay $0x1  }
0xc3: {  	s7 =	rddreg [dreg:$0x10]  }
0xc4: {  	[hbm:s7], [sflag:s9] =	dma.local [spmem:s21], $0x2700  }
.Ltmp4:
0xc5: {  	_ = 	snop;
	(pc) =	sbr.rel @p1 .LBB2_7-.Ltmp4, $4  }
.Ltmp5:
0xc6: {  	_ = 	snop;
	(pc) =	sbr.rel @!p1 .LBB2_6-.Ltmp5, $4  }
0xc7: {  	_ =	swait.ge [sflag:s22], $0x2700  }
0xc8: {  	[sflag:s22] =	ssyncset.done $0x0  }
0xc9: {  	s7 =	rddreg [dreg:$0x6];
	[sflag:s22] =	ssyncadd.s32 $0xFFFFD900  }
0xca: {  	_ = 	snop  }
.LBB2_4:
0xcb: {  	s7 =	rddreg [dreg:$0xf]  }
0xcc: {  	[hbm:s7], [sflag:s9] =	dma.local [spmem:s21], $0x2700  }
.Ltmp6:
0xcd: {  	_ = 	snop;
	(pc) =	sbr.rel @!p2 .LBB2_7-.Ltmp6, $4  }
.Ltmp7:
0xce: {  	_ = 	snop;
	(pc) =	sbr.rel @p2 .LBB2_6-.Ltmp7, $4  }
0xcf: {  	_ =	swait.ge [sflag:s22], $0x2700  }
0xd0: {  	[sflag:s22] =	ssyncset.done $0x0  }
0xd1: {  	s7 =	rddreg [dreg:$0x5];
	[sflag:s22] =	ssyncadd.s32 $0xFFFFD900  }
0xd2: {  	_ = 	snop  }
.LBB2_8:
0xd3: {  	_ =	sfence.sel $0x180000  }
0xd4: {  	[bflag:$0x0] =	sbarrier.arrive $0xFFFF  }
0xd5: {  	_ =	strace $0x90000047  }
0xd6: {  	[bflag:$0x2] =	sbarrier.arrive $0xFFFF  }
0xd7: {  	s0 =	rddreg [dreg:$0x3]  }
0xd8: {  	s0 =	sadd.s32 @!p1 $0x100000, s0  }
0xd9: {  	[sflag:s0] =	ssyncadd.tile.s32 @!p1 $0x1;
	_ =	shalt  }
.Lfunc_end2:
_tile_overlayer_lowered:
.L_overlay_start_2:
0xda: {  	(tag) =	ssettag $0x2  }
0xdb: {  	s0 =	rddreg [dreg:$0x0];
	s2 =	stileid.u32  }
0xdc: {  	s1 =	rddreg [dreg:$0x1];
	p0 =	sne.s32 s2, $0x0  }
0xdd: {  	s3 =	rddreg [dreg:$0x2];
	[bflag:$0x3] =	sbarrier.arrive $0xFFFF;
	s2 =	simm.s32 @!p0 $0x1C0A  }
0xde: {  	[timem:s3], [sflag:s2] =	dma.local @!p0 [hbm:s0], s1  }
0xdf: {  	s0 =	simm.s32 @!p0 $0xA  }
0xe0: {  	_ =	swait.ge @!p0 [sflag:s0], s1  }
0xe1: {  	s1 =	ssub.s32 @!p0 $0x0, s1;
	[sflag:s0] =	ssyncset.done @!p0 $0x0  }
0xe2: {  	[sflag:s0] =	ssyncadd.s32 @!p0 s1  }
0xe3: {  	[bflag:$0x3] =	sbarrier.arrive $0xFFFF  }
0xe4: {  	_ =	shalt  }

</sc_bundles>
